<compile_context>
chip_gen: v7x
topology: tpu7x:2x2x1
jax: 0.10.2.dev20260603
libtpu: 0.0.44.dev20260713+nightly
codegen_flags: <defaults>
</compile_context>

<pallas_src>
import functools

import jax
import jax.numpy as jnp
from jax import lax
from jax.experimental import pallas as pl
from jax.experimental.pallas import tpu as pltpu
from jax.experimental.pallas import tpu_sc as plsc

N_NODES = 100000
N_EDGES = 3200000
FEAT = 20
HID = 32
OUT = 2

NC = 2
NS = 16
NW = NC * NS
NPAD = 100352
ROWS_PER_SUB = NPAD // NS
FH = 16
PK = NPAD * FH // 128

CHUNK = 512
E_PER_W = 100352
W_ITERS = E_PER_W // CHUNK
W_ITERS_LAST = (N_EDGES - (NW - 1) * E_PER_W) // CHUNK
E_PER_SUB = 200704
S_ITERS = E_PER_SUB // CHUNK
S_ITERS_LAST = (N_EDGES - (NS - 1) * E_PER_SUB) // CHUNK


_mesh = plsc.VectorSubcoreMesh(core_axis_name="c", subcore_axis_name="s")
_cparams = pltpu.CompilerParams(use_tc_tiling_on_sc=False,
                                needs_layout_passes=False)


@functools.partial(
    pl.kernel,
    out_type=jax.ShapeDtypeStruct((NC, NPAD, FH), jnp.float32),
    mesh=_mesh,
    compiler_params=_cparams,
    scratch_types=[
        pltpu.VMEM((8, CHUNK), jnp.int32),
        pltpu.VMEM((CHUNK,), jnp.float32),
        pltpu.VMEM((ROWS_PER_SUB,), jnp.float32),
        pltpu.VMEM((ROWS_PER_SUB, FH), jnp.float32),
        pltpu.VMEM_SHARED((NPAD,), jnp.float32),
    ],
)
def _sc_degree(dst2d, ones_hbm, zeros_hbm, out_hbm,
               dst_v, ones_v, slice_v, rep_v, acc_sh):
    cid = lax.axis_index("c")
    sid = lax.axis_index("s")
    wid = sid * NC + cid
    row0 = sid * ROWS_PER_SUB
    pltpu.sync_copy(zeros_hbm.at[pl.ds(row0, ROWS_PER_SUB)],
                    acc_sh.at[pl.ds(row0, ROWS_PER_SUB)])
    pltpu.sync_copy(ones_hbm, ones_v)
    plsc.subcore_barrier()

    nit = jnp.where(wid == NW - 1, W_ITERS_LAST, W_ITERS)
    nbl = nit // 8

    @pl.loop(0, nbl)
    def _(b):
        pltpu.sync_copy(dst2d.at[pl.ds(wid * W_ITERS + b * 8, 8)], dst_v)

        @pl.loop(0, 8)
        def _(k):
            pltpu.sync_copy(ones_v, acc_sh.at[dst_v.at[k]], add=True)

    @pl.loop(0, nit - nbl * 8)
    def _(t):
        pltpu.sync_copy(dst2d.at[pl.ds(wid * W_ITERS + nbl * 8 + t, 1)],
                        dst_v.at[pl.ds(0, 1)])
        pltpu.sync_copy(ones_v, acc_sh.at[dst_v.at[0]], add=True)

    plsc.subcore_barrier()
    pltpu.sync_copy(acc_sh.at[pl.ds(row0, ROWS_PER_SUB)], slice_v)
    iota16 = lax.iota(jnp.int32, 16)

    @pl.loop(0, ROWS_PER_SUB, step=16)
    def _(r0):
        vals = slice_v[pl.ds(r0, 16)]
        rows = iota16 + r0
        for j in range(FH):
            plsc.store_scatter(rep_v, [rows, jnp.full((16,), j, jnp.int32)],
                               vals)

    pltpu.sync_copy(rep_v,
                    out_hbm.at[cid].at[pl.ds(sid * ROWS_PER_SUB,
                                             ROWS_PER_SUB)])


IBLK = 8


def _edge_pipeline(src2d, dst2d, y2d, acc2d, row0, nit,
                   src8, dst8, rows_a, sem_a, rows_b, sem_b):
    nbl = nit // IBLK
    rem = nit - nbl * IBLK

    @pl.loop(0, nbl)
    def _(b):
        r = row0 + b * IBLK
        pltpu.sync_copy(src2d.at[pl.ds(r, IBLK)], src8)
        pltpu.sync_copy(dst2d.at[pl.ds(r, IBLK)], dst8)
        pltpu.async_copy(y2d.at[src8.at[0]], rows_a, sem_a)

        @pl.loop(0, IBLK // 2)
        def _(p):
            k0 = 2 * p
            k1 = k0 + 1
            pltpu.async_copy(y2d.at[src8.at[k1]], rows_b, sem_b)
            pltpu.make_async_copy(y2d.at[src8.at[k0]], rows_a, sem_a).wait()
            pltpu.sync_copy(rows_a, acc2d.at[dst8.at[k0]], add=True)

            @pl.when(k1 + 1 < IBLK)
            def _():
                pltpu.async_copy(y2d.at[src8.at[k1 + 1]], rows_a, sem_a)

            pltpu.make_async_copy(y2d.at[src8.at[k1]], rows_b, sem_b).wait()
            pltpu.sync_copy(rows_b, acc2d.at[dst8.at[k1]], add=True)

    @pl.loop(0, rem)
    def _(t):
        r = row0 + nbl * IBLK + t
        pltpu.sync_copy(src2d.at[pl.ds(r, 1)], src8.at[pl.ds(0, 1)])
        pltpu.sync_copy(dst2d.at[pl.ds(r, 1)], dst8.at[pl.ds(0, 1)])
        pltpu.async_copy(y2d.at[src8.at[0]], rows_a, sem_a).wait()
        pltpu.sync_copy(rows_a, acc2d.at[dst8.at[0]], add=True)


_AGG_SCRATCH = [
    pltpu.VMEM((IBLK, CHUNK), jnp.int32),
    pltpu.VMEM((IBLK, CHUNK), jnp.int32),
    pltpu.VMEM((CHUNK, FH), jnp.float32),
    pltpu.SemaphoreType.DMA,
    pltpu.VMEM((CHUNK, FH), jnp.float32),
    pltpu.SemaphoreType.DMA,
    pltpu.VMEM_SHARED((NPAD, FH), jnp.float32),
]


def _agg_epilogue(acc_sh, out_hbm, cid, sid):
    plsc.subcore_barrier()
    pltpu.sync_copy(
        acc_sh.at[pl.ds(sid * ROWS_PER_SUB, ROWS_PER_SUB)],
        out_hbm.at[cid].at[pl.ds(sid * ROWS_PER_SUB, ROWS_PER_SUB)])


def _agg_init(zeros_hbm, acc_sh, sid):
    pltpu.sync_copy(
        zeros_hbm.at[pl.ds(sid * ROWS_PER_SUB, ROWS_PER_SUB)],
        acc_sh.at[pl.ds(sid * ROWS_PER_SUB, ROWS_PER_SUB)])
    plsc.subcore_barrier()


@functools.partial(
    pl.kernel,
    out_type=jax.ShapeDtypeStruct((NC, NPAD, FH), jnp.float32),
    mesh=_mesh,
    compiler_params=_cparams,
    scratch_types=_AGG_SCRATCH,
)
def _sc_agg_l1(src2d, dst2d, ya_hbm, yb_hbm, zeros_hbm, out_hbm,
               src8, dst8, rows_a, sem_a, rows_b, sem_b, acc_sh):
    cid = lax.axis_index("c")
    sid = lax.axis_index("s")
    _agg_init(zeros_hbm, acc_sh, sid)

    nit = jnp.where(sid == NS - 1, S_ITERS_LAST, S_ITERS)
    bufs = (src8, dst8, rows_a, sem_a, rows_b, sem_b)

    @pl.when(cid == 0)
    def _():
        _edge_pipeline(src2d, dst2d, ya_hbm, acc_sh, sid * S_ITERS, nit,
                       *bufs)

    @pl.when(cid == 1)
    def _():
        _edge_pipeline(src2d, dst2d, yb_hbm, acc_sh, sid * S_ITERS, nit,
                       *bufs)

    _agg_epilogue(acc_sh, out_hbm, cid, sid)


@functools.partial(
    pl.kernel,
    out_type=jax.ShapeDtypeStruct((NC, NPAD, FH), jnp.float32),
    mesh=_mesh,
    compiler_params=_cparams,
    scratch_types=_AGG_SCRATCH,
)
def _sc_agg_l2(src2d, dst2d, y_hbm, zeros_hbm, out_hbm,
               src8, dst8, rows_a, sem_a, rows_b, sem_b, acc_sh):
    cid = lax.axis_index("c")
    sid = lax.axis_index("s")
    wid = sid * NC + cid
    _agg_init(zeros_hbm, acc_sh, sid)

    nit = jnp.where(wid == NW - 1, W_ITERS_LAST, W_ITERS)
    _edge_pipeline(src2d, dst2d, y_hbm, acc_sh, wid * W_ITERS, nit,
                   src8, dst8, rows_a, sem_a, rows_b, sem_b)

    _agg_epilogue(acc_sh, out_hbm, cid, sid)


BLK = 7168
BLKP = BLK // 8
TGRID = NPAD // BLK


def _prow_spec():
    return pl.BlockSpec((BLKP, 128), lambda i: (i, 0))


def _pair_spec():
    return pl.BlockSpec((NC, BLKP, 128), lambda i: (0, i, 0))


def _rep_spec(shape):
    return pl.BlockSpec(shape, lambda i: tuple(0 for _ in shape))


def _tc_prep_body(deg_ref, xpa_ref, xpb_ref, dinv_ref, xa_ref, xb_ref):
    dinv = lax.rsqrt(deg_ref[0] + deg_ref[1] + 1.0)
    dinv_ref[...] = dinv
    xa_ref[...] = xpa_ref[...] * dinv
    xb_ref[...] = xpb_ref[...] * dinv


_tc_prep = pl.pallas_call(
    _tc_prep_body,
    grid=(TGRID,),
    in_specs=[_pair_spec(), _prow_spec(), _prow_spec()],
    out_specs=[_prow_spec(), _prow_spec(), _prow_spec()],
    out_shape=[jax.ShapeDtypeStruct((PK, 128), jnp.float32)] * 3,
)


def _tc_dense_body(acc_ref, xa_ref, xb_ref, dinv_ref, w1_ref, b1_ref,
                   w2_ref, o_ref):
    dinv = dinv_ref[...]
    za = (acc_ref[0] + xa_ref[...]) * dinv
    zb = (acc_ref[1] + xb_ref[...]) * dinv
    z = jnp.concatenate([za, zb], axis=1)
    h1 = jnp.maximum(
        jnp.dot(z, w1_ref[...], preferred_element_type=jnp.float32)
        + b1_ref[...], 0.0)
    h2 = jnp.dot(h1, w2_ref[...], preferred_element_type=jnp.float32)
    o_ref[...] = h2 * dinv


_tc_dense = pl.pallas_call(
    _tc_dense_body,
    grid=(TGRID,),
    in_specs=[_pair_spec(), _prow_spec(), _prow_spec(), _prow_spec(),
              _rep_spec((256, 256)), _rep_spec((1, 256)),
              _rep_spec((256, 128))],
    out_specs=_prow_spec(),
    out_shape=jax.ShapeDtypeStruct((PK, 128), jnp.float32),
)


def _tc_final_body(acc_ref, h2s_ref, dinv_ref, b2_ref, o_ref):
    o_ref[...] = ((acc_ref[0] + acc_ref[1] + h2s_ref[...])
                  * dinv_ref[...] + b2_ref[...])


_tc_final = pl.pallas_call(
    _tc_final_body,
    grid=(TGRID,),
    in_specs=[_pair_spec(), _prow_spec(), _prow_spec(),
              _rep_spec((1, 128))],
    out_specs=_prow_spec(),
    out_shape=jax.ShapeDtypeStruct((PK, 128), jnp.float32),
)


def kernel(x, edge_index, W1, b1, W2, b2):
    src = edge_index[0].astype(jnp.int32)
    dst = edge_index[1].astype(jnp.int32)
    src2d = src.reshape(N_EDGES // CHUNK, CHUNK)
    dst2d = dst.reshape(N_EDGES // CHUNK, CHUNK)

    ones_chunk = jnp.ones((CHUNK,), jnp.float32)
    z1 = jnp.zeros((NPAD,), jnp.float32)
    zn = jnp.zeros((NPAD, FH), jnp.float32)

    NPK = N_NODES * FH // 128
    xpa = jnp.pad(x[:, :FH].reshape(NPK, 128), ((0, PK - NPK), (0, 0)))
    xpb = jnp.pad(x[:, FEAT - FH:].reshape(NPK, 128),
                  ((0, PK - NPK), (0, 0)))

    deg16 = _sc_degree(dst2d, ones_chunk, z1)
    dinv16, xa, xb = _tc_prep(deg16.reshape(NC, PK, 128), xpa, xpb)

    acc1 = _sc_agg_l1(src2d, dst2d, xa.reshape(NPAD, FH),
                      xb.reshape(NPAD, FH), zn)

    w1p = jnp.concatenate(
        [W1[:FH], jnp.zeros((2 * FH - FEAT, HID), W1.dtype), W1[FH:]],
        axis=0)
    w2p = jnp.pad(W2, ((0, 0), (0, FH - OUT)))
    eye8 = jnp.eye(8, dtype=jnp.float32)
    w1big = jnp.einsum("hfgp,kK->hkfgKp", w1p.reshape(2, FH, 2, FH),
                       eye8).reshape(256, 256)
    w2big = jnp.einsum("gpo,kK->gkpKo", w2p.reshape(2, FH, FH),
                       eye8).reshape(256, 128)
    b1big = jnp.broadcast_to(b1.reshape(2, 1, FH), (2, 8, FH)).reshape(1, 256)
    b2big = jnp.broadcast_to(jnp.pad(b2, (0, FH - OUT)).reshape(1, 1, FH),
                             (1, 8, FH)).reshape(1, 128)

    h2s = _tc_dense(acc1.reshape(NC, PK, 128), xa, xb, dinv16,
                    w1big, b1big, w2big)

    acc2 = _sc_agg_l2(src2d, dst2d, h2s.reshape(NPAD, FH), zn)

    outp = _tc_final(acc2.reshape(NC, PK, 128), h2s, dinv16, b2big)
    return (outp[:NPK].reshape(NPK, 8, FH)[:, :, :OUT]
            .reshape(N_NODES, OUT))

# --- scband reference (transcript-rebuilt; emitter-appended) ---
"""Pipeline reference for scband-simple-layer-gcnpredictor-63969242907020 (READ-ONLY COPY).

The authoritative reference and input builder live on the scoring server;
editing this copy changes nothing except your own understanding.
"""

import jax, jax.numpy as jnp
import numpy as np

N_NODES = 100000
N_EDGES = 3200000
FEAT = 20
HID = 32
OUT = 2


def gcn_conv(x, src, dst, W, b):
    N = x.shape[0]
    loop = jnp.arange(N, dtype=src.dtype)
    src_l = jnp.concatenate([src, loop])
    dst_l = jnp.concatenate([dst, loop])
    deg = jnp.zeros((N,), dtype=x.dtype).at[dst_l].add(1.0)
    dinv = 1.0 / jnp.sqrt(jnp.clip(deg, 1.0))
    h = x @ W
    norm = (dinv[src_l] * dinv[dst_l])[:, None]
    msg = jnp.take(h, src_l, axis=0) * norm
    agg = jax.ops.segment_sum(msg, dst_l, num_segments=N)
    return agg + b


def setup_inputs(seed: int = 0) -> dict:
    key = jax.random.key(seed)
    k1, k2, k3, k4, k5, k6 = jax.random.split(key, 6)
    x = jax.random.normal(k1, (N_NODES, FEAT), dtype=jnp.float32)
    edge_index = jax.random.randint(k2, (2, N_EDGES), 0, N_NODES, dtype=jnp.int64)
    W1 = jax.random.normal(k3, (FEAT, HID), dtype=jnp.float32) * (1.0 / np.sqrt(FEAT))
    b1 = jnp.zeros((HID,), dtype=jnp.float32)
    W2 = jax.random.normal(k4, (HID, OUT), dtype=jnp.float32) * (1.0 / np.sqrt(HID))
    b2 = jnp.zeros((OUT,), dtype=jnp.float32)
    return {"x": x, "edge_index": edge_index, "W1": W1, "b1": b1, "W2": W2, "b2": b2}


def reference(x, edge_index, W1, b1, W2, b2):
    src = edge_index[0]
    dst = edge_index[1]
    h = gcn_conv(x, src, dst, W1, b1)
    h = jax.nn.relu(h)
    out = gcn_conv(h, src, dst, W2, b2)
    # F.dropout in the original runs with training=True default; treated as identity
    # (deterministic inference) for a reproducible reference.
    return out

if __name__ == "__main__":
    import jax
    _d = setup_inputs()
    print(jax.jit(kernel)(*tuple(_d.values())))

</pallas_src>

<mosaic_0001>
#map = affine_map<(d0, d1) -> (0, 0)>
#map1 = affine_map<(d0, d1) -> (0, 0, 0)>
module attributes {stable_mosaic.version = 14 : i64} {
  func.func @_sc_agg_l2(%arg0: i32, %arg1: i32, %arg2: memref<6250x512xi32, #tpu.memory_space<hbm>>, %arg3: memref<6250x512xi32, #tpu.memory_space<hbm>>, %arg4: memref<100352x16xf32, #tpu.memory_space<hbm>>, %arg5: memref<100352x16xf32, #tpu.memory_space<hbm>>, %arg6: memref<2x100352x16xf32, #tpu.memory_space<hbm>>, %arg7: memref<8x512xi32, #tpu.memory_space<vmem>>, %arg8: memref<8x512xi32, #tpu.memory_space<vmem>>, %arg9: memref<512x16xf32, #tpu.memory_space<vmem>>, %arg10: memref<!tpu.dma_semaphore, #tpu.memory_space<semaphore_mem>>, %arg11: memref<512x16xf32, #tpu.memory_space<vmem>>, %arg12: memref<!tpu.dma_semaphore, #tpu.memory_space<semaphore_mem>>, %arg13: memref<100352x16xf32, #tpu.memory_space<vmem_shared>>) attributes {dimension_semantics = [#tpu.dimension_semantics<core_parallel>, #tpu.dimension_semantics<subcore_parallel>], iteration_bounds = array<i64: 2, 16>, scalar_prefetch = 0 : i64, scratch_operands = 7 : i64, tpu.core_type = #tpu.core_type<sc_vector_subcore>, window_params = [{transform_indices = #map}, {transform_indices = #map}, {transform_indices = #map}, {transform_indices = #map}, {transform_indices = #map1}]} {
    %mul3A = arith.constant 2 : i32
    %mul3A_0 = arith.muli %arg1, %mul3A : i32
    %add3A = arith.addi %mul3A_0, %arg0 : i32
    %mul3A_1 = arith.constant 6272 : i32
    %mul3A_2 = arith.muli %arg1, %mul3A_1 : i32
    %mul3A_3 = arith.constant 6272 : i32
    %mul3A_4 = arith.muli %arg1, %mul3A_3 : i32
    "tpu.region"() ({
      %run_scoped3A = tpu.sem_alloc : memref<!tpu.dma_semaphore, #tpu.memory_space<semaphore_mem>>
      %dma_start3A = arith.constant 0 : i32
      %dma_start3A_72 = tpu.memref_slice %arg13[%mul3A_4, %dma_start3A] : memref<100352x16xf32, #tpu.memory_space<vmem_shared>> -> memref<6272x16xf32, #tpu.memory_space<vmem_shared>>
      %dma_start3A_73 = arith.constant 0 : i32
      %dma_start3A_74 = tpu.memref_slice %arg5[%mul3A_2, %dma_start3A_73] : memref<100352x16xf32, #tpu.memory_space<hbm>> -> memref<6272x16xf32, #tpu.memory_space<hbm>>
      tpu.enqueue_dma source(%dma_start3A_74 : memref<6272x16xf32, #tpu.memory_space<hbm>>) target(%dma_start3A_72 : memref<6272x16xf32, #tpu.memory_space<vmem_shared>>) target_semaphore(%run_scoped3A : memref<!tpu.dma_semaphore, #tpu.memory_space<semaphore_mem>>)
      %dma_wait3A = arith.constant 0 : i32
      %dma_wait3A_75 = tpu.memref_slice %arg13[%mul3A_4, %dma_wait3A] : memref<100352x16xf32, #tpu.memory_space<vmem_shared>> -> memref<6272x16xf32, #tpu.memory_space<vmem_shared>>
      %dma_wait3A_76 = arith.constant 0 : i32
      %dma_wait3A_77 = tpu.memref_slice %arg5[%mul3A_2, %dma_wait3A_76] : memref<100352x16xf32, #tpu.memory_space<hbm>> -> memref<6272x16xf32, #tpu.memory_space<hbm>>
      tpu.wait_dma2 semaphore(%run_scoped3A : memref<!tpu.dma_semaphore, #tpu.memory_space<semaphore_mem>>) src(%dma_wait3A_77 : memref<6272x16xf32, #tpu.memory_space<hbm>>) dst(%dma_wait3A_75 : memref<6272x16xf32, #tpu.memory_space<vmem_shared>>)
      tpu.yield
    }) : () -> ()
    %barrier3A = arith.constant 0 : index
    tpu.barrier barrier_id(%barrier3A)
    %eq3A = arith.constant 31 : i32
    %eq3A_5 = arith.cmpi eq, %add3A, %eq3A : i32
    %jit3A = arith.constant 174 : i32
    %jit3A_6 = arith.constant 196 : i32
    %select_n3A = arith.select %eq3A_5, %jit3A, %jit3A_6 : i32
    %mul3A_7 = arith.constant 196 : i32
    %mul3A_8 = arith.muli %add3A, %mul3A_7 : i32
    %jit3A_9 = arith.constant 8 : i32
    %div3A = arith.divsi %select_n3A, %jit3A_9 : i32
    %sign3A = arith.constant 0 : i32
    %sign3A_10 = arith.cmpi sgt, %select_n3A, %sign3A : i32
    %sign3A_11 = arith.extui %sign3A_10 : i1 to i32
    %sign3A_12 = arith.constant 0 : i32
    %sign3A_13 = arith.cmpi slt, %select_n3A, %sign3A_12 : i32
    %sign3A_14 = arith.extui %sign3A_13 : i1 to i32
    %sign3A_15 = arith.subi %sign3A_11, %sign3A_14 : i32
    %sign3A_16 = arith.constant 0 : i32
    %sign3A_17 = arith.cmpi sgt, %jit3A_9, %sign3A_16 : i32
    %sign3A_18 = arith.extui %sign3A_17 : i1 to i32
    %sign3A_19 = arith.constant 0 : i32
    %sign3A_20 = arith.cmpi slt, %jit3A_9, %sign3A_19 : i32
    %sign3A_21 = arith.extui %sign3A_20 : i1 to i32
    %sign3A_22 = arith.subi %sign3A_18, %sign3A_21 : i32
    %ne3A = arith.cmpi ne, %sign3A_15, %sign3A_22 : i32
    %rem3A = arith.remsi %select_n3A, %jit3A_9 : i32
    %ne3A_23 = arith.constant 0 : i32
    %ne3A_24 = arith.cmpi ne, %rem3A, %ne3A_23 : i32
    %and3A = arith.andi %ne3A, %ne3A_24 : i1
    %sub3A = arith.constant 1 : i32
    %sub3A_25 = arith.subi %div3A, %sub3A : i32
    %select_n3A_26 = arith.select %and3A, %sub3A_25, %div3A : i32
    %mul3A_27 = arith.constant 8 : i32
    %mul3A_28 = arith.muli %select_n3A_26, %mul3A_27 : i32
    %sub3A_29 = arith.subi %select_n3A, %mul3A_28 : i32
    %sub3A_30 = arith.constant 0 : i32
    %sub3A_31 = arith.subi %select_n3A_26, %sub3A_30 : i32
    %sub3A_32 = arith.constant 1 : i32
    %sub3A_33 = arith.constant 1 : i32
    %sub3A_34 = arith.subi %sub3A_32, %sub3A_33 : i32
    %add3A_35 = arith.addi %sub3A_31, %sub3A_34 : i32
    %div3A_36 = arith.constant 1 : i32
    %div3A_37 = arith.divsi %add3A_35, %div3A_36 : i32
    %while3A = arith.constant 1 : i32
    %while3A_38 = arith.constant 0 : i32
    %while3A_39 = arith.constant 0 : i32
    %while3A_40 = arith.subi %div3A_37, %while3A_39 : i32
    %while3A_41 = arith.addi %while3A_39, %while3A_40 : i32
    %while3A_42 = arith.constant 1 : i32
    %while3A_43 = arith.divsi %while3A_40, %while3A_42 : i32
    %while3A_44 = arith.muli %while3A_43, %while3A_42 : i32
    %while3A_45 = arith.addi %while3A_39, %while3A_44 : i32
    %while3A_46 = arith.constant 1 : i32
    scf.for %while3A_72 = %while3A_39 to %while3A_45 step %while3A_46  : i32 {
      %mul3A_73 = arith.muli %while3A_72, %while3A : i32
      %add3A_74 = arith.addi %while3A_38, %mul3A_73 : i32
      %mul3A_75 = arith.constant 8 : i32
      %mul3A_76 = arith.muli %add3A_74, %mul3A_75 : i32
      %add3A_77 = arith.addi %mul3A_8, %mul3A_76 : i32
      "tpu.region"() ({
        %run_scoped3A = tpu.sem_alloc : memref<!tpu.dma_semaphore, #tpu.memory_space<semaphore_mem>>
        %dma_start3A_88 = arith.constant 0 : i32
        %dma_start3A_89 = tpu.memref_slice %arg2[%add3A_77, %dma_start3A_88] : memref<6250x512xi32, #tpu.memory_space<hbm>> -> memref<8x512xi32, #tpu.memory_space<hbm>>
        %dma_start3A_90 = arith.constant 0 : i32
        %dma_start3A_91 = tpu.memref_slice %arg2[%add3A_77, %dma_start3A_90] : memref<6250x512xi32, #tpu.memory_space<hbm>> -> memref<8x512xi32, #tpu.memory_space<hbm>>
        tpu.enqueue_dma source(%dma_start3A_91 : memref<8x512xi32, #tpu.memory_space<hbm>>) target(%arg7 : memref<8x512xi32, #tpu.memory_space<vmem>>) target_semaphore(%run_scoped3A : memref<!tpu.dma_semaphore, #tpu.memory_space<semaphore_mem>>)
        %dma_wait3A = arith.constant 0 : i32
        %dma_wait3A_92 = tpu.memref_slice %arg2[%add3A_77, %dma_wait3A] : memref<6250x512xi32, #tpu.memory_space<hbm>> -> memref<8x512xi32, #tpu.memory_space<hbm>>
        %dma_wait3A_93 = arith.constant 0 : i32
        %dma_wait3A_94 = tpu.memref_slice %arg2[%add3A_77, %dma_wait3A_93] : memref<6250x512xi32, #tpu.memory_space<hbm>> -> memref<8x512xi32, #tpu.memory_space<hbm>>
        tpu.wait_dma2 semaphore(%run_scoped3A : memref<!tpu.dma_semaphore, #tpu.memory_space<semaphore_mem>>) src(%dma_wait3A_94 : memref<8x512xi32, #tpu.memory_space<hbm>>) dst(%arg7 : memref<8x512xi32, #tpu.memory_space<vmem>>)
        tpu.yield
      }) : () -> ()
      "tpu.region"() ({
        %run_scoped3A = tpu.sem_alloc : memref<!tpu.dma_semaphore, #tpu.memory_space<semaphore_mem>>
        %dma_start3A_88 = arith.constant 0 : i32
        %dma_start3A_89 = tpu.memref_slice %arg3[%add3A_77, %dma_start3A_88] : memref<6250x512xi32, #tpu.memory_space<hbm>> -> memref<8x512xi32, #tpu.memory_space<hbm>>
        %dma_start3A_90 = arith.constant 0 : i32
        %dma_start3A_91 = tpu.memref_slice %arg3[%add3A_77, %dma_start3A_90] : memref<6250x512xi32, #tpu.memory_space<hbm>> -> memref<8x512xi32, #tpu.memory_space<hbm>>
        tpu.enqueue_dma source(%dma_start3A_91 : memref<8x512xi32, #tpu.memory_space<hbm>>) target(%arg8 : memref<8x512xi32, #tpu.memory_space<vmem>>) target_semaphore(%run_scoped3A : memref<!tpu.dma_semaphore, #tpu.memory_space<semaphore_mem>>)
        %dma_wait3A = arith.constant 0 : i32
        %dma_wait3A_92 = tpu.memref_slice %arg3[%add3A_77, %dma_wait3A] : memref<6250x512xi32, #tpu.memory_space<hbm>> -> memref<8x512xi32, #tpu.memory_space<hbm>>
        %dma_wait3A_93 = arith.constant 0 : i32
        %dma_wait3A_94 = tpu.memref_slice %arg3[%add3A_77, %dma_wait3A_93] : memref<6250x512xi32, #tpu.memory_space<hbm>> -> memref<8x512xi32, #tpu.memory_space<hbm>>
        tpu.wait_dma2 semaphore(%run_scoped3A : memref<!tpu.dma_semaphore, #tpu.memory_space<semaphore_mem>>) src(%dma_wait3A_94 : memref<8x512xi32, #tpu.memory_space<hbm>>) dst(%arg8 : memref<8x512xi32, #tpu.memory_space<vmem>>)
        tpu.yield
      }) : () -> ()
      %dma_start3A = arith.constant 0 : i32
      %dma_start3A_78 = arith.constant 0 : i32
      %dma_start3A_79 = tpu.memref_slice %arg7[%dma_start3A, %dma_start3A_78] : memref<8x512xi32, #tpu.memory_space<vmem>> -> memref<1x512xi32, #tpu.memory_space<vmem>>
      %dma_start3A_80 = tpu.memref_squeeze %dma_start3A_79 : memref<1x512xi32, #tpu.memory_space<vmem>> -> memref<512xi32, #tpu.memory_space<vmem>>
      %dma_start3A_81 = arith.constant 0 : i32
      %dma_start3A_82 = arith.constant 0 : i32
      %dma_start3A_83 = tpu.memref_slice %arg4[%dma_start3A_81, %dma_start3A_82] : memref<100352x16xf32, #tpu.memory_space<hbm>> -> memref<100352x16xf32, #tpu.memory_space<hbm>>
      tpu.enqueue_indirect_dma source(%dma_start3A_83 : memref<100352x16xf32, #tpu.memory_space<hbm>>) target(%arg9 : memref<512x16xf32, #tpu.memory_space<vmem>>) offsets(%dma_start3A_80 : memref<512xi32, #tpu.memory_space<vmem>>) semaphore(%arg10 : memref<!tpu.dma_semaphore, #tpu.memory_space<semaphore_mem>>)
      %scan3A = arith.constant 0 : i32
      %scan3A_84 = arith.constant 4 : i32
      %scan3A_85 = arith.addi %scan3A, %scan3A_84 : i32
      %scan3A_86 = arith.constant 1 : i32
      scf.for %scan3A_88 = %scan3A to %scan3A_85 step %scan3A_86  : i32 {
        %mul3A_89 = arith.constant 1 : i32
        %mul3A_90 = arith.muli %scan3A_88, %mul3A_89 : i32
        %add3A_91 = arith.constant 0 : i32
        %add3A_92 = arith.addi %add3A_91, %mul3A_90 : i32
        %mul3A_93 = arith.constant 2 : i32
        %mul3A_94 = arith.muli %mul3A_93, %add3A_92 : i32
        %add3A_95 = arith.constant 1 : i32
        %add3A_96 = arith.addi %mul3A_94, %add3A_95 : i32
        %dma_start3A_97 = arith.constant 0 : i32
        %dma_start3A_98 = tpu.memref_slice %arg7[%add3A_96, %dma_start3A_97] : memref<8x512xi32, #tpu.memory_space<vmem>> -> memref<1x512xi32, #tpu.memory_space<vmem>>
        %dma_start3A_99 = tpu.memref_squeeze %dma_start3A_98 : memref<1x512xi32, #tpu.memory_space<vmem>> -> memref<512xi32, #tpu.memory_space<vmem>>
        %dma_start3A_100 = arith.constant 0 : i32
        %dma_start3A_101 = arith.constant 0 : i32
        %dma_start3A_102 = tpu.memref_slice %arg4[%dma_start3A_100, %dma_start3A_101] : memref<100352x16xf32, #tpu.memory_space<hbm>> -> memref<100352x16xf32, #tpu.memory_space<hbm>>
        tpu.enqueue_indirect_dma source(%dma_start3A_102 : memref<100352x16xf32, #tpu.memory_space<hbm>>) target(%arg11 : memref<512x16xf32, #tpu.memory_space<vmem>>) offsets(%dma_start3A_99 : memref<512xi32, #tpu.memory_space<vmem>>) semaphore(%arg12 : memref<!tpu.dma_semaphore, #tpu.memory_space<semaphore_mem>>)
        %dma_wait3A = arith.constant 0 : i32
        %dma_wait3A_103 = tpu.memref_slice %arg7[%mul3A_94, %dma_wait3A] : memref<8x512xi32, #tpu.memory_space<vmem>> -> memref<1x512xi32, #tpu.memory_space<vmem>>
        %dma_wait3A_104 = tpu.memref_squeeze %dma_wait3A_103 : memref<1x512xi32, #tpu.memory_space<vmem>> -> memref<512xi32, #tpu.memory_space<vmem>>
        %dma_wait3A_105 = arith.constant 0 : i32
        %dma_wait3A_106 = arith.constant 0 : i32
        %dma_wait3A_107 = tpu.memref_slice %arg4[%dma_wait3A_105, %dma_wait3A_106] : memref<100352x16xf32, #tpu.memory_space<hbm>> -> memref<100352x16xf32, #tpu.memory_space<hbm>>
        tpu.wait_indirect_dma semaphore(%arg10 : memref<!tpu.dma_semaphore, #tpu.memory_space<semaphore_mem>>) src(%dma_wait3A_107 : memref<100352x16xf32, #tpu.memory_space<hbm>>) dst(%arg9 : memref<512x16xf32, #tpu.memory_space<vmem>>)
        "tpu.region"() ({
          %run_scoped3A = tpu.sem_alloc : memref<!tpu.dma_semaphore, #tpu.memory_space<semaphore_mem>>
          %dma_start3A_118 = arith.constant 0 : i32
          %dma_start3A_119 = tpu.memref_slice %arg8[%mul3A_94, %dma_start3A_118] : memref<8x512xi32, #tpu.memory_space<vmem>> -> memref<1x512xi32, #tpu.memory_space<vmem>>
          %dma_start3A_120 = tpu.memref_squeeze %dma_start3A_119 : memref<1x512xi32, #tpu.memory_space<vmem>> -> memref<512xi32, #tpu.memory_space<vmem>>
          %dma_start3A_121 = arith.constant 0 : i32
          %dma_start3A_122 = arith.constant 0 : i32
          %dma_start3A_123 = tpu.memref_slice %arg13[%dma_start3A_121, %dma_start3A_122] : memref<100352x16xf32, #tpu.memory_space<vmem_shared>> -> memref<100352x16xf32, #tpu.memory_space<vmem_shared>>
          tpu.enqueue_indirect_dma source(%arg9 : memref<512x16xf32, #tpu.memory_space<vmem>>) target(%dma_start3A_123 : memref<100352x16xf32, #tpu.memory_space<vmem_shared>>) offsets(%dma_start3A_120 : memref<512xi32, #tpu.memory_space<vmem>>) semaphore(%run_scoped3A : memref<!tpu.dma_semaphore, #tpu.memory_space<semaphore_mem>>) {add = true}
          %dma_wait3A_124 = arith.constant 0 : i32
          %dma_wait3A_125 = tpu.memref_slice %arg8[%mul3A_94, %dma_wait3A_124] : memref<8x512xi32, #tpu.memory_space<vmem>> -> memref<1x512xi32, #tpu.memory_space<vmem>>
          %dma_wait3A_126 = tpu.memref_squeeze %dma_wait3A_125 : memref<1x512xi32, #tpu.memory_space<vmem>> -> memref<512xi32, #tpu.memory_space<vmem>>
          %dma_wait3A_127 = arith.constant 0 : i32
          %dma_wait3A_128 = arith.constant 0 : i32
          %dma_wait3A_129 = tpu.memref_slice %arg13[%dma_wait3A_127, %dma_wait3A_128] : memref<100352x16xf32, #tpu.memory_space<vmem_shared>> -> memref<100352x16xf32, #tpu.memory_space<vmem_shared>>
          tpu.wait_indirect_dma semaphore(%run_scoped3A : memref<!tpu.dma_semaphore, #tpu.memory_space<semaphore_mem>>) src(%arg9 : memref<512x16xf32, #tpu.memory_space<vmem>>) dst(%dma_wait3A_129 : memref<100352x16xf32, #tpu.memory_space<vmem_shared>>)
          tpu.yield
        }) : () -> ()
        %add3A_108 = arith.constant 1 : i32
        %add3A_109 = arith.addi %add3A_96, %add3A_108 : i32
        %lt3A = arith.constant 8 : i32
        %lt3A_110 = arith.cmpi slt, %add3A_109, %lt3A : i32
        %convert_element_type3A = arith.extui %lt3A_110 : i1 to i32
        %cond3A = arith.constant 0 : i32
        %cond3A_111 = arith.cmpi ne, %convert_element_type3A, %cond3A : i32
        scf.if %cond3A_111 {
          %add3A_118 = arith.constant 1 : i32
          %add3A_119 = arith.addi %add3A_96, %add3A_118 : i32
          %dma_start3A_120 = arith.constant 0 : i32
          %dma_start3A_121 = tpu.memref_slice %arg7[%add3A_119, %dma_start3A_120] : memref<8x512xi32, #tpu.memory_space<vmem>> -> memref<1x512xi32, #tpu.memory_space<vmem>>
          %dma_start3A_122 = tpu.memref_squeeze %dma_start3A_121 : memref<1x512xi32, #tpu.memory_space<vmem>> -> memref<512xi32, #tpu.memory_space<vmem>>
          %dma_start3A_123 = arith.constant 0 : i32
          %dma_start3A_124 = arith.constant 0 : i32
          %dma_start3A_125 = tpu.memref_slice %arg4[%dma_start3A_123, %dma_start3A_124] : memref<100352x16xf32, #tpu.memory_space<hbm>> -> memref<100352x16xf32, #tpu.memory_space<hbm>>
          tpu.enqueue_indirect_dma source(%dma_start3A_125 : memref<100352x16xf32, #tpu.memory_space<hbm>>) target(%arg9 : memref<512x16xf32, #tpu.memory_space<vmem>>) offsets(%dma_start3A_122 : memref<512xi32, #tpu.memory_space<vmem>>) semaphore(%arg10 : memref<!tpu.dma_semaphore, #tpu.memory_space<semaphore_mem>>)
        } else {
        }
        %dma_wait3A_112 = arith.constant 0 : i32
        %dma_wait3A_113 = tpu.memref_slice %arg7[%add3A_96, %dma_wait3A_112] : memref<8x512xi32, #tpu.memory_space<vmem>> -> memref<1x512xi32, #tpu.memory_space<vmem>>
        %dma_wait3A_114 = tpu.memref_squeeze %dma_wait3A_113 : memref<1x512xi32, #tpu.memory_space<vmem>> -> memref<512xi32, #tpu.memory_space<vmem>>
        %dma_wait3A_115 = arith.constant 0 : i32
        %dma_wait3A_116 = arith.constant 0 : i32
        %dma_wait3A_117 = tpu.memref_slice %arg4[%dma_wait3A_115, %dma_wait3A_116] : memref<100352x16xf32, #tpu.memory_space<hbm>> -> memref<100352x16xf32, #tpu.memory_space<hbm>>
        tpu.wait_indirect_dma semaphore(%arg12 : memref<!tpu.dma_semaphore, #tpu.memory_space<semaphore_mem>>) src(%dma_wait3A_117 : memref<100352x16xf32, #tpu.memory_space<hbm>>) dst(%arg11 : memref<512x16xf32, #tpu.memory_space<vmem>>)
        "tpu.region"() ({
          %run_scoped3A = tpu.sem_alloc : memref<!tpu.dma_semaphore, #tpu.memory_space<semaphore_mem>>
          %dma_start3A_118 = arith.constant 0 : i32
          %dma_start3A_119 = tpu.memref_slice %arg8[%add3A_96, %dma_start3A_118] : memref<8x512xi32, #tpu.memory_space<vmem>> -> memref<1x512xi32, #tpu.memory_space<vmem>>
          %dma_start3A_120 = tpu.memref_squeeze %dma_start3A_119 : memref<1x512xi32, #tpu.memory_space<vmem>> -> memref<512xi32, #tpu.memory_space<vmem>>
          %dma_start3A_121 = arith.constant 0 : i32
          %dma_start3A_122 = arith.constant 0 : i32
          %dma_start3A_123 = tpu.memref_slice %arg13[%dma_start3A_121, %dma_start3A_122] : memref<100352x16xf32, #tpu.memory_space<vmem_shared>> -> memref<100352x16xf32, #tpu.memory_space<vmem_shared>>
          tpu.enqueue_indirect_dma source(%arg11 : memref<512x16xf32, #tpu.memory_space<vmem>>) target(%dma_start3A_123 : memref<100352x16xf32, #tpu.memory_space<vmem_shared>>) offsets(%dma_start3A_120 : memref<512xi32, #tpu.memory_space<vmem>>) semaphore(%run_scoped3A : memref<!tpu.dma_semaphore, #tpu.memory_space<semaphore_mem>>) {add = true}
          %dma_wait3A_124 = arith.constant 0 : i32
          %dma_wait3A_125 = tpu.memref_slice %arg8[%add3A_96, %dma_wait3A_124] : memref<8x512xi32, #tpu.memory_space<vmem>> -> memref<1x512xi32, #tpu.memory_space<vmem>>
          %dma_wait3A_126 = tpu.memref_squeeze %dma_wait3A_125 : memref<1x512xi32, #tpu.memory_space<vmem>> -> memref<512xi32, #tpu.memory_space<vmem>>
          %dma_wait3A_127 = arith.constant 0 : i32
          %dma_wait3A_128 = arith.constant 0 : i32
          %dma_wait3A_129 = tpu.memref_slice %arg13[%dma_wait3A_127, %dma_wait3A_128] : memref<100352x16xf32, #tpu.memory_space<vmem_shared>> -> memref<100352x16xf32, #tpu.memory_space<vmem_shared>>
          tpu.wait_indirect_dma semaphore(%run_scoped3A : memref<!tpu.dma_semaphore, #tpu.memory_space<semaphore_mem>>) src(%arg11 : memref<512x16xf32, #tpu.memory_space<vmem>>) dst(%dma_wait3A_129 : memref<100352x16xf32, #tpu.memory_space<vmem_shared>>)
          tpu.yield
        }) : () -> ()
      }
      %scan3A_87 = arith.constant 4 : i32
    }
    %while3A_47 = arith.constant 1 : i32
    scf.for %while3A_72 = %while3A_45 to %while3A_41 step %while3A_47  : i32 {
      %mul3A_73 = arith.muli %while3A_72, %while3A : i32
      %add3A_74 = arith.addi %while3A_38, %mul3A_73 : i32
      %mul3A_75 = arith.constant 8 : i32
      %mul3A_76 = arith.muli %add3A_74, %mul3A_75 : i32
      %add3A_77 = arith.addi %mul3A_8, %mul3A_76 : i32
      "tpu.region"() ({
        %run_scoped3A = tpu.sem_alloc : memref<!tpu.dma_semaphore, #tpu.memory_space<semaphore_mem>>
        %dma_start3A_88 = arith.constant 0 : i32
        %dma_start3A_89 = tpu.memref_slice %arg2[%add3A_77, %dma_start3A_88] : memref<6250x512xi32, #tpu.memory_space<hbm>> -> memref<8x512xi32, #tpu.memory_space<hbm>>
        %dma_start3A_90 = arith.constant 0 : i32
        %dma_start3A_91 = tpu.memref_slice %arg2[%add3A_77, %dma_start3A_90] : memref<6250x512xi32, #tpu.memory_space<hbm>> -> memref<8x512xi32, #tpu.memory_space<hbm>>
        tpu.enqueue_dma source(%dma_start3A_91 : memref<8x512xi32, #tpu.memory_space<hbm>>) target(%arg7 : memref<8x512xi32, #tpu.memory_space<vmem>>) target_semaphore(%run_scoped3A : memref<!tpu.dma_semaphore, #tpu.memory_space<semaphore_mem>>)
        %dma_wait3A = arith.constant 0 : i32
        %dma_wait3A_92 = tpu.memref_slice %arg2[%add3A_77, %dma_wait3A] : memref<6250x512xi32, #tpu.memory_space<hbm>> -> memref<8x512xi32, #tpu.memory_space<hbm>>
        %dma_wait3A_93 = arith.constant 0 : i32
        %dma_wait3A_94 = tpu.memref_slice %arg2[%add3A_77, %dma_wait3A_93] : memref<6250x512xi32, #tpu.memory_space<hbm>> -> memref<8x512xi32, #tpu.memory_space<hbm>>
        tpu.wait_dma2 semaphore(%run_scoped3A : memref<!tpu.dma_semaphore, #tpu.memory_space<semaphore_mem>>) src(%dma_wait3A_94 : memref<8x512xi32, #tpu.memory_space<hbm>>) dst(%arg7 : memref<8x512xi32, #tpu.memory_space<vmem>>)
        tpu.yield
      }) : () -> ()
      "tpu.region"() ({
        %run_scoped3A = tpu.sem_alloc : memref<!tpu.dma_semaphore, #tpu.memory_space<semaphore_mem>>
        %dma_start3A_88 = arith.constant 0 : i32
        %dma_start3A_89 = tpu.memref_slice %arg3[%add3A_77, %dma_start3A_88] : memref<6250x512xi32, #tpu.memory_space<hbm>> -> memref<8x512xi32, #tpu.memory_space<hbm>>
        %dma_start3A_90 = arith.constant 0 : i32
        %dma_start3A_91 = tpu.memref_slice %arg3[%add3A_77, %dma_start3A_90] : memref<6250x512xi32, #tpu.memory_space<hbm>> -> memref<8x512xi32, #tpu.memory_space<hbm>>
        tpu.enqueue_dma source(%dma_start3A_91 : memref<8x512xi32, #tpu.memory_space<hbm>>) target(%arg8 : memref<8x512xi32, #tpu.memory_space<vmem>>) target_semaphore(%run_scoped3A : memref<!tpu.dma_semaphore, #tpu.memory_space<semaphore_mem>>)
        %dma_wait3A = arith.constant 0 : i32
        %dma_wait3A_92 = tpu.memref_slice %arg3[%add3A_77, %dma_wait3A] : memref<6250x512xi32, #tpu.memory_space<hbm>> -> memref<8x512xi32, #tpu.memory_space<hbm>>
        %dma_wait3A_93 = arith.constant 0 : i32
        %dma_wait3A_94 = tpu.memref_slice %arg3[%add3A_77, %dma_wait3A_93] : memref<6250x512xi32, #tpu.memory_space<hbm>> -> memref<8x512xi32, #tpu.memory_space<hbm>>
        tpu.wait_dma2 semaphore(%run_scoped3A : memref<!tpu.dma_semaphore, #tpu.memory_space<semaphore_mem>>) src(%dma_wait3A_94 : memref<8x512xi32, #tpu.memory_space<hbm>>) dst(%arg8 : memref<8x512xi32, #tpu.memory_space<vmem>>)
        tpu.yield
      }) : () -> ()
      %dma_start3A = arith.constant 0 : i32
      %dma_start3A_78 = arith.constant 0 : i32
      %dma_start3A_79 = tpu.memref_slice %arg7[%dma_start3A, %dma_start3A_78] : memref<8x512xi32, #tpu.memory_space<vmem>> -> memref<1x512xi32, #tpu.memory_space<vmem>>
      %dma_start3A_80 = tpu.memref_squeeze %dma_start3A_79 : memref<1x512xi32, #tpu.memory_space<vmem>> -> memref<512xi32, #tpu.memory_space<vmem>>
      %dma_start3A_81 = arith.constant 0 : i32
      %dma_start3A_82 = arith.constant 0 : i32
      %dma_start3A_83 = tpu.memref_slice %arg4[%dma_start3A_81, %dma_start3A_82] : memref<100352x16xf32, #tpu.memory_space<hbm>> -> memref<100352x16xf32, #tpu.memory_space<hbm>>
      tpu.enqueue_indirect_dma source(%dma_start3A_83 : memref<100352x16xf32, #tpu.memory_space<hbm>>) target(%arg9 : memref<512x16xf32, #tpu.memory_space<vmem>>) offsets(%dma_start3A_80 : memref<512xi32, #tpu.memory_space<vmem>>) semaphore(%arg10 : memref<!tpu.dma_semaphore, #tpu.memory_space<semaphore_mem>>)
      %scan3A = arith.constant 0 : i32
      %scan3A_84 = arith.constant 4 : i32
      %scan3A_85 = arith.addi %scan3A, %scan3A_84 : i32
      %scan3A_86 = arith.constant 1 : i32
      scf.for %scan3A_88 = %scan3A to %scan3A_85 step %scan3A_86  : i32 {
        %mul3A_89 = arith.constant 1 : i32
        %mul3A_90 = arith.muli %scan3A_88, %mul3A_89 : i32
        %add3A_91 = arith.constant 0 : i32
        %add3A_92 = arith.addi %add3A_91, %mul3A_90 : i32
        %mul3A_93 = arith.constant 2 : i32
        %mul3A_94 = arith.muli %mul3A_93, %add3A_92 : i32
        %add3A_95 = arith.constant 1 : i32
        %add3A_96 = arith.addi %mul3A_94, %add3A_95 : i32
        %dma_start3A_97 = arith.constant 0 : i32
        %dma_start3A_98 = tpu.memref_slice %arg7[%add3A_96, %dma_start3A_97] : memref<8x512xi32, #tpu.memory_space<vmem>> -> memref<1x512xi32, #tpu.memory_space<vmem>>
        %dma_start3A_99 = tpu.memref_squeeze %dma_start3A_98 : memref<1x512xi32, #tpu.memory_space<vmem>> -> memref<512xi32, #tpu.memory_space<vmem>>
        %dma_start3A_100 = arith.constant 0 : i32
        %dma_start3A_101 = arith.constant 0 : i32
        %dma_start3A_102 = tpu.memref_slice %arg4[%dma_start3A_100, %dma_start3A_101] : memref<100352x16xf32, #tpu.memory_space<hbm>> -> memref<100352x16xf32, #tpu.memory_space<hbm>>
        tpu.enqueue_indirect_dma source(%dma_start3A_102 : memref<100352x16xf32, #tpu.memory_space<hbm>>) target(%arg11 : memref<512x16xf32, #tpu.memory_space<vmem>>) offsets(%dma_start3A_99 : memref<512xi32, #tpu.memory_space<vmem>>) semaphore(%arg12 : memref<!tpu.dma_semaphore, #tpu.memory_space<semaphore_mem>>)
        %dma_wait3A = arith.constant 0 : i32
        %dma_wait3A_103 = tpu.memref_slice %arg7[%mul3A_94, %dma_wait3A] : memref<8x512xi32, #tpu.memory_space<vmem>> -> memref<1x512xi32, #tpu.memory_space<vmem>>
        %dma_wait3A_104 = tpu.memref_squeeze %dma_wait3A_103 : memref<1x512xi32, #tpu.memory_space<vmem>> -> memref<512xi32, #tpu.memory_space<vmem>>
        %dma_wait3A_105 = arith.constant 0 : i32
        %dma_wait3A_106 = arith.constant 0 : i32
        %dma_wait3A_107 = tpu.memref_slice %arg4[%dma_wait3A_105, %dma_wait3A_106] : memref<100352x16xf32, #tpu.memory_space<hbm>> -> memref<100352x16xf32, #tpu.memory_space<hbm>>
        tpu.wait_indirect_dma semaphore(%arg10 : memref<!tpu.dma_semaphore, #tpu.memory_space<semaphore_mem>>) src(%dma_wait3A_107 : memref<100352x16xf32, #tpu.memory_space<hbm>>) dst(%arg9 : memref<512x16xf32, #tpu.memory_space<vmem>>)
        "tpu.region"() ({
          %run_scoped3A = tpu.sem_alloc : memref<!tpu.dma_semaphore, #tpu.memory_space<semaphore_mem>>
          %dma_start3A_118 = arith.constant 0 : i32
          %dma_start3A_119 = tpu.memref_slice %arg8[%mul3A_94, %dma_start3A_118] : memref<8x512xi32, #tpu.memory_space<vmem>> -> memref<1x512xi32, #tpu.memory_space<vmem>>
          %dma_start3A_120 = tpu.memref_squeeze %dma_start3A_119 : memref<1x512xi32, #tpu.memory_space<vmem>> -> memref<512xi32, #tpu.memory_space<vmem>>
          %dma_start3A_121 = arith.constant 0 : i32
          %dma_start3A_122 = arith.constant 0 : i32
          %dma_start3A_123 = tpu.memref_slice %arg13[%dma_start3A_121, %dma_start3A_122] : memref<100352x16xf32, #tpu.memory_space<vmem_shared>> -> memref<100352x16xf32, #tpu.memory_space<vmem_shared>>
          tpu.enqueue_indirect_dma source(%arg9 : memref<512x16xf32, #tpu.memory_space<vmem>>) target(%dma_start3A_123 : memref<100352x16xf32, #tpu.memory_space<vmem_shared>>) offsets(%dma_start3A_120 : memref<512xi32, #tpu.memory_space<vmem>>) semaphore(%run_scoped3A : memref<!tpu.dma_semaphore, #tpu.memory_space<semaphore_mem>>) {add = true}
          %dma_wait3A_124 = arith.constant 0 : i32
          %dma_wait3A_125 = tpu.memref_slice %arg8[%mul3A_94, %dma_wait3A_124] : memref<8x512xi32, #tpu.memory_space<vmem>> -> memref<1x512xi32, #tpu.memory_space<vmem>>
          %dma_wait3A_126 = tpu.memref_squeeze %dma_wait3A_125 : memref<1x512xi32, #tpu.memory_space<vmem>> -> memref<512xi32, #tpu.memory_space<vmem>>
          %dma_wait3A_127 = arith.constant 0 : i32
          %dma_wait3A_128 = arith.constant 0 : i32
          %dma_wait3A_129 = tpu.memref_slice %arg13[%dma_wait3A_127, %dma_wait3A_128] : memref<100352x16xf32, #tpu.memory_space<vmem_shared>> -> memref<100352x16xf32, #tpu.memory_space<vmem_shared>>
          tpu.wait_indirect_dma semaphore(%run_scoped3A : memref<!tpu.dma_semaphore, #tpu.memory_space<semaphore_mem>>) src(%arg9 : memref<512x16xf32, #tpu.memory_space<vmem>>) dst(%dma_wait3A_129 : memref<100352x16xf32, #tpu.memory_space<vmem_shared>>)
          tpu.yield
        }) : () -> ()
        %add3A_108 = arith.constant 1 : i32
        %add3A_109 = arith.addi %add3A_96, %add3A_108 : i32
        %lt3A = arith.constant 8 : i32
        %lt3A_110 = arith.cmpi slt, %add3A_109, %lt3A : i32
        %convert_element_type3A = arith.extui %lt3A_110 : i1 to i32
        %cond3A = arith.constant 0 : i32
        %cond3A_111 = arith.cmpi ne, %convert_element_type3A, %cond3A : i32
        scf.if %cond3A_111 {
          %add3A_118 = arith.constant 1 : i32
          %add3A_119 = arith.addi %add3A_96, %add3A_118 : i32
          %dma_start3A_120 = arith.constant 0 : i32
          %dma_start3A_121 = tpu.memref_slice %arg7[%add3A_119, %dma_start3A_120] : memref<8x512xi32, #tpu.memory_space<vmem>> -> memref<1x512xi32, #tpu.memory_space<vmem>>
          %dma_start3A_122 = tpu.memref_squeeze %dma_start3A_121 : memref<1x512xi32, #tpu.memory_space<vmem>> -> memref<512xi32, #tpu.memory_space<vmem>>
          %dma_start3A_123 = arith.constant 0 : i32
          %dma_start3A_124 = arith.constant 0 : i32
          %dma_start3A_125 = tpu.memref_slice %arg4[%dma_start3A_123, %dma_start3A_124] : memref<100352x16xf32, #tpu.memory_space<hbm>> -> memref<100352x16xf32, #tpu.memory_space<hbm>>
          tpu.enqueue_indirect_dma source(%dma_start3A_125 : memref<100352x16xf32, #tpu.memory_space<hbm>>) target(%arg9 : memref<512x16xf32, #tpu.memory_space<vmem>>) offsets(%dma_start3A_122 : memref<512xi32, #tpu.memory_space<vmem>>) semaphore(%arg10 : memref<!tpu.dma_semaphore, #tpu.memory_space<semaphore_mem>>)
        } else {
        }
        %dma_wait3A_112 = arith.constant 0 : i32
        %dma_wait3A_113 = tpu.memref_slice %arg7[%add3A_96, %dma_wait3A_112] : memref<8x512xi32, #tpu.memory_space<vmem>> -> memref<1x512xi32, #tpu.memory_space<vmem>>
        %dma_wait3A_114 = tpu.memref_squeeze %dma_wait3A_113 : memref<1x512xi32, #tpu.memory_space<vmem>> -> memref<512xi32, #tpu.memory_space<vmem>>
        %dma_wait3A_115 = arith.constant 0 : i32
        %dma_wait3A_116 = arith.constant 0 : i32
        %dma_wait3A_117 = tpu.memref_slice %arg4[%dma_wait3A_115, %dma_wait3A_116] : memref<100352x16xf32, #tpu.memory_space<hbm>> -> memref<100352x16xf32, #tpu.memory_space<hbm>>
        tpu.wait_indirect_dma semaphore(%arg12 : memref<!tpu.dma_semaphore, #tpu.memory_space<semaphore_mem>>) src(%dma_wait3A_117 : memref<100352x16xf32, #tpu.memory_space<hbm>>) dst(%arg11 : memref<512x16xf32, #tpu.memory_space<vmem>>)
        "tpu.region"() ({
          %run_scoped3A = tpu.sem_alloc : memref<!tpu.dma_semaphore, #tpu.memory_space<semaphore_mem>>
          %dma_start3A_118 = arith.constant 0 : i32
          %dma_start3A_119 = tpu.memref_slice %arg8[%add3A_96, %dma_start3A_118] : memref<8x512xi32, #tpu.memory_space<vmem>> -> memref<1x512xi32, #tpu.memory_space<vmem>>
          %dma_start3A_120 = tpu.memref_squeeze %dma_start3A_119 : memref<1x512xi32, #tpu.memory_space<vmem>> -> memref<512xi32, #tpu.memory_space<vmem>>
          %dma_start3A_121 = arith.constant 0 : i32
          %dma_start3A_122 = arith.constant 0 : i32
          %dma_start3A_123 = tpu.memref_slice %arg13[%dma_start3A_121, %dma_start3A_122] : memref<100352x16xf32, #tpu.memory_space<vmem_shared>> -> memref<100352x16xf32, #tpu.memory_space<vmem_shared>>
          tpu.enqueue_indirect_dma source(%arg11 : memref<512x16xf32, #tpu.memory_space<vmem>>) target(%dma_start3A_123 : memref<100352x16xf32, #tpu.memory_space<vmem_shared>>) offsets(%dma_start3A_120 : memref<512xi32, #tpu.memory_space<vmem>>) semaphore(%run_scoped3A : memref<!tpu.dma_semaphore, #tpu.memory_space<semaphore_mem>>) {add = true}
          %dma_wait3A_124 = arith.constant 0 : i32
          %dma_wait3A_125 = tpu.memref_slice %arg8[%add3A_96, %dma_wait3A_124] : memref<8x512xi32, #tpu.memory_space<vmem>> -> memref<1x512xi32, #tpu.memory_space<vmem>>
          %dma_wait3A_126 = tpu.memref_squeeze %dma_wait3A_125 : memref<1x512xi32, #tpu.memory_space<vmem>> -> memref<512xi32, #tpu.memory_space<vmem>>
          %dma_wait3A_127 = arith.constant 0 : i32
          %dma_wait3A_128 = arith.constant 0 : i32
          %dma_wait3A_129 = tpu.memref_slice %arg13[%dma_wait3A_127, %dma_wait3A_128] : memref<100352x16xf32, #tpu.memory_space<vmem_shared>> -> memref<100352x16xf32, #tpu.memory_space<vmem_shared>>
          tpu.wait_indirect_dma semaphore(%run_scoped3A : memref<!tpu.dma_semaphore, #tpu.memory_space<semaphore_mem>>) src(%arg11 : memref<512x16xf32, #tpu.memory_space<vmem>>) dst(%dma_wait3A_129 : memref<100352x16xf32, #tpu.memory_space<vmem_shared>>)
          tpu.yield
        }) : () -> ()
      }
      %scan3A_87 = arith.constant 4 : i32
    }
    %sub3A_48 = arith.constant 0 : i32
    %sub3A_49 = arith.subi %sub3A_29, %sub3A_48 : i32
    %sub3A_50 = arith.constant 1 : i32
    %sub3A_51 = arith.constant 1 : i32
    %sub3A_52 = arith.subi %sub3A_50, %sub3A_51 : i32
    %add3A_53 = arith.addi %sub3A_49, %sub3A_52 : i32
    %div3A_54 = arith.constant 1 : i32
    %div3A_55 = arith.divsi %add3A_53, %div3A_54 : i32
    %while3A_56 = arith.constant 1 : i32
    %while3A_57 = arith.constant 0 : i32
    %while3A_58 = arith.constant 0 : i32
    %while3A_59 = arith.subi %div3A_55, %while3A_58 : i32
    %while3A_60 = arith.addi %while3A_58, %while3A_59 : i32
    %while3A_61 = arith.constant 1 : i32
    %while3A_62 = arith.divsi %while3A_59, %while3A_61 : i32
    %while3A_63 = arith.muli %while3A_62, %while3A_61 : i32
    %while3A_64 = arith.addi %while3A_58, %while3A_63 : i32
    %while3A_65 = arith.constant 1 : i32
    scf.for %while3A_72 = %while3A_58 to %while3A_64 step %while3A_65  : i32 {
      %mul3A_73 = arith.muli %while3A_72, %while3A_56 : i32
      %add3A_74 = arith.addi %while3A_57, %mul3A_73 : i32
      %mul3A_75 = arith.constant 8 : i32
      %mul3A_76 = arith.muli %select_n3A_26, %mul3A_75 : i32
      %add3A_77 = arith.addi %mul3A_8, %mul3A_76 : i32
      %add3A_78 = arith.addi %add3A_77, %add3A_74 : i32
      "tpu.region"() ({
        %run_scoped3A_91 = tpu.sem_alloc : memref<!tpu.dma_semaphore, #tpu.memory_space<semaphore_mem>>
        %dma_start3A_92 = arith.constant 0 : i32
        %dma_start3A_93 = arith.constant 0 : i32
        %dma_start3A_94 = tpu.memref_slice %arg7[%dma_start3A_92, %dma_start3A_93] : memref<8x512xi32, #tpu.memory_space<vmem>> -> memref<1x512xi32, #tpu.memory_space<vmem>>
        %dma_start3A_95 = arith.constant 0 : i32
        %dma_start3A_96 = tpu.memref_slice %arg2[%add3A_78, %dma_start3A_95] : memref<6250x512xi32, #tpu.memory_space<hbm>> -> memref<1x512xi32, #tpu.memory_space<hbm>>
        %dma_start3A_97 = arith.constant 0 : i32
        %dma_start3A_98 = arith.constant 0 : i32
        %dma_start3A_99 = tpu.memref_slice %arg7[%dma_start3A_97, %dma_start3A_98] : memref<8x512xi32, #tpu.memory_space<vmem>> -> memref<1x512xi32, #tpu.memory_space<vmem>>
        %dma_start3A_100 = arith.constant 0 : i32
        %dma_start3A_101 = tpu.memref_slice %arg2[%add3A_78, %dma_start3A_100] : memref<6250x512xi32, #tpu.memory_space<hbm>> -> memref<1x512xi32, #tpu.memory_space<hbm>>
        tpu.enqueue_dma source(%dma_start3A_101 : memref<1x512xi32, #tpu.memory_space<hbm>>) target(%dma_start3A_99 : memref<1x512xi32, #tpu.memory_space<vmem>>) target_semaphore(%run_scoped3A_91 : memref<!tpu.dma_semaphore, #tpu.memory_space<semaphore_mem>>)
        %dma_wait3A_102 = arith.constant 0 : i32
        %dma_wait3A_103 = arith.constant 0 : i32
        %dma_wait3A_104 = tpu.memref_slice %arg7[%dma_wait3A_102, %dma_wait3A_103] : memref<8x512xi32, #tpu.memory_space<vmem>> -> memref<1x512xi32, #tpu.memory_space<vmem>>
        %dma_wait3A_105 = arith.constant 0 : i32
        %dma_wait3A_106 = tpu.memref_slice %arg2[%add3A_78, %dma_wait3A_105] : memref<6250x512xi32, #tpu.memory_space<hbm>> -> memref<1x512xi32, #tpu.memory_space<hbm>>
        %dma_wait3A_107 = arith.constant 0 : i32
        %dma_wait3A_108 = arith.constant 0 : i32
        %dma_wait3A_109 = tpu.memref_slice %arg7[%dma_wait3A_107, %dma_wait3A_108] : memref<8x512xi32, #tpu.memory_space<vmem>> -> memref<1x512xi32, #tpu.memory_space<vmem>>
        %dma_wait3A_110 = arith.constant 0 : i32
        %dma_wait3A_111 = tpu.memref_slice %arg2[%add3A_78, %dma_wait3A_110] : memref<6250x512xi32, #tpu.memory_space<hbm>> -> memref<1x512xi32, #tpu.memory_space<hbm>>
        tpu.wait_dma2 semaphore(%run_scoped3A_91 : memref<!tpu.dma_semaphore, #tpu.memory_space<semaphore_mem>>) src(%dma_wait3A_111 : memref<1x512xi32, #tpu.memory_space<hbm>>) dst(%dma_wait3A_109 : memref<1x512xi32, #tpu.memory_space<vmem>>)
        tpu.yield
      }) : () -> ()
      "tpu.region"() ({
        %run_scoped3A_91 = tpu.sem_alloc : memref<!tpu.dma_semaphore, #tpu.memory_space<semaphore_mem>>
        %dma_start3A_92 = arith.constant 0 : i32
        %dma_start3A_93 = arith.constant 0 : i32
        %dma_start3A_94 = tpu.memref_slice %arg8[%dma_start3A_92, %dma_start3A_93] : memref<8x512xi32, #tpu.memory_space<vmem>> -> memref<1x512xi32, #tpu.memory_space<vmem>>
        %dma_start3A_95 = arith.constant 0 : i32
        %dma_start3A_96 = tpu.memref_slice %arg3[%add3A_78, %dma_start3A_95] : memref<6250x512xi32, #tpu.memory_space<hbm>> -> memref<1x512xi32, #tpu.memory_space<hbm>>
        %dma_start3A_97 = arith.constant 0 : i32
        %dma_start3A_98 = arith.constant 0 : i32
        %dma_start3A_99 = tpu.memref_slice %arg8[%dma_start3A_97, %dma_start3A_98] : memref<8x512xi32, #tpu.memory_space<vmem>> -> memref<1x512xi32, #tpu.memory_space<vmem>>
        %dma_start3A_100 = arith.constant 0 : i32
        %dma_start3A_101 = tpu.memref_slice %arg3[%add3A_78, %dma_start3A_100] : memref<6250x512xi32, #tpu.memory_space<hbm>> -> memref<1x512xi32, #tpu.memory_space<hbm>>
        tpu.enqueue_dma source(%dma_start3A_101 : memref<1x512xi32, #tpu.memory_space<hbm>>) target(%dma_start3A_99 : memref<1x512xi32, #tpu.memory_space<vmem>>) target_semaphore(%run_scoped3A_91 : memref<!tpu.dma_semaphore, #tpu.memory_space<semaphore_mem>>)
        %dma_wait3A_102 = arith.constant 0 : i32
        %dma_wait3A_103 = arith.constant 0 : i32
        %dma_wait3A_104 = tpu.memref_slice %arg8[%dma_wait3A_102, %dma_wait3A_103] : memref<8x512xi32, #tpu.memory_space<vmem>> -> memref<1x512xi32, #tpu.memory_space<vmem>>
        %dma_wait3A_105 = arith.constant 0 : i32
        %dma_wait3A_106 = tpu.memref_slice %arg3[%add3A_78, %dma_wait3A_105] : memref<6250x512xi32, #tpu.memory_space<hbm>> -> memref<1x512xi32, #tpu.memory_space<hbm>>
        %dma_wait3A_107 = arith.constant 0 : i32
        %dma_wait3A_108 = arith.constant 0 : i32
        %dma_wait3A_109 = tpu.memref_slice %arg8[%dma_wait3A_107, %dma_wait3A_108] : memref<8x512xi32, #tpu.memory_space<vmem>> -> memref<1x512xi32, #tpu.memory_space<vmem>>
        %dma_wait3A_110 = arith.constant 0 : i32
        %dma_wait3A_111 = tpu.memref_slice %arg3[%add3A_78, %dma_wait3A_110] : memref<6250x512xi32, #tpu.memory_space<hbm>> -> memref<1x512xi32, #tpu.memory_space<hbm>>
        tpu.wait_dma2 semaphore(%run_scoped3A_91 : memref<!tpu.dma_semaphore, #tpu.memory_space<semaphore_mem>>) src(%dma_wait3A_111 : memref<1x512xi32, #tpu.memory_space<hbm>>) dst(%dma_wait3A_109 : memref<1x512xi32, #tpu.memory_space<vmem>>)
        tpu.yield
      }) : () -> ()
      %dma_start3A = arith.constant 0 : i32
      %dma_start3A_79 = arith.constant 0 : i32
      %dma_start3A_80 = tpu.memref_slice %arg7[%dma_start3A, %dma_start3A_79] : memref<8x512xi32, #tpu.memory_space<vmem>> -> memref<1x512xi32, #tpu.memory_space<vmem>>
      %dma_start3A_81 = tpu.memref_squeeze %dma_start3A_80 : memref<1x512xi32, #tpu.memory_space<vmem>> -> memref<512xi32, #tpu.memory_space<vmem>>
      %dma_start3A_82 = arith.constant 0 : i32
      %dma_start3A_83 = arith.constant 0 : i32
      %dma_start3A_84 = tpu.memref_slice %arg4[%dma_start3A_82, %dma_start3A_83] : memref<100352x16xf32, #tpu.memory_space<hbm>> -> memref<100352x16xf32, #tpu.memory_space<hbm>>
      tpu.enqueue_indirect_dma source(%dma_start3A_84 : memref<100352x16xf32, #tpu.memory_space<hbm>>) target(%arg9 : memref<512x16xf32, #tpu.memory_space<vmem>>) offsets(%dma_start3A_81 : memref<512xi32, #tpu.memory_space<vmem>>) semaphore(%arg10 : memref<!tpu.dma_semaphore, #tpu.memory_space<semaphore_mem>>)
      %dma_wait3A = arith.constant 0 : i32
      %dma_wait3A_85 = arith.constant 0 : i32
      %dma_wait3A_86 = tpu.memref_slice %arg7[%dma_wait3A, %dma_wait3A_85] : memref<8x512xi32, #tpu.memory_space<vmem>> -> memref<1x512xi32, #tpu.memory_space<vmem>>
      %dma_wait3A_87 = tpu.memref_squeeze %dma_wait3A_86 : memref<1x512xi32, #tpu.memory_space<vmem>> -> memref<512xi32, #tpu.memory_space<vmem>>
      %dma_wait3A_88 = arith.constant 0 : i32
      %dma_wait3A_89 = arith.constant 0 : i32
      %dma_wait3A_90 = tpu.memref_slice %arg4[%dma_wait3A_88, %dma_wait3A_89] : memref<100352x16xf32, #tpu.memory_space<hbm>> -> memref<100352x16xf32, #tpu.memory_space<hbm>>
      tpu.wait_indirect_dma semaphore(%arg10 : memref<!tpu.dma_semaphore, #tpu.memory_space<semaphore_mem>>) src(%dma_wait3A_90 : memref<100352x16xf32, #tpu.memory_space<hbm>>) dst(%arg9 : memref<512x16xf32, #tpu.memory_space<vmem>>)
      %run_scoped3A = arith.constant 0 : i32
      "tpu.region"() ({
        %run_scoped3A_91 = tpu.sem_alloc : memref<!tpu.dma_semaphore, #tpu.memory_space<semaphore_mem>>
        %dma_start3A_92 = arith.constant 0 : i32
        %dma_start3A_93 = tpu.memref_slice %arg8[%run_scoped3A, %dma_start3A_92] : memref<8x512xi32, #tpu.memory_space<vmem>> -> memref<1x512xi32, #tpu.memory_space<vmem>>
        %dma_start3A_94 = tpu.memref_squeeze %dma_start3A_93 : memref<1x512xi32, #tpu.memory_space<vmem>> -> memref<512xi32, #tpu.memory_space<vmem>>
        %dma_start3A_95 = arith.constant 0 : i32
        %dma_start3A_96 = arith.constant 0 : i32
        %dma_start3A_97 = tpu.memref_slice %arg13[%dma_start3A_95, %dma_start3A_96] : memref<100352x16xf32, #tpu.memory_space<vmem_shared>> -> memref<100352x16xf32, #tpu.memory_space<vmem_shared>>
        tpu.enqueue_indirect_dma source(%arg9 : memref<512x16xf32, #tpu.memory_space<vmem>>) target(%dma_start3A_97 : memref<100352x16xf32, #tpu.memory_space<vmem_shared>>) offsets(%dma_start3A_94 : memref<512xi32, #tpu.memory_space<vmem>>) semaphore(%run_scoped3A_91 : memref<!tpu.dma_semaphore, #tpu.memory_space<semaphore_mem>>) {add = true}
        %dma_wait3A_98 = arith.constant 0 : i32
        %dma_wait3A_99 = tpu.memref_slice %arg8[%run_scoped3A, %dma_wait3A_98] : memref<8x512xi32, #tpu.memory_space<vmem>> -> memref<1x512xi32, #tpu.memory_space<vmem>>
        %dma_wait3A_100 = tpu.memref_squeeze %dma_wait3A_99 : memref<1x512xi32, #tpu.memory_space<vmem>> -> memref<512xi32, #tpu.memory_space<vmem>>
        %dma_wait3A_101 = arith.constant 0 : i32
        %dma_wait3A_102 = arith.constant 0 : i32
        %dma_wait3A_103 = tpu.memref_slice %arg13[%dma_wait3A_101, %dma_wait3A_102] : memref<100352x16xf32, #tpu.memory_space<vmem_shared>> -> memref<100352x16xf32, #tpu.memory_space<vmem_shared>>
        tpu.wait_indirect_dma semaphore(%run_scoped3A_91 : memref<!tpu.dma_semaphore, #tpu.memory_space<semaphore_mem>>) src(%arg9 : memref<512x16xf32, #tpu.memory_space<vmem>>) dst(%dma_wait3A_103 : memref<100352x16xf32, #tpu.memory_space<vmem_shared>>)
        tpu.yield
      }) : () -> ()
    }
    %while3A_66 = arith.constant 1 : i32
    scf.for %while3A_72 = %while3A_64 to %while3A_60 step %while3A_66  : i32 {
      %mul3A_73 = arith.muli %while3A_72, %while3A_56 : i32
      %add3A_74 = arith.addi %while3A_57, %mul3A_73 : i32
      %mul3A_75 = arith.constant 8 : i32
      %mul3A_76 = arith.muli %select_n3A_26, %mul3A_75 : i32
      %add3A_77 = arith.addi %mul3A_8, %mul3A_76 : i32
      %add3A_78 = arith.addi %add3A_77, %add3A_74 : i32
      "tpu.region"() ({
        %run_scoped3A_91 = tpu.sem_alloc : memref<!tpu.dma_semaphore, #tpu.memory_space<semaphore_mem>>
        %dma_start3A_92 = arith.constant 0 : i32
        %dma_start3A_93 = arith.constant 0 : i32
        %dma_start3A_94 = tpu.memref_slice %arg7[%dma_start3A_92, %dma_start3A_93] : memref<8x512xi32, #tpu.memory_space<vmem>> -> memref<1x512xi32, #tpu.memory_space<vmem>>
        %dma_start3A_95 = arith.constant 0 : i32
        %dma_start3A_96 = tpu.memref_slice %arg2[%add3A_78, %dma_start3A_95] : memref<6250x512xi32, #tpu.memory_space<hbm>> -> memref<1x512xi32, #tpu.memory_space<hbm>>
        %dma_start3A_97 = arith.constant 0 : i32
        %dma_start3A_98 = arith.constant 0 : i32
        %dma_start3A_99 = tpu.memref_slice %arg7[%dma_start3A_97, %dma_start3A_98] : memref<8x512xi32, #tpu.memory_space<vmem>> -> memref<1x512xi32, #tpu.memory_space<vmem>>
        %dma_start3A_100 = arith.constant 0 : i32
        %dma_start3A_101 = tpu.memref_slice %arg2[%add3A_78, %dma_start3A_100] : memref<6250x512xi32, #tpu.memory_space<hbm>> -> memref<1x512xi32, #tpu.memory_space<hbm>>
        tpu.enqueue_dma source(%dma_start3A_101 : memref<1x512xi32, #tpu.memory_space<hbm>>) target(%dma_start3A_99 : memref<1x512xi32, #tpu.memory_space<vmem>>) target_semaphore(%run_scoped3A_91 : memref<!tpu.dma_semaphore, #tpu.memory_space<semaphore_mem>>)
        %dma_wait3A_102 = arith.constant 0 : i32
        %dma_wait3A_103 = arith.constant 0 : i32
        %dma_wait3A_104 = tpu.memref_slice %arg7[%dma_wait3A_102, %dma_wait3A_103] : memref<8x512xi32, #tpu.memory_space<vmem>> -> memref<1x512xi32, #tpu.memory_space<vmem>>
        %dma_wait3A_105 = arith.constant 0 : i32
        %dma_wait3A_106 = tpu.memref_slice %arg2[%add3A_78, %dma_wait3A_105] : memref<6250x512xi32, #tpu.memory_space<hbm>> -> memref<1x512xi32, #tpu.memory_space<hbm>>
        %dma_wait3A_107 = arith.constant 0 : i32
        %dma_wait3A_108 = arith.constant 0 : i32
        %dma_wait3A_109 = tpu.memref_slice %arg7[%dma_wait3A_107, %dma_wait3A_108] : memref<8x512xi32, #tpu.memory_space<vmem>> -> memref<1x512xi32, #tpu.memory_space<vmem>>
        %dma_wait3A_110 = arith.constant 0 : i32
        %dma_wait3A_111 = tpu.memref_slice %arg2[%add3A_78, %dma_wait3A_110] : memref<6250x512xi32, #tpu.memory_space<hbm>> -> memref<1x512xi32, #tpu.memory_space<hbm>>
        tpu.wait_dma2 semaphore(%run_scoped3A_91 : memref<!tpu.dma_semaphore, #tpu.memory_space<semaphore_mem>>) src(%dma_wait3A_111 : memref<1x512xi32, #tpu.memory_space<hbm>>) dst(%dma_wait3A_109 : memref<1x512xi32, #tpu.memory_space<vmem>>)
        tpu.yield
      }) : () -> ()
      "tpu.region"() ({
        %run_scoped3A_91 = tpu.sem_alloc : memref<!tpu.dma_semaphore, #tpu.memory_space<semaphore_mem>>
        %dma_start3A_92 = arith.constant 0 : i32
        %dma_start3A_93 = arith.constant 0 : i32
        %dma_start3A_94 = tpu.memref_slice %arg8[%dma_start3A_92, %dma_start3A_93] : memref<8x512xi32, #tpu.memory_space<vmem>> -> memref<1x512xi32, #tpu.memory_space<vmem>>
        %dma_start3A_95 = arith.constant 0 : i32
        %dma_start3A_96 = tpu.memref_slice %arg3[%add3A_78, %dma_start3A_95] : memref<6250x512xi32, #tpu.memory_space<hbm>> -> memref<1x512xi32, #tpu.memory_space<hbm>>
        %dma_start3A_97 = arith.constant 0 : i32
        %dma_start3A_98 = arith.constant 0 : i32
        %dma_start3A_99 = tpu.memref_slice %arg8[%dma_start3A_97, %dma_start3A_98] : memref<8x512xi32, #tpu.memory_space<vmem>> -> memref<1x512xi32, #tpu.memory_space<vmem>>
        %dma_start3A_100 = arith.constant 0 : i32
        %dma_start3A_101 = tpu.memref_slice %arg3[%add3A_78, %dma_start3A_100] : memref<6250x512xi32, #tpu.memory_space<hbm>> -> memref<1x512xi32, #tpu.memory_space<hbm>>
        tpu.enqueue_dma source(%dma_start3A_101 : memref<1x512xi32, #tpu.memory_space<hbm>>) target(%dma_start3A_99 : memref<1x512xi32, #tpu.memory_space<vmem>>) target_semaphore(%run_scoped3A_91 : memref<!tpu.dma_semaphore, #tpu.memory_space<semaphore_mem>>)
        %dma_wait3A_102 = arith.constant 0 : i32
        %dma_wait3A_103 = arith.constant 0 : i32
        %dma_wait3A_104 = tpu.memref_slice %arg8[%dma_wait3A_102, %dma_wait3A_103] : memref<8x512xi32, #tpu.memory_space<vmem>> -> memref<1x512xi32, #tpu.memory_space<vmem>>
        %dma_wait3A_105 = arith.constant 0 : i32
        %dma_wait3A_106 = tpu.memref_slice %arg3[%add3A_78, %dma_wait3A_105] : memref<6250x512xi32, #tpu.memory_space<hbm>> -> memref<1x512xi32, #tpu.memory_space<hbm>>
        %dma_wait3A_107 = arith.constant 0 : i32
        %dma_wait3A_108 = arith.constant 0 : i32
        %dma_wait3A_109 = tpu.memref_slice %arg8[%dma_wait3A_107, %dma_wait3A_108] : memref<8x512xi32, #tpu.memory_space<vmem>> -> memref<1x512xi32, #tpu.memory_space<vmem>>
        %dma_wait3A_110 = arith.constant 0 : i32
        %dma_wait3A_111 = tpu.memref_slice %arg3[%add3A_78, %dma_wait3A_110] : memref<6250x512xi32, #tpu.memory_space<hbm>> -> memref<1x512xi32, #tpu.memory_space<hbm>>
        tpu.wait_dma2 semaphore(%run_scoped3A_91 : memref<!tpu.dma_semaphore, #tpu.memory_space<semaphore_mem>>) src(%dma_wait3A_111 : memref<1x512xi32, #tpu.memory_space<hbm>>) dst(%dma_wait3A_109 : memref<1x512xi32, #tpu.memory_space<vmem>>)
        tpu.yield
      }) : () -> ()
      %dma_start3A = arith.constant 0 : i32
      %dma_start3A_79 = arith.constant 0 : i32
      %dma_start3A_80 = tpu.memref_slice %arg7[%dma_start3A, %dma_start3A_79] : memref<8x512xi32, #tpu.memory_space<vmem>> -> memref<1x512xi32, #tpu.memory_space<vmem>>
      %dma_start3A_81 = tpu.memref_squeeze %dma_start3A_80 : memref<1x512xi32, #tpu.memory_space<vmem>> -> memref<512xi32, #tpu.memory_space<vmem>>
      %dma_start3A_82 = arith.constant 0 : i32
      %dma_start3A_83 = arith.constant 0 : i32
      %dma_start3A_84 = tpu.memref_slice %arg4[%dma_start3A_82, %dma_start3A_83] : memref<100352x16xf32, #tpu.memory_space<hbm>> -> memref<100352x16xf32, #tpu.memory_space<hbm>>
      tpu.enqueue_indirect_dma source(%dma_start3A_84 : memref<100352x16xf32, #tpu.memory_space<hbm>>) target(%arg9 : memref<512x16xf32, #tpu.memory_space<vmem>>) offsets(%dma_start3A_81 : memref<512xi32, #tpu.memory_space<vmem>>) semaphore(%arg10 : memref<!tpu.dma_semaphore, #tpu.memory_space<semaphore_mem>>)
      %dma_wait3A = arith.constant 0 : i32
      %dma_wait3A_85 = arith.constant 0 : i32
      %dma_wait3A_86 = tpu.memref_slice %arg7[%dma_wait3A, %dma_wait3A_85] : memref<8x512xi32, #tpu.memory_space<vmem>> -> memref<1x512xi32, #tpu.memory_space<vmem>>
      %dma_wait3A_87 = tpu.memref_squeeze %dma_wait3A_86 : memref<1x512xi32, #tpu.memory_space<vmem>> -> memref<512xi32, #tpu.memory_space<vmem>>
      %dma_wait3A_88 = arith.constant 0 : i32
      %dma_wait3A_89 = arith.constant 0 : i32
      %dma_wait3A_90 = tpu.memref_slice %arg4[%dma_wait3A_88, %dma_wait3A_89] : memref<100352x16xf32, #tpu.memory_space<hbm>> -> memref<100352x16xf32, #tpu.memory_space<hbm>>
      tpu.wait_indirect_dma semaphore(%arg10 : memref<!tpu.dma_semaphore, #tpu.memory_space<semaphore_mem>>) src(%dma_wait3A_90 : memref<100352x16xf32, #tpu.memory_space<hbm>>) dst(%arg9 : memref<512x16xf32, #tpu.memory_space<vmem>>)
      %run_scoped3A = arith.constant 0 : i32
      "tpu.region"() ({
        %run_scoped3A_91 = tpu.sem_alloc : memref<!tpu.dma_semaphore, #tpu.memory_space<semaphore_mem>>
        %dma_start3A_92 = arith.constant 0 : i32
        %dma_start3A_93 = tpu.memref_slice %arg8[%run_scoped3A, %dma_start3A_92] : memref<8x512xi32, #tpu.memory_space<vmem>> -> memref<1x512xi32, #tpu.memory_space<vmem>>
        %dma_start3A_94 = tpu.memref_squeeze %dma_start3A_93 : memref<1x512xi32, #tpu.memory_space<vmem>> -> memref<512xi32, #tpu.memory_space<vmem>>
        %dma_start3A_95 = arith.constant 0 : i32
        %dma_start3A_96 = arith.constant 0 : i32
        %dma_start3A_97 = tpu.memref_slice %arg13[%dma_start3A_95, %dma_start3A_96] : memref<100352x16xf32, #tpu.memory_space<vmem_shared>> -> memref<100352x16xf32, #tpu.memory_space<vmem_shared>>
        tpu.enqueue_indirect_dma source(%arg9 : memref<512x16xf32, #tpu.memory_space<vmem>>) target(%dma_start3A_97 : memref<100352x16xf32, #tpu.memory_space<vmem_shared>>) offsets(%dma_start3A_94 : memref<512xi32, #tpu.memory_space<vmem>>) semaphore(%run_scoped3A_91 : memref<!tpu.dma_semaphore, #tpu.memory_space<semaphore_mem>>) {add = true}
        %dma_wait3A_98 = arith.constant 0 : i32
        %dma_wait3A_99 = tpu.memref_slice %arg8[%run_scoped3A, %dma_wait3A_98] : memref<8x512xi32, #tpu.memory_space<vmem>> -> memref<1x512xi32, #tpu.memory_space<vmem>>
        %dma_wait3A_100 = tpu.memref_squeeze %dma_wait3A_99 : memref<1x512xi32, #tpu.memory_space<vmem>> -> memref<512xi32, #tpu.memory_space<vmem>>
        %dma_wait3A_101 = arith.constant 0 : i32
        %dma_wait3A_102 = arith.constant 0 : i32
        %dma_wait3A_103 = tpu.memref_slice %arg13[%dma_wait3A_101, %dma_wait3A_102] : memref<100352x16xf32, #tpu.memory_space<vmem_shared>> -> memref<100352x16xf32, #tpu.memory_space<vmem_shared>>
        tpu.wait_indirect_dma semaphore(%run_scoped3A_91 : memref<!tpu.dma_semaphore, #tpu.memory_space<semaphore_mem>>) src(%arg9 : memref<512x16xf32, #tpu.memory_space<vmem>>) dst(%dma_wait3A_103 : memref<100352x16xf32, #tpu.memory_space<vmem_shared>>)
        tpu.yield
      }) : () -> ()
    }
    %barrier3A_67 = arith.constant 0 : index
    tpu.barrier barrier_id(%barrier3A_67)
    %mul3A_68 = arith.constant 6272 : i32
    %mul3A_69 = arith.muli %arg1, %mul3A_68 : i32
    %mul3A_70 = arith.constant 6272 : i32
    %mul3A_71 = arith.muli %arg1, %mul3A_70 : i32
    "tpu.region"() ({
      %run_scoped3A = tpu.sem_alloc : memref<!tpu.dma_semaphore, #tpu.memory_space<semaphore_mem>>
      %dma_start3A = arith.constant 0 : i32
      %dma_start3A_72 = arith.constant 0 : i32
      %dma_start3A_73 = tpu.memref_slice %arg6[%arg0, %dma_start3A, %dma_start3A_72] : memref<2x100352x16xf32, #tpu.memory_space<hbm>> -> memref<1x100352x16xf32, #tpu.memory_space<hbm>>
      %dma_start3A_74 = tpu.memref_squeeze %dma_start3A_73 : memref<1x100352x16xf32, #tpu.memory_space<hbm>> -> memref<100352x16xf32, #tpu.memory_space<hbm>>
      %dma_start3A_75 = arith.constant 0 : i32
      %dma_start3A_76 = tpu.memref_slice %dma_start3A_74[%mul3A_71, %dma_start3A_75] : memref<100352x16xf32, #tpu.memory_space<hbm>> -> memref<6272x16xf32, #tpu.memory_space<hbm>>
      %dma_start3A_77 = arith.constant 0 : i32
      %dma_start3A_78 = tpu.memref_slice %arg13[%mul3A_69, %dma_start3A_77] : memref<100352x16xf32, #tpu.memory_space<vmem_shared>> -> memref<6272x16xf32, #tpu.memory_space<vmem_shared>>
      tpu.enqueue_dma source(%dma_start3A_78 : memref<6272x16xf32, #tpu.memory_space<vmem_shared>>) target(%dma_start3A_76 : memref<6272x16xf32, #tpu.memory_space<hbm>>) target_semaphore(%run_scoped3A : memref<!tpu.dma_semaphore, #tpu.memory_space<semaphore_mem>>)
      %dma_wait3A = arith.constant 0 : i32
      %dma_wait3A_79 = arith.constant 0 : i32
      %dma_wait3A_80 = tpu.memref_slice %arg6[%arg0, %dma_wait3A, %dma_wait3A_79] : memref<2x100352x16xf32, #tpu.memory_space<hbm>> -> memref<1x100352x16xf32, #tpu.memory_space<hbm>>
      %dma_wait3A_81 = tpu.memref_squeeze %dma_wait3A_80 : memref<1x100352x16xf32, #tpu.memory_space<hbm>> -> memref<100352x16xf32, #tpu.memory_space<hbm>>
      %dma_wait3A_82 = arith.constant 0 : i32
      %dma_wait3A_83 = tpu.memref_slice %dma_wait3A_81[%mul3A_71, %dma_wait3A_82] : memref<100352x16xf32, #tpu.memory_space<hbm>> -> memref<6272x16xf32, #tpu.memory_space<hbm>>
      %dma_wait3A_84 = arith.constant 0 : i32
      %dma_wait3A_85 = tpu.memref_slice %arg13[%mul3A_69, %dma_wait3A_84] : memref<100352x16xf32, #tpu.memory_space<vmem_shared>> -> memref<6272x16xf32, #tpu.memory_space<vmem_shared>>
      tpu.wait_dma2 semaphore(%run_scoped3A : memref<!tpu.dma_semaphore, #tpu.memory_space<semaphore_mem>>) src(%dma_wait3A_85 : memref<6272x16xf32, #tpu.memory_space<vmem_shared>>) dst(%dma_wait3A_83 : memref<6272x16xf32, #tpu.memory_space<hbm>>)
      tpu.yield
    }) : () -> ()
    return
  }
}

#map = affine_map<(d0, d1) -> (0, 0)>
#map1 = affine_map<(d0, d1) -> (0, 0, 0)>
module attributes {stable_mosaic.version = 14 : i64} {
  func.func @_sc_agg_l1(%arg0: i32, %arg1: i32, %arg2: memref<6250x512xi32, #tpu.memory_space<hbm>>, %arg3: memref<6250x512xi32, #tpu.memory_space<hbm>>, %arg4: memref<100352x16xf32, #tpu.memory_space<hbm>>, %arg5: memref<100352x16xf32, #tpu.memory_space<hbm>>, %arg6: memref<100352x16xf32, #tpu.memory_space<hbm>>, %arg7: memref<2x100352x16xf32, #tpu.memory_space<hbm>>, %arg8: memref<8x512xi32, #tpu.memory_space<vmem>>, %arg9: memref<8x512xi32, #tpu.memory_space<vmem>>, %arg10: memref<512x16xf32, #tpu.memory_space<vmem>>, %arg11: memref<!tpu.dma_semaphore, #tpu.memory_space<semaphore_mem>>, %arg12: memref<512x16xf32, #tpu.memory_space<vmem>>, %arg13: memref<!tpu.dma_semaphore, #tpu.memory_space<semaphore_mem>>, %arg14: memref<100352x16xf32, #tpu.memory_space<vmem_shared>>) attributes {dimension_semantics = [#tpu.dimension_semantics<core_parallel>, #tpu.dimension_semantics<subcore_parallel>], iteration_bounds = array<i64: 2, 16>, scalar_prefetch = 0 : i64, scratch_operands = 7 : i64, tpu.core_type = #tpu.core_type<sc_vector_subcore>, window_params = [{transform_indices = #map}, {transform_indices = #map}, {transform_indices = #map}, {transform_indices = #map}, {transform_indices = #map}, {transform_indices = #map1}]} {
    %mul3A = arith.constant 6272 : i32
    %mul3A_0 = arith.muli %arg1, %mul3A : i32
    %mul3A_1 = arith.constant 6272 : i32
    %mul3A_2 = arith.muli %arg1, %mul3A_1 : i32
    "tpu.region"() ({
      %run_scoped3A = tpu.sem_alloc : memref<!tpu.dma_semaphore, #tpu.memory_space<semaphore_mem>>
      %dma_start3A = arith.constant 0 : i32
      %dma_start3A_18 = tpu.memref_slice %arg14[%mul3A_2, %dma_start3A] : memref<100352x16xf32, #tpu.memory_space<vmem_shared>> -> memref<6272x16xf32, #tpu.memory_space<vmem_shared>>
      %dma_start3A_19 = arith.constant 0 : i32
      %dma_start3A_20 = tpu.memref_slice %arg6[%mul3A_0, %dma_start3A_19] : memref<100352x16xf32, #tpu.memory_space<hbm>> -> memref<6272x16xf32, #tpu.memory_space<hbm>>
      tpu.enqueue_dma source(%dma_start3A_20 : memref<6272x16xf32, #tpu.memory_space<hbm>>) target(%dma_start3A_18 : memref<6272x16xf32, #tpu.memory_space<vmem_shared>>) target_semaphore(%run_scoped3A : memref<!tpu.dma_semaphore, #tpu.memory_space<semaphore_mem>>)
      %dma_wait3A = arith.constant 0 : i32
      %dma_wait3A_21 = tpu.memref_slice %arg14[%mul3A_2, %dma_wait3A] : memref<100352x16xf32, #tpu.memory_space<vmem_shared>> -> memref<6272x16xf32, #tpu.memory_space<vmem_shared>>
      %dma_wait3A_22 = arith.constant 0 : i32
      %dma_wait3A_23 = tpu.memref_slice %arg6[%mul3A_0, %dma_wait3A_22] : memref<100352x16xf32, #tpu.memory_space<hbm>> -> memref<6272x16xf32, #tpu.memory_space<hbm>>
      tpu.wait_dma2 semaphore(%run_scoped3A : memref<!tpu.dma_semaphore, #tpu.memory_space<semaphore_mem>>) src(%dma_wait3A_23 : memref<6272x16xf32, #tpu.memory_space<hbm>>) dst(%dma_wait3A_21 : memref<6272x16xf32, #tpu.memory_space<vmem_shared>>)
      tpu.yield
    }) : () -> ()
    %barrier3A = arith.constant 0 : index
    tpu.barrier barrier_id(%barrier3A)
    %eq3A = arith.constant 15 : i32
    %eq3A_3 = arith.cmpi eq, %arg1, %eq3A : i32
    %jit3A = arith.constant 370 : i32
    %jit3A_4 = arith.constant 392 : i32
    %select_n3A = arith.select %eq3A_3, %jit3A, %jit3A_4 : i32
    %eq3A_5 = arith.constant 0 : i32
    %eq3A_6 = arith.cmpi eq, %arg0, %eq3A_5 : i32
    %convert_element_type3A = arith.extui %eq3A_6 : i1 to i32
    %cond3A = arith.constant 0 : i32
    %cond3A_7 = arith.cmpi ne, %convert_element_type3A, %cond3A : i32
    scf.if %cond3A_7 {
      %mul3A_18 = arith.constant 392 : i32
      %mul3A_19 = arith.muli %arg1, %mul3A_18 : i32
      %jit3A_20 = arith.constant 8 : i32
      %div3A = arith.divsi %select_n3A, %jit3A_20 : i32
      %sign3A = arith.constant 0 : i32
      %sign3A_21 = arith.cmpi sgt, %select_n3A, %sign3A : i32
      %sign3A_22 = arith.extui %sign3A_21 : i1 to i32
      %sign3A_23 = arith.constant 0 : i32
      %sign3A_24 = arith.cmpi slt, %select_n3A, %sign3A_23 : i32
      %sign3A_25 = arith.extui %sign3A_24 : i1 to i32
      %sign3A_26 = arith.subi %sign3A_22, %sign3A_25 : i32
      %sign3A_27 = arith.constant 0 : i32
      %sign3A_28 = arith.cmpi sgt, %jit3A_20, %sign3A_27 : i32
      %sign3A_29 = arith.extui %sign3A_28 : i1 to i32
      %sign3A_30 = arith.constant 0 : i32
      %sign3A_31 = arith.cmpi slt, %jit3A_20, %sign3A_30 : i32
      %sign3A_32 = arith.extui %sign3A_31 : i1 to i32
      %sign3A_33 = arith.subi %sign3A_29, %sign3A_32 : i32
      %ne3A = arith.cmpi ne, %sign3A_26, %sign3A_33 : i32
      %rem3A = arith.remsi %select_n3A, %jit3A_20 : i32
      %ne3A_34 = arith.constant 0 : i32
      %ne3A_35 = arith.cmpi ne, %rem3A, %ne3A_34 : i32
      %and3A = arith.andi %ne3A, %ne3A_35 : i1
      %sub3A = arith.constant 1 : i32
      %sub3A_36 = arith.subi %div3A, %sub3A : i32
      %select_n3A_37 = arith.select %and3A, %sub3A_36, %div3A : i32
      %mul3A_38 = arith.constant 8 : i32
      %mul3A_39 = arith.muli %select_n3A_37, %mul3A_38 : i32
      %sub3A_40 = arith.subi %select_n3A, %mul3A_39 : i32
      %sub3A_41 = arith.constant 0 : i32
      %sub3A_42 = arith.subi %select_n3A_37, %sub3A_41 : i32
      %sub3A_43 = arith.constant 1 : i32
      %sub3A_44 = arith.constant 1 : i32
      %sub3A_45 = arith.subi %sub3A_43, %sub3A_44 : i32
      %add3A = arith.addi %sub3A_42, %sub3A_45 : i32
      %div3A_46 = arith.constant 1 : i32
      %div3A_47 = arith.divsi %add3A, %div3A_46 : i32
      %while3A = arith.constant 1 : i32
      %while3A_48 = arith.constant 0 : i32
      %while3A_49 = arith.constant 0 : i32
      %while3A_50 = arith.subi %div3A_47, %while3A_49 : i32
      %while3A_51 = arith.addi %while3A_49, %while3A_50 : i32
      %while3A_52 = arith.constant 1 : i32
      %while3A_53 = arith.divsi %while3A_50, %while3A_52 : i32
      %while3A_54 = arith.muli %while3A_53, %while3A_52 : i32
      %while3A_55 = arith.addi %while3A_49, %while3A_54 : i32
      %while3A_56 = arith.constant 1 : i32
      scf.for %while3A_77 = %while3A_49 to %while3A_55 step %while3A_56  : i32 {
        %mul3A_78 = arith.muli %while3A_77, %while3A : i32
        %add3A_79 = arith.addi %while3A_48, %mul3A_78 : i32
        %mul3A_80 = arith.constant 8 : i32
        %mul3A_81 = arith.muli %add3A_79, %mul3A_80 : i32
        %add3A_82 = arith.addi %mul3A_19, %mul3A_81 : i32
        "tpu.region"() ({
          %run_scoped3A = tpu.sem_alloc : memref<!tpu.dma_semaphore, #tpu.memory_space<semaphore_mem>>
          %dma_start3A_93 = arith.constant 0 : i32
          %dma_start3A_94 = tpu.memref_slice %arg2[%add3A_82, %dma_start3A_93] : memref<6250x512xi32, #tpu.memory_space<hbm>> -> memref<8x512xi32, #tpu.memory_space<hbm>>
          %dma_start3A_95 = arith.constant 0 : i32
          %dma_start3A_96 = tpu.memref_slice %arg2[%add3A_82, %dma_start3A_95] : memref<6250x512xi32, #tpu.memory_space<hbm>> -> memref<8x512xi32, #tpu.memory_space<hbm>>
          tpu.enqueue_dma source(%dma_start3A_96 : memref<8x512xi32, #tpu.memory_space<hbm>>) target(%arg8 : memref<8x512xi32, #tpu.memory_space<vmem>>) target_semaphore(%run_scoped3A : memref<!tpu.dma_semaphore, #tpu.memory_space<semaphore_mem>>)
          %dma_wait3A = arith.constant 0 : i32
          %dma_wait3A_97 = tpu.memref_slice %arg2[%add3A_82, %dma_wait3A] : memref<6250x512xi32, #tpu.memory_space<hbm>> -> memref<8x512xi32, #tpu.memory_space<hbm>>
          %dma_wait3A_98 = arith.constant 0 : i32
          %dma_wait3A_99 = tpu.memref_slice %arg2[%add3A_82, %dma_wait3A_98] : memref<6250x512xi32, #tpu.memory_space<hbm>> -> memref<8x512xi32, #tpu.memory_space<hbm>>
          tpu.wait_dma2 semaphore(%run_scoped3A : memref<!tpu.dma_semaphore, #tpu.memory_space<semaphore_mem>>) src(%dma_wait3A_99 : memref<8x512xi32, #tpu.memory_space<hbm>>) dst(%arg8 : memref<8x512xi32, #tpu.memory_space<vmem>>)
          tpu.yield
        }) : () -> ()
        "tpu.region"() ({
          %run_scoped3A = tpu.sem_alloc : memref<!tpu.dma_semaphore, #tpu.memory_space<semaphore_mem>>
          %dma_start3A_93 = arith.constant 0 : i32
          %dma_start3A_94 = tpu.memref_slice %arg3[%add3A_82, %dma_start3A_93] : memref<6250x512xi32, #tpu.memory_space<hbm>> -> memref<8x512xi32, #tpu.memory_space<hbm>>
          %dma_start3A_95 = arith.constant 0 : i32
          %dma_start3A_96 = tpu.memref_slice %arg3[%add3A_82, %dma_start3A_95] : memref<6250x512xi32, #tpu.memory_space<hbm>> -> memref<8x512xi32, #tpu.memory_space<hbm>>
          tpu.enqueue_dma source(%dma_start3A_96 : memref<8x512xi32, #tpu.memory_space<hbm>>) target(%arg9 : memref<8x512xi32, #tpu.memory_space<vmem>>) target_semaphore(%run_scoped3A : memref<!tpu.dma_semaphore, #tpu.memory_space<semaphore_mem>>)
          %dma_wait3A = arith.constant 0 : i32
          %dma_wait3A_97 = tpu.memref_slice %arg3[%add3A_82, %dma_wait3A] : memref<6250x512xi32, #tpu.memory_space<hbm>> -> memref<8x512xi32, #tpu.memory_space<hbm>>
          %dma_wait3A_98 = arith.constant 0 : i32
          %dma_wait3A_99 = tpu.memref_slice %arg3[%add3A_82, %dma_wait3A_98] : memref<6250x512xi32, #tpu.memory_space<hbm>> -> memref<8x512xi32, #tpu.memory_space<hbm>>
          tpu.wait_dma2 semaphore(%run_scoped3A : memref<!tpu.dma_semaphore, #tpu.memory_space<semaphore_mem>>) src(%dma_wait3A_99 : memref<8x512xi32, #tpu.memory_space<hbm>>) dst(%arg9 : memref<8x512xi32, #tpu.memory_space<vmem>>)
          tpu.yield
        }) : () -> ()
        %dma_start3A = arith.constant 0 : i32
        %dma_start3A_83 = arith.constant 0 : i32
        %dma_start3A_84 = tpu.memref_slice %arg8[%dma_start3A, %dma_start3A_83] : memref<8x512xi32, #tpu.memory_space<vmem>> -> memref<1x512xi32, #tpu.memory_space<vmem>>
        %dma_start3A_85 = tpu.memref_squeeze %dma_start3A_84 : memref<1x512xi32, #tpu.memory_space<vmem>> -> memref<512xi32, #tpu.memory_space<vmem>>
        %dma_start3A_86 = arith.constant 0 : i32
        %dma_start3A_87 = arith.constant 0 : i32
        %dma_start3A_88 = tpu.memref_slice %arg4[%dma_start3A_86, %dma_start3A_87] : memref<100352x16xf32, #tpu.memory_space<hbm>> -> memref<100352x16xf32, #tpu.memory_space<hbm>>
        tpu.enqueue_indirect_dma source(%dma_start3A_88 : memref<100352x16xf32, #tpu.memory_space<hbm>>) target(%arg10 : memref<512x16xf32, #tpu.memory_space<vmem>>) offsets(%dma_start3A_85 : memref<512xi32, #tpu.memory_space<vmem>>) semaphore(%arg11 : memref<!tpu.dma_semaphore, #tpu.memory_space<semaphore_mem>>)
        %scan3A = arith.constant 0 : i32
        %scan3A_89 = arith.constant 4 : i32
        %scan3A_90 = arith.addi %scan3A, %scan3A_89 : i32
        %scan3A_91 = arith.constant 1 : i32
        scf.for %scan3A_93 = %scan3A to %scan3A_90 step %scan3A_91  : i32 {
          %mul3A_94 = arith.constant 1 : i32
          %mul3A_95 = arith.muli %scan3A_93, %mul3A_94 : i32
          %add3A_96 = arith.constant 0 : i32
          %add3A_97 = arith.addi %add3A_96, %mul3A_95 : i32
          %mul3A_98 = arith.constant 2 : i32
          %mul3A_99 = arith.muli %mul3A_98, %add3A_97 : i32
          %add3A_100 = arith.constant 1 : i32
          %add3A_101 = arith.addi %mul3A_99, %add3A_100 : i32
          %dma_start3A_102 = arith.constant 0 : i32
          %dma_start3A_103 = tpu.memref_slice %arg8[%add3A_101, %dma_start3A_102] : memref<8x512xi32, #tpu.memory_space<vmem>> -> memref<1x512xi32, #tpu.memory_space<vmem>>
          %dma_start3A_104 = tpu.memref_squeeze %dma_start3A_103 : memref<1x512xi32, #tpu.memory_space<vmem>> -> memref<512xi32, #tpu.memory_space<vmem>>
          %dma_start3A_105 = arith.constant 0 : i32
          %dma_start3A_106 = arith.constant 0 : i32
          %dma_start3A_107 = tpu.memref_slice %arg4[%dma_start3A_105, %dma_start3A_106] : memref<100352x16xf32, #tpu.memory_space<hbm>> -> memref<100352x16xf32, #tpu.memory_space<hbm>>
          tpu.enqueue_indirect_dma source(%dma_start3A_107 : memref<100352x16xf32, #tpu.memory_space<hbm>>) target(%arg12 : memref<512x16xf32, #tpu.memory_space<vmem>>) offsets(%dma_start3A_104 : memref<512xi32, #tpu.memory_space<vmem>>) semaphore(%arg13 : memref<!tpu.dma_semaphore, #tpu.memory_space<semaphore_mem>>)
          %dma_wait3A = arith.constant 0 : i32
          %dma_wait3A_108 = tpu.memref_slice %arg8[%mul3A_99, %dma_wait3A] : memref<8x512xi32, #tpu.memory_space<vmem>> -> memref<1x512xi32, #tpu.memory_space<vmem>>
          %dma_wait3A_109 = tpu.memref_squeeze %dma_wait3A_108 : memref<1x512xi32, #tpu.memory_space<vmem>> -> memref<512xi32, #tpu.memory_space<vmem>>
          %dma_wait3A_110 = arith.constant 0 : i32
          %dma_wait3A_111 = arith.constant 0 : i32
          %dma_wait3A_112 = tpu.memref_slice %arg4[%dma_wait3A_110, %dma_wait3A_111] : memref<100352x16xf32, #tpu.memory_space<hbm>> -> memref<100352x16xf32, #tpu.memory_space<hbm>>
          tpu.wait_indirect_dma semaphore(%arg11 : memref<!tpu.dma_semaphore, #tpu.memory_space<semaphore_mem>>) src(%dma_wait3A_112 : memref<100352x16xf32, #tpu.memory_space<hbm>>) dst(%arg10 : memref<512x16xf32, #tpu.memory_space<vmem>>)
          "tpu.region"() ({
            %run_scoped3A = tpu.sem_alloc : memref<!tpu.dma_semaphore, #tpu.memory_space<semaphore_mem>>
            %dma_start3A_125 = arith.constant 0 : i32
            %dma_start3A_126 = tpu.memref_slice %arg9[%mul3A_99, %dma_start3A_125] : memref<8x512xi32, #tpu.memory_space<vmem>> -> memref<1x512xi32, #tpu.memory_space<vmem>>
            %dma_start3A_127 = tpu.memref_squeeze %dma_start3A_126 : memref<1x512xi32, #tpu.memory_space<vmem>> -> memref<512xi32, #tpu.memory_space<vmem>>
            %dma_start3A_128 = arith.constant 0 : i32
            %dma_start3A_129 = arith.constant 0 : i32
            %dma_start3A_130 = tpu.memref_slice %arg14[%dma_start3A_128, %dma_start3A_129] : memref<100352x16xf32, #tpu.memory_space<vmem_shared>> -> memref<100352x16xf32, #tpu.memory_space<vmem_shared>>
            tpu.enqueue_indirect_dma source(%arg10 : memref<512x16xf32, #tpu.memory_space<vmem>>) target(%dma_start3A_130 : memref<100352x16xf32, #tpu.memory_space<vmem_shared>>) offsets(%dma_start3A_127 : memref<512xi32, #tpu.memory_space<vmem>>) semaphore(%run_scoped3A : memref<!tpu.dma_semaphore, #tpu.memory_space<semaphore_mem>>) {add = true}
            %dma_wait3A_131 = arith.constant 0 : i32
            %dma_wait3A_132 = tpu.memref_slice %arg9[%mul3A_99, %dma_wait3A_131] : memref<8x512xi32, #tpu.memory_space<vmem>> -> memref<1x512xi32, #tpu.memory_space<vmem>>
            %dma_wait3A_133 = tpu.memref_squeeze %dma_wait3A_132 : memref<1x512xi32, #tpu.memory_space<vmem>> -> memref<512xi32, #tpu.memory_space<vmem>>
            %dma_wait3A_134 = arith.constant 0 : i32
            %dma_wait3A_135 = arith.constant 0 : i32
            %dma_wait3A_136 = tpu.memref_slice %arg14[%dma_wait3A_134, %dma_wait3A_135] : memref<100352x16xf32, #tpu.memory_space<vmem_shared>> -> memref<100352x16xf32, #tpu.memory_space<vmem_shared>>
            tpu.wait_indirect_dma semaphore(%run_scoped3A : memref<!tpu.dma_semaphore, #tpu.memory_space<semaphore_mem>>) src(%arg10 : memref<512x16xf32, #tpu.memory_space<vmem>>) dst(%dma_wait3A_136 : memref<100352x16xf32, #tpu.memory_space<vmem_shared>>)
            tpu.yield
          }) : () -> ()
          %add3A_113 = arith.constant 1 : i32
          %add3A_114 = arith.addi %add3A_101, %add3A_113 : i32
          %lt3A = arith.constant 8 : i32
          %lt3A_115 = arith.cmpi slt, %add3A_114, %lt3A : i32
          %convert_element_type3A_116 = arith.extui %lt3A_115 : i1 to i32
          %cond3A_117 = arith.constant 0 : i32
          %cond3A_118 = arith.cmpi ne, %convert_element_type3A_116, %cond3A_117 : i32
          scf.if %cond3A_118 {
            %add3A_125 = arith.constant 1 : i32
            %add3A_126 = arith.addi %add3A_101, %add3A_125 : i32
            %dma_start3A_127 = arith.constant 0 : i32
            %dma_start3A_128 = tpu.memref_slice %arg8[%add3A_126, %dma_start3A_127] : memref<8x512xi32, #tpu.memory_space<vmem>> -> memref<1x512xi32, #tpu.memory_space<vmem>>
            %dma_start3A_129 = tpu.memref_squeeze %dma_start3A_128 : memref<1x512xi32, #tpu.memory_space<vmem>> -> memref<512xi32, #tpu.memory_space<vmem>>
            %dma_start3A_130 = arith.constant 0 : i32
            %dma_start3A_131 = arith.constant 0 : i32
            %dma_start3A_132 = tpu.memref_slice %arg4[%dma_start3A_130, %dma_start3A_131] : memref<100352x16xf32, #tpu.memory_space<hbm>> -> memref<100352x16xf32, #tpu.memory_space<hbm>>
            tpu.enqueue_indirect_dma source(%dma_start3A_132 : memref<100352x16xf32, #tpu.memory_space<hbm>>) target(%arg10 : memref<512x16xf32, #tpu.memory_space<vmem>>) offsets(%dma_start3A_129 : memref<512xi32, #tpu.memory_space<vmem>>) semaphore(%arg11 : memref<!tpu.dma_semaphore, #tpu.memory_space<semaphore_mem>>)
          } else {
          }
          %dma_wait3A_119 = arith.constant 0 : i32
          %dma_wait3A_120 = tpu.memref_slice %arg8[%add3A_101, %dma_wait3A_119] : memref<8x512xi32, #tpu.memory_space<vmem>> -> memref<1x512xi32, #tpu.memory_space<vmem>>
          %dma_wait3A_121 = tpu.memref_squeeze %dma_wait3A_120 : memref<1x512xi32, #tpu.memory_space<vmem>> -> memref<512xi32, #tpu.memory_space<vmem>>
          %dma_wait3A_122 = arith.constant 0 : i32
          %dma_wait3A_123 = arith.constant 0 : i32
          %dma_wait3A_124 = tpu.memref_slice %arg4[%dma_wait3A_122, %dma_wait3A_123] : memref<100352x16xf32, #tpu.memory_space<hbm>> -> memref<100352x16xf32, #tpu.memory_space<hbm>>
          tpu.wait_indirect_dma semaphore(%arg13 : memref<!tpu.dma_semaphore, #tpu.memory_space<semaphore_mem>>) src(%dma_wait3A_124 : memref<100352x16xf32, #tpu.memory_space<hbm>>) dst(%arg12 : memref<512x16xf32, #tpu.memory_space<vmem>>)
          "tpu.region"() ({
            %run_scoped3A = tpu.sem_alloc : memref<!tpu.dma_semaphore, #tpu.memory_space<semaphore_mem>>
            %dma_start3A_125 = arith.constant 0 : i32
            %dma_start3A_126 = tpu.memref_slice %arg9[%add3A_101, %dma_start3A_125] : memref<8x512xi32, #tpu.memory_space<vmem>> -> memref<1x512xi32, #tpu.memory_space<vmem>>
            %dma_start3A_127 = tpu.memref_squeeze %dma_start3A_126 : memref<1x512xi32, #tpu.memory_space<vmem>> -> memref<512xi32, #tpu.memory_space<vmem>>
            %dma_start3A_128 = arith.constant 0 : i32
            %dma_start3A_129 = arith.constant 0 : i32
            %dma_start3A_130 = tpu.memref_slice %arg14[%dma_start3A_128, %dma_start3A_129] : memref<100352x16xf32, #tpu.memory_space<vmem_shared>> -> memref<100352x16xf32, #tpu.memory_space<vmem_shared>>
            tpu.enqueue_indirect_dma source(%arg12 : memref<512x16xf32, #tpu.memory_space<vmem>>) target(%dma_start3A_130 : memref<100352x16xf32, #tpu.memory_space<vmem_shared>>) offsets(%dma_start3A_127 : memref<512xi32, #tpu.memory_space<vmem>>) semaphore(%run_scoped3A : memref<!tpu.dma_semaphore, #tpu.memory_space<semaphore_mem>>) {add = true}
            %dma_wait3A_131 = arith.constant 0 : i32
            %dma_wait3A_132 = tpu.memref_slice %arg9[%add3A_101, %dma_wait3A_131] : memref<8x512xi32, #tpu.memory_space<vmem>> -> memref<1x512xi32, #tpu.memory_space<vmem>>
            %dma_wait3A_133 = tpu.memref_squeeze %dma_wait3A_132 : memref<1x512xi32, #tpu.memory_space<vmem>> -> memref<512xi32, #tpu.memory_space<vmem>>
            %dma_wait3A_134 = arith.constant 0 : i32
            %dma_wait3A_135 = arith.constant 0 : i32
            %dma_wait3A_136 = tpu.memref_slice %arg14[%dma_wait3A_134, %dma_wait3A_135] : memref<100352x16xf32, #tpu.memory_space<vmem_shared>> -> memref<100352x16xf32, #tpu.memory_space<vmem_shared>>
            tpu.wait_indirect_dma semaphore(%run_scoped3A : memref<!tpu.dma_semaphore, #tpu.memory_space<semaphore_mem>>) src(%arg12 : memref<512x16xf32, #tpu.memory_space<vmem>>) dst(%dma_wait3A_136 : memref<100352x16xf32, #tpu.memory_space<vmem_shared>>)
            tpu.yield
          }) : () -> ()
        }
        %scan3A_92 = arith.constant 4 : i32
      }
      %while3A_57 = arith.constant 1 : i32
      scf.for %while3A_77 = %while3A_55 to %while3A_51 step %while3A_57  : i32 {
        %mul3A_78 = arith.muli %while3A_77, %while3A : i32
        %add3A_79 = arith.addi %while3A_48, %mul3A_78 : i32
        %mul3A_80 = arith.constant 8 : i32
        %mul3A_81 = arith.muli %add3A_79, %mul3A_80 : i32
        %add3A_82 = arith.addi %mul3A_19, %mul3A_81 : i32
        "tpu.region"() ({
          %run_scoped3A = tpu.sem_alloc : memref<!tpu.dma_semaphore, #tpu.memory_space<semaphore_mem>>
          %dma_start3A_93 = arith.constant 0 : i32
          %dma_start3A_94 = tpu.memref_slice %arg2[%add3A_82, %dma_start3A_93] : memref<6250x512xi32, #tpu.memory_space<hbm>> -> memref<8x512xi32, #tpu.memory_space<hbm>>
          %dma_start3A_95 = arith.constant 0 : i32
          %dma_start3A_96 = tpu.memref_slice %arg2[%add3A_82, %dma_start3A_95] : memref<6250x512xi32, #tpu.memory_space<hbm>> -> memref<8x512xi32, #tpu.memory_space<hbm>>
          tpu.enqueue_dma source(%dma_start3A_96 : memref<8x512xi32, #tpu.memory_space<hbm>>) target(%arg8 : memref<8x512xi32, #tpu.memory_space<vmem>>) target_semaphore(%run_scoped3A : memref<!tpu.dma_semaphore, #tpu.memory_space<semaphore_mem>>)
          %dma_wait3A = arith.constant 0 : i32
          %dma_wait3A_97 = tpu.memref_slice %arg2[%add3A_82, %dma_wait3A] : memref<6250x512xi32, #tpu.memory_space<hbm>> -> memref<8x512xi32, #tpu.memory_space<hbm>>
          %dma_wait3A_98 = arith.constant 0 : i32
          %dma_wait3A_99 = tpu.memref_slice %arg2[%add3A_82, %dma_wait3A_98] : memref<6250x512xi32, #tpu.memory_space<hbm>> -> memref<8x512xi32, #tpu.memory_space<hbm>>
          tpu.wait_dma2 semaphore(%run_scoped3A : memref<!tpu.dma_semaphore, #tpu.memory_space<semaphore_mem>>) src(%dma_wait3A_99 : memref<8x512xi32, #tpu.memory_space<hbm>>) dst(%arg8 : memref<8x512xi32, #tpu.memory_space<vmem>>)
          tpu.yield
        }) : () -> ()
        "tpu.region"() ({
          %run_scoped3A = tpu.sem_alloc : memref<!tpu.dma_semaphore, #tpu.memory_space<semaphore_mem>>
          %dma_start3A_93 = arith.constant 0 : i32
          %dma_start3A_94 = tpu.memref_slice %arg3[%add3A_82, %dma_start3A_93] : memref<6250x512xi32, #tpu.memory_space<hbm>> -> memref<8x512xi32, #tpu.memory_space<hbm>>
          %dma_start3A_95 = arith.constant 0 : i32
          %dma_start3A_96 = tpu.memref_slice %arg3[%add3A_82, %dma_start3A_95] : memref<6250x512xi32, #tpu.memory_space<hbm>> -> memref<8x512xi32, #tpu.memory_space<hbm>>
          tpu.enqueue_dma source(%dma_start3A_96 : memref<8x512xi32, #tpu.memory_space<hbm>>) target(%arg9 : memref<8x512xi32, #tpu.memory_space<vmem>>) target_semaphore(%run_scoped3A : memref<!tpu.dma_semaphore, #tpu.memory_space<semaphore_mem>>)
          %dma_wait3A = arith.constant 0 : i32
          %dma_wait3A_97 = tpu.memref_slice %arg3[%add3A_82, %dma_wait3A] : memref<6250x512xi32, #tpu.memory_space<hbm>> -> memref<8x512xi32, #tpu.memory_space<hbm>>
          %dma_wait3A_98 = arith.constant 0 : i32
          %dma_wait3A_99 = tpu.memref_slice %arg3[%add3A_82, %dma_wait3A_98] : memref<6250x512xi32, #tpu.memory_space<hbm>> -> memref<8x512xi32, #tpu.memory_space<hbm>>
          tpu.wait_dma2 semaphore(%run_scoped3A : memref<!tpu.dma_semaphore, #tpu.memory_space<semaphore_mem>>) src(%dma_wait3A_99 : memref<8x512xi32, #tpu.memory_space<hbm>>) dst(%arg9 : memref<8x512xi32, #tpu.memory_space<vmem>>)
          tpu.yield
        }) : () -> ()
        %dma_start3A = arith.constant 0 : i32
        %dma_start3A_83 = arith.constant 0 : i32
        %dma_start3A_84 = tpu.memref_slice %arg8[%dma_start3A, %dma_start3A_83] : memref<8x512xi32, #tpu.memory_space<vmem>> -> memref<1x512xi32, #tpu.memory_space<vmem>>
        %dma_start3A_85 = tpu.memref_squeeze %dma_start3A_84 : memref<1x512xi32, #tpu.memory_space<vmem>> -> memref<512xi32, #tpu.memory_space<vmem>>
        %dma_start3A_86 = arith.constant 0 : i32
        %dma_start3A_87 = arith.constant 0 : i32
        %dma_start3A_88 = tpu.memref_slice %arg4[%dma_start3A_86, %dma_start3A_87] : memref<100352x16xf32, #tpu.memory_space<hbm>> -> memref<100352x16xf32, #tpu.memory_space<hbm>>
        tpu.enqueue_indirect_dma source(%dma_start3A_88 : memref<100352x16xf32, #tpu.memory_space<hbm>>) target(%arg10 : memref<512x16xf32, #tpu.memory_space<vmem>>) offsets(%dma_start3A_85 : memref<512xi32, #tpu.memory_space<vmem>>) semaphore(%arg11 : memref<!tpu.dma_semaphore, #tpu.memory_space<semaphore_mem>>)
        %scan3A = arith.constant 0 : i32
        %scan3A_89 = arith.constant 4 : i32
        %scan3A_90 = arith.addi %scan3A, %scan3A_89 : i32
        %scan3A_91 = arith.constant 1 : i32
        scf.for %scan3A_93 = %scan3A to %scan3A_90 step %scan3A_91  : i32 {
          %mul3A_94 = arith.constant 1 : i32
          %mul3A_95 = arith.muli %scan3A_93, %mul3A_94 : i32
          %add3A_96 = arith.constant 0 : i32
          %add3A_97 = arith.addi %add3A_96, %mul3A_95 : i32
          %mul3A_98 = arith.constant 2 : i32
          %mul3A_99 = arith.muli %mul3A_98, %add3A_97 : i32
          %add3A_100 = arith.constant 1 : i32
          %add3A_101 = arith.addi %mul3A_99, %add3A_100 : i32
          %dma_start3A_102 = arith.constant 0 : i32
          %dma_start3A_103 = tpu.memref_slice %arg8[%add3A_101, %dma_start3A_102] : memref<8x512xi32, #tpu.memory_space<vmem>> -> memref<1x512xi32, #tpu.memory_space<vmem>>
          %dma_start3A_104 = tpu.memref_squeeze %dma_start3A_103 : memref<1x512xi32, #tpu.memory_space<vmem>> -> memref<512xi32, #tpu.memory_space<vmem>>
          %dma_start3A_105 = arith.constant 0 : i32
          %dma_start3A_106 = arith.constant 0 : i32
          %dma_start3A_107 = tpu.memref_slice %arg4[%dma_start3A_105, %dma_start3A_106] : memref<100352x16xf32, #tpu.memory_space<hbm>> -> memref<100352x16xf32, #tpu.memory_space<hbm>>
          tpu.enqueue_indirect_dma source(%dma_start3A_107 : memref<100352x16xf32, #tpu.memory_space<hbm>>) target(%arg12 : memref<512x16xf32, #tpu.memory_space<vmem>>) offsets(%dma_start3A_104 : memref<512xi32, #tpu.memory_space<vmem>>) semaphore(%arg13 : memref<!tpu.dma_semaphore, #tpu.memory_space<semaphore_mem>>)
          %dma_wait3A = arith.constant 0 : i32
          %dma_wait3A_108 = tpu.memref_slice %arg8[%mul3A_99, %dma_wait3A] : memref<8x512xi32, #tpu.memory_space<vmem>> -> memref<1x512xi32, #tpu.memory_space<vmem>>
          %dma_wait3A_109 = tpu.memref_squeeze %dma_wait3A_108 : memref<1x512xi32, #tpu.memory_space<vmem>> -> memref<512xi32, #tpu.memory_space<vmem>>
          %dma_wait3A_110 = arith.constant 0 : i32
          %dma_wait3A_111 = arith.constant 0 : i32
          %dma_wait3A_112 = tpu.memref_slice %arg4[%dma_wait3A_110, %dma_wait3A_111] : memref<100352x16xf32, #tpu.memory_space<hbm>> -> memref<100352x16xf32, #tpu.memory_space<hbm>>
          tpu.wait_indirect_dma semaphore(%arg11 : memref<!tpu.dma_semaphore, #tpu.memory_space<semaphore_mem>>) src(%dma_wait3A_112 : memref<100352x16xf32, #tpu.memory_space<hbm>>) dst(%arg10 : memref<512x16xf32, #tpu.memory_space<vmem>>)
          "tpu.region"() ({
            %run_scoped3A = tpu.sem_alloc : memref<!tpu.dma_semaphore, #tpu.memory_space<semaphore_mem>>
            %dma_start3A_125 = arith.constant 0 : i32
            %dma_start3A_126 = tpu.memref_slice %arg9[%mul3A_99, %dma_start3A_125] : memref<8x512xi32, #tpu.memory_space<vmem>> -> memref<1x512xi32, #tpu.memory_space<vmem>>
            %dma_start3A_127 = tpu.memref_squeeze %dma_start3A_126 : memref<1x512xi32, #tpu.memory_space<vmem>> -> memref<512xi32, #tpu.memory_space<vmem>>
            %dma_start3A_128 = arith.constant 0 : i32
            %dma_start3A_129 = arith.constant 0 : i32
            %dma_start3A_130 = tpu.memref_slice %arg14[%dma_start3A_128, %dma_start3A_129] : memref<100352x16xf32, #tpu.memory_space<vmem_shared>> -> memref<100352x16xf32, #tpu.memory_space<vmem_shared>>
            tpu.enqueue_indirect_dma source(%arg10 : memref<512x16xf32, #tpu.memory_space<vmem>>) target(%dma_start3A_130 : memref<100352x16xf32, #tpu.memory_space<vmem_shared>>) offsets(%dma_start3A_127 : memref<512xi32, #tpu.memory_space<vmem>>) semaphore(%run_scoped3A : memref<!tpu.dma_semaphore, #tpu.memory_space<semaphore_mem>>) {add = true}
            %dma_wait3A_131 = arith.constant 0 : i32
            %dma_wait3A_132 = tpu.memref_slice %arg9[%mul3A_99, %dma_wait3A_131] : memref<8x512xi32, #tpu.memory_space<vmem>> -> memref<1x512xi32, #tpu.memory_space<vmem>>
            %dma_wait3A_133 = tpu.memref_squeeze %dma_wait3A_132 : memref<1x512xi32, #tpu.memory_space<vmem>> -> memref<512xi32, #tpu.memory_space<vmem>>
            %dma_wait3A_134 = arith.constant 0 : i32
            %dma_wait3A_135 = arith.constant 0 : i32
            %dma_wait3A_136 = tpu.memref_slice %arg14[%dma_wait3A_134, %dma_wait3A_135] : memref<100352x16xf32, #tpu.memory_space<vmem_shared>> -> memref<100352x16xf32, #tpu.memory_space<vmem_shared>>
            tpu.wait_indirect_dma semaphore(%run_scoped3A : memref<!tpu.dma_semaphore, #tpu.memory_space<semaphore_mem>>) src(%arg10 : memref<512x16xf32, #tpu.memory_space<vmem>>) dst(%dma_wait3A_136 : memref<100352x16xf32, #tpu.memory_space<vmem_shared>>)
            tpu.yield
          }) : () -> ()
          %add3A_113 = arith.constant 1 : i32
          %add3A_114 = arith.addi %add3A_101, %add3A_113 : i32
          %lt3A = arith.constant 8 : i32
          %lt3A_115 = arith.cmpi slt, %add3A_114, %lt3A : i32
          %convert_element_type3A_116 = arith.extui %lt3A_115 : i1 to i32
          %cond3A_117 = arith.constant 0 : i32
          %cond3A_118 = arith.cmpi ne, %convert_element_type3A_116, %cond3A_117 : i32
          scf.if %cond3A_118 {
            %add3A_125 = arith.constant 1 : i32
            %add3A_126 = arith.addi %add3A_101, %add3A_125 : i32
            %dma_start3A_127 = arith.constant 0 : i32
            %dma_start3A_128 = tpu.memref_slice %arg8[%add3A_126, %dma_start3A_127] : memref<8x512xi32, #tpu.memory_space<vmem>> -> memref<1x512xi32, #tpu.memory_space<vmem>>
            %dma_start3A_129 = tpu.memref_squeeze %dma_start3A_128 : memref<1x512xi32, #tpu.memory_space<vmem>> -> memref<512xi32, #tpu.memory_space<vmem>>
            %dma_start3A_130 = arith.constant 0 : i32
            %dma_start3A_131 = arith.constant 0 : i32
            %dma_start3A_132 = tpu.memref_slice %arg4[%dma_start3A_130, %dma_start3A_131] : memref<100352x16xf32, #tpu.memory_space<hbm>> -> memref<100352x16xf32, #tpu.memory_space<hbm>>
            tpu.enqueue_indirect_dma source(%dma_start3A_132 : memref<100352x16xf32, #tpu.memory_space<hbm>>) target(%arg10 : memref<512x16xf32, #tpu.memory_space<vmem>>) offsets(%dma_start3A_129 : memref<512xi32, #tpu.memory_space<vmem>>) semaphore(%arg11 : memref<!tpu.dma_semaphore, #tpu.memory_space<semaphore_mem>>)
          } else {
          }
          %dma_wait3A_119 = arith.constant 0 : i32
          %dma_wait3A_120 = tpu.memref_slice %arg8[%add3A_101, %dma_wait3A_119] : memref<8x512xi32, #tpu.memory_space<vmem>> -> memref<1x512xi32, #tpu.memory_space<vmem>>
          %dma_wait3A_121 = tpu.memref_squeeze %dma_wait3A_120 : memref<1x512xi32, #tpu.memory_space<vmem>> -> memref<512xi32, #tpu.memory_space<vmem>>
          %dma_wait3A_122 = arith.constant 0 : i32
          %dma_wait3A_123 = arith.constant 0 : i32
          %dma_wait3A_124 = tpu.memref_slice %arg4[%dma_wait3A_122, %dma_wait3A_123] : memref<100352x16xf32, #tpu.memory_space<hbm>> -> memref<100352x16xf32, #tpu.memory_space<hbm>>
          tpu.wait_indirect_dma semaphore(%arg13 : memref<!tpu.dma_semaphore, #tpu.memory_space<semaphore_mem>>) src(%dma_wait3A_124 : memref<100352x16xf32, #tpu.memory_space<hbm>>) dst(%arg12 : memref<512x16xf32, #tpu.memory_space<vmem>>)
          "tpu.region"() ({
            %run_scoped3A = tpu.sem_alloc : memref<!tpu.dma_semaphore, #tpu.memory_space<semaphore_mem>>
            %dma_start3A_125 = arith.constant 0 : i32
            %dma_start3A_126 = tpu.memref_slice %arg9[%add3A_101, %dma_start3A_125] : memref<8x512xi32, #tpu.memory_space<vmem>> -> memref<1x512xi32, #tpu.memory_space<vmem>>
            %dma_start3A_127 = tpu.memref_squeeze %dma_start3A_126 : memref<1x512xi32, #tpu.memory_space<vmem>> -> memref<512xi32, #tpu.memory_space<vmem>>
            %dma_start3A_128 = arith.constant 0 : i32
            %dma_start3A_129 = arith.constant 0 : i32
            %dma_start3A_130 = tpu.memref_slice %arg14[%dma_start3A_128, %dma_start3A_129] : memref<100352x16xf32, #tpu.memory_space<vmem_shared>> -> memref<100352x16xf32, #tpu.memory_space<vmem_shared>>
            tpu.enqueue_indirect_dma source(%arg12 : memref<512x16xf32, #tpu.memory_space<vmem>>) target(%dma_start3A_130 : memref<100352x16xf32, #tpu.memory_space<vmem_shared>>) offsets(%dma_start3A_127 : memref<512xi32, #tpu.memory_space<vmem>>) semaphore(%run_scoped3A : memref<!tpu.dma_semaphore, #tpu.memory_space<semaphore_mem>>) {add = true}
            %dma_wait3A_131 = arith.constant 0 : i32
            %dma_wait3A_132 = tpu.memref_slice %arg9[%add3A_101, %dma_wait3A_131] : memref<8x512xi32, #tpu.memory_space<vmem>> -> memref<1x512xi32, #tpu.memory_space<vmem>>
            %dma_wait3A_133 = tpu.memref_squeeze %dma_wait3A_132 : memref<1x512xi32, #tpu.memory_space<vmem>> -> memref<512xi32, #tpu.memory_space<vmem>>
            %dma_wait3A_134 = arith.constant 0 : i32
            %dma_wait3A_135 = arith.constant 0 : i32
            %dma_wait3A_136 = tpu.memref_slice %arg14[%dma_wait3A_134, %dma_wait3A_135] : memref<100352x16xf32, #tpu.memory_space<vmem_shared>> -> memref<100352x16xf32, #tpu.memory_space<vmem_shared>>
            tpu.wait_indirect_dma semaphore(%run_scoped3A : memref<!tpu.dma_semaphore, #tpu.memory_space<semaphore_mem>>) src(%arg12 : memref<512x16xf32, #tpu.memory_space<vmem>>) dst(%dma_wait3A_136 : memref<100352x16xf32, #tpu.memory_space<vmem_shared>>)
            tpu.yield
          }) : () -> ()
        }
        %scan3A_92 = arith.constant 4 : i32
      }
      %sub3A_58 = arith.constant 0 : i32
      %sub3A_59 = arith.subi %sub3A_40, %sub3A_58 : i32
      %sub3A_60 = arith.constant 1 : i32
      %sub3A_61 = arith.constant 1 : i32
      %sub3A_62 = arith.subi %sub3A_60, %sub3A_61 : i32
      %add3A_63 = arith.addi %sub3A_59, %sub3A_62 : i32
      %div3A_64 = arith.constant 1 : i32
      %div3A_65 = arith.divsi %add3A_63, %div3A_64 : i32
      %while3A_66 = arith.constant 1 : i32
      %while3A_67 = arith.constant 0 : i32
      %while3A_68 = arith.constant 0 : i32
      %while3A_69 = arith.subi %div3A_65, %while3A_68 : i32
      %while3A_70 = arith.addi %while3A_68, %while3A_69 : i32
      %while3A_71 = arith.constant 1 : i32
      %while3A_72 = arith.divsi %while3A_69, %while3A_71 : i32
      %while3A_73 = arith.muli %while3A_72, %while3A_71 : i32
      %while3A_74 = arith.addi %while3A_68, %while3A_73 : i32
      %while3A_75 = arith.constant 1 : i32
      scf.for %while3A_77 = %while3A_68 to %while3A_74 step %while3A_75  : i32 {
        %mul3A_78 = arith.muli %while3A_77, %while3A_66 : i32
        %add3A_79 = arith.addi %while3A_67, %mul3A_78 : i32
        %mul3A_80 = arith.constant 8 : i32
        %mul3A_81 = arith.muli %select_n3A_37, %mul3A_80 : i32
        %add3A_82 = arith.addi %mul3A_19, %mul3A_81 : i32
        %add3A_83 = arith.addi %add3A_82, %add3A_79 : i32
        "tpu.region"() ({
          %run_scoped3A_96 = tpu.sem_alloc : memref<!tpu.dma_semaphore, #tpu.memory_space<semaphore_mem>>
          %dma_start3A_97 = arith.constant 0 : i32
          %dma_start3A_98 = arith.constant 0 : i32
          %dma_start3A_99 = tpu.memref_slice %arg8[%dma_start3A_97, %dma_start3A_98] : memref<8x512xi32, #tpu.memory_space<vmem>> -> memref<1x512xi32, #tpu.memory_space<vmem>>
          %dma_start3A_100 = arith.constant 0 : i32
          %dma_start3A_101 = tpu.memref_slice %arg2[%add3A_83, %dma_start3A_100] : memref<6250x512xi32, #tpu.memory_space<hbm>> -> memref<1x512xi32, #tpu.memory_space<hbm>>
          %dma_start3A_102 = arith.constant 0 : i32
          %dma_start3A_103 = arith.constant 0 : i32
          %dma_start3A_104 = tpu.memref_slice %arg8[%dma_start3A_102, %dma_start3A_103] : memref<8x512xi32, #tpu.memory_space<vmem>> -> memref<1x512xi32, #tpu.memory_space<vmem>>
          %dma_start3A_105 = arith.constant 0 : i32
          %dma_start3A_106 = tpu.memref_slice %arg2[%add3A_83, %dma_start3A_105] : memref<6250x512xi32, #tpu.memory_space<hbm>> -> memref<1x512xi32, #tpu.memory_space<hbm>>
          tpu.enqueue_dma source(%dma_start3A_106 : memref<1x512xi32, #tpu.memory_space<hbm>>) target(%dma_start3A_104 : memref<1x512xi32, #tpu.memory_space<vmem>>) target_semaphore(%run_scoped3A_96 : memref<!tpu.dma_semaphore, #tpu.memory_space<semaphore_mem>>)
          %dma_wait3A_107 = arith.constant 0 : i32
          %dma_wait3A_108 = arith.constant 0 : i32
          %dma_wait3A_109 = tpu.memref_slice %arg8[%dma_wait3A_107, %dma_wait3A_108] : memref<8x512xi32, #tpu.memory_space<vmem>> -> memref<1x512xi32, #tpu.memory_space<vmem>>
          %dma_wait3A_110 = arith.constant 0 : i32
          %dma_wait3A_111 = tpu.memref_slice %arg2[%add3A_83, %dma_wait3A_110] : memref<6250x512xi32, #tpu.memory_space<hbm>> -> memref<1x512xi32, #tpu.memory_space<hbm>>
          %dma_wait3A_112 = arith.constant 0 : i32
          %dma_wait3A_113 = arith.constant 0 : i32
          %dma_wait3A_114 = tpu.memref_slice %arg8[%dma_wait3A_112, %dma_wait3A_113] : memref<8x512xi32, #tpu.memory_space<vmem>> -> memref<1x512xi32, #tpu.memory_space<vmem>>
          %dma_wait3A_115 = arith.constant 0 : i32
          %dma_wait3A_116 = tpu.memref_slice %arg2[%add3A_83, %dma_wait3A_115] : memref<6250x512xi32, #tpu.memory_space<hbm>> -> memref<1x512xi32, #tpu.memory_space<hbm>>
          tpu.wait_dma2 semaphore(%run_scoped3A_96 : memref<!tpu.dma_semaphore, #tpu.memory_space<semaphore_mem>>) src(%dma_wait3A_116 : memref<1x512xi32, #tpu.memory_space<hbm>>) dst(%dma_wait3A_114 : memref<1x512xi32, #tpu.memory_space<vmem>>)
          tpu.yield
        }) : () -> ()
        "tpu.region"() ({
          %run_scoped3A_96 = tpu.sem_alloc : memref<!tpu.dma_semaphore, #tpu.memory_space<semaphore_mem>>
          %dma_start3A_97 = arith.constant 0 : i32
          %dma_start3A_98 = arith.constant 0 : i32
          %dma_start3A_99 = tpu.memref_slice %arg9[%dma_start3A_97, %dma_start3A_98] : memref<8x512xi32, #tpu.memory_space<vmem>> -> memref<1x512xi32, #tpu.memory_space<vmem>>
          %dma_start3A_100 = arith.constant 0 : i32
          %dma_start3A_101 = tpu.memref_slice %arg3[%add3A_83, %dma_start3A_100] : memref<6250x512xi32, #tpu.memory_space<hbm>> -> memref<1x512xi32, #tpu.memory_space<hbm>>
          %dma_start3A_102 = arith.constant 0 : i32
          %dma_start3A_103 = arith.constant 0 : i32
          %dma_start3A_104 = tpu.memref_slice %arg9[%dma_start3A_102, %dma_start3A_103] : memref<8x512xi32, #tpu.memory_space<vmem>> -> memref<1x512xi32, #tpu.memory_space<vmem>>
          %dma_start3A_105 = arith.constant 0 : i32
          %dma_start3A_106 = tpu.memref_slice %arg3[%add3A_83, %dma_start3A_105] : memref<6250x512xi32, #tpu.memory_space<hbm>> -> memref<1x512xi32, #tpu.memory_space<hbm>>
          tpu.enqueue_dma source(%dma_start3A_106 : memref<1x512xi32, #tpu.memory_space<hbm>>) target(%dma_start3A_104 : memref<1x512xi32, #tpu.memory_space<vmem>>) target_semaphore(%run_scoped3A_96 : memref<!tpu.dma_semaphore, #tpu.memory_space<semaphore_mem>>)
          %dma_wait3A_107 = arith.constant 0 : i32
          %dma_wait3A_108 = arith.constant 0 : i32
          %dma_wait3A_109 = tpu.memref_slice %arg9[%dma_wait3A_107, %dma_wait3A_108] : memref<8x512xi32, #tpu.memory_space<vmem>> -> memref<1x512xi32, #tpu.memory_space<vmem>>
          %dma_wait3A_110 = arith.constant 0 : i32
          %dma_wait3A_111 = tpu.memref_slice %arg3[%add3A_83, %dma_wait3A_110] : memref<6250x512xi32, #tpu.memory_space<hbm>> -> memref<1x512xi32, #tpu.memory_space<hbm>>
          %dma_wait3A_112 = arith.constant 0 : i32
          %dma_wait3A_113 = arith.constant 0 : i32
          %dma_wait3A_114 = tpu.memref_slice %arg9[%dma_wait3A_112, %dma_wait3A_113] : memref<8x512xi32, #tpu.memory_space<vmem>> -> memref<1x512xi32, #tpu.memory_space<vmem>>
          %dma_wait3A_115 = arith.constant 0 : i32
          %dma_wait3A_116 = tpu.memref_slice %arg3[%add3A_83, %dma_wait3A_115] : memref<6250x512xi32, #tpu.memory_space<hbm>> -> memref<1x512xi32, #tpu.memory_space<hbm>>
          tpu.wait_dma2 semaphore(%run_scoped3A_96 : memref<!tpu.dma_semaphore, #tpu.memory_space<semaphore_mem>>) src(%dma_wait3A_116 : memref<1x512xi32, #tpu.memory_space<hbm>>) dst(%dma_wait3A_114 : memref<1x512xi32, #tpu.memory_space<vmem>>)
          tpu.yield
        }) : () -> ()
        %dma_start3A = arith.constant 0 : i32
        %dma_start3A_84 = arith.constant 0 : i32
        %dma_start3A_85 = tpu.memref_slice %arg8[%dma_start3A, %dma_start3A_84] : memref<8x512xi32, #tpu.memory_space<vmem>> -> memref<1x512xi32, #tpu.memory_space<vmem>>
        %dma_start3A_86 = tpu.memref_squeeze %dma_start3A_85 : memref<1x512xi32, #tpu.memory_space<vmem>> -> memref<512xi32, #tpu.memory_space<vmem>>
        %dma_start3A_87 = arith.constant 0 : i32
        %dma_start3A_88 = arith.constant 0 : i32
        %dma_start3A_89 = tpu.memref_slice %arg4[%dma_start3A_87, %dma_start3A_88] : memref<100352x16xf32, #tpu.memory_space<hbm>> -> memref<100352x16xf32, #tpu.memory_space<hbm>>
        tpu.enqueue_indirect_dma source(%dma_start3A_89 : memref<100352x16xf32, #tpu.memory_space<hbm>>) target(%arg10 : memref<512x16xf32, #tpu.memory_space<vmem>>) offsets(%dma_start3A_86 : memref<512xi32, #tpu.memory_space<vmem>>) semaphore(%arg11 : memref<!tpu.dma_semaphore, #tpu.memory_space<semaphore_mem>>)
        %dma_wait3A = arith.constant 0 : i32
        %dma_wait3A_90 = arith.constant 0 : i32
        %dma_wait3A_91 = tpu.memref_slice %arg8[%dma_wait3A, %dma_wait3A_90] : memref<8x512xi32, #tpu.memory_space<vmem>> -> memref<1x512xi32, #tpu.memory_space<vmem>>
        %dma_wait3A_92 = tpu.memref_squeeze %dma_wait3A_91 : memref<1x512xi32, #tpu.memory_space<vmem>> -> memref<512xi32, #tpu.memory_space<vmem>>
        %dma_wait3A_93 = arith.constant 0 : i32
        %dma_wait3A_94 = arith.constant 0 : i32
        %dma_wait3A_95 = tpu.memref_slice %arg4[%dma_wait3A_93, %dma_wait3A_94] : memref<100352x16xf32, #tpu.memory_space<hbm>> -> memref<100352x16xf32, #tpu.memory_space<hbm>>
        tpu.wait_indirect_dma semaphore(%arg11 : memref<!tpu.dma_semaphore, #tpu.memory_space<semaphore_mem>>) src(%dma_wait3A_95 : memref<100352x16xf32, #tpu.memory_space<hbm>>) dst(%arg10 : memref<512x16xf32, #tpu.memory_space<vmem>>)
        %run_scoped3A = arith.constant 0 : i32
        "tpu.region"() ({
          %run_scoped3A_96 = tpu.sem_alloc : memref<!tpu.dma_semaphore, #tpu.memory_space<semaphore_mem>>
          %dma_start3A_97 = arith.constant 0 : i32
          %dma_start3A_98 = tpu.memref_slice %arg9[%run_scoped3A, %dma_start3A_97] : memref<8x512xi32, #tpu.memory_space<vmem>> -> memref<1x512xi32, #tpu.memory_space<vmem>>
          %dma_start3A_99 = tpu.memref_squeeze %dma_start3A_98 : memref<1x512xi32, #tpu.memory_space<vmem>> -> memref<512xi32, #tpu.memory_space<vmem>>
          %dma_start3A_100 = arith.constant 0 : i32
          %dma_start3A_101 = arith.constant 0 : i32
          %dma_start3A_102 = tpu.memref_slice %arg14[%dma_start3A_100, %dma_start3A_101] : memref<100352x16xf32, #tpu.memory_space<vmem_shared>> -> memref<100352x16xf32, #tpu.memory_space<vmem_shared>>
          tpu.enqueue_indirect_dma source(%arg10 : memref<512x16xf32, #tpu.memory_space<vmem>>) target(%dma_start3A_102 : memref<100352x16xf32, #tpu.memory_space<vmem_shared>>) offsets(%dma_start3A_99 : memref<512xi32, #tpu.memory_space<vmem>>) semaphore(%run_scoped3A_96 : memref<!tpu.dma_semaphore, #tpu.memory_space<semaphore_mem>>) {add = true}
          %dma_wait3A_103 = arith.constant 0 : i32
          %dma_wait3A_104 = tpu.memref_slice %arg9[%run_scoped3A, %dma_wait3A_103] : memref<8x512xi32, #tpu.memory_space<vmem>> -> memref<1x512xi32, #tpu.memory_space<vmem>>
          %dma_wait3A_105 = tpu.memref_squeeze %dma_wait3A_104 : memref<1x512xi32, #tpu.memory_space<vmem>> -> memref<512xi32, #tpu.memory_space<vmem>>
          %dma_wait3A_106 = arith.constant 0 : i32
          %dma_wait3A_107 = arith.constant 0 : i32
          %dma_wait3A_108 = tpu.memref_slice %arg14[%dma_wait3A_106, %dma_wait3A_107] : memref<100352x16xf32, #tpu.memory_space<vmem_shared>> -> memref<100352x16xf32, #tpu.memory_space<vmem_shared>>
          tpu.wait_indirect_dma semaphore(%run_scoped3A_96 : memref<!tpu.dma_semaphore, #tpu.memory_space<semaphore_mem>>) src(%arg10 : memref<512x16xf32, #tpu.memory_space<vmem>>) dst(%dma_wait3A_108 : memref<100352x16xf32, #tpu.memory_space<vmem_shared>>)
          tpu.yield
        }) : () -> ()
      }
      %while3A_76 = arith.constant 1 : i32
      scf.for %while3A_77 = %while3A_74 to %while3A_70 step %while3A_76  : i32 {
        %mul3A_78 = arith.muli %while3A_77, %while3A_66 : i32
        %add3A_79 = arith.addi %while3A_67, %mul3A_78 : i32
        %mul3A_80 = arith.constant 8 : i32
        %mul3A_81 = arith.muli %select_n3A_37, %mul3A_80 : i32
        %add3A_82 = arith.addi %mul3A_19, %mul3A_81 : i32
        %add3A_83 = arith.addi %add3A_82, %add3A_79 : i32
        "tpu.region"() ({
          %run_scoped3A_96 = tpu.sem_alloc : memref<!tpu.dma_semaphore, #tpu.memory_space<semaphore_mem>>
          %dma_start3A_97 = arith.constant 0 : i32
          %dma_start3A_98 = arith.constant 0 : i32
          %dma_start3A_99 = tpu.memref_slice %arg8[%dma_start3A_97, %dma_start3A_98] : memref<8x512xi32, #tpu.memory_space<vmem>> -> memref<1x512xi32, #tpu.memory_space<vmem>>
          %dma_start3A_100 = arith.constant 0 : i32
          %dma_start3A_101 = tpu.memref_slice %arg2[%add3A_83, %dma_start3A_100] : memref<6250x512xi32, #tpu.memory_space<hbm>> -> memref<1x512xi32, #tpu.memory_space<hbm>>
          %dma_start3A_102 = arith.constant 0 : i32
          %dma_start3A_103 = arith.constant 0 : i32
          %dma_start3A_104 = tpu.memref_slice %arg8[%dma_start3A_102, %dma_start3A_103] : memref<8x512xi32, #tpu.memory_space<vmem>> -> memref<1x512xi32, #tpu.memory_space<vmem>>
          %dma_start3A_105 = arith.constant 0 : i32
          %dma_start3A_106 = tpu.memref_slice %arg2[%add3A_83, %dma_start3A_105] : memref<6250x512xi32, #tpu.memory_space<hbm>> -> memref<1x512xi32, #tpu.memory_space<hbm>>
          tpu.enqueue_dma source(%dma_start3A_106 : memref<1x512xi32, #tpu.memory_space<hbm>>) target(%dma_start3A_104 : memref<1x512xi32, #tpu.memory_space<vmem>>) target_semaphore(%run_scoped3A_96 : memref<!tpu.dma_semaphore, #tpu.memory_space<semaphore_mem>>)
          %dma_wait3A_107 = arith.constant 0 : i32
          %dma_wait3A_108 = arith.constant 0 : i32
          %dma_wait3A_109 = tpu.memref_slice %arg8[%dma_wait3A_107, %dma_wait3A_108] : memref<8x512xi32, #tpu.memory_space<vmem>> -> memref<1x512xi32, #tpu.memory_space<vmem>>
          %dma_wait3A_110 = arith.constant 0 : i32
          %dma_wait3A_111 = tpu.memref_slice %arg2[%add3A_83, %dma_wait3A_110] : memref<6250x512xi32, #tpu.memory_space<hbm>> -> memref<1x512xi32, #tpu.memory_space<hbm>>
          %dma_wait3A_112 = arith.constant 0 : i32
          %dma_wait3A_113 = arith.constant 0 : i32
          %dma_wait3A_114 = tpu.memref_slice %arg8[%dma_wait3A_112, %dma_wait3A_113] : memref<8x512xi32, #tpu.memory_space<vmem>> -> memref<1x512xi32, #tpu.memory_space<vmem>>
          %dma_wait3A_115 = arith.constant 0 : i32
          %dma_wait3A_116 = tpu.memref_slice %arg2[%add3A_83, %dma_wait3A_115] : memref<6250x512xi32, #tpu.memory_space<hbm>> -> memref<1x512xi32, #tpu.memory_space<hbm>>
          tpu.wait_dma2 semaphore(%run_scoped3A_96 : memref<!tpu.dma_semaphore, #tpu.memory_space<semaphore_mem>>) src(%dma_wait3A_116 : memref<1x512xi32, #tpu.memory_space<hbm>>) dst(%dma_wait3A_114 : memref<1x512xi32, #tpu.memory_space<vmem>>)
          tpu.yield
        }) : () -> ()
        "tpu.region"() ({
          %run_scoped3A_96 = tpu.sem_alloc : memref<!tpu.dma_semaphore, #tpu.memory_space<semaphore_mem>>
          %dma_start3A_97 = arith.constant 0 : i32
          %dma_start3A_98 = arith.constant 0 : i32
          %dma_start3A_99 = tpu.memref_slice %arg9[%dma_start3A_97, %dma_start3A_98] : memref<8x512xi32, #tpu.memory_space<vmem>> -> memref<1x512xi32, #tpu.memory_space<vmem>>
          %dma_start3A_100 = arith.constant 0 : i32
          %dma_start3A_101 = tpu.memref_slice %arg3[%add3A_83, %dma_start3A_100] : memref<6250x512xi32, #tpu.memory_space<hbm>> -> memref<1x512xi32, #tpu.memory_space<hbm>>
          %dma_start3A_102 = arith.constant 0 : i32
          %dma_start3A_103 = arith.constant 0 : i32
          %dma_start3A_104 = tpu.memref_slice %arg9[%dma_start3A_102, %dma_start3A_103] : memref<8x512xi32, #tpu.memory_space<vmem>> -> memref<1x512xi32, #tpu.memory_space<vmem>>
          %dma_start3A_105 = arith.constant 0 : i32
          %dma_start3A_106 = tpu.memref_slice %arg3[%add3A_83, %dma_start3A_105] : memref<6250x512xi32, #tpu.memory_space<hbm>> -> memref<1x512xi32, #tpu.memory_space<hbm>>
          tpu.enqueue_dma source(%dma_start3A_106 : memref<1x512xi32, #tpu.memory_space<hbm>>) target(%dma_start3A_104 : memref<1x512xi32, #tpu.memory_space<vmem>>) target_semaphore(%run_scoped3A_96 : memref<!tpu.dma_semaphore, #tpu.memory_space<semaphore_mem>>)
          %dma_wait3A_107 = arith.constant 0 : i32
          %dma_wait3A_108 = arith.constant 0 : i32
          %dma_wait3A_109 = tpu.memref_slice %arg9[%dma_wait3A_107, %dma_wait3A_108] : memref<8x512xi32, #tpu.memory_space<vmem>> -> memref<1x512xi32, #tpu.memory_space<vmem>>
          %dma_wait3A_110 = arith.constant 0 : i32
          %dma_wait3A_111 = tpu.memref_slice %arg3[%add3A_83, %dma_wait3A_110] : memref<6250x512xi32, #tpu.memory_space<hbm>> -> memref<1x512xi32, #tpu.memory_space<hbm>>
          %dma_wait3A_112 = arith.constant 0 : i32
          %dma_wait3A_113 = arith.constant 0 : i32
          %dma_wait3A_114 = tpu.memref_slice %arg9[%dma_wait3A_112, %dma_wait3A_113] : memref<8x512xi32, #tpu.memory_space<vmem>> -> memref<1x512xi32, #tpu.memory_space<vmem>>
          %dma_wait3A_115 = arith.constant 0 : i32
          %dma_wait3A_116 = tpu.memref_slice %arg3[%add3A_83, %dma_wait3A_115] : memref<6250x512xi32, #tpu.memory_space<hbm>> -> memref<1x512xi32, #tpu.memory_space<hbm>>
          tpu.wait_dma2 semaphore(%run_scoped3A_96 : memref<!tpu.dma_semaphore, #tpu.memory_space<semaphore_mem>>) src(%dma_wait3A_116 : memref<1x512xi32, #tpu.memory_space<hbm>>) dst(%dma_wait3A_114 : memref<1x512xi32, #tpu.memory_space<vmem>>)
          tpu.yield
        }) : () -> ()
        %dma_start3A = arith.constant 0 : i32
        %dma_start3A_84 = arith.constant 0 : i32
        %dma_start3A_85 = tpu.memref_slice %arg8[%dma_start3A, %dma_start3A_84] : memref<8x512xi32, #tpu.memory_space<vmem>> -> memref<1x512xi32, #tpu.memory_space<vmem>>
        %dma_start3A_86 = tpu.memref_squeeze %dma_start3A_85 : memref<1x512xi32, #tpu.memory_space<vmem>> -> memref<512xi32, #tpu.memory_space<vmem>>
        %dma_start3A_87 = arith.constant 0 : i32
        %dma_start3A_88 = arith.constant 0 : i32
        %dma_start3A_89 = tpu.memref_slice %arg4[%dma_start3A_87, %dma_start3A_88] : memref<100352x16xf32, #tpu.memory_space<hbm>> -> memref<100352x16xf32, #tpu.memory_space<hbm>>
        tpu.enqueue_indirect_dma source(%dma_start3A_89 : memref<100352x16xf32, #tpu.memory_space<hbm>>) target(%arg10 : memref<512x16xf32, #tpu.memory_space<vmem>>) offsets(%dma_start3A_86 : memref<512xi32, #tpu.memory_space<vmem>>) semaphore(%arg11 : memref<!tpu.dma_semaphore, #tpu.memory_space<semaphore_mem>>)
        %dma_wait3A = arith.constant 0 : i32
        %dma_wait3A_90 = arith.constant 0 : i32
        %dma_wait3A_91 = tpu.memref_slice %arg8[%dma_wait3A, %dma_wait3A_90] : memref<8x512xi32, #tpu.memory_space<vmem>> -> memref<1x512xi32, #tpu.memory_space<vmem>>
        %dma_wait3A_92 = tpu.memref_squeeze %dma_wait3A_91 : memref<1x512xi32, #tpu.memory_space<vmem>> -> memref<512xi32, #tpu.memory_space<vmem>>
        %dma_wait3A_93 = arith.constant 0 : i32
        %dma_wait3A_94 = arith.constant 0 : i32
        %dma_wait3A_95 = tpu.memref_slice %arg4[%dma_wait3A_93, %dma_wait3A_94] : memref<100352x16xf32, #tpu.memory_space<hbm>> -> memref<100352x16xf32, #tpu.memory_space<hbm>>
        tpu.wait_indirect_dma semaphore(%arg11 : memref<!tpu.dma_semaphore, #tpu.memory_space<semaphore_mem>>) src(%dma_wait3A_95 : memref<100352x16xf32, #tpu.memory_space<hbm>>) dst(%arg10 : memref<512x16xf32, #tpu.memory_space<vmem>>)
        %run_scoped3A = arith.constant 0 : i32
        "tpu.region"() ({
          %run_scoped3A_96 = tpu.sem_alloc : memref<!tpu.dma_semaphore, #tpu.memory_space<semaphore_mem>>
          %dma_start3A_97 = arith.constant 0 : i32
          %dma_start3A_98 = tpu.memref_slice %arg9[%run_scoped3A, %dma_start3A_97] : memref<8x512xi32, #tpu.memory_space<vmem>> -> memref<1x512xi32, #tpu.memory_space<vmem>>
          %dma_start3A_99 = tpu.memref_squeeze %dma_start3A_98 : memref<1x512xi32, #tpu.memory_space<vmem>> -> memref<512xi32, #tpu.memory_space<vmem>>
          %dma_start3A_100 = arith.constant 0 : i32
          %dma_start3A_101 = arith.constant 0 : i32
          %dma_start3A_102 = tpu.memref_slice %arg14[%dma_start3A_100, %dma_start3A_101] : memref<100352x16xf32, #tpu.memory_space<vmem_shared>> -> memref<100352x16xf32, #tpu.memory_space<vmem_shared>>
          tpu.enqueue_indirect_dma source(%arg10 : memref<512x16xf32, #tpu.memory_space<vmem>>) target(%dma_start3A_102 : memref<100352x16xf32, #tpu.memory_space<vmem_shared>>) offsets(%dma_start3A_99 : memref<512xi32, #tpu.memory_space<vmem>>) semaphore(%run_scoped3A_96 : memref<!tpu.dma_semaphore, #tpu.memory_space<semaphore_mem>>) {add = true}
          %dma_wait3A_103 = arith.constant 0 : i32
          %dma_wait3A_104 = tpu.memref_slice %arg9[%run_scoped3A, %dma_wait3A_103] : memref<8x512xi32, #tpu.memory_space<vmem>> -> memref<1x512xi32, #tpu.memory_space<vmem>>
          %dma_wait3A_105 = tpu.memref_squeeze %dma_wait3A_104 : memref<1x512xi32, #tpu.memory_space<vmem>> -> memref<512xi32, #tpu.memory_space<vmem>>
          %dma_wait3A_106 = arith.constant 0 : i32
          %dma_wait3A_107 = arith.constant 0 : i32
          %dma_wait3A_108 = tpu.memref_slice %arg14[%dma_wait3A_106, %dma_wait3A_107] : memref<100352x16xf32, #tpu.memory_space<vmem_shared>> -> memref<100352x16xf32, #tpu.memory_space<vmem_shared>>
          tpu.wait_indirect_dma semaphore(%run_scoped3A_96 : memref<!tpu.dma_semaphore, #tpu.memory_space<semaphore_mem>>) src(%arg10 : memref<512x16xf32, #tpu.memory_space<vmem>>) dst(%dma_wait3A_108 : memref<100352x16xf32, #tpu.memory_space<vmem_shared>>)
          tpu.yield
        }) : () -> ()
      }
    } else {
    }
    %eq3A_8 = arith.constant 1 : i32
    %eq3A_9 = arith.cmpi eq, %arg0, %eq3A_8 : i32
    %convert_element_type3A_10 = arith.extui %eq3A_9 : i1 to i32
    %cond3A_11 = arith.constant 0 : i32
    %cond3A_12 = arith.cmpi ne, %convert_element_type3A_10, %cond3A_11 : i32
    scf.if %cond3A_12 {
      %mul3A_18 = arith.constant 392 : i32
      %mul3A_19 = arith.muli %arg1, %mul3A_18 : i32
      %jit3A_20 = arith.constant 8 : i32
      %div3A = arith.divsi %select_n3A, %jit3A_20 : i32
      %sign3A = arith.constant 0 : i32
      %sign3A_21 = arith.cmpi sgt, %select_n3A, %sign3A : i32
      %sign3A_22 = arith.extui %sign3A_21 : i1 to i32
      %sign3A_23 = arith.constant 0 : i32
      %sign3A_24 = arith.cmpi slt, %select_n3A, %sign3A_23 : i32
      %sign3A_25 = arith.extui %sign3A_24 : i1 to i32
      %sign3A_26 = arith.subi %sign3A_22, %sign3A_25 : i32
      %sign3A_27 = arith.constant 0 : i32
      %sign3A_28 = arith.cmpi sgt, %jit3A_20, %sign3A_27 : i32
      %sign3A_29 = arith.extui %sign3A_28 : i1 to i32
      %sign3A_30 = arith.constant 0 : i32
      %sign3A_31 = arith.cmpi slt, %jit3A_20, %sign3A_30 : i32
      %sign3A_32 = arith.extui %sign3A_31 : i1 to i32
      %sign3A_33 = arith.subi %sign3A_29, %sign3A_32 : i32
      %ne3A = arith.cmpi ne, %sign3A_26, %sign3A_33 : i32
      %rem3A = arith.remsi %select_n3A, %jit3A_20 : i32
      %ne3A_34 = arith.constant 0 : i32
      %ne3A_35 = arith.cmpi ne, %rem3A, %ne3A_34 : i32
      %and3A = arith.andi %ne3A, %ne3A_35 : i1
      %sub3A = arith.constant 1 : i32
      %sub3A_36 = arith.subi %div3A, %sub3A : i32
      %select_n3A_37 = arith.select %and3A, %sub3A_36, %div3A : i32
      %mul3A_38 = arith.constant 8 : i32
      %mul3A_39 = arith.muli %select_n3A_37, %mul3A_38 : i32
      %sub3A_40 = arith.subi %select_n3A, %mul3A_39 : i32
      %sub3A_41 = arith.constant 0 : i32
      %sub3A_42 = arith.subi %select_n3A_37, %sub3A_41 : i32
      %sub3A_43 = arith.constant 1 : i32
      %sub3A_44 = arith.constant 1 : i32
      %sub3A_45 = arith.subi %sub3A_43, %sub3A_44 : i32
      %add3A = arith.addi %sub3A_42, %sub3A_45 : i32
      %div3A_46 = arith.constant 1 : i32
      %div3A_47 = arith.divsi %add3A, %div3A_46 : i32
      %while3A = arith.constant 1 : i32
      %while3A_48 = arith.constant 0 : i32
      %while3A_49 = arith.constant 0 : i32
      %while3A_50 = arith.subi %div3A_47, %while3A_49 : i32
      %while3A_51 = arith.addi %while3A_49, %while3A_50 : i32
      %while3A_52 = arith.constant 1 : i32
      %while3A_53 = arith.divsi %while3A_50, %while3A_52 : i32
      %while3A_54 = arith.muli %while3A_53, %while3A_52 : i32
      %while3A_55 = arith.addi %while3A_49, %while3A_54 : i32
      %while3A_56 = arith.constant 1 : i32
      scf.for %while3A_77 = %while3A_49 to %while3A_55 step %while3A_56  : i32 {
        %mul3A_78 = arith.muli %while3A_77, %while3A : i32
        %add3A_79 = arith.addi %while3A_48, %mul3A_78 : i32
        %mul3A_80 = arith.constant 8 : i32
        %mul3A_81 = arith.muli %add3A_79, %mul3A_80 : i32
        %add3A_82 = arith.addi %mul3A_19, %mul3A_81 : i32
        "tpu.region"() ({
          %run_scoped3A = tpu.sem_alloc : memref<!tpu.dma_semaphore, #tpu.memory_space<semaphore_mem>>
          %dma_start3A_93 = arith.constant 0 : i32
          %dma_start3A_94 = tpu.memref_slice %arg2[%add3A_82, %dma_start3A_93] : memref<6250x512xi32, #tpu.memory_space<hbm>> -> memref<8x512xi32, #tpu.memory_space<hbm>>
          %dma_start3A_95 = arith.constant 0 : i32
          %dma_start3A_96 = tpu.memref_slice %arg2[%add3A_82, %dma_start3A_95] : memref<6250x512xi32, #tpu.memory_space<hbm>> -> memref<8x512xi32, #tpu.memory_space<hbm>>
          tpu.enqueue_dma source(%dma_start3A_96 : memref<8x512xi32, #tpu.memory_space<hbm>>) target(%arg8 : memref<8x512xi32, #tpu.memory_space<vmem>>) target_semaphore(%run_scoped3A : memref<!tpu.dma_semaphore, #tpu.memory_space<semaphore_mem>>)
          %dma_wait3A = arith.constant 0 : i32
          %dma_wait3A_97 = tpu.memref_slice %arg2[%add3A_82, %dma_wait3A] : memref<6250x512xi32, #tpu.memory_space<hbm>> -> memref<8x512xi32, #tpu.memory_space<hbm>>
          %dma_wait3A_98 = arith.constant 0 : i32
          %dma_wait3A_99 = tpu.memref_slice %arg2[%add3A_82, %dma_wait3A_98] : memref<6250x512xi32, #tpu.memory_space<hbm>> -> memref<8x512xi32, #tpu.memory_space<hbm>>
          tpu.wait_dma2 semaphore(%run_scoped3A : memref<!tpu.dma_semaphore, #tpu.memory_space<semaphore_mem>>) src(%dma_wait3A_99 : memref<8x512xi32, #tpu.memory_space<hbm>>) dst(%arg8 : memref<8x512xi32, #tpu.memory_space<vmem>>)
          tpu.yield
        }) : () -> ()
        "tpu.region"() ({
          %run_scoped3A = tpu.sem_alloc : memref<!tpu.dma_semaphore, #tpu.memory_space<semaphore_mem>>
          %dma_start3A_93 = arith.constant 0 : i32
          %dma_start3A_94 = tpu.memref_slice %arg3[%add3A_82, %dma_start3A_93] : memref<6250x512xi32, #tpu.memory_space<hbm>> -> memref<8x512xi32, #tpu.memory_space<hbm>>
          %dma_start3A_95 = arith.constant 0 : i32
          %dma_start3A_96 = tpu.memref_slice %arg3[%add3A_82, %dma_start3A_95] : memref<6250x512xi32, #tpu.memory_space<hbm>> -> memref<8x512xi32, #tpu.memory_space<hbm>>
          tpu.enqueue_dma source(%dma_start3A_96 : memref<8x512xi32, #tpu.memory_space<hbm>>) target(%arg9 : memref<8x512xi32, #tpu.memory_space<vmem>>) target_semaphore(%run_scoped3A : memref<!tpu.dma_semaphore, #tpu.memory_space<semaphore_mem>>)
          %dma_wait3A = arith.constant 0 : i32
          %dma_wait3A_97 = tpu.memref_slice %arg3[%add3A_82, %dma_wait3A] : memref<6250x512xi32, #tpu.memory_space<hbm>> -> memref<8x512xi32, #tpu.memory_space<hbm>>
          %dma_wait3A_98 = arith.constant 0 : i32
          %dma_wait3A_99 = tpu.memref_slice %arg3[%add3A_82, %dma_wait3A_98] : memref<6250x512xi32, #tpu.memory_space<hbm>> -> memref<8x512xi32, #tpu.memory_space<hbm>>
          tpu.wait_dma2 semaphore(%run_scoped3A : memref<!tpu.dma_semaphore, #tpu.memory_space<semaphore_mem>>) src(%dma_wait3A_99 : memref<8x512xi32, #tpu.memory_space<hbm>>) dst(%arg9 : memref<8x512xi32, #tpu.memory_space<vmem>>)
          tpu.yield
        }) : () -> ()
        %dma_start3A = arith.constant 0 : i32
        %dma_start3A_83 = arith.constant 0 : i32
        %dma_start3A_84 = tpu.memref_slice %arg8[%dma_start3A, %dma_start3A_83] : memref<8x512xi32, #tpu.memory_space<vmem>> -> memref<1x512xi32, #tpu.memory_space<vmem>>
        %dma_start3A_85 = tpu.memref_squeeze %dma_start3A_84 : memref<1x512xi32, #tpu.memory_space<vmem>> -> memref<512xi32, #tpu.memory_space<vmem>>
        %dma_start3A_86 = arith.constant 0 : i32
        %dma_start3A_87 = arith.constant 0 : i32
        %dma_start3A_88 = tpu.memref_slice %arg5[%dma_start3A_86, %dma_start3A_87] : memref<100352x16xf32, #tpu.memory_space<hbm>> -> memref<100352x16xf32, #tpu.memory_space<hbm>>
        tpu.enqueue_indirect_dma source(%dma_start3A_88 : memref<100352x16xf32, #tpu.memory_space<hbm>>) target(%arg10 : memref<512x16xf32, #tpu.memory_space<vmem>>) offsets(%dma_start3A_85 : memref<512xi32, #tpu.memory_space<vmem>>) semaphore(%arg11 : memref<!tpu.dma_semaphore, #tpu.memory_space<semaphore_mem>>)
        %scan3A = arith.constant 0 : i32
        %scan3A_89 = arith.constant 4 : i32
        %scan3A_90 = arith.addi %scan3A, %scan3A_89 : i32
        %scan3A_91 = arith.constant 1 : i32
        scf.for %scan3A_93 = %scan3A to %scan3A_90 step %scan3A_91  : i32 {
          %mul3A_94 = arith.constant 1 : i32
          %mul3A_95 = arith.muli %scan3A_93, %mul3A_94 : i32
          %add3A_96 = arith.constant 0 : i32
          %add3A_97 = arith.addi %add3A_96, %mul3A_95 : i32
          %mul3A_98 = arith.constant 2 : i32
          %mul3A_99 = arith.muli %mul3A_98, %add3A_97 : i32
          %add3A_100 = arith.constant 1 : i32
          %add3A_101 = arith.addi %mul3A_99, %add3A_100 : i32
          %dma_start3A_102 = arith.constant 0 : i32
          %dma_start3A_103 = tpu.memref_slice %arg8[%add3A_101, %dma_start3A_102] : memref<8x512xi32, #tpu.memory_space<vmem>> -> memref<1x512xi32, #tpu.memory_space<vmem>>
          %dma_start3A_104 = tpu.memref_squeeze %dma_start3A_103 : memref<1x512xi32, #tpu.memory_space<vmem>> -> memref<512xi32, #tpu.memory_space<vmem>>
          %dma_start3A_105 = arith.constant 0 : i32
          %dma_start3A_106 = arith.constant 0 : i32
          %dma_start3A_107 = tpu.memref_slice %arg5[%dma_start3A_105, %dma_start3A_106] : memref<100352x16xf32, #tpu.memory_space<hbm>> -> memref<100352x16xf32, #tpu.memory_space<hbm>>
          tpu.enqueue_indirect_dma source(%dma_start3A_107 : memref<100352x16xf32, #tpu.memory_space<hbm>>) target(%arg12 : memref<512x16xf32, #tpu.memory_space<vmem>>) offsets(%dma_start3A_104 : memref<512xi32, #tpu.memory_space<vmem>>) semaphore(%arg13 : memref<!tpu.dma_semaphore, #tpu.memory_space<semaphore_mem>>)
          %dma_wait3A = arith.constant 0 : i32
          %dma_wait3A_108 = tpu.memref_slice %arg8[%mul3A_99, %dma_wait3A] : memref<8x512xi32, #tpu.memory_space<vmem>> -> memref<1x512xi32, #tpu.memory_space<vmem>>
          %dma_wait3A_109 = tpu.memref_squeeze %dma_wait3A_108 : memref<1x512xi32, #tpu.memory_space<vmem>> -> memref<512xi32, #tpu.memory_space<vmem>>
          %dma_wait3A_110 = arith.constant 0 : i32
          %dma_wait3A_111 = arith.constant 0 : i32
          %dma_wait3A_112 = tpu.memref_slice %arg5[%dma_wait3A_110, %dma_wait3A_111] : memref<100352x16xf32, #tpu.memory_space<hbm>> -> memref<100352x16xf32, #tpu.memory_space<hbm>>
          tpu.wait_indirect_dma semaphore(%arg11 : memref<!tpu.dma_semaphore, #tpu.memory_space<semaphore_mem>>) src(%dma_wait3A_112 : memref<100352x16xf32, #tpu.memory_space<hbm>>) dst(%arg10 : memref<512x16xf32, #tpu.memory_space<vmem>>)
          "tpu.region"() ({
            %run_scoped3A = tpu.sem_alloc : memref<!tpu.dma_semaphore, #tpu.memory_space<semaphore_mem>>
            %dma_start3A_125 = arith.constant 0 : i32
            %dma_start3A_126 = tpu.memref_slice %arg9[%mul3A_99, %dma_start3A_125] : memref<8x512xi32, #tpu.memory_space<vmem>> -> memref<1x512xi32, #tpu.memory_space<vmem>>
            %dma_start3A_127 = tpu.memref_squeeze %dma_start3A_126 : memref<1x512xi32, #tpu.memory_space<vmem>> -> memref<512xi32, #tpu.memory_space<vmem>>
            %dma_start3A_128 = arith.constant 0 : i32
            %dma_start3A_129 = arith.constant 0 : i32
            %dma_start3A_130 = tpu.memref_slice %arg14[%dma_start3A_128, %dma_start3A_129] : memref<100352x16xf32, #tpu.memory_space<vmem_shared>> -> memref<100352x16xf32, #tpu.memory_space<vmem_shared>>
            tpu.enqueue_indirect_dma source(%arg10 : memref<512x16xf32, #tpu.memory_space<vmem>>) target(%dma_start3A_130 : memref<100352x16xf32, #tpu.memory_space<vmem_shared>>) offsets(%dma_start3A_127 : memref<512xi32, #tpu.memory_space<vmem>>) semaphore(%run_scoped3A : memref<!tpu.dma_semaphore, #tpu.memory_space<semaphore_mem>>) {add = true}
            %dma_wait3A_131 = arith.constant 0 : i32
            %dma_wait3A_132 = tpu.memref_slice %arg9[%mul3A_99, %dma_wait3A_131] : memref<8x512xi32, #tpu.memory_space<vmem>> -> memref<1x512xi32, #tpu.memory_space<vmem>>
            %dma_wait3A_133 = tpu.memref_squeeze %dma_wait3A_132 : memref<1x512xi32, #tpu.memory_space<vmem>> -> memref<512xi32, #tpu.memory_space<vmem>>
            %dma_wait3A_134 = arith.constant 0 : i32
            %dma_wait3A_135 = arith.constant 0 : i32
            %dma_wait3A_136 = tpu.memref_slice %arg14[%dma_wait3A_134, %dma_wait3A_135] : memref<100352x16xf32, #tpu.memory_space<vmem_shared>> -> memref<100352x16xf32, #tpu.memory_space<vmem_shared>>
            tpu.wait_indirect_dma semaphore(%run_scoped3A : memref<!tpu.dma_semaphore, #tpu.memory_space<semaphore_mem>>) src(%arg10 : memref<512x16xf32, #tpu.memory_space<vmem>>) dst(%dma_wait3A_136 : memref<100352x16xf32, #tpu.memory_space<vmem_shared>>)
            tpu.yield
          }) : () -> ()
          %add3A_113 = arith.constant 1 : i32
          %add3A_114 = arith.addi %add3A_101, %add3A_113 : i32
          %lt3A = arith.constant 8 : i32
          %lt3A_115 = arith.cmpi slt, %add3A_114, %lt3A : i32
          %convert_element_type3A_116 = arith.extui %lt3A_115 : i1 to i32
          %cond3A_117 = arith.constant 0 : i32
          %cond3A_118 = arith.cmpi ne, %convert_element_type3A_116, %cond3A_117 : i32
          scf.if %cond3A_118 {
            %add3A_125 = arith.constant 1 : i32
            %add3A_126 = arith.addi %add3A_101, %add3A_125 : i32
            %dma_start3A_127 = arith.constant 0 : i32
            %dma_start3A_128 = tpu.memref_slice %arg8[%add3A_126, %dma_start3A_127] : memref<8x512xi32, #tpu.memory_space<vmem>> -> memref<1x512xi32, #tpu.memory_space<vmem>>
            %dma_start3A_129 = tpu.memref_squeeze %dma_start3A_128 : memref<1x512xi32, #tpu.memory_space<vmem>> -> memref<512xi32, #tpu.memory_space<vmem>>
            %dma_start3A_130 = arith.constant 0 : i32
            %dma_start3A_131 = arith.constant 0 : i32
            %dma_start3A_132 = tpu.memref_slice %arg5[%dma_start3A_130, %dma_start3A_131] : memref<100352x16xf32, #tpu.memory_space<hbm>> -> memref<100352x16xf32, #tpu.memory_space<hbm>>
            tpu.enqueue_indirect_dma source(%dma_start3A_132 : memref<100352x16xf32, #tpu.memory_space<hbm>>) target(%arg10 : memref<512x16xf32, #tpu.memory_space<vmem>>) offsets(%dma_start3A_129 : memref<512xi32, #tpu.memory_space<vmem>>) semaphore(%arg11 : memref<!tpu.dma_semaphore, #tpu.memory_space<semaphore_mem>>)
          } else {
          }
          %dma_wait3A_119 = arith.constant 0 : i32
          %dma_wait3A_120 = tpu.memref_slice %arg8[%add3A_101, %dma_wait3A_119] : memref<8x512xi32, #tpu.memory_space<vmem>> -> memref<1x512xi32, #tpu.memory_space<vmem>>
          %dma_wait3A_121 = tpu.memref_squeeze %dma_wait3A_120 : memref<1x512xi32, #tpu.memory_space<vmem>> -> memref<512xi32, #tpu.memory_space<vmem>>
          %dma_wait3A_122 = arith.constant 0 : i32
          %dma_wait3A_123 = arith.constant 0 : i32
          %dma_wait3A_124 = tpu.memref_slice %arg5[%dma_wait3A_122, %dma_wait3A_123] : memref<100352x16xf32, #tpu.memory_space<hbm>> -> memref<100352x16xf32, #tpu.memory_space<hbm>>
          tpu.wait_indirect_dma semaphore(%arg13 : memref<!tpu.dma_semaphore, #tpu.memory_space<semaphore_mem>>) src(%dma_wait3A_124 : memref<100352x16xf32, #tpu.memory_space<hbm>>) dst(%arg12 : memref<512x16xf32, #tpu.memory_space<vmem>>)
          "tpu.region"() ({
            %run_scoped3A = tpu.sem_alloc : memref<!tpu.dma_semaphore, #tpu.memory_space<semaphore_mem>>
            %dma_start3A_125 = arith.constant 0 : i32
            %dma_start3A_126 = tpu.memref_slice %arg9[%add3A_101, %dma_start3A_125] : memref<8x512xi32, #tpu.memory_space<vmem>> -> memref<1x512xi32, #tpu.memory_space<vmem>>
            %dma_start3A_127 = tpu.memref_squeeze %dma_start3A_126 : memref<1x512xi32, #tpu.memory_space<vmem>> -> memref<512xi32, #tpu.memory_space<vmem>>
            %dma_start3A_128 = arith.constant 0 : i32
            %dma_start3A_129 = arith.constant 0 : i32
            %dma_start3A_130 = tpu.memref_slice %arg14[%dma_start3A_128, %dma_start3A_129] : memref<100352x16xf32, #tpu.memory_space<vmem_shared>> -> memref<100352x16xf32, #tpu.memory_space<vmem_shared>>
            tpu.enqueue_indirect_dma source(%arg12 : memref<512x16xf32, #tpu.memory_space<vmem>>) target(%dma_start3A_130 : memref<100352x16xf32, #tpu.memory_space<vmem_shared>>) offsets(%dma_start3A_127 : memref<512xi32, #tpu.memory_space<vmem>>) semaphore(%run_scoped3A : memref<!tpu.dma_semaphore, #tpu.memory_space<semaphore_mem>>) {add = true}
            %dma_wait3A_131 = arith.constant 0 : i32
            %dma_wait3A_132 = tpu.memref_slice %arg9[%add3A_101, %dma_wait3A_131] : memref<8x512xi32, #tpu.memory_space<vmem>> -> memref<1x512xi32, #tpu.memory_space<vmem>>
            %dma_wait3A_133 = tpu.memref_squeeze %dma_wait3A_132 : memref<1x512xi32, #tpu.memory_space<vmem>> -> memref<512xi32, #tpu.memory_space<vmem>>
            %dma_wait3A_134 = arith.constant 0 : i32
            %dma_wait3A_135 = arith.constant 0 : i32
            %dma_wait3A_136 = tpu.memref_slice %arg14[%dma_wait3A_134, %dma_wait3A_135] : memref<100352x16xf32, #tpu.memory_space<vmem_shared>> -> memref<100352x16xf32, #tpu.memory_space<vmem_shared>>
            tpu.wait_indirect_dma semaphore(%run_scoped3A : memref<!tpu.dma_semaphore, #tpu.memory_space<semaphore_mem>>) src(%arg12 : memref<512x16xf32, #tpu.memory_space<vmem>>) dst(%dma_wait3A_136 : memref<100352x16xf32, #tpu.memory_space<vmem_shared>>)
            tpu.yield
          }) : () -> ()
        }
        %scan3A_92 = arith.constant 4 : i32
      }
      %while3A_57 = arith.constant 1 : i32
      scf.for %while3A_77 = %while3A_55 to %while3A_51 step %while3A_57  : i32 {
        %mul3A_78 = arith.muli %while3A_77, %while3A : i32
        %add3A_79 = arith.addi %while3A_48, %mul3A_78 : i32
        %mul3A_80 = arith.constant 8 : i32
        %mul3A_81 = arith.muli %add3A_79, %mul3A_80 : i32
        %add3A_82 = arith.addi %mul3A_19, %mul3A_81 : i32
        "tpu.region"() ({
          %run_scoped3A = tpu.sem_alloc : memref<!tpu.dma_semaphore, #tpu.memory_space<semaphore_mem>>
          %dma_start3A_93 = arith.constant 0 : i32
          %dma_start3A_94 = tpu.memref_slice %arg2[%add3A_82, %dma_start3A_93] : memref<6250x512xi32, #tpu.memory_space<hbm>> -> memref<8x512xi32, #tpu.memory_space<hbm>>
          %dma_start3A_95 = arith.constant 0 : i32
          %dma_start3A_96 = tpu.memref_slice %arg2[%add3A_82, %dma_start3A_95] : memref<6250x512xi32, #tpu.memory_space<hbm>> -> memref<8x512xi32, #tpu.memory_space<hbm>>
          tpu.enqueue_dma source(%dma_start3A_96 : memref<8x512xi32, #tpu.memory_space<hbm>>) target(%arg8 : memref<8x512xi32, #tpu.memory_space<vmem>>) target_semaphore(%run_scoped3A : memref<!tpu.dma_semaphore, #tpu.memory_space<semaphore_mem>>)
          %dma_wait3A = arith.constant 0 : i32
          %dma_wait3A_97 = tpu.memref_slice %arg2[%add3A_82, %dma_wait3A] : memref<6250x512xi32, #tpu.memory_space<hbm>> -> memref<8x512xi32, #tpu.memory_space<hbm>>
          %dma_wait3A_98 = arith.constant 0 : i32
          %dma_wait3A_99 = tpu.memref_slice %arg2[%add3A_82, %dma_wait3A_98] : memref<6250x512xi32, #tpu.memory_space<hbm>> -> memref<8x512xi32, #tpu.memory_space<hbm>>
          tpu.wait_dma2 semaphore(%run_scoped3A : memref<!tpu.dma_semaphore, #tpu.memory_space<semaphore_mem>>) src(%dma_wait3A_99 : memref<8x512xi32, #tpu.memory_space<hbm>>) dst(%arg8 : memref<8x512xi32, #tpu.memory_space<vmem>>)
          tpu.yield
        }) : () -> ()
        "tpu.region"() ({
          %run_scoped3A = tpu.sem_alloc : memref<!tpu.dma_semaphore, #tpu.memory_space<semaphore_mem>>
          %dma_start3A_93 = arith.constant 0 : i32
          %dma_start3A_94 = tpu.memref_slice %arg3[%add3A_82, %dma_start3A_93] : memref<6250x512xi32, #tpu.memory_space<hbm>> -> memref<8x512xi32, #tpu.memory_space<hbm>>
          %dma_start3A_95 = arith.constant 0 : i32
          %dma_start3A_96 = tpu.memref_slice %arg3[%add3A_82, %dma_start3A_95] : memref<6250x512xi32, #tpu.memory_space<hbm>> -> memref<8x512xi32, #tpu.memory_space<hbm>>
          tpu.enqueue_dma source(%dma_start3A_96 : memref<8x512xi32, #tpu.memory_space<hbm>>) target(%arg9 : memref<8x512xi32, #tpu.memory_space<vmem>>) target_semaphore(%run_scoped3A : memref<!tpu.dma_semaphore, #tpu.memory_space<semaphore_mem>>)
          %dma_wait3A = arith.constant 0 : i32
          %dma_wait3A_97 = tpu.memref_slice %arg3[%add3A_82, %dma_wait3A] : memref<6250x512xi32, #tpu.memory_space<hbm>> -> memref<8x512xi32, #tpu.memory_space<hbm>>
          %dma_wait3A_98 = arith.constant 0 : i32
          %dma_wait3A_99 = tpu.memref_slice %arg3[%add3A_82, %dma_wait3A_98] : memref<6250x512xi32, #tpu.memory_space<hbm>> -> memref<8x512xi32, #tpu.memory_space<hbm>>
          tpu.wait_dma2 semaphore(%run_scoped3A : memref<!tpu.dma_semaphore, #tpu.memory_space<semaphore_mem>>) src(%dma_wait3A_99 : memref<8x512xi32, #tpu.memory_space<hbm>>) dst(%arg9 : memref<8x512xi32, #tpu.memory_space<vmem>>)
          tpu.yield
        }) : () -> ()
        %dma_start3A = arith.constant 0 : i32
        %dma_start3A_83 = arith.constant 0 : i32
        %dma_start3A_84 = tpu.memref_slice %arg8[%dma_start3A, %dma_start3A_83] : memref<8x512xi32, #tpu.memory_space<vmem>> -> memref<1x512xi32, #tpu.memory_space<vmem>>
        %dma_start3A_85 = tpu.memref_squeeze %dma_start3A_84 : memref<1x512xi32, #tpu.memory_space<vmem>> -> memref<512xi32, #tpu.memory_space<vmem>>
        %dma_start3A_86 = arith.constant 0 : i32
        %dma_start3A_87 = arith.constant 0 : i32
        %dma_start3A_88 = tpu.memref_slice %arg5[%dma_start3A_86, %dma_start3A_87] : memref<100352x16xf32, #tpu.memory_space<hbm>> -> memref<100352x16xf32, #tpu.memory_space<hbm>>
        tpu.enqueue_indirect_dma source(%dma_start3A_88 : memref<100352x16xf32, #tpu.memory_space<hbm>>) target(%arg10 : memref<512x16xf32, #tpu.memory_space<vmem>>) offsets(%dma_start3A_85 : memref<512xi32, #tpu.memory_space<vmem>>) semaphore(%arg11 : memref<!tpu.dma_semaphore, #tpu.memory_space<semaphore_mem>>)
        %scan3A = arith.constant 0 : i32
        %scan3A_89 = arith.constant 4 : i32
        %scan3A_90 = arith.addi %scan3A, %scan3A_89 : i32
        %scan3A_91 = arith.constant 1 : i32
        scf.for %scan3A_93 = %scan3A to %scan3A_90 step %scan3A_91  : i32 {
          %mul3A_94 = arith.constant 1 : i32
          %mul3A_95 = arith.muli %scan3A_93, %mul3A_94 : i32
          %add3A_96 = arith.constant 0 : i32
          %add3A_97 = arith.addi %add3A_96, %mul3A_95 : i32
          %mul3A_98 = arith.constant 2 : i32
          %mul3A_99 = arith.muli %mul3A_98, %add3A_97 : i32
          %add3A_100 = arith.constant 1 : i32
          %add3A_101 = arith.addi %mul3A_99, %add3A_100 : i32
          %dma_start3A_102 = arith.constant 0 : i32
          %dma_start3A_103 = tpu.memref_slice %arg8[%add3A_101, %dma_start3A_102] : memref<8x512xi32, #tpu.memory_space<vmem>> -> memref<1x512xi32, #tpu.memory_space<vmem>>
          %dma_start3A_104 = tpu.memref_squeeze %dma_start3A_103 : memref<1x512xi32, #tpu.memory_space<vmem>> -> memref<512xi32, #tpu.memory_space<vmem>>
          %dma_start3A_105 = arith.constant 0 : i32
          %dma_start3A_106 = arith.constant 0 : i32
          %dma_start3A_107 = tpu.memref_slice %arg5[%dma_start3A_105, %dma_start3A_106] : memref<100352x16xf32, #tpu.memory_space<hbm>> -> memref<100352x16xf32, #tpu.memory_space<hbm>>
          tpu.enqueue_indirect_dma source(%dma_start3A_107 : memref<100352x16xf32, #tpu.memory_space<hbm>>) target(%arg12 : memref<512x16xf32, #tpu.memory_space<vmem>>) offsets(%dma_start3A_104 : memref<512xi32, #tpu.memory_space<vmem>>) semaphore(%arg13 : memref<!tpu.dma_semaphore, #tpu.memory_space<semaphore_mem>>)
          %dma_wait3A = arith.constant 0 : i32
          %dma_wait3A_108 = tpu.memref_slice %arg8[%mul3A_99, %dma_wait3A] : memref<8x512xi32, #tpu.memory_space<vmem>> -> memref<1x512xi32, #tpu.memory_space<vmem>>
          %dma_wait3A_109 = tpu.memref_squeeze %dma_wait3A_108 : memref<1x512xi32, #tpu.memory_space<vmem>> -> memref<512xi32, #tpu.memory_space<vmem>>
          %dma_wait3A_110 = arith.constant 0 : i32
          %dma_wait3A_111 = arith.constant 0 : i32
          %dma_wait3A_112 = tpu.memref_slice %arg5[%dma_wait3A_110, %dma_wait3A_111] : memref<100352x16xf32, #tpu.memory_space<hbm>> -> memref<100352x16xf32, #tpu.memory_space<hbm>>
          tpu.wait_indirect_dma semaphore(%arg11 : memref<!tpu.dma_semaphore, #tpu.memory_space<semaphore_mem>>) src(%dma_wait3A_112 : memref<100352x16xf32, #tpu.memory_space<hbm>>) dst(%arg10 : memref<512x16xf32, #tpu.memory_space<vmem>>)
          "tpu.region"() ({
            %run_scoped3A = tpu.sem_alloc : memref<!tpu.dma_semaphore, #tpu.memory_space<semaphore_mem>>
            %dma_start3A_125 = arith.constant 0 : i32
            %dma_start3A_126 = tpu.memref_slice %arg9[%mul3A_99, %dma_start3A_125] : memref<8x512xi32, #tpu.memory_space<vmem>> -> memref<1x512xi32, #tpu.memory_space<vmem>>
            %dma_start3A_127 = tpu.memref_squeeze %dma_start3A_126 : memref<1x512xi32, #tpu.memory_space<vmem>> -> memref<512xi32, #tpu.memory_space<vmem>>
            %dma_start3A_128 = arith.constant 0 : i32
            %dma_start3A_129 = arith.constant 0 : i32
            %dma_start3A_130 = tpu.memref_slice %arg14[%dma_start3A_128, %dma_start3A_129] : memref<100352x16xf32, #tpu.memory_space<vmem_shared>> -> memref<100352x16xf32, #tpu.memory_space<vmem_shared>>
            tpu.enqueue_indirect_dma source(%arg10 : memref<512x16xf32, #tpu.memory_space<vmem>>) target(%dma_start3A_130 : memref<100352x16xf32, #tpu.memory_space<vmem_shared>>) offsets(%dma_start3A_127 : memref<512xi32, #tpu.memory_space<vmem>>) semaphore(%run_scoped3A : memref<!tpu.dma_semaphore, #tpu.memory_space<semaphore_mem>>) {add = true}
            %dma_wait3A_131 = arith.constant 0 : i32
            %dma_wait3A_132 = tpu.memref_slice %arg9[%mul3A_99, %dma_wait3A_131] : memref<8x512xi32, #tpu.memory_space<vmem>> -> memref<1x512xi32, #tpu.memory_space<vmem>>
            %dma_wait3A_133 = tpu.memref_squeeze %dma_wait3A_132 : memref<1x512xi32, #tpu.memory_space<vmem>> -> memref<512xi32, #tpu.memory_space<vmem>>
            %dma_wait3A_134 = arith.constant 0 : i32
            %dma_wait3A_135 = arith.constant 0 : i32
            %dma_wait3A_136 = tpu.memref_slice %arg14[%dma_wait3A_134, %dma_wait3A_135] : memref<100352x16xf32, #tpu.memory_space<vmem_shared>> -> memref<100352x16xf32, #tpu.memory_space<vmem_shared>>
            tpu.wait_indirect_dma semaphore(%run_scoped3A : memref<!tpu.dma_semaphore, #tpu.memory_space<semaphore_mem>>) src(%arg10 : memref<512x16xf32, #tpu.memory_space<vmem>>) dst(%dma_wait3A_136 : memref<100352x16xf32, #tpu.memory_space<vmem_shared>>)
            tpu.yield
          }) : () -> ()
          %add3A_113 = arith.constant 1 : i32
          %add3A_114 = arith.addi %add3A_101, %add3A_113 : i32
          %lt3A = arith.constant 8 : i32
          %lt3A_115 = arith.cmpi slt, %add3A_114, %lt3A : i32
          %convert_element_type3A_116 = arith.extui %lt3A_115 : i1 to i32
          %cond3A_117 = arith.constant 0 : i32
          %cond3A_118 = arith.cmpi ne, %convert_element_type3A_116, %cond3A_117 : i32
          scf.if %cond3A_118 {
            %add3A_125 = arith.constant 1 : i32
            %add3A_126 = arith.addi %add3A_101, %add3A_125 : i32
            %dma_start3A_127 = arith.constant 0 : i32
            %dma_start3A_128 = tpu.memref_slice %arg8[%add3A_126, %dma_start3A_127] : memref<8x512xi32, #tpu.memory_space<vmem>> -> memref<1x512xi32, #tpu.memory_space<vmem>>
            %dma_start3A_129 = tpu.memref_squeeze %dma_start3A_128 : memref<1x512xi32, #tpu.memory_space<vmem>> -> memref<512xi32, #tpu.memory_space<vmem>>
            %dma_start3A_130 = arith.constant 0 : i32
            %dma_start3A_131 = arith.constant 0 : i32
            %dma_start3A_132 = tpu.memref_slice %arg5[%dma_start3A_130, %dma_start3A_131] : memref<100352x16xf32, #tpu.memory_space<hbm>> -> memref<100352x16xf32, #tpu.memory_space<hbm>>
            tpu.enqueue_indirect_dma source(%dma_start3A_132 : memref<100352x16xf32, #tpu.memory_space<hbm>>) target(%arg10 : memref<512x16xf32, #tpu.memory_space<vmem>>) offsets(%dma_start3A_129 : memref<512xi32, #tpu.memory_space<vmem>>) semaphore(%arg11 : memref<!tpu.dma_semaphore, #tpu.memory_space<semaphore_mem>>)
          } else {
          }
          %dma_wait3A_119 = arith.constant 0 : i32
          %dma_wait3A_120 = tpu.memref_slice %arg8[%add3A_101, %dma_wait3A_119] : memref<8x512xi32, #tpu.memory_space<vmem>> -> memref<1x512xi32, #tpu.memory_space<vmem>>
          %dma_wait3A_121 = tpu.memref_squeeze %dma_wait3A_120 : memref<1x512xi32, #tpu.memory_space<vmem>> -> memref<512xi32, #tpu.memory_space<vmem>>
          %dma_wait3A_122 = arith.constant 0 : i32
          %dma_wait3A_123 = arith.constant 0 : i32
          %dma_wait3A_124 = tpu.memref_slice %arg5[%dma_wait3A_122, %dma_wait3A_123] : memref<100352x16xf32, #tpu.memory_space<hbm>> -> memref<100352x16xf32, #tpu.memory_space<hbm>>
          tpu.wait_indirect_dma semaphore(%arg13 : memref<!tpu.dma_semaphore, #tpu.memory_space<semaphore_mem>>) src(%dma_wait3A_124 : memref<100352x16xf32, #tpu.memory_space<hbm>>) dst(%arg12 : memref<512x16xf32, #tpu.memory_space<vmem>>)
          "tpu.region"() ({
            %run_scoped3A = tpu.sem_alloc : memref<!tpu.dma_semaphore, #tpu.memory_space<semaphore_mem>>
            %dma_start3A_125 = arith.constant 0 : i32
            %dma_start3A_126 = tpu.memref_slice %arg9[%add3A_101, %dma_start3A_125] : memref<8x512xi32, #tpu.memory_space<vmem>> -> memref<1x512xi32, #tpu.memory_space<vmem>>
            %dma_start3A_127 = tpu.memref_squeeze %dma_start3A_126 : memref<1x512xi32, #tpu.memory_space<vmem>> -> memref<512xi32, #tpu.memory_space<vmem>>
            %dma_start3A_128 = arith.constant 0 : i32
            %dma_start3A_129 = arith.constant 0 : i32
            %dma_start3A_130 = tpu.memref_slice %arg14[%dma_start3A_128, %dma_start3A_129] : memref<100352x16xf32, #tpu.memory_space<vmem_shared>> -> memref<100352x16xf32, #tpu.memory_space<vmem_shared>>
            tpu.enqueue_indirect_dma source(%arg12 : memref<512x16xf32, #tpu.memory_space<vmem>>) target(%dma_start3A_130 : memref<100352x16xf32, #tpu.memory_space<vmem_shared>>) offsets(%dma_start3A_127 : memref<512xi32, #tpu.memory_space<vmem>>) semaphore(%run_scoped3A : memref<!tpu.dma_semaphore, #tpu.memory_space<semaphore_mem>>) {add = true}
            %dma_wait3A_131 = arith.constant 0 : i32
            %dma_wait3A_132 = tpu.memref_slice %arg9[%add3A_101, %dma_wait3A_131] : memref<8x512xi32, #tpu.memory_space<vmem>> -> memref<1x512xi32, #tpu.memory_space<vmem>>
            %dma_wait3A_133 = tpu.memref_squeeze %dma_wait3A_132 : memref<1x512xi32, #tpu.memory_space<vmem>> -> memref<512xi32, #tpu.memory_space<vmem>>
            %dma_wait3A_134 = arith.constant 0 : i32
            %dma_wait3A_135 = arith.constant 0 : i32
            %dma_wait3A_136 = tpu.memref_slice %arg14[%dma_wait3A_134, %dma_wait3A_135] : memref<100352x16xf32, #tpu.memory_space<vmem_shared>> -> memref<100352x16xf32, #tpu.memory_space<vmem_shared>>
            tpu.wait_indirect_dma semaphore(%run_scoped3A : memref<!tpu.dma_semaphore, #tpu.memory_space<semaphore_mem>>) src(%arg12 : memref<512x16xf32, #tpu.memory_space<vmem>>) dst(%dma_wait3A_136 : memref<100352x16xf32, #tpu.memory_space<vmem_shared>>)
            tpu.yield
          }) : () -> ()
        }
        %scan3A_92 = arith.constant 4 : i32
      }
      %sub3A_58 = arith.constant 0 : i32
      %sub3A_59 = arith.subi %sub3A_40, %sub3A_58 : i32
      %sub3A_60 = arith.constant 1 : i32
      %sub3A_61 = arith.constant 1 : i32
      %sub3A_62 = arith.subi %sub3A_60, %sub3A_61 : i32
      %add3A_63 = arith.addi %sub3A_59, %sub3A_62 : i32
      %div3A_64 = arith.constant 1 : i32
      %div3A_65 = arith.divsi %add3A_63, %div3A_64 : i32
      %while3A_66 = arith.constant 1 : i32
      %while3A_67 = arith.constant 0 : i32
      %while3A_68 = arith.constant 0 : i32
      %while3A_69 = arith.subi %div3A_65, %while3A_68 : i32
      %while3A_70 = arith.addi %while3A_68, %while3A_69 : i32
      %while3A_71 = arith.constant 1 : i32
      %while3A_72 = arith.divsi %while3A_69, %while3A_71 : i32
      %while3A_73 = arith.muli %while3A_72, %while3A_71 : i32
      %while3A_74 = arith.addi %while3A_68, %while3A_73 : i32
      %while3A_75 = arith.constant 1 : i32
      scf.for %while3A_77 = %while3A_68 to %while3A_74 step %while3A_75  : i32 {
        %mul3A_78 = arith.muli %while3A_77, %while3A_66 : i32
        %add3A_79 = arith.addi %while3A_67, %mul3A_78 : i32
        %mul3A_80 = arith.constant 8 : i32
        %mul3A_81 = arith.muli %select_n3A_37, %mul3A_80 : i32
        %add3A_82 = arith.addi %mul3A_19, %mul3A_81 : i32
        %add3A_83 = arith.addi %add3A_82, %add3A_79 : i32
        "tpu.region"() ({
          %run_scoped3A_96 = tpu.sem_alloc : memref<!tpu.dma_semaphore, #tpu.memory_space<semaphore_mem>>
          %dma_start3A_97 = arith.constant 0 : i32
          %dma_start3A_98 = arith.constant 0 : i32
          %dma_start3A_99 = tpu.memref_slice %arg8[%dma_start3A_97, %dma_start3A_98] : memref<8x512xi32, #tpu.memory_space<vmem>> -> memref<1x512xi32, #tpu.memory_space<vmem>>
          %dma_start3A_100 = arith.constant 0 : i32
          %dma_start3A_101 = tpu.memref_slice %arg2[%add3A_83, %dma_start3A_100] : memref<6250x512xi32, #tpu.memory_space<hbm>> -> memref<1x512xi32, #tpu.memory_space<hbm>>
          %dma_start3A_102 = arith.constant 0 : i32
          %dma_start3A_103 = arith.constant 0 : i32
          %dma_start3A_104 = tpu.memref_slice %arg8[%dma_start3A_102, %dma_start3A_103] : memref<8x512xi32, #tpu.memory_space<vmem>> -> memref<1x512xi32, #tpu.memory_space<vmem>>
          %dma_start3A_105 = arith.constant 0 : i32
          %dma_start3A_106 = tpu.memref_slice %arg2[%add3A_83, %dma_start3A_105] : memref<6250x512xi32, #tpu.memory_space<hbm>> -> memref<1x512xi32, #tpu.memory_space<hbm>>
          tpu.enqueue_dma source(%dma_start3A_106 : memref<1x512xi32, #tpu.memory_space<hbm>>) target(%dma_start3A_104 : memref<1x512xi32, #tpu.memory_space<vmem>>) target_semaphore(%run_scoped3A_96 : memref<!tpu.dma_semaphore, #tpu.memory_space<semaphore_mem>>)
          %dma_wait3A_107 = arith.constant 0 : i32
          %dma_wait3A_108 = arith.constant 0 : i32
          %dma_wait3A_109 = tpu.memref_slice %arg8[%dma_wait3A_107, %dma_wait3A_108] : memref<8x512xi32, #tpu.memory_space<vmem>> -> memref<1x512xi32, #tpu.memory_space<vmem>>
          %dma_wait3A_110 = arith.constant 0 : i32
          %dma_wait3A_111 = tpu.memref_slice %arg2[%add3A_83, %dma_wait3A_110] : memref<6250x512xi32, #tpu.memory_space<hbm>> -> memref<1x512xi32, #tpu.memory_space<hbm>>
          %dma_wait3A_112 = arith.constant 0 : i32
          %dma_wait3A_113 = arith.constant 0 : i32
          %dma_wait3A_114 = tpu.memref_slice %arg8[%dma_wait3A_112, %dma_wait3A_113] : memref<8x512xi32, #tpu.memory_space<vmem>> -> memref<1x512xi32, #tpu.memory_space<vmem>>
          %dma_wait3A_115 = arith.constant 0 : i32
          %dma_wait3A_116 = tpu.memref_slice %arg2[%add3A_83, %dma_wait3A_115] : memref<6250x512xi32, #tpu.memory_space<hbm>> -> memref<1x512xi32, #tpu.memory_space<hbm>>
          tpu.wait_dma2 semaphore(%run_scoped3A_96 : memref<!tpu.dma_semaphore, #tpu.memory_space<semaphore_mem>>) src(%dma_wait3A_116 : memref<1x512xi32, #tpu.memory_space<hbm>>) dst(%dma_wait3A_114 : memref<1x512xi32, #tpu.memory_space<vmem>>)
          tpu.yield
        }) : () -> ()
        "tpu.region"() ({
          %run_scoped3A_96 = tpu.sem_alloc : memref<!tpu.dma_semaphore, #tpu.memory_space<semaphore_mem>>
          %dma_start3A_97 = arith.constant 0 : i32
          %dma_start3A_98 = arith.constant 0 : i32
          %dma_start3A_99 = tpu.memref_slice %arg9[%dma_start3A_97, %dma_start3A_98] : memref<8x512xi32, #tpu.memory_space<vmem>> -> memref<1x512xi32, #tpu.memory_space<vmem>>
          %dma_start3A_100 = arith.constant 0 : i32
          %dma_start3A_101 = tpu.memref_slice %arg3[%add3A_83, %dma_start3A_100] : memref<6250x512xi32, #tpu.memory_space<hbm>> -> memref<1x512xi32, #tpu.memory_space<hbm>>
          %dma_start3A_102 = arith.constant 0 : i32
          %dma_start3A_103 = arith.constant 0 : i32
          %dma_start3A_104 = tpu.memref_slice %arg9[%dma_start3A_102, %dma_start3A_103] : memref<8x512xi32, #tpu.memory_space<vmem>> -> memref<1x512xi32, #tpu.memory_space<vmem>>
          %dma_start3A_105 = arith.constant 0 : i32
          %dma_start3A_106 = tpu.memref_slice %arg3[%add3A_83, %dma_start3A_105] : memref<6250x512xi32, #tpu.memory_space<hbm>> -> memref<1x512xi32, #tpu.memory_space<hbm>>
          tpu.enqueue_dma source(%dma_start3A_106 : memref<1x512xi32, #tpu.memory_space<hbm>>) target(%dma_start3A_104 : memref<1x512xi32, #tpu.memory_space<vmem>>) target_semaphore(%run_scoped3A_96 : memref<!tpu.dma_semaphore, #tpu.memory_space<semaphore_mem>>)
          %dma_wait3A_107 = arith.constant 0 : i32
          %dma_wait3A_108 = arith.constant 0 : i32
          %dma_wait3A_109 = tpu.memref_slice %arg9[%dma_wait3A_107, %dma_wait3A_108] : memref<8x512xi32, #tpu.memory_space<vmem>> -> memref<1x512xi32, #tpu.memory_space<vmem>>
          %dma_wait3A_110 = arith.constant 0 : i32
          %dma_wait3A_111 = tpu.memref_slice %arg3[%add3A_83, %dma_wait3A_110] : memref<6250x512xi32, #tpu.memory_space<hbm>> -> memref<1x512xi32, #tpu.memory_space<hbm>>
          %dma_wait3A_112 = arith.constant 0 : i32
          %dma_wait3A_113 = arith.constant 0 : i32
          %dma_wait3A_114 = tpu.memref_slice %arg9[%dma_wait3A_112, %dma_wait3A_113] : memref<8x512xi32, #tpu.memory_space<vmem>> -> memref<1x512xi32, #tpu.memory_space<vmem>>
          %dma_wait3A_115 = arith.constant 0 : i32
          %dma_wait3A_116 = tpu.memref_slice %arg3[%add3A_83, %dma_wait3A_115] : memref<6250x512xi32, #tpu.memory_space<hbm>> -> memref<1x512xi32, #tpu.memory_space<hbm>>
          tpu.wait_dma2 semaphore(%run_scoped3A_96 : memref<!tpu.dma_semaphore, #tpu.memory_space<semaphore_mem>>) src(%dma_wait3A_116 : memref<1x512xi32, #tpu.memory_space<hbm>>) dst(%dma_wait3A_114 : memref<1x512xi32, #tpu.memory_space<vmem>>)
          tpu.yield
        }) : () -> ()
        %dma_start3A = arith.constant 0 : i32
        %dma_start3A_84 = arith.constant 0 : i32
        %dma_start3A_85 = tpu.memref_slice %arg8[%dma_start3A, %dma_start3A_84] : memref<8x512xi32, #tpu.memory_space<vmem>> -> memref<1x512xi32, #tpu.memory_space<vmem>>
        %dma_start3A_86 = tpu.memref_squeeze %dma_start3A_85 : memref<1x512xi32, #tpu.memory_space<vmem>> -> memref<512xi32, #tpu.memory_space<vmem>>
        %dma_start3A_87 = arith.constant 0 : i32
        %dma_start3A_88 = arith.constant 0 : i32
        %dma_start3A_89 = tpu.memref_slice %arg5[%dma_start3A_87, %dma_start3A_88] : memref<100352x16xf32, #tpu.memory_space<hbm>> -> memref<100352x16xf32, #tpu.memory_space<hbm>>
        tpu.enqueue_indirect_dma source(%dma_start3A_89 : memref<100352x16xf32, #tpu.memory_space<hbm>>) target(%arg10 : memref<512x16xf32, #tpu.memory_space<vmem>>) offsets(%dma_start3A_86 : memref<512xi32, #tpu.memory_space<vmem>>) semaphore(%arg11 : memref<!tpu.dma_semaphore, #tpu.memory_space<semaphore_mem>>)
        %dma_wait3A = arith.constant 0 : i32
        %dma_wait3A_90 = arith.constant 0 : i32
        %dma_wait3A_91 = tpu.memref_slice %arg8[%dma_wait3A, %dma_wait3A_90] : memref<8x512xi32, #tpu.memory_space<vmem>> -> memref<1x512xi32, #tpu.memory_space<vmem>>
        %dma_wait3A_92 = tpu.memref_squeeze %dma_wait3A_91 : memref<1x512xi32, #tpu.memory_space<vmem>> -> memref<512xi32, #tpu.memory_space<vmem>>
        %dma_wait3A_93 = arith.constant 0 : i32
        %dma_wait3A_94 = arith.constant 0 : i32
        %dma_wait3A_95 = tpu.memref_slice %arg5[%dma_wait3A_93, %dma_wait3A_94] : memref<100352x16xf32, #tpu.memory_space<hbm>> -> memref<100352x16xf32, #tpu.memory_space<hbm>>
        tpu.wait_indirect_dma semaphore(%arg11 : memref<!tpu.dma_semaphore, #tpu.memory_space<semaphore_mem>>) src(%dma_wait3A_95 : memref<100352x16xf32, #tpu.memory_space<hbm>>) dst(%arg10 : memref<512x16xf32, #tpu.memory_space<vmem>>)
        %run_scoped3A = arith.constant 0 : i32
        "tpu.region"() ({
          %run_scoped3A_96 = tpu.sem_alloc : memref<!tpu.dma_semaphore, #tpu.memory_space<semaphore_mem>>
          %dma_start3A_97 = arith.constant 0 : i32
          %dma_start3A_98 = tpu.memref_slice %arg9[%run_scoped3A, %dma_start3A_97] : memref<8x512xi32, #tpu.memory_space<vmem>> -> memref<1x512xi32, #tpu.memory_space<vmem>>
          %dma_start3A_99 = tpu.memref_squeeze %dma_start3A_98 : memref<1x512xi32, #tpu.memory_space<vmem>> -> memref<512xi32, #tpu.memory_space<vmem>>
          %dma_start3A_100 = arith.constant 0 : i32
          %dma_start3A_101 = arith.constant 0 : i32
          %dma_start3A_102 = tpu.memref_slice %arg14[%dma_start3A_100, %dma_start3A_101] : memref<100352x16xf32, #tpu.memory_space<vmem_shared>> -> memref<100352x16xf32, #tpu.memory_space<vmem_shared>>
          tpu.enqueue_indirect_dma source(%arg10 : memref<512x16xf32, #tpu.memory_space<vmem>>) target(%dma_start3A_102 : memref<100352x16xf32, #tpu.memory_space<vmem_shared>>) offsets(%dma_start3A_99 : memref<512xi32, #tpu.memory_space<vmem>>) semaphore(%run_scoped3A_96 : memref<!tpu.dma_semaphore, #tpu.memory_space<semaphore_mem>>) {add = true}
          %dma_wait3A_103 = arith.constant 0 : i32
          %dma_wait3A_104 = tpu.memref_slice %arg9[%run_scoped3A, %dma_wait3A_103] : memref<8x512xi32, #tpu.memory_space<vmem>> -> memref<1x512xi32, #tpu.memory_space<vmem>>
          %dma_wait3A_105 = tpu.memref_squeeze %dma_wait3A_104 : memref<1x512xi32, #tpu.memory_space<vmem>> -> memref<512xi32, #tpu.memory_space<vmem>>
          %dma_wait3A_106 = arith.constant 0 : i32
          %dma_wait3A_107 = arith.constant 0 : i32
          %dma_wait3A_108 = tpu.memref_slice %arg14[%dma_wait3A_106, %dma_wait3A_107] : memref<100352x16xf32, #tpu.memory_space<vmem_shared>> -> memref<100352x16xf32, #tpu.memory_space<vmem_shared>>
          tpu.wait_indirect_dma semaphore(%run_scoped3A_96 : memref<!tpu.dma_semaphore, #tpu.memory_space<semaphore_mem>>) src(%arg10 : memref<512x16xf32, #tpu.memory_space<vmem>>) dst(%dma_wait3A_108 : memref<100352x16xf32, #tpu.memory_space<vmem_shared>>)
          tpu.yield
        }) : () -> ()
      }
      %while3A_76 = arith.constant 1 : i32
      scf.for %while3A_77 = %while3A_74 to %while3A_70 step %while3A_76  : i32 {
        %mul3A_78 = arith.muli %while3A_77, %while3A_66 : i32
        %add3A_79 = arith.addi %while3A_67, %mul3A_78 : i32
        %mul3A_80 = arith.constant 8 : i32
        %mul3A_81 = arith.muli %select_n3A_37, %mul3A_80 : i32
        %add3A_82 = arith.addi %mul3A_19, %mul3A_81 : i32
        %add3A_83 = arith.addi %add3A_82, %add3A_79 : i32
        "tpu.region"() ({
          %run_scoped3A_96 = tpu.sem_alloc : memref<!tpu.dma_semaphore, #tpu.memory_space<semaphore_mem>>
          %dma_start3A_97 = arith.constant 0 : i32
          %dma_start3A_98 = arith.constant 0 : i32
          %dma_start3A_99 = tpu.memref_slice %arg8[%dma_start3A_97, %dma_start3A_98] : memref<8x512xi32, #tpu.memory_space<vmem>> -> memref<1x512xi32, #tpu.memory_space<vmem>>
          %dma_start3A_100 = arith.constant 0 : i32
          %dma_start3A_101 = tpu.memref_slice %arg2[%add3A_83, %dma_start3A_100] : memref<6250x512xi32, #tpu.memory_space<hbm>> -> memref<1x512xi32, #tpu.memory_space<hbm>>
          %dma_start3A_102 = arith.constant 0 : i32
          %dma_start3A_103 = arith.constant 0 : i32
          %dma_start3A_104 = tpu.memref_slice %arg8[%dma_start3A_102, %dma_start3A_103] : memref<8x512xi32, #tpu.memory_space<vmem>> -> memref<1x512xi32, #tpu.memory_space<vmem>>
          %dma_start3A_105 = arith.constant 0 : i32
          %dma_start3A_106 = tpu.memref_slice %arg2[%add3A_83, %dma_start3A_105] : memref<6250x512xi32, #tpu.memory_space<hbm>> -> memref<1x512xi32, #tpu.memory_space<hbm>>
          tpu.enqueue_dma source(%dma_start3A_106 : memref<1x512xi32, #tpu.memory_space<hbm>>) target(%dma_start3A_104 : memref<1x512xi32, #tpu.memory_space<vmem>>) target_semaphore(%run_scoped3A_96 : memref<!tpu.dma_semaphore, #tpu.memory_space<semaphore_mem>>)
          %dma_wait3A_107 = arith.constant 0 : i32
          %dma_wait3A_108 = arith.constant 0 : i32
          %dma_wait3A_109 = tpu.memref_slice %arg8[%dma_wait3A_107, %dma_wait3A_108] : memref<8x512xi32, #tpu.memory_space<vmem>> -> memref<1x512xi32, #tpu.memory_space<vmem>>
          %dma_wait3A_110 = arith.constant 0 : i32
          %dma_wait3A_111 = tpu.memref_slice %arg2[%add3A_83, %dma_wait3A_110] : memref<6250x512xi32, #tpu.memory_space<hbm>> -> memref<1x512xi32, #tpu.memory_space<hbm>>
          %dma_wait3A_112 = arith.constant 0 : i32
          %dma_wait3A_113 = arith.constant 0 : i32
          %dma_wait3A_114 = tpu.memref_slice %arg8[%dma_wait3A_112, %dma_wait3A_113] : memref<8x512xi32, #tpu.memory_space<vmem>> -> memref<1x512xi32, #tpu.memory_space<vmem>>
          %dma_wait3A_115 = arith.constant 0 : i32
          %dma_wait3A_116 = tpu.memref_slice %arg2[%add3A_83, %dma_wait3A_115] : memref<6250x512xi32, #tpu.memory_space<hbm>> -> memref<1x512xi32, #tpu.memory_space<hbm>>
          tpu.wait_dma2 semaphore(%run_scoped3A_96 : memref<!tpu.dma_semaphore, #tpu.memory_space<semaphore_mem>>) src(%dma_wait3A_116 : memref<1x512xi32, #tpu.memory_space<hbm>>) dst(%dma_wait3A_114 : memref<1x512xi32, #tpu.memory_space<vmem>>)
          tpu.yield
        }) : () -> ()
        "tpu.region"() ({
          %run_scoped3A_96 = tpu.sem_alloc : memref<!tpu.dma_semaphore, #tpu.memory_space<semaphore_mem>>
          %dma_start3A_97 = arith.constant 0 : i32
          %dma_start3A_98 = arith.constant 0 : i32
          %dma_start3A_99 = tpu.memref_slice %arg9[%dma_start3A_97, %dma_start3A_98] : memref<8x512xi32, #tpu.memory_space<vmem>> -> memref<1x512xi32, #tpu.memory_space<vmem>>
          %dma_start3A_100 = arith.constant 0 : i32
          %dma_start3A_101 = tpu.memref_slice %arg3[%add3A_83, %dma_start3A_100] : memref<6250x512xi32, #tpu.memory_space<hbm>> -> memref<1x512xi32, #tpu.memory_space<hbm>>
          %dma_start3A_102 = arith.constant 0 : i32
          %dma_start3A_103 = arith.constant 0 : i32
          %dma_start3A_104 = tpu.memref_slice %arg9[%dma_start3A_102, %dma_start3A_103] : memref<8x512xi32, #tpu.memory_space<vmem>> -> memref<1x512xi32, #tpu.memory_space<vmem>>
          %dma_start3A_105 = arith.constant 0 : i32
          %dma_start3A_106 = tpu.memref_slice %arg3[%add3A_83, %dma_start3A_105] : memref<6250x512xi32, #tpu.memory_space<hbm>> -> memref<1x512xi32, #tpu.memory_space<hbm>>
          tpu.enqueue_dma source(%dma_start3A_106 : memref<1x512xi32, #tpu.memory_space<hbm>>) target(%dma_start3A_104 : memref<1x512xi32, #tpu.memory_space<vmem>>) target_semaphore(%run_scoped3A_96 : memref<!tpu.dma_semaphore, #tpu.memory_space<semaphore_mem>>)
          %dma_wait3A_107 = arith.constant 0 : i32
          %dma_wait3A_108 = arith.constant 0 : i32
          %dma_wait3A_109 = tpu.memref_slice %arg9[%dma_wait3A_107, %dma_wait3A_108] : memref<8x512xi32, #tpu.memory_space<vmem>> -> memref<1x512xi32, #tpu.memory_space<vmem>>
          %dma_wait3A_110 = arith.constant 0 : i32
          %dma_wait3A_111 = tpu.memref_slice %arg3[%add3A_83, %dma_wait3A_110] : memref<6250x512xi32, #tpu.memory_space<hbm>> -> memref<1x512xi32, #tpu.memory_space<hbm>>
          %dma_wait3A_112 = arith.constant 0 : i32
          %dma_wait3A_113 = arith.constant 0 : i32
          %dma_wait3A_114 = tpu.memref_slice %arg9[%dma_wait3A_112, %dma_wait3A_113] : memref<8x512xi32, #tpu.memory_space<vmem>> -> memref<1x512xi32, #tpu.memory_space<vmem>>
          %dma_wait3A_115 = arith.constant 0 : i32
          %dma_wait3A_116 = tpu.memref_slice %arg3[%add3A_83, %dma_wait3A_115] : memref<6250x512xi32, #tpu.memory_space<hbm>> -> memref<1x512xi32, #tpu.memory_space<hbm>>
          tpu.wait_dma2 semaphore(%run_scoped3A_96 : memref<!tpu.dma_semaphore, #tpu.memory_space<semaphore_mem>>) src(%dma_wait3A_116 : memref<1x512xi32, #tpu.memory_space<hbm>>) dst(%dma_wait3A_114 : memref<1x512xi32, #tpu.memory_space<vmem>>)
          tpu.yield
        }) : () -> ()
        %dma_start3A = arith.constant 0 : i32
        %dma_start3A_84 = arith.constant 0 : i32
        %dma_start3A_85 = tpu.memref_slice %arg8[%dma_start3A, %dma_start3A_84] : memref<8x512xi32, #tpu.memory_space<vmem>> -> memref<1x512xi32, #tpu.memory_space<vmem>>
        %dma_start3A_86 = tpu.memref_squeeze %dma_start3A_85 : memref<1x512xi32, #tpu.memory_space<vmem>> -> memref<512xi32, #tpu.memory_space<vmem>>
        %dma_start3A_87 = arith.constant 0 : i32
        %dma_start3A_88 = arith.constant 0 : i32
        %dma_start3A_89 = tpu.memref_slice %arg5[%dma_start3A_87, %dma_start3A_88] : memref<100352x16xf32, #tpu.memory_space<hbm>> -> memref<100352x16xf32, #tpu.memory_space<hbm>>
        tpu.enqueue_indirect_dma source(%dma_start3A_89 : memref<100352x16xf32, #tpu.memory_space<hbm>>) target(%arg10 : memref<512x16xf32, #tpu.memory_space<vmem>>) offsets(%dma_start3A_86 : memref<512xi32, #tpu.memory_space<vmem>>) semaphore(%arg11 : memref<!tpu.dma_semaphore, #tpu.memory_space<semaphore_mem>>)
        %dma_wait3A = arith.constant 0 : i32
        %dma_wait3A_90 = arith.constant 0 : i32
        %dma_wait3A_91 = tpu.memref_slice %arg8[%dma_wait3A, %dma_wait3A_90] : memref<8x512xi32, #tpu.memory_space<vmem>> -> memref<1x512xi32, #tpu.memory_space<vmem>>
        %dma_wait3A_92 = tpu.memref_squeeze %dma_wait3A_91 : memref<1x512xi32, #tpu.memory_space<vmem>> -> memref<512xi32, #tpu.memory_space<vmem>>
        %dma_wait3A_93 = arith.constant 0 : i32
        %dma_wait3A_94 = arith.constant 0 : i32
        %dma_wait3A_95 = tpu.memref_slice %arg5[%dma_wait3A_93, %dma_wait3A_94] : memref<100352x16xf32, #tpu.memory_space<hbm>> -> memref<100352x16xf32, #tpu.memory_space<hbm>>
        tpu.wait_indirect_dma semaphore(%arg11 : memref<!tpu.dma_semaphore, #tpu.memory_space<semaphore_mem>>) src(%dma_wait3A_95 : memref<100352x16xf32, #tpu.memory_space<hbm>>) dst(%arg10 : memref<512x16xf32, #tpu.memory_space<vmem>>)
        %run_scoped3A = arith.constant 0 : i32
        "tpu.region"() ({
          %run_scoped3A_96 = tpu.sem_alloc : memref<!tpu.dma_semaphore, #tpu.memory_space<semaphore_mem>>
          %dma_start3A_97 = arith.constant 0 : i32
          %dma_start3A_98 = tpu.memref_slice %arg9[%run_scoped3A, %dma_start3A_97] : memref<8x512xi32, #tpu.memory_space<vmem>> -> memref<1x512xi32, #tpu.memory_space<vmem>>
          %dma_start3A_99 = tpu.memref_squeeze %dma_start3A_98 : memref<1x512xi32, #tpu.memory_space<vmem>> -> memref<512xi32, #tpu.memory_space<vmem>>
          %dma_start3A_100 = arith.constant 0 : i32
          %dma_start3A_101 = arith.constant 0 : i32
          %dma_start3A_102 = tpu.memref_slice %arg14[%dma_start3A_100, %dma_start3A_101] : memref<100352x16xf32, #tpu.memory_space<vmem_shared>> -> memref<100352x16xf32, #tpu.memory_space<vmem_shared>>
          tpu.enqueue_indirect_dma source(%arg10 : memref<512x16xf32, #tpu.memory_space<vmem>>) target(%dma_start3A_102 : memref<100352x16xf32, #tpu.memory_space<vmem_shared>>) offsets(%dma_start3A_99 : memref<512xi32, #tpu.memory_space<vmem>>) semaphore(%run_scoped3A_96 : memref<!tpu.dma_semaphore, #tpu.memory_space<semaphore_mem>>) {add = true}
          %dma_wait3A_103 = arith.constant 0 : i32
          %dma_wait3A_104 = tpu.memref_slice %arg9[%run_scoped3A, %dma_wait3A_103] : memref<8x512xi32, #tpu.memory_space<vmem>> -> memref<1x512xi32, #tpu.memory_space<vmem>>
          %dma_wait3A_105 = tpu.memref_squeeze %dma_wait3A_104 : memref<1x512xi32, #tpu.memory_space<vmem>> -> memref<512xi32, #tpu.memory_space<vmem>>
          %dma_wait3A_106 = arith.constant 0 : i32
          %dma_wait3A_107 = arith.constant 0 : i32
          %dma_wait3A_108 = tpu.memref_slice %arg14[%dma_wait3A_106, %dma_wait3A_107] : memref<100352x16xf32, #tpu.memory_space<vmem_shared>> -> memref<100352x16xf32, #tpu.memory_space<vmem_shared>>
          tpu.wait_indirect_dma semaphore(%run_scoped3A_96 : memref<!tpu.dma_semaphore, #tpu.memory_space<semaphore_mem>>) src(%arg10 : memref<512x16xf32, #tpu.memory_space<vmem>>) dst(%dma_wait3A_108 : memref<100352x16xf32, #tpu.memory_space<vmem_shared>>)
          tpu.yield
        }) : () -> ()
      }
    } else {
    }
    %barrier3A_13 = arith.constant 0 : index
    tpu.barrier barrier_id(%barrier3A_13)
    %mul3A_14 = arith.constant 6272 : i32
    %mul3A_15 = arith.muli %arg1, %mul3A_14 : i32
    %mul3A_16 = arith.constant 6272 : i32
    %mul3A_17 = arith.muli %arg1, %mul3A_16 : i32
    "tpu.region"() ({
      %run_scoped3A = tpu.sem_alloc : memref<!tpu.dma_semaphore, #tpu.memory_space<semaphore_mem>>
      %dma_start3A = arith.constant 0 : i32
      %dma_start3A_18 = arith.constant 0 : i32
      %dma_start3A_19 = tpu.memref_slice %arg7[%arg0, %dma_start3A, %dma_start3A_18] : memref<2x100352x16xf32, #tpu.memory_space<hbm>> -> memref<1x100352x16xf32, #tpu.memory_space<hbm>>
      %dma_start3A_20 = tpu.memref_squeeze %dma_start3A_19 : memref<1x100352x16xf32, #tpu.memory_space<hbm>> -> memref<100352x16xf32, #tpu.memory_space<hbm>>
      %dma_start3A_21 = arith.constant 0 : i32
      %dma_start3A_22 = tpu.memref_slice %dma_start3A_20[%mul3A_17, %dma_start3A_21] : memref<100352x16xf32, #tpu.memory_space<hbm>> -> memref<6272x16xf32, #tpu.memory_space<hbm>>
      %dma_start3A_23 = arith.constant 0 : i32
      %dma_start3A_24 = tpu.memref_slice %arg14[%mul3A_15, %dma_start3A_23] : memref<100352x16xf32, #tpu.memory_space<vmem_shared>> -> memref<6272x16xf32, #tpu.memory_space<vmem_shared>>
      tpu.enqueue_dma source(%dma_start3A_24 : memref<6272x16xf32, #tpu.memory_space<vmem_shared>>) target(%dma_start3A_22 : memref<6272x16xf32, #tpu.memory_space<hbm>>) target_semaphore(%run_scoped3A : memref<!tpu.dma_semaphore, #tpu.memory_space<semaphore_mem>>)
      %dma_wait3A = arith.constant 0 : i32
      %dma_wait3A_25 = arith.constant 0 : i32
      %dma_wait3A_26 = tpu.memref_slice %arg7[%arg0, %dma_wait3A, %dma_wait3A_25] : memref<2x100352x16xf32, #tpu.memory_space<hbm>> -> memref<1x100352x16xf32, #tpu.memory_space<hbm>>
      %dma_wait3A_27 = tpu.memref_squeeze %dma_wait3A_26 : memref<1x100352x16xf32, #tpu.memory_space<hbm>> -> memref<100352x16xf32, #tpu.memory_space<hbm>>
      %dma_wait3A_28 = arith.constant 0 : i32
      %dma_wait3A_29 = tpu.memref_slice %dma_wait3A_27[%mul3A_17, %dma_wait3A_28] : memref<100352x16xf32, #tpu.memory_space<hbm>> -> memref<6272x16xf32, #tpu.memory_space<hbm>>
      %dma_wait3A_30 = arith.constant 0 : i32
      %dma_wait3A_31 = tpu.memref_slice %arg14[%mul3A_15, %dma_wait3A_30] : memref<100352x16xf32, #tpu.memory_space<vmem_shared>> -> memref<6272x16xf32, #tpu.memory_space<vmem_shared>>
      tpu.wait_dma2 semaphore(%run_scoped3A : memref<!tpu.dma_semaphore, #tpu.memory_space<semaphore_mem>>) src(%dma_wait3A_31 : memref<6272x16xf32, #tpu.memory_space<vmem_shared>>) dst(%dma_wait3A_29 : memref<6272x16xf32, #tpu.memory_space<hbm>>)
      tpu.yield
    }) : () -> ()
    return
  }
}

#map = affine_map<(d0, d1) -> (0, 0)>
#map1 = affine_map<(d0, d1) -> (0)>
#map2 = affine_map<(d0, d1) -> (0, 0, 0)>
module attributes {stable_mosaic.version = 14 : i64} {
  func.func @_sc_degree(%arg0: i32, %arg1: i32, %arg2: memref<6250x512xi32, #tpu.memory_space<hbm>>, %arg3: memref<512xf32, #tpu.memory_space<hbm>>, %arg4: memref<100352xf32, #tpu.memory_space<hbm>>, %arg5: memref<2x100352x16xf32, #tpu.memory_space<hbm>>, %arg6: memref<8x512xi32, #tpu.memory_space<vmem>>, %arg7: memref<512xf32, #tpu.memory_space<vmem>>, %arg8: memref<6272xf32, #tpu.memory_space<vmem>>, %arg9: memref<6272x16xf32, #tpu.memory_space<vmem>>, %arg10: memref<100352xf32, #tpu.memory_space<vmem_shared>>) attributes {dimension_semantics = [#tpu.dimension_semantics<core_parallel>, #tpu.dimension_semantics<subcore_parallel>], iteration_bounds = array<i64: 2, 16>, scalar_prefetch = 0 : i64, scratch_operands = 5 : i64, tpu.core_type = #tpu.core_type<sc_vector_subcore>, window_params = [{transform_indices = #map}, {transform_indices = #map1}, {transform_indices = #map1}, {transform_indices = #map2}]} {
    %mul3A = arith.constant 2 : i32
    %mul3A_0 = arith.muli %arg1, %mul3A : i32
    %add3A = arith.addi %mul3A_0, %arg0 : i32
    %mul3A_1 = arith.constant 6272 : i32
    %mul3A_2 = arith.muli %arg1, %mul3A_1 : i32
    "tpu.region"() ({
      %run_scoped3A = tpu.sem_alloc : memref<!tpu.dma_semaphore, #tpu.memory_space<semaphore_mem>>
      %dma_start3A = tpu.memref_slice %arg10[%mul3A_2] : memref<100352xf32, #tpu.memory_space<vmem_shared>> -> memref<6272xf32, #tpu.memory_space<vmem_shared>>
      %dma_start3A_70 = tpu.memref_slice %arg4[%mul3A_2] : memref<100352xf32, #tpu.memory_space<hbm>> -> memref<6272xf32, #tpu.memory_space<hbm>>
      tpu.enqueue_dma source(%dma_start3A_70 : memref<6272xf32, #tpu.memory_space<hbm>>) target(%dma_start3A : memref<6272xf32, #tpu.memory_space<vmem_shared>>) target_semaphore(%run_scoped3A : memref<!tpu.dma_semaphore, #tpu.memory_space<semaphore_mem>>)
      %dma_wait3A = tpu.memref_slice %arg10[%mul3A_2] : memref<100352xf32, #tpu.memory_space<vmem_shared>> -> memref<6272xf32, #tpu.memory_space<vmem_shared>>
      %dma_wait3A_71 = tpu.memref_slice %arg4[%mul3A_2] : memref<100352xf32, #tpu.memory_space<hbm>> -> memref<6272xf32, #tpu.memory_space<hbm>>
      tpu.wait_dma2 semaphore(%run_scoped3A : memref<!tpu.dma_semaphore, #tpu.memory_space<semaphore_mem>>) src(%dma_wait3A_71 : memref<6272xf32, #tpu.memory_space<hbm>>) dst(%dma_wait3A : memref<6272xf32, #tpu.memory_space<vmem_shared>>)
      tpu.yield
    }) : () -> ()
    "tpu.region"() ({
      %run_scoped3A = tpu.sem_alloc : memref<!tpu.dma_semaphore, #tpu.memory_space<semaphore_mem>>
      tpu.enqueue_dma source(%arg3 : memref<512xf32, #tpu.memory_space<hbm>>) target(%arg7 : memref<512xf32, #tpu.memory_space<vmem>>) target_semaphore(%run_scoped3A : memref<!tpu.dma_semaphore, #tpu.memory_space<semaphore_mem>>)
      tpu.wait_dma2 semaphore(%run_scoped3A : memref<!tpu.dma_semaphore, #tpu.memory_space<semaphore_mem>>) src(%arg3 : memref<512xf32, #tpu.memory_space<hbm>>) dst(%arg7 : memref<512xf32, #tpu.memory_space<vmem>>)
      tpu.yield
    }) : () -> ()
    %barrier3A = arith.constant 0 : index
    tpu.barrier barrier_id(%barrier3A)
    %eq3A = arith.constant 31 : i32
    %eq3A_3 = arith.cmpi eq, %add3A, %eq3A : i32
    %jit3A = arith.constant 174 : i32
    %jit3A_4 = arith.constant 196 : i32
    %select_n3A = arith.select %eq3A_3, %jit3A, %jit3A_4 : i32
    %jit3A_5 = arith.constant 8 : i32
    %div3A = arith.divsi %select_n3A, %jit3A_5 : i32
    %sign3A = arith.constant 0 : i32
    %sign3A_6 = arith.cmpi sgt, %select_n3A, %sign3A : i32
    %sign3A_7 = arith.extui %sign3A_6 : i1 to i32
    %sign3A_8 = arith.constant 0 : i32
    %sign3A_9 = arith.cmpi slt, %select_n3A, %sign3A_8 : i32
    %sign3A_10 = arith.extui %sign3A_9 : i1 to i32
    %sign3A_11 = arith.subi %sign3A_7, %sign3A_10 : i32
    %sign3A_12 = arith.constant 0 : i32
    %sign3A_13 = arith.cmpi sgt, %jit3A_5, %sign3A_12 : i32
    %sign3A_14 = arith.extui %sign3A_13 : i1 to i32
    %sign3A_15 = arith.constant 0 : i32
    %sign3A_16 = arith.cmpi slt, %jit3A_5, %sign3A_15 : i32
    %sign3A_17 = arith.extui %sign3A_16 : i1 to i32
    %sign3A_18 = arith.subi %sign3A_14, %sign3A_17 : i32
    %ne3A = arith.cmpi ne, %sign3A_11, %sign3A_18 : i32
    %rem3A = arith.remsi %select_n3A, %jit3A_5 : i32
    %ne3A_19 = arith.constant 0 : i32
    %ne3A_20 = arith.cmpi ne, %rem3A, %ne3A_19 : i32
    %and3A = arith.andi %ne3A, %ne3A_20 : i1
    %sub3A = arith.constant 1 : i32
    %sub3A_21 = arith.subi %div3A, %sub3A : i32
    %select_n3A_22 = arith.select %and3A, %sub3A_21, %div3A : i32
    %sub3A_23 = arith.constant 0 : i32
    %sub3A_24 = arith.subi %select_n3A_22, %sub3A_23 : i32
    %sub3A_25 = arith.constant 1 : i32
    %sub3A_26 = arith.constant 1 : i32
    %sub3A_27 = arith.subi %sub3A_25, %sub3A_26 : i32
    %add3A_28 = arith.addi %sub3A_24, %sub3A_27 : i32
    %div3A_29 = arith.constant 1 : i32
    %div3A_30 = arith.divsi %add3A_28, %div3A_29 : i32
    %while3A = arith.constant 1 : i32
    %while3A_31 = arith.constant 0 : i32
    %while3A_32 = arith.constant 0 : i32
    %while3A_33 = arith.subi %div3A_30, %while3A_32 : i32
    %while3A_34 = arith.addi %while3A_32, %while3A_33 : i32
    %while3A_35 = arith.constant 1 : i32
    %while3A_36 = arith.divsi %while3A_33, %while3A_35 : i32
    %while3A_37 = arith.muli %while3A_36, %while3A_35 : i32
    %while3A_38 = arith.addi %while3A_32, %while3A_37 : i32
    %while3A_39 = arith.constant 1 : i32
    scf.for %while3A_70 = %while3A_32 to %while3A_38 step %while3A_39  : i32 {
      %mul3A_71 = arith.muli %while3A_70, %while3A : i32
      %add3A_72 = arith.addi %while3A_31, %mul3A_71 : i32
      %mul3A_73 = arith.constant 196 : i32
      %mul3A_74 = arith.muli %add3A, %mul3A_73 : i32
      %mul3A_75 = arith.constant 8 : i32
      %mul3A_76 = arith.muli %add3A_72, %mul3A_75 : i32
      %add3A_77 = arith.addi %mul3A_74, %mul3A_76 : i32
      "tpu.region"() ({
        %run_scoped3A = tpu.sem_alloc : memref<!tpu.dma_semaphore, #tpu.memory_space<semaphore_mem>>
        %dma_start3A = arith.constant 0 : i32
        %dma_start3A_83 = tpu.memref_slice %arg2[%add3A_77, %dma_start3A] : memref<6250x512xi32, #tpu.memory_space<hbm>> -> memref<8x512xi32, #tpu.memory_space<hbm>>
        %dma_start3A_84 = arith.constant 0 : i32
        %dma_start3A_85 = tpu.memref_slice %arg2[%add3A_77, %dma_start3A_84] : memref<6250x512xi32, #tpu.memory_space<hbm>> -> memref<8x512xi32, #tpu.memory_space<hbm>>
        tpu.enqueue_dma source(%dma_start3A_85 : memref<8x512xi32, #tpu.memory_space<hbm>>) target(%arg6 : memref<8x512xi32, #tpu.memory_space<vmem>>) target_semaphore(%run_scoped3A : memref<!tpu.dma_semaphore, #tpu.memory_space<semaphore_mem>>)
        %dma_wait3A = arith.constant 0 : i32
        %dma_wait3A_86 = tpu.memref_slice %arg2[%add3A_77, %dma_wait3A] : memref<6250x512xi32, #tpu.memory_space<hbm>> -> memref<8x512xi32, #tpu.memory_space<hbm>>
        %dma_wait3A_87 = arith.constant 0 : i32
        %dma_wait3A_88 = tpu.memref_slice %arg2[%add3A_77, %dma_wait3A_87] : memref<6250x512xi32, #tpu.memory_space<hbm>> -> memref<8x512xi32, #tpu.memory_space<hbm>>
        tpu.wait_dma2 semaphore(%run_scoped3A : memref<!tpu.dma_semaphore, #tpu.memory_space<semaphore_mem>>) src(%dma_wait3A_88 : memref<8x512xi32, #tpu.memory_space<hbm>>) dst(%arg6 : memref<8x512xi32, #tpu.memory_space<vmem>>)
        tpu.yield
      }) : () -> ()
      %scan3A_78 = arith.constant 0 : i32
      %scan3A_79 = arith.constant 8 : i32
      %scan3A_80 = arith.addi %scan3A_78, %scan3A_79 : i32
      %scan3A_81 = arith.constant 1 : i32
      scf.for %scan3A_83 = %scan3A_78 to %scan3A_80 step %scan3A_81  : i32 {
        %mul3A_84 = arith.constant 1 : i32
        %mul3A_85 = arith.muli %scan3A_83, %mul3A_84 : i32
        %add3A_86 = arith.constant 0 : i32
        %add3A_87 = arith.addi %add3A_86, %mul3A_85 : i32
        "tpu.region"() ({
          %run_scoped3A = tpu.sem_alloc : memref<!tpu.dma_semaphore, #tpu.memory_space<semaphore_mem>>
          %dma_start3A = arith.constant 0 : i32
          %dma_start3A_88 = tpu.memref_slice %arg6[%add3A_87, %dma_start3A] : memref<8x512xi32, #tpu.memory_space<vmem>> -> memref<1x512xi32, #tpu.memory_space<vmem>>
          %dma_start3A_89 = tpu.memref_squeeze %dma_start3A_88 : memref<1x512xi32, #tpu.memory_space<vmem>> -> memref<512xi32, #tpu.memory_space<vmem>>
          %dma_start3A_90 = arith.constant 0 : i32
          %dma_start3A_91 = tpu.memref_slice %arg10[%dma_start3A_90] : memref<100352xf32, #tpu.memory_space<vmem_shared>> -> memref<100352xf32, #tpu.memory_space<vmem_shared>>
          tpu.enqueue_indirect_dma source(%arg7 : memref<512xf32, #tpu.memory_space<vmem>>) target(%dma_start3A_91 : memref<100352xf32, #tpu.memory_space<vmem_shared>>) offsets(%dma_start3A_89 : memref<512xi32, #tpu.memory_space<vmem>>) semaphore(%run_scoped3A : memref<!tpu.dma_semaphore, #tpu.memory_space<semaphore_mem>>) {add = true}
          %dma_wait3A = arith.constant 0 : i32
          %dma_wait3A_92 = tpu.memref_slice %arg6[%add3A_87, %dma_wait3A] : memref<8x512xi32, #tpu.memory_space<vmem>> -> memref<1x512xi32, #tpu.memory_space<vmem>>
          %dma_wait3A_93 = tpu.memref_squeeze %dma_wait3A_92 : memref<1x512xi32, #tpu.memory_space<vmem>> -> memref<512xi32, #tpu.memory_space<vmem>>
          %dma_wait3A_94 = arith.constant 0 : i32
          %dma_wait3A_95 = tpu.memref_slice %arg10[%dma_wait3A_94] : memref<100352xf32, #tpu.memory_space<vmem_shared>> -> memref<100352xf32, #tpu.memory_space<vmem_shared>>
          tpu.wait_indirect_dma semaphore(%run_scoped3A : memref<!tpu.dma_semaphore, #tpu.memory_space<semaphore_mem>>) src(%arg7 : memref<512xf32, #tpu.memory_space<vmem>>) dst(%dma_wait3A_95 : memref<100352xf32, #tpu.memory_space<vmem_shared>>)
          tpu.yield
        }) : () -> ()
      }
      %scan3A_82 = arith.constant 8 : i32
    }
    %while3A_40 = arith.constant 1 : i32
    scf.for %while3A_70 = %while3A_38 to %while3A_34 step %while3A_40  : i32 {
      %mul3A_71 = arith.muli %while3A_70, %while3A : i32
      %add3A_72 = arith.addi %while3A_31, %mul3A_71 : i32
      %mul3A_73 = arith.constant 196 : i32
      %mul3A_74 = arith.muli %add3A, %mul3A_73 : i32
      %mul3A_75 = arith.constant 8 : i32
      %mul3A_76 = arith.muli %add3A_72, %mul3A_75 : i32
      %add3A_77 = arith.addi %mul3A_74, %mul3A_76 : i32
      "tpu.region"() ({
        %run_scoped3A = tpu.sem_alloc : memref<!tpu.dma_semaphore, #tpu.memory_space<semaphore_mem>>
        %dma_start3A = arith.constant 0 : i32
        %dma_start3A_83 = tpu.memref_slice %arg2[%add3A_77, %dma_start3A] : memref<6250x512xi32, #tpu.memory_space<hbm>> -> memref<8x512xi32, #tpu.memory_space<hbm>>
        %dma_start3A_84 = arith.constant 0 : i32
        %dma_start3A_85 = tpu.memref_slice %arg2[%add3A_77, %dma_start3A_84] : memref<6250x512xi32, #tpu.memory_space<hbm>> -> memref<8x512xi32, #tpu.memory_space<hbm>>
        tpu.enqueue_dma source(%dma_start3A_85 : memref<8x512xi32, #tpu.memory_space<hbm>>) target(%arg6 : memref<8x512xi32, #tpu.memory_space<vmem>>) target_semaphore(%run_scoped3A : memref<!tpu.dma_semaphore, #tpu.memory_space<semaphore_mem>>)
        %dma_wait3A = arith.constant 0 : i32
        %dma_wait3A_86 = tpu.memref_slice %arg2[%add3A_77, %dma_wait3A] : memref<6250x512xi32, #tpu.memory_space<hbm>> -> memref<8x512xi32, #tpu.memory_space<hbm>>
        %dma_wait3A_87 = arith.constant 0 : i32
        %dma_wait3A_88 = tpu.memref_slice %arg2[%add3A_77, %dma_wait3A_87] : memref<6250x512xi32, #tpu.memory_space<hbm>> -> memref<8x512xi32, #tpu.memory_space<hbm>>
        tpu.wait_dma2 semaphore(%run_scoped3A : memref<!tpu.dma_semaphore, #tpu.memory_space<semaphore_mem>>) src(%dma_wait3A_88 : memref<8x512xi32, #tpu.memory_space<hbm>>) dst(%arg6 : memref<8x512xi32, #tpu.memory_space<vmem>>)
        tpu.yield
      }) : () -> ()
      %scan3A_78 = arith.constant 0 : i32
      %scan3A_79 = arith.constant 8 : i32
      %scan3A_80 = arith.addi %scan3A_78, %scan3A_79 : i32
      %scan3A_81 = arith.constant 1 : i32
      scf.for %scan3A_83 = %scan3A_78 to %scan3A_80 step %scan3A_81  : i32 {
        %mul3A_84 = arith.constant 1 : i32
        %mul3A_85 = arith.muli %scan3A_83, %mul3A_84 : i32
        %add3A_86 = arith.constant 0 : i32
        %add3A_87 = arith.addi %add3A_86, %mul3A_85 : i32
        "tpu.region"() ({
          %run_scoped3A = tpu.sem_alloc : memref<!tpu.dma_semaphore, #tpu.memory_space<semaphore_mem>>
          %dma_start3A = arith.constant 0 : i32
          %dma_start3A_88 = tpu.memref_slice %arg6[%add3A_87, %dma_start3A] : memref<8x512xi32, #tpu.memory_space<vmem>> -> memref<1x512xi32, #tpu.memory_space<vmem>>
          %dma_start3A_89 = tpu.memref_squeeze %dma_start3A_88 : memref<1x512xi32, #tpu.memory_space<vmem>> -> memref<512xi32, #tpu.memory_space<vmem>>
          %dma_start3A_90 = arith.constant 0 : i32
          %dma_start3A_91 = tpu.memref_slice %arg10[%dma_start3A_90] : memref<100352xf32, #tpu.memory_space<vmem_shared>> -> memref<100352xf32, #tpu.memory_space<vmem_shared>>
          tpu.enqueue_indirect_dma source(%arg7 : memref<512xf32, #tpu.memory_space<vmem>>) target(%dma_start3A_91 : memref<100352xf32, #tpu.memory_space<vmem_shared>>) offsets(%dma_start3A_89 : memref<512xi32, #tpu.memory_space<vmem>>) semaphore(%run_scoped3A : memref<!tpu.dma_semaphore, #tpu.memory_space<semaphore_mem>>) {add = true}
          %dma_wait3A = arith.constant 0 : i32
          %dma_wait3A_92 = tpu.memref_slice %arg6[%add3A_87, %dma_wait3A] : memref<8x512xi32, #tpu.memory_space<vmem>> -> memref<1x512xi32, #tpu.memory_space<vmem>>
          %dma_wait3A_93 = tpu.memref_squeeze %dma_wait3A_92 : memref<1x512xi32, #tpu.memory_space<vmem>> -> memref<512xi32, #tpu.memory_space<vmem>>
          %dma_wait3A_94 = arith.constant 0 : i32
          %dma_wait3A_95 = tpu.memref_slice %arg10[%dma_wait3A_94] : memref<100352xf32, #tpu.memory_space<vmem_shared>> -> memref<100352xf32, #tpu.memory_space<vmem_shared>>
          tpu.wait_indirect_dma semaphore(%run_scoped3A : memref<!tpu.dma_semaphore, #tpu.memory_space<semaphore_mem>>) src(%arg7 : memref<512xf32, #tpu.memory_space<vmem>>) dst(%dma_wait3A_95 : memref<100352xf32, #tpu.memory_space<vmem_shared>>)
          tpu.yield
        }) : () -> ()
      }
      %scan3A_82 = arith.constant 8 : i32
    }
    %mul3A_41 = arith.constant 8 : i32
    %mul3A_42 = arith.muli %select_n3A_22, %mul3A_41 : i32
    %sub3A_43 = arith.subi %select_n3A, %mul3A_42 : i32
    %sub3A_44 = arith.constant 0 : i32
    %sub3A_45 = arith.subi %sub3A_43, %sub3A_44 : i32
    %sub3A_46 = arith.constant 1 : i32
    %sub3A_47 = arith.constant 1 : i32
    %sub3A_48 = arith.subi %sub3A_46, %sub3A_47 : i32
    %add3A_49 = arith.addi %sub3A_45, %sub3A_48 : i32
    %div3A_50 = arith.constant 1 : i32
    %div3A_51 = arith.divsi %add3A_49, %div3A_50 : i32
    %while3A_52 = arith.constant 1 : i32
    %while3A_53 = arith.constant 0 : i32
    %while3A_54 = arith.constant 0 : i32
    %while3A_55 = arith.subi %div3A_51, %while3A_54 : i32
    %while3A_56 = arith.addi %while3A_54, %while3A_55 : i32
    %while3A_57 = arith.constant 1 : i32
    %while3A_58 = arith.divsi %while3A_55, %while3A_57 : i32
    %while3A_59 = arith.muli %while3A_58, %while3A_57 : i32
    %while3A_60 = arith.addi %while3A_54, %while3A_59 : i32
    %while3A_61 = arith.constant 1 : i32
    scf.for %while3A_70 = %while3A_54 to %while3A_60 step %while3A_61  : i32 {
      %mul3A_71 = arith.muli %while3A_70, %while3A_52 : i32
      %add3A_72 = arith.addi %while3A_53, %mul3A_71 : i32
      %mul3A_73 = arith.constant 196 : i32
      %mul3A_74 = arith.muli %add3A, %mul3A_73 : i32
      %mul3A_75 = arith.constant 8 : i32
      %mul3A_76 = arith.muli %select_n3A_22, %mul3A_75 : i32
      %add3A_77 = arith.addi %mul3A_74, %mul3A_76 : i32
      %add3A_78 = arith.addi %add3A_77, %add3A_72 : i32
      "tpu.region"() ({
        %run_scoped3A_79 = tpu.sem_alloc : memref<!tpu.dma_semaphore, #tpu.memory_space<semaphore_mem>>
        %dma_start3A = arith.constant 0 : i32
        %dma_start3A_80 = arith.constant 0 : i32
        %dma_start3A_81 = tpu.memref_slice %arg6[%dma_start3A, %dma_start3A_80] : memref<8x512xi32, #tpu.memory_space<vmem>> -> memref<1x512xi32, #tpu.memory_space<vmem>>
        %dma_start3A_82 = arith.constant 0 : i32
        %dma_start3A_83 = tpu.memref_slice %arg2[%add3A_78, %dma_start3A_82] : memref<6250x512xi32, #tpu.memory_space<hbm>> -> memref<1x512xi32, #tpu.memory_space<hbm>>
        %dma_start3A_84 = arith.constant 0 : i32
        %dma_start3A_85 = arith.constant 0 : i32
        %dma_start3A_86 = tpu.memref_slice %arg6[%dma_start3A_84, %dma_start3A_85] : memref<8x512xi32, #tpu.memory_space<vmem>> -> memref<1x512xi32, #tpu.memory_space<vmem>>
        %dma_start3A_87 = arith.constant 0 : i32
        %dma_start3A_88 = tpu.memref_slice %arg2[%add3A_78, %dma_start3A_87] : memref<6250x512xi32, #tpu.memory_space<hbm>> -> memref<1x512xi32, #tpu.memory_space<hbm>>
        tpu.enqueue_dma source(%dma_start3A_88 : memref<1x512xi32, #tpu.memory_space<hbm>>) target(%dma_start3A_86 : memref<1x512xi32, #tpu.memory_space<vmem>>) target_semaphore(%run_scoped3A_79 : memref<!tpu.dma_semaphore, #tpu.memory_space<semaphore_mem>>)
        %dma_wait3A = arith.constant 0 : i32
        %dma_wait3A_89 = arith.constant 0 : i32
        %dma_wait3A_90 = tpu.memref_slice %arg6[%dma_wait3A, %dma_wait3A_89] : memref<8x512xi32, #tpu.memory_space<vmem>> -> memref<1x512xi32, #tpu.memory_space<vmem>>
        %dma_wait3A_91 = arith.constant 0 : i32
        %dma_wait3A_92 = tpu.memref_slice %arg2[%add3A_78, %dma_wait3A_91] : memref<6250x512xi32, #tpu.memory_space<hbm>> -> memref<1x512xi32, #tpu.memory_space<hbm>>
        %dma_wait3A_93 = arith.constant 0 : i32
        %dma_wait3A_94 = arith.constant 0 : i32
        %dma_wait3A_95 = tpu.memref_slice %arg6[%dma_wait3A_93, %dma_wait3A_94] : memref<8x512xi32, #tpu.memory_space<vmem>> -> memref<1x512xi32, #tpu.memory_space<vmem>>
        %dma_wait3A_96 = arith.constant 0 : i32
        %dma_wait3A_97 = tpu.memref_slice %arg2[%add3A_78, %dma_wait3A_96] : memref<6250x512xi32, #tpu.memory_space<hbm>> -> memref<1x512xi32, #tpu.memory_space<hbm>>
        tpu.wait_dma2 semaphore(%run_scoped3A_79 : memref<!tpu.dma_semaphore, #tpu.memory_space<semaphore_mem>>) src(%dma_wait3A_97 : memref<1x512xi32, #tpu.memory_space<hbm>>) dst(%dma_wait3A_95 : memref<1x512xi32, #tpu.memory_space<vmem>>)
        tpu.yield
      }) : () -> ()
      %run_scoped3A = arith.constant 0 : i32
      "tpu.region"() ({
        %run_scoped3A_79 = tpu.sem_alloc : memref<!tpu.dma_semaphore, #tpu.memory_space<semaphore_mem>>
        %dma_start3A = arith.constant 0 : i32
        %dma_start3A_80 = tpu.memref_slice %arg6[%run_scoped3A, %dma_start3A] : memref<8x512xi32, #tpu.memory_space<vmem>> -> memref<1x512xi32, #tpu.memory_space<vmem>>
        %dma_start3A_81 = tpu.memref_squeeze %dma_start3A_80 : memref<1x512xi32, #tpu.memory_space<vmem>> -> memref<512xi32, #tpu.memory_space<vmem>>
        %dma_start3A_82 = arith.constant 0 : i32
        %dma_start3A_83 = tpu.memref_slice %arg10[%dma_start3A_82] : memref<100352xf32, #tpu.memory_space<vmem_shared>> -> memref<100352xf32, #tpu.memory_space<vmem_shared>>
        tpu.enqueue_indirect_dma source(%arg7 : memref<512xf32, #tpu.memory_space<vmem>>) target(%dma_start3A_83 : memref<100352xf32, #tpu.memory_space<vmem_shared>>) offsets(%dma_start3A_81 : memref<512xi32, #tpu.memory_space<vmem>>) semaphore(%run_scoped3A_79 : memref<!tpu.dma_semaphore, #tpu.memory_space<semaphore_mem>>) {add = true}
        %dma_wait3A = arith.constant 0 : i32
        %dma_wait3A_84 = tpu.memref_slice %arg6[%run_scoped3A, %dma_wait3A] : memref<8x512xi32, #tpu.memory_space<vmem>> -> memref<1x512xi32, #tpu.memory_space<vmem>>
        %dma_wait3A_85 = tpu.memref_squeeze %dma_wait3A_84 : memref<1x512xi32, #tpu.memory_space<vmem>> -> memref<512xi32, #tpu.memory_space<vmem>>
        %dma_wait3A_86 = arith.constant 0 : i32
        %dma_wait3A_87 = tpu.memref_slice %arg10[%dma_wait3A_86] : memref<100352xf32, #tpu.memory_space<vmem_shared>> -> memref<100352xf32, #tpu.memory_space<vmem_shared>>
        tpu.wait_indirect_dma semaphore(%run_scoped3A_79 : memref<!tpu.dma_semaphore, #tpu.memory_space<semaphore_mem>>) src(%arg7 : memref<512xf32, #tpu.memory_space<vmem>>) dst(%dma_wait3A_87 : memref<100352xf32, #tpu.memory_space<vmem_shared>>)
        tpu.yield
      }) : () -> ()
    }
    %while3A_62 = arith.constant 1 : i32
    scf.for %while3A_70 = %while3A_60 to %while3A_56 step %while3A_62  : i32 {
      %mul3A_71 = arith.muli %while3A_70, %while3A_52 : i32
      %add3A_72 = arith.addi %while3A_53, %mul3A_71 : i32
      %mul3A_73 = arith.constant 196 : i32
      %mul3A_74 = arith.muli %add3A, %mul3A_73 : i32
      %mul3A_75 = arith.constant 8 : i32
      %mul3A_76 = arith.muli %select_n3A_22, %mul3A_75 : i32
      %add3A_77 = arith.addi %mul3A_74, %mul3A_76 : i32
      %add3A_78 = arith.addi %add3A_77, %add3A_72 : i32
      "tpu.region"() ({
        %run_scoped3A_79 = tpu.sem_alloc : memref<!tpu.dma_semaphore, #tpu.memory_space<semaphore_mem>>
        %dma_start3A = arith.constant 0 : i32
        %dma_start3A_80 = arith.constant 0 : i32
        %dma_start3A_81 = tpu.memref_slice %arg6[%dma_start3A, %dma_start3A_80] : memref<8x512xi32, #tpu.memory_space<vmem>> -> memref<1x512xi32, #tpu.memory_space<vmem>>
        %dma_start3A_82 = arith.constant 0 : i32
        %dma_start3A_83 = tpu.memref_slice %arg2[%add3A_78, %dma_start3A_82] : memref<6250x512xi32, #tpu.memory_space<hbm>> -> memref<1x512xi32, #tpu.memory_space<hbm>>
        %dma_start3A_84 = arith.constant 0 : i32
        %dma_start3A_85 = arith.constant 0 : i32
        %dma_start3A_86 = tpu.memref_slice %arg6[%dma_start3A_84, %dma_start3A_85] : memref<8x512xi32, #tpu.memory_space<vmem>> -> memref<1x512xi32, #tpu.memory_space<vmem>>
        %dma_start3A_87 = arith.constant 0 : i32
        %dma_start3A_88 = tpu.memref_slice %arg2[%add3A_78, %dma_start3A_87] : memref<6250x512xi32, #tpu.memory_space<hbm>> -> memref<1x512xi32, #tpu.memory_space<hbm>>
        tpu.enqueue_dma source(%dma_start3A_88 : memref<1x512xi32, #tpu.memory_space<hbm>>) target(%dma_start3A_86 : memref<1x512xi32, #tpu.memory_space<vmem>>) target_semaphore(%run_scoped3A_79 : memref<!tpu.dma_semaphore, #tpu.memory_space<semaphore_mem>>)
        %dma_wait3A = arith.constant 0 : i32
        %dma_wait3A_89 = arith.constant 0 : i32
        %dma_wait3A_90 = tpu.memref_slice %arg6[%dma_wait3A, %dma_wait3A_89] : memref<8x512xi32, #tpu.memory_space<vmem>> -> memref<1x512xi32, #tpu.memory_space<vmem>>
        %dma_wait3A_91 = arith.constant 0 : i32
        %dma_wait3A_92 = tpu.memref_slice %arg2[%add3A_78, %dma_wait3A_91] : memref<6250x512xi32, #tpu.memory_space<hbm>> -> memref<1x512xi32, #tpu.memory_space<hbm>>
        %dma_wait3A_93 = arith.constant 0 : i32
        %dma_wait3A_94 = arith.constant 0 : i32
        %dma_wait3A_95 = tpu.memref_slice %arg6[%dma_wait3A_93, %dma_wait3A_94] : memref<8x512xi32, #tpu.memory_space<vmem>> -> memref<1x512xi32, #tpu.memory_space<vmem>>
        %dma_wait3A_96 = arith.constant 0 : i32
        %dma_wait3A_97 = tpu.memref_slice %arg2[%add3A_78, %dma_wait3A_96] : memref<6250x512xi32, #tpu.memory_space<hbm>> -> memref<1x512xi32, #tpu.memory_space<hbm>>
        tpu.wait_dma2 semaphore(%run_scoped3A_79 : memref<!tpu.dma_semaphore, #tpu.memory_space<semaphore_mem>>) src(%dma_wait3A_97 : memref<1x512xi32, #tpu.memory_space<hbm>>) dst(%dma_wait3A_95 : memref<1x512xi32, #tpu.memory_space<vmem>>)
        tpu.yield
      }) : () -> ()
      %run_scoped3A = arith.constant 0 : i32
      "tpu.region"() ({
        %run_scoped3A_79 = tpu.sem_alloc : memref<!tpu.dma_semaphore, #tpu.memory_space<semaphore_mem>>
        %dma_start3A = arith.constant 0 : i32
        %dma_start3A_80 = tpu.memref_slice %arg6[%run_scoped3A, %dma_start3A] : memref<8x512xi32, #tpu.memory_space<vmem>> -> memref<1x512xi32, #tpu.memory_space<vmem>>
        %dma_start3A_81 = tpu.memref_squeeze %dma_start3A_80 : memref<1x512xi32, #tpu.memory_space<vmem>> -> memref<512xi32, #tpu.memory_space<vmem>>
        %dma_start3A_82 = arith.constant 0 : i32
        %dma_start3A_83 = tpu.memref_slice %arg10[%dma_start3A_82] : memref<100352xf32, #tpu.memory_space<vmem_shared>> -> memref<100352xf32, #tpu.memory_space<vmem_shared>>
        tpu.enqueue_indirect_dma source(%arg7 : memref<512xf32, #tpu.memory_space<vmem>>) target(%dma_start3A_83 : memref<100352xf32, #tpu.memory_space<vmem_shared>>) offsets(%dma_start3A_81 : memref<512xi32, #tpu.memory_space<vmem>>) semaphore(%run_scoped3A_79 : memref<!tpu.dma_semaphore, #tpu.memory_space<semaphore_mem>>) {add = true}
        %dma_wait3A = arith.constant 0 : i32
        %dma_wait3A_84 = tpu.memref_slice %arg6[%run_scoped3A, %dma_wait3A] : memref<8x512xi32, #tpu.memory_space<vmem>> -> memref<1x512xi32, #tpu.memory_space<vmem>>
        %dma_wait3A_85 = tpu.memref_squeeze %dma_wait3A_84 : memref<1x512xi32, #tpu.memory_space<vmem>> -> memref<512xi32, #tpu.memory_space<vmem>>
        %dma_wait3A_86 = arith.constant 0 : i32
        %dma_wait3A_87 = tpu.memref_slice %arg10[%dma_wait3A_86] : memref<100352xf32, #tpu.memory_space<vmem_shared>> -> memref<100352xf32, #tpu.memory_space<vmem_shared>>
        tpu.wait_indirect_dma semaphore(%run_scoped3A_79 : memref<!tpu.dma_semaphore, #tpu.memory_space<semaphore_mem>>) src(%arg7 : memref<512xf32, #tpu.memory_space<vmem>>) dst(%dma_wait3A_87 : memref<100352xf32, #tpu.memory_space<vmem_shared>>)
        tpu.yield
      }) : () -> ()
    }
    %barrier3A_63 = arith.constant 0 : index
    tpu.barrier barrier_id(%barrier3A_63)
    "tpu.region"() ({
      %run_scoped3A = tpu.sem_alloc : memref<!tpu.dma_semaphore, #tpu.memory_space<semaphore_mem>>
      %dma_start3A = tpu.memref_slice %arg10[%mul3A_2] : memref<100352xf32, #tpu.memory_space<vmem_shared>> -> memref<6272xf32, #tpu.memory_space<vmem_shared>>
      %dma_start3A_70 = tpu.memref_slice %arg10[%mul3A_2] : memref<100352xf32, #tpu.memory_space<vmem_shared>> -> memref<6272xf32, #tpu.memory_space<vmem_shared>>
      tpu.enqueue_dma source(%dma_start3A_70 : memref<6272xf32, #tpu.memory_space<vmem_shared>>) target(%arg8 : memref<6272xf32, #tpu.memory_space<vmem>>) target_semaphore(%run_scoped3A : memref<!tpu.dma_semaphore, #tpu.memory_space<semaphore_mem>>)
      %dma_wait3A = tpu.memref_slice %arg10[%mul3A_2] : memref<100352xf32, #tpu.memory_space<vmem_shared>> -> memref<6272xf32, #tpu.memory_space<vmem_shared>>
      %dma_wait3A_71 = tpu.memref_slice %arg10[%mul3A_2] : memref<100352xf32, #tpu.memory_space<vmem_shared>> -> memref<6272xf32, #tpu.memory_space<vmem_shared>>
      tpu.wait_dma2 semaphore(%run_scoped3A : memref<!tpu.dma_semaphore, #tpu.memory_space<semaphore_mem>>) src(%dma_wait3A_71 : memref<6272xf32, #tpu.memory_space<vmem_shared>>) dst(%arg8 : memref<6272xf32, #tpu.memory_space<vmem>>)
      tpu.yield
    }) : () -> ()
    %iota3A = tpu.iota {dimensions = array<i32: 0>} : vector<16xi32>
    %scan3A = arith.constant 0 : i32
    %scan3A_64 = arith.constant 392 : i32
    %scan3A_65 = arith.addi %scan3A, %scan3A_64 : i32
    %scan3A_66 = arith.constant 1 : i32
    scf.for %scan3A_70 = %scan3A to %scan3A_65 step %scan3A_66  : i32 {
      %mul3A_71 = arith.constant 16 : i32
      %mul3A_72 = arith.muli %scan3A_70, %mul3A_71 : i32
      %add3A_73 = arith.constant 0 : i32
      %add3A_74 = arith.addi %add3A_73, %mul3A_72 : i32
      %get3A = arith.index_cast %add3A_74 : i32 to index
      %get3A_75 = tpu.vector_load %arg8[%get3A] {strides = array<i32>} : memref<6272xf32, #tpu.memory_space<vmem>>, vector<16xf32>,
      %add3A_76 = vector.broadcast %add3A_74 : i32 to vector<16xi32>
      %add3A_77 = arith.addi %iota3A, %add3A_76 : vector<16xi32>
      %broadcast_in_dim3A = arith.constant 0 : i32
      %broadcast_in_dim3A_78 = vector.broadcast %broadcast_in_dim3A : i32 to vector<16xi32>
      tpu.vector_store_idx %arg9[%add3A_77, %broadcast_in_dim3A_78], %get3A_75 : memref<6272x16xf32, #tpu.memory_space<vmem>>[vector<16xi32>, vector<16xi32>], vector<16xf32>,
      %broadcast_in_dim3A_79 = arith.constant 1 : i32
      %broadcast_in_dim3A_80 = vector.broadcast %broadcast_in_dim3A_79 : i32 to vector<16xi32>
      tpu.vector_store_idx %arg9[%add3A_77, %broadcast_in_dim3A_80], %get3A_75 : memref<6272x16xf32, #tpu.memory_space<vmem>>[vector<16xi32>, vector<16xi32>], vector<16xf32>,
      %broadcast_in_dim3A_81 = arith.constant 2 : i32
      %broadcast_in_dim3A_82 = vector.broadcast %broadcast_in_dim3A_81 : i32 to vector<16xi32>
      tpu.vector_store_idx %arg9[%add3A_77, %broadcast_in_dim3A_82], %get3A_75 : memref<6272x16xf32, #tpu.memory_space<vmem>>[vector<16xi32>, vector<16xi32>], vector<16xf32>,
      %broadcast_in_dim3A_83 = arith.constant 3 : i32
      %broadcast_in_dim3A_84 = vector.broadcast %broadcast_in_dim3A_83 : i32 to vector<16xi32>
      tpu.vector_store_idx %arg9[%add3A_77, %broadcast_in_dim3A_84], %get3A_75 : memref<6272x16xf32, #tpu.memory_space<vmem>>[vector<16xi32>, vector<16xi32>], vector<16xf32>,
      %broadcast_in_dim3A_85 = arith.constant 4 : i32
      %broadcast_in_dim3A_86 = vector.broadcast %broadcast_in_dim3A_85 : i32 to vector<16xi32>
      tpu.vector_store_idx %arg9[%add3A_77, %broadcast_in_dim3A_86], %get3A_75 : memref<6272x16xf32, #tpu.memory_space<vmem>>[vector<16xi32>, vector<16xi32>], vector<16xf32>,
      %broadcast_in_dim3A_87 = arith.constant 5 : i32
      %broadcast_in_dim3A_88 = vector.broadcast %broadcast_in_dim3A_87 : i32 to vector<16xi32>
      tpu.vector_store_idx %arg9[%add3A_77, %broadcast_in_dim3A_88], %get3A_75 : memref<6272x16xf32, #tpu.memory_space<vmem>>[vector<16xi32>, vector<16xi32>], vector<16xf32>,
      %broadcast_in_dim3A_89 = arith.constant 6 : i32
      %broadcast_in_dim3A_90 = vector.broadcast %broadcast_in_dim3A_89 : i32 to vector<16xi32>
      tpu.vector_store_idx %arg9[%add3A_77, %broadcast_in_dim3A_90], %get3A_75 : memref<6272x16xf32, #tpu.memory_space<vmem>>[vector<16xi32>, vector<16xi32>], vector<16xf32>,
      %broadcast_in_dim3A_91 = arith.constant 7 : i32
      %broadcast_in_dim3A_92 = vector.broadcast %broadcast_in_dim3A_91 : i32 to vector<16xi32>
      tpu.vector_store_idx %arg9[%add3A_77, %broadcast_in_dim3A_92], %get3A_75 : memref<6272x16xf32, #tpu.memory_space<vmem>>[vector<16xi32>, vector<16xi32>], vector<16xf32>,
      %broadcast_in_dim3A_93 = arith.constant 8 : i32
      %broadcast_in_dim3A_94 = vector.broadcast %broadcast_in_dim3A_93 : i32 to vector<16xi32>
      tpu.vector_store_idx %arg9[%add3A_77, %broadcast_in_dim3A_94], %get3A_75 : memref<6272x16xf32, #tpu.memory_space<vmem>>[vector<16xi32>, vector<16xi32>], vector<16xf32>,
      %broadcast_in_dim3A_95 = arith.constant 9 : i32
      %broadcast_in_dim3A_96 = vector.broadcast %broadcast_in_dim3A_95 : i32 to vector<16xi32>
      tpu.vector_store_idx %arg9[%add3A_77, %broadcast_in_dim3A_96], %get3A_75 : memref<6272x16xf32, #tpu.memory_space<vmem>>[vector<16xi32>, vector<16xi32>], vector<16xf32>,
      %broadcast_in_dim3A_97 = arith.constant 10 : i32
      %broadcast_in_dim3A_98 = vector.broadcast %broadcast_in_dim3A_97 : i32 to vector<16xi32>
      tpu.vector_store_idx %arg9[%add3A_77, %broadcast_in_dim3A_98], %get3A_75 : memref<6272x16xf32, #tpu.memory_space<vmem>>[vector<16xi32>, vector<16xi32>], vector<16xf32>,
      %broadcast_in_dim3A_99 = arith.constant 11 : i32
      %broadcast_in_dim3A_100 = vector.broadcast %broadcast_in_dim3A_99 : i32 to vector<16xi32>
      tpu.vector_store_idx %arg9[%add3A_77, %broadcast_in_dim3A_100], %get3A_75 : memref<6272x16xf32, #tpu.memory_space<vmem>>[vector<16xi32>, vector<16xi32>], vector<16xf32>,
      %broadcast_in_dim3A_101 = arith.constant 12 : i32
      %broadcast_in_dim3A_102 = vector.broadcast %broadcast_in_dim3A_101 : i32 to vector<16xi32>
      tpu.vector_store_idx %arg9[%add3A_77, %broadcast_in_dim3A_102], %get3A_75 : memref<6272x16xf32, #tpu.memory_space<vmem>>[vector<16xi32>, vector<16xi32>], vector<16xf32>,
      %broadcast_in_dim3A_103 = arith.constant 13 : i32
      %broadcast_in_dim3A_104 = vector.broadcast %broadcast_in_dim3A_103 : i32 to vector<16xi32>
      tpu.vector_store_idx %arg9[%add3A_77, %broadcast_in_dim3A_104], %get3A_75 : memref<6272x16xf32, #tpu.memory_space<vmem>>[vector<16xi32>, vector<16xi32>], vector<16xf32>,
      %broadcast_in_dim3A_105 = arith.constant 14 : i32
      %broadcast_in_dim3A_106 = vector.broadcast %broadcast_in_dim3A_105 : i32 to vector<16xi32>
      tpu.vector_store_idx %arg9[%add3A_77, %broadcast_in_dim3A_106], %get3A_75 : memref<6272x16xf32, #tpu.memory_space<vmem>>[vector<16xi32>, vector<16xi32>], vector<16xf32>,
      %broadcast_in_dim3A_107 = arith.constant 15 : i32
      %broadcast_in_dim3A_108 = vector.broadcast %broadcast_in_dim3A_107 : i32 to vector<16xi32>
      tpu.vector_store_idx %arg9[%add3A_77, %broadcast_in_dim3A_108], %get3A_75 : memref<6272x16xf32, #tpu.memory_space<vmem>>[vector<16xi32>, vector<16xi32>], vector<16xf32>,
    }
    %scan3A_67 = arith.constant 392 : i32
    %mul3A_68 = arith.constant 6272 : i32
    %mul3A_69 = arith.muli %arg1, %mul3A_68 : i32
    "tpu.region"() ({
      %run_scoped3A = tpu.sem_alloc : memref<!tpu.dma_semaphore, #tpu.memory_space<semaphore_mem>>
      %dma_start3A = arith.constant 0 : i32
      %dma_start3A_70 = arith.constant 0 : i32
      %dma_start3A_71 = tpu.memref_slice %arg5[%arg0, %dma_start3A, %dma_start3A_70] : memref<2x100352x16xf32, #tpu.memory_space<hbm>> -> memref<1x100352x16xf32, #tpu.memory_space<hbm>>
      %dma_start3A_72 = tpu.memref_squeeze %dma_start3A_71 : memref<1x100352x16xf32, #tpu.memory_space<hbm>> -> memref<100352x16xf32, #tpu.memory_space<hbm>>
      %dma_start3A_73 = arith.constant 0 : i32
      %dma_start3A_74 = tpu.memref_slice %dma_start3A_72[%mul3A_69, %dma_start3A_73] : memref<100352x16xf32, #tpu.memory_space<hbm>> -> memref<6272x16xf32, #tpu.memory_space<hbm>>
      %dma_start3A_75 = arith.constant 0 : i32
      %dma_start3A_76 = arith.constant 0 : i32
      %dma_start3A_77 = tpu.memref_slice %arg5[%arg0, %dma_start3A_75, %dma_start3A_76] : memref<2x100352x16xf32, #tpu.memory_space<hbm>> -> memref<1x100352x16xf32, #tpu.memory_space<hbm>>
      %dma_start3A_78 = tpu.memref_squeeze %dma_start3A_77 : memref<1x100352x16xf32, #tpu.memory_space<hbm>> -> memref<100352x16xf32, #tpu.memory_space<hbm>>
      %dma_start3A_79 = arith.constant 0 : i32
      %dma_start3A_80 = tpu.memref_slice %dma_start3A_78[%mul3A_69, %dma_start3A_79] : memref<100352x16xf32, #tpu.memory_space<hbm>> -> memref<6272x16xf32, #tpu.memory_space<hbm>>
      tpu.enqueue_dma source(%arg9 : memref<6272x16xf32, #tpu.memory_space<vmem>>) target(%dma_start3A_80 : memref<6272x16xf32, #tpu.memory_space<hbm>>) target_semaphore(%run_scoped3A : memref<!tpu.dma_semaphore, #tpu.memory_space<semaphore_mem>>)
      %dma_wait3A = arith.constant 0 : i32
      %dma_wait3A_81 = arith.constant 0 : i32
      %dma_wait3A_82 = tpu.memref_slice %arg5[%arg0, %dma_wait3A, %dma_wait3A_81] : memref<2x100352x16xf32, #tpu.memory_space<hbm>> -> memref<1x100352x16xf32, #tpu.memory_space<hbm>>
      %dma_wait3A_83 = tpu.memref_squeeze %dma_wait3A_82 : memref<1x100352x16xf32, #tpu.memory_space<hbm>> -> memref<100352x16xf32, #tpu.memory_space<hbm>>
      %dma_wait3A_84 = arith.constant 0 : i32
      %dma_wait3A_85 = tpu.memref_slice %dma_wait3A_83[%mul3A_69, %dma_wait3A_84] : memref<100352x16xf32, #tpu.memory_space<hbm>> -> memref<6272x16xf32, #tpu.memory_space<hbm>>
      %dma_wait3A_86 = arith.constant 0 : i32
      %dma_wait3A_87 = arith.constant 0 : i32
      %dma_wait3A_88 = tpu.memref_slice %arg5[%arg0, %dma_wait3A_86, %dma_wait3A_87] : memref<2x100352x16xf32, #tpu.memory_space<hbm>> -> memref<1x100352x16xf32, #tpu.memory_space<hbm>>
      %dma_wait3A_89 = tpu.memref_squeeze %dma_wait3A_88 : memref<1x100352x16xf32, #tpu.memory_space<hbm>> -> memref<100352x16xf32, #tpu.memory_space<hbm>>
      %dma_wait3A_90 = arith.constant 0 : i32
      %dma_wait3A_91 = tpu.memref_slice %dma_wait3A_89[%mul3A_69, %dma_wait3A_90] : memref<100352x16xf32, #tpu.memory_space<hbm>> -> memref<6272x16xf32, #tpu.memory_space<hbm>>
      tpu.wait_dma2 semaphore(%run_scoped3A : memref<!tpu.dma_semaphore, #tpu.memory_space<semaphore_mem>>) src(%arg9 : memref<6272x16xf32, #tpu.memory_space<vmem>>) dst(%dma_wait3A_91 : memref<6272x16xf32, #tpu.memory_space<hbm>>)
      tpu.yield
    }) : () -> ()
    return
  }
}

module attributes {stable_mosaic.version = 14 : i64} {
  func.func @_tc_prep_body(%arg0: i32, %arg1: memref<2x896x128xf32, #tpu.memory_space<vmem>>, %arg2: memref<896x128xf32, #tpu.memory_space<vmem>>, %arg3: memref<896x128xf32, #tpu.memory_space<vmem>>, %arg4: memref<896x128xf32, #tpu.memory_space<vmem>>, %arg5: memref<896x128xf32, #tpu.memory_space<vmem>>, %arg6: memref<896x128xf32, #tpu.memory_space<vmem>>) attributes {dimension_semantics = [#tpu.dimension_semantics<arbitrary>], iteration_bounds = array<i64: 14>, scalar_prefetch = 0 : i64, scratch_operands = 0 : i64, tpu.core_type = #tpu.core_type<tc>, window_params = [{transform_indices = @transform_0, window_bounds = array<i64: 2, 896, 128>}, {transform_indices = @transform_1, window_bounds = array<i64: 896, 128>}, {transform_indices = @transform_2, window_bounds = array<i64: 896, 128>}, {transform_indices = @transform_3, window_bounds = array<i64: 896, 128>}, {transform_indices = @transform_4, window_bounds = array<i64: 896, 128>}, {transform_indices = @transform_5, window_bounds = array<i64: 896, 128>}]} {
    %get3A = arith.constant 0 : index
    %get3A_0 = arith.constant 0 : index
    %get3A_1 = arith.constant 0 : index
    %get3A_2 = vector.load %arg1[%get3A, %get3A_0, %get3A_1] : memref<2x896x128xf32, #tpu.memory_space<vmem>>, vector<1x896x128xf32>
    %get3A_3 = vector.shape_cast %get3A_2 : vector<1x896x128xf32> to vector<896x128xf32>
    %get3A_4 = arith.constant 1 : index
    %get3A_5 = arith.constant 0 : index
    %get3A_6 = arith.constant 0 : index
    %get3A_7 = vector.load %arg1[%get3A_4, %get3A_5, %get3A_6] : memref<2x896x128xf32, #tpu.memory_space<vmem>>, vector<1x896x128xf32>
    %get3A_8 = vector.shape_cast %get3A_7 : vector<1x896x128xf32> to vector<896x128xf32>
    %add3A = arith.addf %get3A_3, %get3A_8 : vector<896x128xf32>
    %add3A_9 = arith.constant 1.000000e+00 : f32
    %add3A_10 = vector.broadcast %add3A_9 : f32 to vector<896x128xf32>
    %add3A_11 = arith.addf %add3A, %add3A_10 : vector<896x128xf32>
    %rsqrt3A = math.rsqrt %add3A_11 : vector<896x128xf32>
    %swap3A = arith.constant 0 : index
    %swap3A_12 = arith.constant 0 : index
    %swap3A_13 = vector.load %arg4[%swap3A, %swap3A_12] : memref<896x128xf32, #tpu.memory_space<vmem>>, vector<896x128xf32>
    tpu.vector_store %arg4[%swap3A, %swap3A_12], %rsqrt3A {strides = array<i32>} : memref<896x128xf32, #tpu.memory_space<vmem>>, vector<896x128xf32>,
    %get3A_14 = arith.constant 0 : index
    %get3A_15 = arith.constant 0 : index
    %get3A_16 = vector.load %arg2[%get3A_14, %get3A_15] : memref<896x128xf32, #tpu.memory_space<vmem>>, vector<896x128xf32>
    %mul3A = arith.mulf %get3A_16, %rsqrt3A : vector<896x128xf32>
    %swap3A_17 = arith.constant 0 : index
    %swap3A_18 = arith.constant 0 : index
    %swap3A_19 = vector.load %arg5[%swap3A_17, %swap3A_18] : memref<896x128xf32, #tpu.memory_space<vmem>>, vector<896x128xf32>
    tpu.vector_store %arg5[%swap3A_17, %swap3A_18], %mul3A {strides = array<i32>} : memref<896x128xf32, #tpu.memory_space<vmem>>, vector<896x128xf32>,
    %get3A_20 = arith.constant 0 : index
    %get3A_21 = arith.constant 0 : index
    %get3A_22 = vector.load %arg3[%get3A_20, %get3A_21] : memref<896x128xf32, #tpu.memory_space<vmem>>, vector<896x128xf32>
    %mul3A_23 = arith.mulf %get3A_22, %rsqrt3A : vector<896x128xf32>
    %swap3A_24 = arith.constant 0 : index
    %swap3A_25 = arith.constant 0 : index
    %swap3A_26 = vector.load %arg6[%swap3A_24, %swap3A_25] : memref<896x128xf32, #tpu.memory_space<vmem>>, vector<896x128xf32>
    tpu.vector_store %arg6[%swap3A_24, %swap3A_25], %mul3A_23 {strides = array<i32>} : memref<896x128xf32, #tpu.memory_space<vmem>>, vector<896x128xf32>,
    return
  }
  func.func @transform_0(%arg0: i32) -> (i32, i32, i32) {
    %c0_i32 = arith.constant 0 : i32
    %c0_i32_0 = arith.constant 0 : i32
    %c0_i32_1 = arith.constant 0 : i32
    return %c0_i32, %arg0, %c0_i32_0 : i32, i32, i32
  }
  func.func @transform_1(%arg0: i32) -> (i32, i32) {
    %c0_i32 = arith.constant 0 : i32
    %c0_i32_0 = arith.constant 0 : i32
    return %arg0, %c0_i32 : i32, i32
  }
  func.func @transform_2(%arg0: i32) -> (i32, i32) {
    %c0_i32 = arith.constant 0 : i32
    %c0_i32_0 = arith.constant 0 : i32
    return %arg0, %c0_i32 : i32, i32
  }
  func.func @transform_3(%arg0: i32) -> (i32, i32) {
    %c0_i32 = arith.constant 0 : i32
    %c0_i32_0 = arith.constant 0 : i32
    return %arg0, %c0_i32 : i32, i32
  }
  func.func @transform_4(%arg0: i32) -> (i32, i32) {
    %c0_i32 = arith.constant 0 : i32
    %c0_i32_0 = arith.constant 0 : i32
    return %arg0, %c0_i32 : i32, i32
  }
  func.func @transform_5(%arg0: i32) -> (i32, i32) {
    %c0_i32 = arith.constant 0 : i32
    %c0_i32_0 = arith.constant 0 : i32
    return %arg0, %c0_i32 : i32, i32
  }
}

module attributes {stable_mosaic.version = 14 : i64} {
  func.func @_tc_dense_body(%arg0: i32, %arg1: memref<2x896x128xf32, #tpu.memory_space<vmem>>, %arg2: memref<896x128xf32, #tpu.memory_space<vmem>>, %arg3: memref<896x128xf32, #tpu.memory_space<vmem>>, %arg4: memref<896x128xf32, #tpu.memory_space<vmem>>, %arg5: memref<256x256xf32, #tpu.memory_space<vmem>>, %arg6: memref<1x256xf32, #tpu.memory_space<vmem>>, %arg7: memref<256x128xf32, #tpu.memory_space<vmem>>, %arg8: memref<896x128xf32, #tpu.memory_space<vmem>>) attributes {dimension_semantics = [#tpu.dimension_semantics<arbitrary>], iteration_bounds = array<i64: 14>, scalar_prefetch = 0 : i64, scratch_operands = 0 : i64, tpu.core_type = #tpu.core_type<tc>, window_params = [{transform_indices = @transform_0, window_bounds = array<i64: 2, 896, 128>}, {transform_indices = @transform_1, window_bounds = array<i64: 896, 128>}, {transform_indices = @transform_2, window_bounds = array<i64: 896, 128>}, {transform_indices = @transform_3, window_bounds = array<i64: 896, 128>}, {pipeline_mode = #tpu.pipeline_mode<synchronous>, transform_indices = @transform_4, window_bounds = array<i64: 256, 256>}, {pipeline_mode = #tpu.pipeline_mode<synchronous>, transform_indices = @transform_5, window_bounds = array<i64: 1, 256>}, {pipeline_mode = #tpu.pipeline_mode<synchronous>, transform_indices = @transform_6, window_bounds = array<i64: 256, 128>}, {transform_indices = @transform_7, window_bounds = array<i64: 896, 128>}]} {
    %get3A = arith.constant 0 : index
    %get3A_0 = arith.constant 0 : index
    %get3A_1 = vector.load %arg4[%get3A, %get3A_0] : memref<896x128xf32, #tpu.memory_space<vmem>>, vector<896x128xf32>
    %get3A_2 = arith.constant 0 : index
    %get3A_3 = arith.constant 0 : index
    %get3A_4 = arith.constant 0 : index
    %get3A_5 = vector.load %arg1[%get3A_2, %get3A_3, %get3A_4] : memref<2x896x128xf32, #tpu.memory_space<vmem>>, vector<1x896x128xf32>
    %get3A_6 = vector.shape_cast %get3A_5 : vector<1x896x128xf32> to vector<896x128xf32>
    %get3A_7 = arith.constant 0 : index
    %get3A_8 = arith.constant 0 : index
    %get3A_9 = vector.load %arg2[%get3A_7, %get3A_8] : memref<896x128xf32, #tpu.memory_space<vmem>>, vector<896x128xf32>
    %add3A = arith.addf %get3A_6, %get3A_9 : vector<896x128xf32>
    %mul3A = arith.mulf %add3A, %get3A_1 : vector<896x128xf32>
    %get3A_10 = arith.constant 1 : index
    %get3A_11 = arith.constant 0 : index
    %get3A_12 = arith.constant 0 : index
    %get3A_13 = vector.load %arg1[%get3A_10, %get3A_11, %get3A_12] : memref<2x896x128xf32, #tpu.memory_space<vmem>>, vector<1x896x128xf32>
    %get3A_14 = vector.shape_cast %get3A_13 : vector<1x896x128xf32> to vector<896x128xf32>
    %get3A_15 = arith.constant 0 : index
    %get3A_16 = arith.constant 0 : index
    %get3A_17 = vector.load %arg3[%get3A_15, %get3A_16] : memref<896x128xf32, #tpu.memory_space<vmem>>, vector<896x128xf32>
    %add3A_18 = arith.addf %get3A_14, %get3A_17 : vector<896x128xf32>
    %mul3A_19 = arith.mulf %add3A_18, %get3A_1 : vector<896x128xf32>
    %concatenate3A = tpu.concatenate %mul3A, %mul3A_19 in 1 : vector<896x128xf32>, vector<896x128xf32> -> vector<896x256xf32>
    %get3A_20 = arith.constant 0 : index
    %get3A_21 = arith.constant 0 : index
    %get3A_22 = vector.load %arg5[%get3A_20, %get3A_21] : memref<256x256xf32, #tpu.memory_space<vmem>>, vector<256x256xf32>
    %dot_general3A = arith.constant dense<0.000000e+00> : vector<896x256xf32>
    %dot_general3A_23 = tpu.matmul %concatenate3A, %get3A_22, %dot_general3A {dimension_numbers = #tpu.dot_dimension_numbers<[1], [0], [0], [1], [0, 0, 1, 1], [], []>, transpose_lhs_hint = false} : vector<896x256xf32>, vector<256x256xf32>, vector<896x256xf32> -> vector<896x256xf32>
    %get3A_24 = arith.constant 0 : index
    %get3A_25 = arith.constant 0 : index
    %get3A_26 = vector.load %arg6[%get3A_24, %get3A_25] : memref<1x256xf32, #tpu.memory_space<vmem>>, vector<1x256xf32>
    %add3A_27 = vector.broadcast %get3A_26 : vector<1x256xf32> to vector<896x256xf32>
    %add3A_28 = arith.addf %dot_general3A_23, %add3A_27 : vector<896x256xf32>
    %max3A = arith.constant 0.000000e+00 : f32
    %max3A_29 = vector.broadcast %max3A : f32 to vector<896x256xf32>
    %max3A_30 = arith.maximumf %add3A_28, %max3A_29 : vector<896x256xf32>
    %get3A_31 = arith.constant 0 : index
    %get3A_32 = arith.constant 0 : index
    %get3A_33 = vector.load %arg7[%get3A_31, %get3A_32] : memref<256x128xf32, #tpu.memory_space<vmem>>, vector<256x128xf32>
    %dot_general3A_34 = arith.constant dense<0.000000e+00> : vector<896x128xf32>
    %dot_general3A_35 = tpu.matmul %max3A_30, %get3A_33, %dot_general3A_34 {dimension_numbers = #tpu.dot_dimension_numbers<[1], [0], [0], [1], [0, 0, 1, 1], [], []>, transpose_lhs_hint = false} : vector<896x256xf32>, vector<256x128xf32>, vector<896x128xf32> -> vector<896x128xf32>
    %mul3A_36 = arith.mulf %dot_general3A_35, %get3A_1 : vector<896x128xf32>
    %swap3A = arith.constant 0 : index
    %swap3A_37 = arith.constant 0 : index
    %swap3A_38 = vector.load %arg8[%swap3A, %swap3A_37] : memref<896x128xf32, #tpu.memory_space<vmem>>, vector<896x128xf32>
    tpu.vector_store %arg8[%swap3A, %swap3A_37], %mul3A_36 {strides = array<i32>} : memref<896x128xf32, #tpu.memory_space<vmem>>, vector<896x128xf32>,
    return
  }
  func.func @transform_0(%arg0: i32) -> (i32, i32, i32) {
    %c0_i32 = arith.constant 0 : i32
    %c0_i32_0 = arith.constant 0 : i32
    %c0_i32_1 = arith.constant 0 : i32
    return %c0_i32, %arg0, %c0_i32_0 : i32, i32, i32
  }
  func.func @transform_1(%arg0: i32) -> (i32, i32) {
    %c0_i32 = arith.constant 0 : i32
    %c0_i32_0 = arith.constant 0 : i32
    return %arg0, %c0_i32 : i32, i32
  }
  func.func @transform_2(%arg0: i32) -> (i32, i32) {
    %c0_i32 = arith.constant 0 : i32
    %c0_i32_0 = arith.constant 0 : i32
    return %arg0, %c0_i32 : i32, i32
  }
  func.func @transform_3(%arg0: i32) -> (i32, i32) {
    %c0_i32 = arith.constant 0 : i32
    %c0_i32_0 = arith.constant 0 : i32
    return %arg0, %c0_i32 : i32, i32
  }
  func.func @transform_4(%arg0: i32) -> (i32, i32) {
    %c0_i32 = arith.constant 0 : i32
    %c0_i32_0 = arith.constant 0 : i32
    %c0_i32_1 = arith.constant 0 : i32
    return %c0_i32, %c0_i32_0 : i32, i32
  }
  func.func @transform_5(%arg0: i32) -> (i32, i32) {
    %c0_i32 = arith.constant 0 : i32
    %c0_i32_0 = arith.constant 0 : i32
    %c0_i32_1 = arith.constant 0 : i32
    return %c0_i32, %c0_i32_0 : i32, i32
  }
  func.func @transform_6(%arg0: i32) -> (i32, i32) {
    %c0_i32 = arith.constant 0 : i32
    %c0_i32_0 = arith.constant 0 : i32
    %c0_i32_1 = arith.constant 0 : i32
    return %c0_i32, %c0_i32_0 : i32, i32
  }
  func.func @transform_7(%arg0: i32) -> (i32, i32) {
    %c0_i32 = arith.constant 0 : i32
    %c0_i32_0 = arith.constant 0 : i32
    return %arg0, %c0_i32 : i32, i32
  }
}

module attributes {stable_mosaic.version = 14 : i64} {
  func.func @_tc_final_body(%arg0: i32, %arg1: memref<2x896x128xf32, #tpu.memory_space<vmem>>, %arg2: memref<896x128xf32, #tpu.memory_space<vmem>>, %arg3: memref<896x128xf32, #tpu.memory_space<vmem>>, %arg4: memref<1x128xf32, #tpu.memory_space<vmem>>, %arg5: memref<896x128xf32, #tpu.memory_space<vmem>>) attributes {dimension_semantics = [#tpu.dimension_semantics<arbitrary>], iteration_bounds = array<i64: 14>, scalar_prefetch = 0 : i64, scratch_operands = 0 : i64, tpu.core_type = #tpu.core_type<tc>, window_params = [{transform_indices = @transform_0, window_bounds = array<i64: 2, 896, 128>}, {transform_indices = @transform_1, window_bounds = array<i64: 896, 128>}, {transform_indices = @transform_2, window_bounds = array<i64: 896, 128>}, {pipeline_mode = #tpu.pipeline_mode<synchronous>, transform_indices = @transform_3, window_bounds = array<i64: 1, 128>}, {transform_indices = @transform_4, window_bounds = array<i64: 896, 128>}]} {
    %get3A = arith.constant 0 : index
    %get3A_0 = arith.constant 0 : index
    %get3A_1 = arith.constant 0 : index
    %get3A_2 = vector.load %arg1[%get3A, %get3A_0, %get3A_1] : memref<2x896x128xf32, #tpu.memory_space<vmem>>, vector<1x896x128xf32>
    %get3A_3 = vector.shape_cast %get3A_2 : vector<1x896x128xf32> to vector<896x128xf32>
    %get3A_4 = arith.constant 1 : index
    %get3A_5 = arith.constant 0 : index
    %get3A_6 = arith.constant 0 : index
    %get3A_7 = vector.load %arg1[%get3A_4, %get3A_5, %get3A_6] : memref<2x896x128xf32, #tpu.memory_space<vmem>>, vector<1x896x128xf32>
    %get3A_8 = vector.shape_cast %get3A_7 : vector<1x896x128xf32> to vector<896x128xf32>
    %add3A = arith.addf %get3A_3, %get3A_8 : vector<896x128xf32>
    %get3A_9 = arith.constant 0 : index
    %get3A_10 = arith.constant 0 : index
    %get3A_11 = vector.load %arg2[%get3A_9, %get3A_10] : memref<896x128xf32, #tpu.memory_space<vmem>>, vector<896x128xf32>
    %add3A_12 = arith.addf %add3A, %get3A_11 : vector<896x128xf32>
    %get3A_13 = arith.constant 0 : index
    %get3A_14 = arith.constant 0 : index
    %get3A_15 = vector.load %arg3[%get3A_13, %get3A_14] : memref<896x128xf32, #tpu.memory_space<vmem>>, vector<896x128xf32>
    %mul3A = arith.mulf %add3A_12, %get3A_15 : vector<896x128xf32>
    %get3A_16 = arith.constant 0 : index
    %get3A_17 = arith.constant 0 : index
    %get3A_18 = vector.load %arg4[%get3A_16, %get3A_17] : memref<1x128xf32, #tpu.memory_space<vmem>>, vector<1x128xf32>
    %add3A_19 = vector.broadcast %get3A_18 : vector<1x128xf32> to vector<896x128xf32>
    %add3A_20 = arith.addf %mul3A, %add3A_19 : vector<896x128xf32>
    %swap3A = arith.constant 0 : index
    %swap3A_21 = arith.constant 0 : index
    %swap3A_22 = vector.load %arg5[%swap3A, %swap3A_21] : memref<896x128xf32, #tpu.memory_space<vmem>>, vector<896x128xf32>
    tpu.vector_store %arg5[%swap3A, %swap3A_21], %add3A_20 {strides = array<i32>} : memref<896x128xf32, #tpu.memory_space<vmem>>, vector<896x128xf32>,
    return
  }
  func.func @transform_0(%arg0: i32) -> (i32, i32, i32) {
    %c0_i32 = arith.constant 0 : i32
    %c0_i32_0 = arith.constant 0 : i32
    %c0_i32_1 = arith.constant 0 : i32
    return %c0_i32, %arg0, %c0_i32_0 : i32, i32, i32
  }
  func.func @transform_1(%arg0: i32) -> (i32, i32) {
    %c0_i32 = arith.constant 0 : i32
    %c0_i32_0 = arith.constant 0 : i32
    return %arg0, %c0_i32 : i32, i32
  }
  func.func @transform_2(%arg0: i32) -> (i32, i32) {
    %c0_i32 = arith.constant 0 : i32
    %c0_i32_0 = arith.constant 0 : i32
    return %arg0, %c0_i32 : i32, i32
  }
  func.func @transform_3(%arg0: i32) -> (i32, i32) {
    %c0_i32 = arith.constant 0 : i32
    %c0_i32_0 = arith.constant 0 : i32
    %c0_i32_1 = arith.constant 0 : i32
    return %c0_i32, %c0_i32_0 : i32, i32
  }
  func.func @transform_4(%arg0: i32) -> (i32, i32) {
    %c0_i32 = arith.constant 0 : i32
    %c0_i32_0 = arith.constant 0 : i32
    return %arg0, %c0_i32 : i32, i32
  }
}

</mosaic_0001>

<sc_bundles>
// kernel: kernel.11.cloned.1.call-start
scs
__scs_entry_jumppad:
0x0: {  	(pc) =	sbr.rel $0x88, $3  }
0x1: {  	(tag) =	ssettag $0x0;
	lr =	simm.s32 $0x1  }
0x2: {  	[smem:$0x3F9B] =	sst lr;
	_ =	strace $0xD0000000  }
0x3: {  	_ = 	snop  }
0x4: {  	_ = 	snop  }
0x5: {  	_ = 	snop  }
0x6: {  	_ = 	snop  }
0x7: {  	_ = 	snop  }
__scs_overlays_trampoline_lowered:
0x8: {  	[smem:$0x3FAA] =	sst s0  }
0x9: {  	[smem:$0x3FAB] =	sst s1  }
0xa: {  	[smem:$0x3FAC] =	sst s2  }
0xb: {  	[smem:$0x3FAD] =	sst s3  }
0xc: {  	[smem:$0x3FAE] =	sst s4  }
0xd: {  	[smem:$0x3FAF] =	sst s5  }
0xe: {  	[smem:$0x3FB0] =	sst s6  }
0xf: {  	[smem:$0x3FB1] =	sst s7  }
0x10: {  	[smem:$0x3FB2] =	sst s8  }
0x11: {  	[smem:$0x3FB3] =	sst s9;
	s0 =	simm.s32 @!p0 $0x0  }
0x12: {  	s1 =	sld [smem:$0x3F99];
	s0 =	simm.s32 @p0 $0x1  }
0x13: {  	[smem:$0x3FB4] =	sst s0;
	s0 =	simm.s32 @!p1 $0x0  }
0x14: {  	s2 =	sld [smem:$0x3F98];
	s0 =	simm.s32 @p1 $0x1  }
0x15: {  	[smem:$0x3FB5] =	sst s0;
	s0 =	simm.s32 @!p2 $0x0  }
0x16: {  	s3 =	sld [smem:$0x3FDB];
	s0 =	simm.s32 @p2 $0x1  }
0x17: {  	s4 =	simm.s32 $0x1BF5;
	[smem:$0x3FB7] =	sst s0  }
0x18: {  	s0 =	sld [smem:$0x3F9A];
	_ =	swait.ge [sflag:s4], $0x0  }
0x19: {  	s7 =	sld [smem:$0x3F9B]  }
0x1a: {  	s8 =	sadd.s32 $0xFFFFE003, lr  }
0x1b: {  	s9 =	sadd.s32 $0xFFFFFEF7, lr;
	s5 =	simm.s32 $0xFFFFFFFF;
	p2 =	slt.u32 s8, $0xFFFFF086  }
0x1c: {  	p1 =	slt.u32 s9, $0xF7A;
	s5 =	simm.s32 @!p2 $0x0  }
0x1d: {  	s5 =	simm.s32 @p1 $0x1;
	p0 =	seq.s32 s7, s2  }
0x1e: {  	s7 =	smul.u32 @!p0 $0xF7A, s2;
	p2 =	seq.s32 @!p0 s5, $0x0  }
0x1f: {  	s9 =	smul.u32 $0xF7A, s1;
	s8 =	simm.s32 @!p0 $0x1BF5;
	p2 =	por !p2, p0  }
0x20: {  	[sflag:s8] =	ssyncset.s32 @!p0 $0xFFFFF086;
	s6 =	sadd.s32 @!p0 s3, s7;
	s7 =	simm.s32 @!p0 $0x108  }
0x21: {  	s3 =	sadd.s32 s3, s9;
	s6 =	sadd.s32 @!p0 $0x88, s6;
	s7 =	simm.s32 @p2 $0x1082  }
0x22: {  	[simem:s7], [sflag:s8] =	dma.local @!p0 [hbm:s6], $0xF7A  }
0x23: {  	s9 =	sor.u32 $0xD0000000, s2;
	s6 =	simm.s32 $0x108;
	_ =	swait.ge @!p0 [sflag:s8], $0x0  }
0x24: {  	s3 =	sadd.s32 $0x88, s3;
	s6 =	simm.s32 @!p1 $0x1082;
	[sflag:s4] =	ssyncset.s32 $0xFFFFF086  }
0x25: {  	[simem:s6], [sflag:s4] =	dma.local [hbm:s3], $0xF7A  }
0x26: {  	[smem:$0x3F9B] =	sst s1;
	(tag) =	ssettag s2;
	_ =	strace s9  }
0x27: {  	s1 =	sld [smem:$0x3FAB]  }
0x28: {  	s2 =	sld [smem:$0x3FAC]  }
0x29: {  	s4 =	sld [smem:$0x3FAE]  }
0x2a: {  	p0 =	seq.s32 s5, $0x0;
	s5 =	sld [smem:$0x3FAF]  }
0x2b: {  	s6 =	sld [smem:$0x3FB0]  }
0x2c: {  	s7 =	sld [smem:$0x3FB1]  }
0x2d: {  	s3 =	simm.s32 $0x108;
	s8 =	sld [smem:$0x3FB2]  }
0x2e: {  	s3 =	simm.s32 @!p0 $0x1082;
	s9 =	sld [smem:$0x3FB3]  }
0x2f: {  	lr =	sadd.s32 s0, s3;
	s0 =	sld [smem:$0x3FAA]  }
0x30: {  	s3 =	sld [smem:$0x3FAD]  }
0x31: {  	[smem:$0x3FB6] =	sst s10  }
0x32: {  	s10 =	sld [smem:$0x3FB4];
	_ =	sdelay $0x3  }
0x33: {  	p0 =	seq.s32 s10, $0x1;
	s10 =	sld [smem:$0x3FB6];
	_ =	sdelay $0x3  }
0x34: {  	[smem:$0x3FB6] =	sst s10  }
0x35: {  	s10 =	sld [smem:$0x3FB5];
	_ =	sdelay $0x3  }
0x36: {  	p1 =	seq.s32 s10, $0x1;
	s10 =	sld [smem:$0x3FB6];
	_ =	sdelay $0x3  }
0x37: {  	[smem:$0x3FB6] =	sst s10  }
0x38: {  	s10 =	sld [smem:$0x3FB7]  }
0x39: {  	_ = 	snop;
	(pc) =	sbr.ind lr, $3  }
0x3a: {  	_ = 	snop  }
0x3b: {  	_ = 	snop  }
0x3c: {  	p2 =	seq.s32 s10, $0x1;
	s10 =	sld [smem:$0x3FB6]  }
0x3d: {  	_ =	shalt  }
0x3e: {  	_ =	shalt  }
0x3f: {  	_ =	shalt  }
0x40: {  	_ =	shalt  }
0x41: {  	_ =	shalt  }
0x42: {  	_ =	shalt  }
0x43: {  	_ =	shalt  }
0x44: {  	_ =	shalt  }
0x45: {  	_ =	shalt  }
0x46: {  	_ =	shalt  }
0x47: {  	_ =	shalt  }
0x48: {  	_ =	shalt  }
0x49: {  	_ =	shalt  }
0x4a: {  	_ =	shalt  }
0x4b: {  	_ =	shalt  }
0x4c: {  	_ =	shalt  }
0x4d: {  	_ =	shalt  }
0x4e: {  	_ =	shalt  }
0x4f: {  	_ =	shalt  }
0x50: {  	_ =	shalt  }
0x51: {  	_ =	shalt  }
0x52: {  	_ =	shalt  }
0x53: {  	_ =	shalt  }
0x54: {  	_ =	shalt  }
0x55: {  	_ =	shalt  }
0x56: {  	_ =	shalt  }
0x57: {  	_ =	shalt  }
0x58: {  	_ =	shalt  }
0x59: {  	_ =	shalt  }
0x5a: {  	_ =	shalt  }
0x5b: {  	_ =	shalt  }
0x5c: {  	_ =	shalt  }
0x5d: {  	_ =	shalt  }
0x5e: {  	_ =	shalt  }
0x5f: {  	_ =	shalt  }
0x60: {  	_ =	shalt  }
0x61: {  	_ =	shalt  }
0x62: {  	_ =	shalt  }
0x63: {  	_ =	shalt  }
0x64: {  	_ =	shalt  }
0x65: {  	_ =	shalt  }
0x66: {  	_ =	shalt  }
0x67: {  	_ =	shalt  }
0x68: {  	_ =	shalt  }
0x69: {  	_ =	shalt  }
0x6a: {  	_ =	shalt  }
0x6b: {  	_ =	shalt  }
0x6c: {  	_ =	shalt  }
0x6d: {  	_ =	shalt  }
0x6e: {  	_ =	shalt  }
0x6f: {  	_ =	shalt  }
0x70: {  	_ =	shalt  }
0x71: {  	_ =	shalt  }
0x72: {  	_ =	shalt  }
0x73: {  	_ =	shalt  }
0x74: {  	_ =	shalt  }
0x75: {  	_ =	shalt  }
0x76: {  	_ =	shalt  }
0x77: {  	_ =	shalt  }
0x78: {  	_ =	shalt  }
0x79: {  	_ =	shalt  }
0x7a: {  	_ =	shalt  }
0x7b: {  	_ =	shalt  }
0x7c: {  	_ =	shalt  }
0x7d: {  	_ =	shalt  }
0x7e: {  	_ =	shalt  }
0x7f: {  	_ =	shalt  }
0x80: {  	_ =	shalt  }
0x81: {  	_ =	shalt  }
0x82: {  	_ =	shalt  }
0x83: {  	_ =	shalt  }
0x84: {  	_ =	shalt  }
0x85: {  	_ =	shalt  }
0x86: {  	_ =	shalt  }
0x87: {  	_ =	shalt  }
.Lfunc_end0:
.L_simem_size_0:
called_computation.1_lowered:
.L_overlay_start_0:
0x88: {  	s2 =	sld [smem:$0x3FD9]  }
0x89: {  	s3 =	sld [smem:$0x3FFE];
	_ =	sdelay $0x1  }
0x8a: {  	s1 =	srdreg.scid  }
0x8b: {  	s0 =	sand.u32 $0x1, s1  }
0x8c: {  	s16 =	sshll.u32 s0, $0xA;
	s2 =	sadd.s32 s3, s2  }
0x8d: {  	s2 =	sadd.s32 s2, s16  }
0x8e: {  	[smem:$0x3FC2] =	sst s2  }
0x8f: {  	_ = 	snop  }
0x90: {  	(tm) =	ssettm $0x1  }
0x91: {  	s17 =	sld [smem:$0x3FFB];
	_ =	sdelay $0x3  }
0x92: {  	_ =	strace s17  }
0x93: {  	s2 =	sld [smem:$0x3FFC];
	_ =	sdelay $0x3  }
0x94: {  	_ =	strace s2  }
0x95: {  	s2 =	sld [smem:$0x3FFD];
	_ =	sdelay $0x3  }
0x96: {  	_ =	strace s2  }
0x97: {  	_ =	strace $0x8FFFFFFF  }
0x98: {  	s18 =	sld [smem:$0x3FDB];
	_ =	sdelay $0x1  }
0x99: {  	s19 =	simm.s32 $_scs_section_size  }
0x9a: {  	s4 =	simm.s32 $_size__tile_overlayer_lowered;
	s5 =	simm.s32 $_tile_overlayer_lowered  }
0x9b: {  	s22 =	simm.s32 $0x1BFF;
	s21 =	sshll.u32 s5, $0x1;
	s2 =	sadd.s32 s19, s18  }
0x9c: {  	s6 =	simm.s32 $0x0;
	s20 =	sshll.u32 s4, $0x1;
	s4 =	sadd.s32 s21, s2  }
0x9d: {  	[timem:s6], [sflag:s22] =	dma.local [hbm:s4], s20  }
0x9e: {  	_ =	swait.ge [sflag:s22], s20  }
0x9f: {  	s3 =	ssub.s32 $0x0, s20;
	[sflag:s22] =	ssyncset.done $0x0  }
0xa0: {  	[sflag:s22] =	ssyncadd.s32 s3;
	_ =	sdelay $0x1  }
0xa1: {  	s23 =	simm.s32 $0x1B8B  }
0xa2: {  	_ =	swait.ge [sflag:s23], $0x1  }
0xa3: {  	[sflag:s23] =	ssyncset.done $0x0  }
0xa4: {  	s25 =	simm.s32 $0x1B8E;
	s24 =	sld [smem:$0x3FFE];
	[sflag:s23] =	ssyncadd.s32 $0xFFFFFFFF  }
0xa5: {  	s26 =	simm.s32 $execute0_lowered;
	[smem:$0x3FD2] =	sst s25  }
0xa6: {  	s4 =	sshll.u32 s26, $0x1;
	_ =	strace $0x80000049;
	[dreg:$0x1] =	wrdreg $0xFFFFFFFF  }
0xa7: {  	s28 =	simm.s32 $_size_execute0_lowered;
	s2 =	sadd.s32 s2, s4;
	[dreg:$0x0] =	wrdreg $0x0  }
0xa8: {  	s4 =	sshll.u32 s28, $0x1;
	[dreg:$0x2] =	wrdreg s2  }
0xa9: {  	[dreg:$0x3] =	wrdreg s4  }
0xaa: {  	[dreg:$0x4] =	wrdreg $0xC0  }
0xab: {  	_ =	task [dreg:s6], $0x5FFFF  }
0xac: {  	[dreg:$0x1] =	wrdreg $0xFFFFFFFF  }
0xad: {  	[dreg:$0x0] =	wrdreg $0x60  }
0xae: {  	[dreg:$0x2] =	wrdreg s24  }
0xaf: {  	[dreg:$0x3] =	wrdreg $0x60000  }
0xb0: {  	[dreg:$0x4] =	wrdreg $0x9  }
0xb1: {  	_ =	task.clear_ibuf [dreg:s6], $0x5FFFF;
	_ =	strace $0x90000049  }
0xb2: {  	s29 =	simm.s32 $0x9;
	_ =	strace $0x8000004B  }
0xb3: {  	_ =	swait.ge [sflag:s29], $0x1  }
0xb4: {  	[sflag:s29] =	ssyncadd.s32 $0xFFFFFFFF  }
0xb5: {  	_ =	strace $0x9000004B  }
0xb6: {  	_ =	sfence  }
0xb7: {  	s30 =	sld [smem:$0x0];
	_ =	sdelay $0x2  }
0xb8: {  	s31 =	sshll.u32 s1, $0xD;
	s1 =	sshrl.u32 s1, $0x2  }
0xb9: {  	s3 =	sand.u32 $0x4000, s31;
	s1 =	sadd.s32 s1, s30  }
0xba: {  	s0 =	sor.u32 s3, s0;
	s1 =	sshll.u32 s1, $0x11  }
0xbb: {  	s0 =	sor.u32 s1, s0  }
0xbc: {  	s0 =	sadd.s32 $0x8F2B, s0  }
0xbd: {  	[sflag:s0] =	ssyncadd.remote.s32 $0x1  }
0xbe: {  	_ =	sfence.sel $0xFFFF  }
0xbf: {  	[dreg:$0x0] =	wrdreg $0xFFFFFFFF;
	(pc) =	sbr.abs _section_cstart, $3  }
0xc0: {  	[dreg:$0x1] =	wrdreg $0xFFFFFFFF  }
0xc1: {  	_ =	task.clear_ibuf [dreg:s6], $0x2FFFF;
	_ =	strace $0x9FFFFFFF  }
0xc2: {  	(tm) =	ssettm $0x7FFFFFFF  }
0xc3: {  	_ =	shalt  }
tec
execute0_lowered:
.L_overlay_start_1:
0x0: {  	(tag) =	ssettag $0x1  }
0x1: {  	s0 =	rddreg [dreg:$0x0]  }
0x2: {  	s2 =	rddreg [dreg:$0x1];
	s3 =	simm.s32 $0x0  }
0x3: {  	s12 =	stileid.u32;
	s4 =	srdreg.scid;
	s16 =	simm.s32 $0x3  }
0x4: {  	s17 =	simm.s32 $0x1000;
	s18 =	simm.s32 $0x200;
	s28 =	simm.s32 $0x1400  }
0x5: {  	s29 =	simm.s32 $0x800;
	s30 =	simm.s32 $0x1600;
	s31 =	simm.s32 $0xA00  }
0x6: {  	s13 =	simm.s32 $0x1C00;
	s14 =	simm.s32 $0x1E00;
	s1 =	smul.u32 $0x6200, s12  }
0x7: {  	[smem:$0x7FF] =	sst s3;
	s6 =	smul.u32 $0x18800, s12;
	s7 =	sand.u32 $0x1, s4  }
0x8: {  	s4 =	sadd.s32 $0xF9000, s0;
	s5 =	sadd.s32 $0xC8000, s0;
	s21 =	sshll.u32 s12, $0x6  }
0x9: {  	p0 =	seq.s32 s12, $0xF;
	s12 =	simm.s32 $0xE00;
	_ =	strace $0x8000004A  }
0xa: {  	s8 =	smul.u32 $0x31000, s7;
	s10 =	ssub.s32 $0x2, s7;
	s1 =	sadd.s32 s1, s0  }
0xb: {  	s9 =	sshrl.u32 s6, $0x3;
	s19 =	sshrl.u32 s10, $0x1;
	s6 =	sadd.s32 s6, s2  }
0xc: {  	s11 =	sadd.s32 s9, s0;
	s0 =	sadd.s32 s8, s0;
	s10 =	ssub.s32 s10, s19  }
0xd: {  	s8 =	sor.u32 $0x1C03, s21;
	s23 =	sadd.s32 $0x4800, s1;
	s15 =	sadd.s32 $0x66400, s1  }
0xe: {  	s26 =	sshrl.u32 s6, $0x3;
	s19 =	simm.s32 $0x2000;
	s21 =	simm.s32 $0x1  }
0xf: {  	s6 =	simm.s32 $0x1A00;
	s20 =	sadd.s32 $0x15B000, s11;
	s11 =	simm.s32 $0x172  }
0x10: {  	s0 =	sadd.s32 $0x18C000, s0;
	s10 =	smax.u32 s10, $0x1;
	[dreg:$0x9] =	wrdreg s23  }
0x11: {  	[dreg:$0x3] =	wrdreg s20;
	s11 =	simm.s32 @!p0 $0x188;
	p0 =	seq.s32 s7, $0x1  }
0x12: {  	[dreg:$0x6] =	wrdreg s10;
	s10 =	smov.u32 s8;
	s0 =	sadd.s32 s9, s0  }
0x13: {  	s20 =	simm.s32 $0x4000;
	s22 =	sshrl.u32 s11, $0x3;
	[dreg:$0xa] =	wrdreg s0  }
0x14: {  	s11 =	sand.u32 $0x2, s11;
	s0 =	simm.s32 $0x1800;
	[dreg:$0x4] =	wrdreg s22  }
.Ltmp0:
0x15: {  	s24 =	sshll.u32 s22, $0x9;
	s22 =	simm.s32 $0x400;
	(pc) =	sbr.rel .LBB2_1-.Ltmp0, $4  }
0x16: {  	[dreg:$0x5] =	wrdreg s11;
	p1 =	seq.s32 s11, $0x0;
	s11 =	smov.u32 s26  }
0x17: {  	s26 =	simm.s32 $0x600;
	s25 =	sadd.s32 s24, s23;
	s1 =	sadd.s32 s24, s15  }
0x18: {  	s23 =	simm.s32 $0x2;
	s24 =	simm.s32 $0x0;
	[dreg:$0x7] =	wrdreg s25  }
0x19: {  	[dreg:$0x8] =	wrdreg s1;
	s25 =	simm.s32 $0x1200;
	s1 =	simm.s32 $0xC00  }
.LBB2_7:
0x1a: {  	[sflag:s16] =	ssyncadd.s32 $0xFFFFE000  }
.LBB2_14:
0x1b: {  	[bflag:$0x0] =	sbarrier.arrive $0xFFFF  }
0x1c: {  	s11 =	smov.u32 s7;
	s9 =	rddreg [dreg:$0xa]  }
0x1d: {  	[hbm:s9], [sflag:s8] =	dma.local [spmem:s11], $0x3100  }
0x1e: {  	_ =	swait.ge [sflag:s16], $0x3100  }
0x1f: {  	s24 =	sadd.s32 $0x1, s24;
	s9 =	rddreg [dreg:$0x6]  }
0x20: {  	p2 =	sne.s32 s24, s9  }
.Ltmp1:
0x21: {  	_ = 	snop;
	(pc) =	sbr.rel @!p2 .LBB2_15-.Ltmp1, $3  }
0x22: {  	_ =	sdelay $0x1  }
0x23: {  	[sflag:s16] =	ssyncset.done $0x0  }
0x24: {  	s10 =	smov.u32 s8;
	[sflag:s16] =	ssyncadd.s32 $0xFFFFCF00  }
.LBB2_1:
0x25: {  	s9 =	rddreg [dreg:$0x3]  }
0x26: {  	[spmem:s11], [sflag:s10] =	dma.local [hbm:s9], $0x3100  }
.Ltmp2:
0x27: {  	_ =	swait.ge [sflag:s16], $0x3100;
	(pc) =	sbr.rel @!p0 .LBB2_2-.Ltmp2, $4  }
0x28: {  	[sflag:s16] =	ssyncset.done $0x0  }
0x29: {  	[sflag:s16] =	ssyncadd.s32 $0xFFFFCF00  }
0x2a: {  	[bflag:$0x0] =	sbarrier.arrive $0xFFFF  }
0x2b: {  	s8 =	smov.u32 s10;
	s7 =	smov.u32 s11  }
0x2c: {  	[tilespmem:s3], [sflag:$0x3] =	stream.linear.gather [hbm4b:s15+s3], $0x1000, $0x38;
	[tilespmem:$0x1E800] =	vst v63  }
0x2d: {  	_ =	swait.ge [sflag:s16], $0x1000  }
0x2e: {  	[sflag:s16] =	ssyncset.done $0x0  }
0x2f: {  	s10 =	rddreg [dreg:$0x9];
	[sflag:s16] =	ssyncadd.s32 $0xFFFFF000  }
0x30: {  	[tilespmem:s17], [sflag:$0x3] =	stream.linear.gather [hbm4b:s10+s3], $0x1000, $0x38;
	[tilespmem:$0x1E800] =	vst v63  }
0x31: {  	_ =	swait.ge [sflag:s16], $0x1000  }
0x32: {  	[sflag:s16] =	ssyncset.done $0x0  }
0x33: {  	[sflag:s16] =	ssyncadd.s32 $0xFFFFF000  }
0x34: {  	[tilespmem:s19], [sflag:$0x1] =	stream.indirect.gather [hbm4b:s5+s18], $0x10, s3, s18, $0xb8;
	[tilespmem:$0x1E800] =	vst v63  }
0x35: {  	_ = 	snop  }
0x36: {  	[tilespmem:s20], [sflag:$0x2] =	stream.indirect.gather [hbm4b:s5+s18], $0x10, s18, s18, $0xb8;
	[tilespmem:$0x1E800] =	vst v63  }
0x37: {  	_ =	swait.ge [sflag:s21], $0x2000  }
0x38: {  	[sflag:s21] =	ssyncset.done $0x0  }
0x39: {  	[sflag:s21] =	ssyncadd.s32 $0xFFFFE000  }
0x3a: {  	[spmem:s2] =	stream.indirect.scatter.add.f32 [tilespmem:s19], [sflag:$0x3], $0x10, s17, s18, $0xb8;
	[tilespmem:$0x1E800] =	vst v63  }
0x3b: {  	_ =	swait.ge [sflag:s16], $0x2000  }
0x3c: {  	[sflag:s16] =	ssyncset.done $0x0  }
0x3d: {  	[sflag:s16] =	ssyncadd.s32 $0xFFFFE000  }
0x3e: {  	[tilespmem:s19], [sflag:$0x1] =	stream.indirect.gather [hbm4b:s5+s18], $0x10, s22, s18, $0xb8;
	[tilespmem:$0x1E800] =	vst v63  }
0x3f: {  	_ =	swait.ge [sflag:s23], $0x2000  }
0x40: {  	[sflag:s23] =	ssyncset.done $0x0  }
0x41: {  	[sflag:s23] =	ssyncadd.s32 $0xFFFFE000  }
0x42: {  	[spmem:s2] =	stream.indirect.scatter.add.f32 [tilespmem:s20], [sflag:$0x3], $0x10, s25, s18, $0xb8;
	[tilespmem:$0x1E800] =	vst v63  }
0x43: {  	_ =	swait.ge [sflag:s16], $0x2000  }
0x44: {  	[sflag:s16] =	ssyncset.done $0x0  }
0x45: {  	[sflag:s16] =	ssyncadd.s32 $0xFFFFE000  }
0x46: {  	[tilespmem:s20], [sflag:$0x2] =	stream.indirect.gather [hbm4b:s5+s18], $0x10, s26, s18, $0xb8;
	[tilespmem:$0x1E800] =	vst v63  }
0x47: {  	_ =	swait.ge [sflag:s21], $0x2000  }
0x48: {  	[sflag:s21] =	ssyncset.done $0x0  }
0x49: {  	[sflag:s21] =	ssyncadd.s32 $0xFFFFE000  }
0x4a: {  	[spmem:s2] =	stream.indirect.scatter.add.f32 [tilespmem:s19], [sflag:$0x3], $0x10, s28, s18, $0xb8;
	[tilespmem:$0x1E800] =	vst v63  }
0x4b: {  	_ =	swait.ge [sflag:s16], $0x2000  }
0x4c: {  	[sflag:s16] =	ssyncset.done $0x0  }
0x4d: {  	[sflag:s16] =	ssyncadd.s32 $0xFFFFE000  }
0x4e: {  	[tilespmem:s19], [sflag:$0x1] =	stream.indirect.gather [hbm4b:s5+s18], $0x10, s29, s18, $0xb8;
	[tilespmem:$0x1E800] =	vst v63  }
0x4f: {  	_ =	swait.ge [sflag:s23], $0x2000  }
0x50: {  	[sflag:s23] =	ssyncset.done $0x0  }
0x51: {  	[sflag:s23] =	ssyncadd.s32 $0xFFFFE000  }
0x52: {  	[spmem:s2] =	stream.indirect.scatter.add.f32 [tilespmem:s20], [sflag:$0x3], $0x10, s30, s18, $0xb8;
	[tilespmem:$0x1E800] =	vst v63  }
0x53: {  	_ =	swait.ge [sflag:s16], $0x2000  }
0x54: {  	[sflag:s16] =	ssyncset.done $0x0  }
0x55: {  	[sflag:s16] =	ssyncadd.s32 $0xFFFFE000  }
0x56: {  	[tilespmem:s20], [sflag:$0x2] =	stream.indirect.gather [hbm4b:s5+s18], $0x10, s31, s18, $0xb8;
	[tilespmem:$0x1E800] =	vst v63  }
0x57: {  	_ =	swait.ge [sflag:s21], $0x2000  }
0x58: {  	[sflag:s21] =	ssyncset.done $0x0  }
0x59: {  	[sflag:s21] =	ssyncadd.s32 $0xFFFFE000  }
0x5a: {  	[spmem:s2] =	stream.indirect.scatter.add.f32 [tilespmem:s19], [sflag:$0x3], $0x10, s0, s18, $0xb8;
	[tilespmem:$0x1E800] =	vst v63  }
0x5b: {  	_ =	swait.ge [sflag:s16], $0x2000  }
0x5c: {  	[sflag:s16] =	ssyncset.done $0x0  }
0x5d: {  	[sflag:s16] =	ssyncadd.s32 $0xFFFFE000  }
0x5e: {  	[tilespmem:s19], [sflag:$0x1] =	stream.indirect.gather [hbm4b:s5+s18], $0x10, s1, s18, $0xb8;
	[tilespmem:$0x1E800] =	vst v63  }
0x5f: {  	_ =	swait.ge [sflag:s23], $0x2000  }
0x60: {  	[sflag:s23] =	ssyncset.done $0x0  }
0x61: {  	[sflag:s23] =	ssyncadd.s32 $0xFFFFE000  }
0x62: {  	[spmem:s2] =	stream.indirect.scatter.add.f32 [tilespmem:s20], [sflag:$0x3], $0x10, s6, s18, $0xb8;
	[tilespmem:$0x1E800] =	vst v63  }
0x63: {  	_ =	swait.ge [sflag:s16], $0x2000  }
0x64: {  	[sflag:s16] =	ssyncset.done $0x0  }
0x65: {  	[sflag:s16] =	ssyncadd.s32 $0xFFFFE000  }
0x66: {  	[tilespmem:s20], [sflag:$0x2] =	stream.indirect.gather [hbm4b:s5+s18], $0x10, s12, s18, $0xb8;
	[tilespmem:$0x1E800] =	vst v63  }
0x67: {  	_ =	swait.ge [sflag:s21], $0x2000  }
0x68: {  	[sflag:s21] =	ssyncset.done $0x0  }
0x69: {  	[sflag:s21] =	ssyncadd.s32 $0xFFFFE000  }
0x6a: {  	[spmem:s2] =	stream.indirect.scatter.add.f32 [tilespmem:s19], [sflag:$0x3], $0x10, s13, s18, $0xb8;
	[tilespmem:$0x1E800] =	vst v63  }
0x6b: {  	_ =	swait.ge [sflag:s16], $0x2000  }
0x6c: {  	[sflag:s16] =	ssyncset.done $0x0  }
0x6d: {  	[sflag:s16] =	ssyncadd.s32 $0xFFFFE000  }
0x6e: {  	_ =	swait.ge [sflag:s23], $0x2000  }
0x6f: {  	s9 =	rddreg [dreg:$0x4]  }
0x70: {  	p2 =	seq.s32 s9, $0x1  }
.Ltmp3:
0x71: {  	[sflag:s23] =	ssyncset.done $0x0;
	(pc) =	sbr.rel @p2 .LBB2_10-.Ltmp3, $4  }
0x72: {  	[sflag:s23] =	ssyncadd.s32 $0xFFFFE000  }
0x73: {  	[spmem:s2] =	stream.indirect.scatter.add.f32 [tilespmem:s20], [sflag:$0x3], $0x10, s14, s18, $0xb8;
	[tilespmem:$0x1E800] =	vst v63  }
0x74: {  	_ =	swait.ge [sflag:s16], $0x2000  }
0x75: {  	s11 =	smov.u32 s15;
	s9 =	sadd.s32 $0xFFFFFFFF, s9;
	[sflag:s16] =	ssyncset.done $0x0  }
.LBB2_9:
0x76: {  	[sflag:s16] =	ssyncadd.s32 $0xFFFFE000;
	s10 =	sadd.s32 $0x200, s10;
	s11 =	sadd.s32 $0x200, s11  }
0x77: {  	[tilespmem:s3], [sflag:$0x3] =	stream.linear.gather [hbm4b:s11+s3], $0x1000, $0x38;
	[tilespmem:$0x1E800] =	vst v63  }
0x78: {  	p2 =	seq.s32 s9, $0x1;
	s9 =	sadd.s32 $0xFFFFFFFF, s9;
	_ =	swait.ge [sflag:s16], $0x1000  }
0x79: {  	[sflag:s16] =	ssyncset.done $0x0  }
0x7a: {  	[sflag:s16] =	ssyncadd.s32 $0xFFFFF000  }
0x7b: {  	[tilespmem:s17], [sflag:$0x3] =	stream.linear.gather [hbm4b:s10+s3], $0x1000, $0x38;
	[tilespmem:$0x1E800] =	vst v63  }
0x7c: {  	_ =	swait.ge [sflag:s16], $0x1000  }
0x7d: {  	[sflag:s16] =	ssyncset.done $0x0  }
0x7e: {  	[sflag:s16] =	ssyncadd.s32 $0xFFFFF000  }
0x7f: {  	[tilespmem:s19], [sflag:$0x1] =	stream.indirect.gather [hbm4b:s5+s18], $0x10, s3, s18, $0xb8;
	[tilespmem:$0x1E800] =	vst v63  }
0x80: {  	_ = 	snop  }
0x81: {  	[tilespmem:s20], [sflag:$0x2] =	stream.indirect.gather [hbm4b:s5+s18], $0x10, s18, s18, $0xb8;
	[tilespmem:$0x1E800] =	vst v63  }
0x82: {  	_ =	swait.ge [sflag:s21], $0x2000  }
0x83: {  	[sflag:s21] =	ssyncset.done $0x0  }
0x84: {  	[sflag:s21] =	ssyncadd.s32 $0xFFFFE000  }
0x85: {  	[spmem:s2] =	stream.indirect.scatter.add.f32 [tilespmem:s19], [sflag:$0x3], $0x10, s17, s18, $0xb8;
	[tilespmem:$0x1E800] =	vst v63  }
0x86: {  	_ =	swait.ge [sflag:s16], $0x2000  }
0x87: {  	[sflag:s16] =	ssyncset.done $0x0  }
0x88: {  	[sflag:s16] =	ssyncadd.s32 $0xFFFFE000  }
0x89: {  	[tilespmem:s19], [sflag:$0x1] =	stream.indirect.gather [hbm4b:s5+s18], $0x10, s22, s18, $0xb8;
	[tilespmem:$0x1E800] =	vst v63  }
0x8a: {  	_ =	swait.ge [sflag:s23], $0x2000  }
0x8b: {  	[sflag:s23] =	ssyncset.done $0x0  }
0x8c: {  	[sflag:s23] =	ssyncadd.s32 $0xFFFFE000  }
0x8d: {  	[spmem:s2] =	stream.indirect.scatter.add.f32 [tilespmem:s20], [sflag:$0x3], $0x10, s25, s18, $0xb8;
	[tilespmem:$0x1E800] =	vst v63  }
0x8e: {  	_ =	swait.ge [sflag:s16], $0x2000  }
0x8f: {  	[sflag:s16] =	ssyncset.done $0x0  }
0x90: {  	[sflag:s16] =	ssyncadd.s32 $0xFFFFE000  }
0x91: {  	[tilespmem:s20], [sflag:$0x2] =	stream.indirect.gather [hbm4b:s5+s18], $0x10, s26, s18, $0xb8;
	[tilespmem:$0x1E800] =	vst v63  }
0x92: {  	_ =	swait.ge [sflag:s21], $0x2000  }
0x93: {  	[sflag:s21] =	ssyncset.done $0x0  }
0x94: {  	[sflag:s21] =	ssyncadd.s32 $0xFFFFE000  }
0x95: {  	[spmem:s2] =	stream.indirect.scatter.add.f32 [tilespmem:s19], [sflag:$0x3], $0x10, s28, s18, $0xb8;
	[tilespmem:$0x1E800] =	vst v63  }
0x96: {  	_ =	swait.ge [sflag:s16], $0x2000  }
0x97: {  	[sflag:s16] =	ssyncset.done $0x0  }
0x98: {  	[sflag:s16] =	ssyncadd.s32 $0xFFFFE000  }
0x99: {  	[tilespmem:s19], [sflag:$0x1] =	stream.indirect.gather [hbm4b:s5+s18], $0x10, s29, s18, $0xb8;
	[tilespmem:$0x1E800] =	vst v63  }
0x9a: {  	_ =	swait.ge [sflag:s23], $0x2000  }
0x9b: {  	[sflag:s23] =	ssyncset.done $0x0  }
0x9c: {  	[sflag:s23] =	ssyncadd.s32 $0xFFFFE000  }
0x9d: {  	[spmem:s2] =	stream.indirect.scatter.add.f32 [tilespmem:s20], [sflag:$0x3], $0x10, s30, s18, $0xb8;
	[tilespmem:$0x1E800] =	vst v63  }
0x9e: {  	_ =	swait.ge [sflag:s16], $0x2000  }
0x9f: {  	[sflag:s16] =	ssyncset.done $0x0  }
0xa0: {  	[sflag:s16] =	ssyncadd.s32 $0xFFFFE000  }
0xa1: {  	[tilespmem:s20], [sflag:$0x2] =	stream.indirect.gather [hbm4b:s5+s18], $0x10, s31, s18, $0xb8;
	[tilespmem:$0x1E800] =	vst v63  }
0xa2: {  	_ =	swait.ge [sflag:s21], $0x2000  }
0xa3: {  	[sflag:s21] =	ssyncset.done $0x0  }
0xa4: {  	[sflag:s21] =	ssyncadd.s32 $0xFFFFE000  }
0xa5: {  	[spmem:s2] =	stream.indirect.scatter.add.f32 [tilespmem:s19], [sflag:$0x3], $0x10, s0, s18, $0xb8;
	[tilespmem:$0x1E800] =	vst v63  }
0xa6: {  	_ =	swait.ge [sflag:s16], $0x2000  }
0xa7: {  	[sflag:s16] =	ssyncset.done $0x0  }
0xa8: {  	[sflag:s16] =	ssyncadd.s32 $0xFFFFE000  }
0xa9: {  	[tilespmem:s19], [sflag:$0x1] =	stream.indirect.gather [hbm4b:s5+s18], $0x10, s1, s18, $0xb8;
	[tilespmem:$0x1E800] =	vst v63  }
0xaa: {  	_ =	swait.ge [sflag:s23], $0x2000  }
0xab: {  	[sflag:s23] =	ssyncset.done $0x0  }
0xac: {  	[sflag:s23] =	ssyncadd.s32 $0xFFFFE000  }
0xad: {  	[spmem:s2] =	stream.indirect.scatter.add.f32 [tilespmem:s20], [sflag:$0x3], $0x10, s6, s18, $0xb8;
	[tilespmem:$0x1E800] =	vst v63  }
0xae: {  	_ =	swait.ge [sflag:s16], $0x2000  }
0xaf: {  	[sflag:s16] =	ssyncset.done $0x0  }
0xb0: {  	[sflag:s16] =	ssyncadd.s32 $0xFFFFE000  }
0xb1: {  	[tilespmem:s20], [sflag:$0x2] =	stream.indirect.gather [hbm4b:s5+s18], $0x10, s12, s18, $0xb8;
	[tilespmem:$0x1E800] =	vst v63  }
0xb2: {  	_ =	swait.ge [sflag:s21], $0x2000  }
0xb3: {  	[sflag:s21] =	ssyncset.done $0x0  }
0xb4: {  	[sflag:s21] =	ssyncadd.s32 $0xFFFFE000  }
0xb5: {  	[spmem:s2] =	stream.indirect.scatter.add.f32 [tilespmem:s19], [sflag:$0x3], $0x10, s13, s18, $0xb8;
	[tilespmem:$0x1E800] =	vst v63  }
0xb6: {  	_ =	swait.ge [sflag:s16], $0x2000  }
0xb7: {  	[sflag:s16] =	ssyncset.done $0x0  }
0xb8: {  	[sflag:s16] =	ssyncadd.s32 $0xFFFFE000  }
0xb9: {  	_ =	swait.ge [sflag:s23], $0x2000  }
.Ltmp4:
0xba: {  	[sflag:s23] =	ssyncset.done $0x0;
	(pc) =	sbr.rel @!p2 .LBB2_9-.Ltmp4, $4  }
0xbb: {  	[sflag:s23] =	ssyncadd.s32 $0xFFFFE000  }
0xbc: {  	[spmem:s2] =	stream.indirect.scatter.add.f32 [tilespmem:s20], [sflag:$0x3], $0x10, s14, s18, $0xb8;
	[tilespmem:$0x1E800] =	vst v63  }
0xbd: {  	_ =	swait.ge [sflag:s16], $0x2000  }
0xbe: {  	[sflag:s16] =	ssyncset.done $0x0  }
.LBB2_10:
.Ltmp5:
0xbf: {  	(pc) =	sbr.rel @p1 .LBB2_14-.Ltmp5, $2  }
0xc0: {  	_ =	sdelay $0x2  }
0xc1: {  	[sflag:s16] =	ssyncadd.s32 $0xFFFFE000  }
0xc2: {  	s11 =	rddreg [dreg:$0x8]  }
0xc3: {  	[tilespmem:s3], [sflag:$0x3] =	stream.linear.gather [hbm4b:s11+s3], $0x200, $0x38;
	[tilespmem:$0x1E800] =	vst v63  }
0xc4: {  	_ =	swait.ge [sflag:s16], $0x200  }
0xc5: {  	[sflag:s16] =	ssyncset.done $0x0  }
0xc6: {  	s10 =	rddreg [dreg:$0x7];
	[sflag:s16] =	ssyncadd.s32 $0xFFFFFE00  }
0xc7: {  	[tilespmem:s17], [sflag:$0x3] =	stream.linear.gather [hbm4b:s10+s3], $0x200, $0x38;
	[tilespmem:$0x1E800] =	vst v63  }
0xc8: {  	_ =	swait.ge [sflag:s16], $0x200  }
0xc9: {  	[sflag:s16] =	ssyncset.done $0x0  }
0xca: {  	[sflag:s16] =	ssyncadd.s32 $0xFFFFFE00  }
0xcb: {  	[tilespmem:s19], [sflag:$0x1] =	stream.indirect.gather [hbm4b:s5+s18], $0x10, s3, s18, $0xb8;
	[tilespmem:$0x1E800] =	vst v63  }
0xcc: {  	_ =	swait.ge [sflag:s21], $0x2000  }
0xcd: {  	s9 =	rddreg [dreg:$0x5]  }
0xce: {  	p2 =	sne.s32 s9, $0x1  }
.Ltmp6:
0xcf: {  	[sflag:s21] =	ssyncset.done $0x0;
	(pc) =	sbr.rel @!p2 .LBB2_13-.Ltmp6, $4  }
0xd0: {  	[sflag:s21] =	ssyncadd.s32 $0xFFFFE000  }
0xd1: {  	[spmem:s2] =	stream.indirect.scatter.add.f32 [tilespmem:s19], [sflag:$0x3], $0x10, s17, s18, $0xb8;
	[tilespmem:$0x1E800] =	vst v63  }
0xd2: {  	_ =	swait.ge [sflag:s16], $0x2000  }
0xd3: {  	s9 =	sadd.s32 $0xFFFFFFFF, s9;
	[sflag:s16] =	ssyncset.done $0x0  }
.LBB2_12:
0xd4: {  	[sflag:s16] =	ssyncadd.s32 $0xFFFFE000;
	s10 =	sadd.s32 $0x40, s10;
	s11 =	sadd.s32 $0x40, s11  }
0xd5: {  	[tilespmem:s3], [sflag:$0x3] =	stream.linear.gather [hbm4b:s11+s3], $0x200, $0x38;
	[tilespmem:$0x1E800] =	vst v63  }
0xd6: {  	p2 =	sne.s32 s9, $0x1;
	s9 =	sadd.s32 $0xFFFFFFFF, s9;
	_ =	swait.ge [sflag:s16], $0x200  }
0xd7: {  	[sflag:s16] =	ssyncset.done $0x0  }
0xd8: {  	[sflag:s16] =	ssyncadd.s32 $0xFFFFFE00  }
0xd9: {  	[tilespmem:s17], [sflag:$0x3] =	stream.linear.gather [hbm4b:s10+s3], $0x200, $0x38;
	[tilespmem:$0x1E800] =	vst v63  }
0xda: {  	_ =	swait.ge [sflag:s16], $0x200  }
0xdb: {  	[sflag:s16] =	ssyncset.done $0x0  }
0xdc: {  	[sflag:s16] =	ssyncadd.s32 $0xFFFFFE00  }
0xdd: {  	[tilespmem:s19], [sflag:$0x1] =	stream.indirect.gather [hbm4b:s5+s18], $0x10, s3, s18, $0xb8;
	[tilespmem:$0x1E800] =	vst v63  }
0xde: {  	_ =	swait.ge [sflag:s21], $0x2000  }
.Ltmp7:
0xdf: {  	[sflag:s21] =	ssyncset.done $0x0;
	(pc) =	sbr.rel @p2 .LBB2_12-.Ltmp7, $4  }
0xe0: {  	[sflag:s21] =	ssyncadd.s32 $0xFFFFE000  }
0xe1: {  	[spmem:s2] =	stream.indirect.scatter.add.f32 [tilespmem:s19], [sflag:$0x3], $0x10, s17, s18, $0xb8;
	[tilespmem:$0x1E800] =	vst v63  }
0xe2: {  	_ =	swait.ge [sflag:s16], $0x2000  }
0xe3: {  	[sflag:s16] =	ssyncset.done $0x0  }
.LBB2_13:
.Ltmp8:
0xe4: {  	(pc) =	sbr.rel .LBB2_14-.Ltmp8, $2  }
0xe5: {  	_ =	sdelay $0x2  }
0xe6: {  	[sflag:s16] =	ssyncadd.s32 $0xFFFFE000  }
.LBB2_2:
0xe7: {  	[tilespmem:s3], [sflag:$0x3] =	stream.linear.gather [hbm4b:s15+s3], $0x1000, $0x38;
	[tilespmem:$0x1E800] =	vst v63  }
0xe8: {  	_ =	swait.ge [sflag:s16], $0x1000  }
0xe9: {  	[sflag:s16] =	ssyncset.done $0x0  }
0xea: {  	s10 =	rddreg [dreg:$0x9];
	[sflag:s16] =	ssyncadd.s32 $0xFFFFF000  }
0xeb: {  	[tilespmem:s17], [sflag:$0x3] =	stream.linear.gather [hbm4b:s10+s3], $0x1000, $0x38;
	[tilespmem:$0x1E800] =	vst v63  }
0xec: {  	_ =	swait.ge [sflag:s16], $0x1000  }
0xed: {  	[sflag:s16] =	ssyncset.done $0x0  }
0xee: {  	[sflag:s16] =	ssyncadd.s32 $0xFFFFF000  }
0xef: {  	[tilespmem:s19], [sflag:$0x1] =	stream.indirect.gather [hbm4b:s4+s18], $0x10, s3, s18, $0xb8;
	[tilespmem:$0x1E800] =	vst v63  }
0xf0: {  	_ = 	snop  }
0xf1: {  	[tilespmem:s20], [sflag:$0x2] =	stream.indirect.gather [hbm4b:s4+s18], $0x10, s18, s18, $0xb8;
	[tilespmem:$0x1E800] =	vst v63  }
0xf2: {  	_ =	swait.ge [sflag:s21], $0x2000  }
0xf3: {  	[sflag:s21] =	ssyncset.done $0x0  }
0xf4: {  	[sflag:s21] =	ssyncadd.s32 $0xFFFFE000  }
0xf5: {  	[spmem:s2] =	stream.indirect.scatter.add.f32 [tilespmem:s19], [sflag:$0x3], $0x10, s17, s18, $0xb8;
	[tilespmem:$0x1E800] =	vst v63  }
0xf6: {  	_ =	swait.ge [sflag:s16], $0x2000  }
0xf7: {  	[sflag:s16] =	ssyncset.done $0x0  }
0xf8: {  	[sflag:s16] =	ssyncadd.s32 $0xFFFFE000  }
0xf9: {  	[tilespmem:s19], [sflag:$0x1] =	stream.indirect.gather [hbm4b:s4+s18], $0x10, s22, s18, $0xb8;
	[tilespmem:$0x1E800] =	vst v63  }
0xfa: {  	_ =	swait.ge [sflag:s23], $0x2000  }
0xfb: {  	[sflag:s23] =	ssyncset.done $0x0  }
0xfc: {  	[sflag:s23] =	ssyncadd.s32 $0xFFFFE000  }
0xfd: {  	[spmem:s2] =	stream.indirect.scatter.add.f32 [tilespmem:s20], [sflag:$0x3], $0x10, s25, s18, $0xb8;
	[tilespmem:$0x1E800] =	vst v63  }
0xfe: {  	_ =	swait.ge [sflag:s16], $0x2000  }
0xff: {  	[sflag:s16] =	ssyncset.done $0x0  }
0x100: {  	[sflag:s16] =	ssyncadd.s32 $0xFFFFE000  }
0x101: {  	[tilespmem:s20], [sflag:$0x2] =	stream.indirect.gather [hbm4b:s4+s18], $0x10, s26, s18, $0xb8;
	[tilespmem:$0x1E800] =	vst v63  }
0x102: {  	_ =	swait.ge [sflag:s21], $0x2000  }
0x103: {  	[sflag:s21] =	ssyncset.done $0x0  }
0x104: {  	[sflag:s21] =	ssyncadd.s32 $0xFFFFE000  }
0x105: {  	[spmem:s2] =	stream.indirect.scatter.add.f32 [tilespmem:s19], [sflag:$0x3], $0x10, s28, s18, $0xb8;
	[tilespmem:$0x1E800] =	vst v63  }
0x106: {  	_ =	swait.ge [sflag:s16], $0x2000  }
0x107: {  	[sflag:s16] =	ssyncset.done $0x0  }
0x108: {  	[sflag:s16] =	ssyncadd.s32 $0xFFFFE000  }
0x109: {  	[tilespmem:s19], [sflag:$0x1] =	stream.indirect.gather [hbm4b:s4+s18], $0x10, s29, s18, $0xb8;
	[tilespmem:$0x1E800] =	vst v63  }
0x10a: {  	_ =	swait.ge [sflag:s23], $0x2000  }
0x10b: {  	[sflag:s23] =	ssyncset.done $0x0  }
0x10c: {  	[sflag:s23] =	ssyncadd.s32 $0xFFFFE000  }
0x10d: {  	[spmem:s2] =	stream.indirect.scatter.add.f32 [tilespmem:s20], [sflag:$0x3], $0x10, s30, s18, $0xb8;
	[tilespmem:$0x1E800] =	vst v63  }
0x10e: {  	_ =	swait.ge [sflag:s16], $0x2000  }
0x10f: {  	[sflag:s16] =	ssyncset.done $0x0  }
0x110: {  	[sflag:s16] =	ssyncadd.s32 $0xFFFFE000  }
0x111: {  	[tilespmem:s20], [sflag:$0x2] =	stream.indirect.gather [hbm4b:s4+s18], $0x10, s31, s18, $0xb8;
	[tilespmem:$0x1E800] =	vst v63  }
0x112: {  	_ =	swait.ge [sflag:s21], $0x2000  }
0x113: {  	[sflag:s21] =	ssyncset.done $0x0  }
0x114: {  	[sflag:s21] =	ssyncadd.s32 $0xFFFFE000  }
0x115: {  	[spmem:s2] =	stream.indirect.scatter.add.f32 [tilespmem:s19], [sflag:$0x3], $0x10, s0, s18, $0xb8;
	[tilespmem:$0x1E800] =	vst v63  }
0x116: {  	_ =	swait.ge [sflag:s16], $0x2000  }
0x117: {  	[sflag:s16] =	ssyncset.done $0x0  }
0x118: {  	[sflag:s16] =	ssyncadd.s32 $0xFFFFE000  }
0x119: {  	[tilespmem:s19], [sflag:$0x1] =	stream.indirect.gather [hbm4b:s4+s18], $0x10, s1, s18, $0xb8;
	[tilespmem:$0x1E800] =	vst v63  }
0x11a: {  	_ =	swait.ge [sflag:s23], $0x2000  }
0x11b: {  	[sflag:s23] =	ssyncset.done $0x0  }
0x11c: {  	[sflag:s23] =	ssyncadd.s32 $0xFFFFE000  }
0x11d: {  	[spmem:s2] =	stream.indirect.scatter.add.f32 [tilespmem:s20], [sflag:$0x3], $0x10, s6, s18, $0xb8;
	[tilespmem:$0x1E800] =	vst v63  }
0x11e: {  	_ =	swait.ge [sflag:s16], $0x2000  }
0x11f: {  	[sflag:s16] =	ssyncset.done $0x0  }
0x120: {  	[sflag:s16] =	ssyncadd.s32 $0xFFFFE000  }
0x121: {  	[tilespmem:s20], [sflag:$0x2] =	stream.indirect.gather [hbm4b:s4+s18], $0x10, s12, s18, $0xb8;
	[tilespmem:$0x1E800] =	vst v63  }
0x122: {  	_ =	swait.ge [sflag:s21], $0x2000  }
0x123: {  	[sflag:s21] =	ssyncset.done $0x0  }
0x124: {  	[sflag:s21] =	ssyncadd.s32 $0xFFFFE000  }
0x125: {  	[spmem:s2] =	stream.indirect.scatter.add.f32 [tilespmem:s19], [sflag:$0x3], $0x10, s13, s18, $0xb8;
	[tilespmem:$0x1E800] =	vst v63  }
0x126: {  	_ =	swait.ge [sflag:s16], $0x2000  }
0x127: {  	[sflag:s16] =	ssyncset.done $0x0  }
0x128: {  	[sflag:s16] =	ssyncadd.s32 $0xFFFFE000  }
0x129: {  	_ =	swait.ge [sflag:s23], $0x2000  }
0x12a: {  	s9 =	rddreg [dreg:$0x4]  }
0x12b: {  	p2 =	seq.s32 s9, $0x1  }
.Ltmp9:
0x12c: {  	[sflag:s23] =	ssyncset.done $0x0;
	(pc) =	sbr.rel @p2 .LBB2_4-.Ltmp9, $4  }
0x12d: {  	[sflag:s23] =	ssyncadd.s32 $0xFFFFE000  }
0x12e: {  	[spmem:s2] =	stream.indirect.scatter.add.f32 [tilespmem:s20], [sflag:$0x3], $0x10, s14, s18, $0xb8;
	[tilespmem:$0x1E800] =	vst v63  }
0x12f: {  	_ =	swait.ge [sflag:s16], $0x2000  }
0x130: {  	s11 =	smov.u32 s15;
	s9 =	sadd.s32 $0xFFFFFFFF, s9;
	[sflag:s16] =	ssyncset.done $0x0  }
.LBB2_3:
0x131: {  	[sflag:s16] =	ssyncadd.s32 $0xFFFFE000;
	s10 =	sadd.s32 $0x200, s10;
	s11 =	sadd.s32 $0x200, s11  }
0x132: {  	[tilespmem:s3], [sflag:$0x3] =	stream.linear.gather [hbm4b:s11+s3], $0x1000, $0x38;
	[tilespmem:$0x1E800] =	vst v63  }
0x133: {  	p2 =	seq.s32 s9, $0x1;
	s9 =	sadd.s32 $0xFFFFFFFF, s9;
	_ =	swait.ge [sflag:s16], $0x1000  }
0x134: {  	[sflag:s16] =	ssyncset.done $0x0  }
0x135: {  	[sflag:s16] =	ssyncadd.s32 $0xFFFFF000  }
0x136: {  	[tilespmem:s17], [sflag:$0x3] =	stream.linear.gather [hbm4b:s10+s3], $0x1000, $0x38;
	[tilespmem:$0x1E800] =	vst v63  }
0x137: {  	_ =	swait.ge [sflag:s16], $0x1000  }
0x138: {  	[sflag:s16] =	ssyncset.done $0x0  }
0x139: {  	[sflag:s16] =	ssyncadd.s32 $0xFFFFF000  }
0x13a: {  	[tilespmem:s19], [sflag:$0x1] =	stream.indirect.gather [hbm4b:s4+s18], $0x10, s3, s18, $0xb8;
	[tilespmem:$0x1E800] =	vst v63  }
0x13b: {  	_ = 	snop  }
0x13c: {  	[tilespmem:s20], [sflag:$0x2] =	stream.indirect.gather [hbm4b:s4+s18], $0x10, s18, s18, $0xb8;
	[tilespmem:$0x1E800] =	vst v63  }
0x13d: {  	_ =	swait.ge [sflag:s21], $0x2000  }
0x13e: {  	[sflag:s21] =	ssyncset.done $0x0  }
0x13f: {  	[sflag:s21] =	ssyncadd.s32 $0xFFFFE000  }
0x140: {  	[spmem:s2] =	stream.indirect.scatter.add.f32 [tilespmem:s19], [sflag:$0x3], $0x10, s17, s18, $0xb8;
	[tilespmem:$0x1E800] =	vst v63  }
0x141: {  	_ =	swait.ge [sflag:s16], $0x2000  }
0x142: {  	[sflag:s16] =	ssyncset.done $0x0  }
0x143: {  	[sflag:s16] =	ssyncadd.s32 $0xFFFFE000  }
0x144: {  	[tilespmem:s19], [sflag:$0x1] =	stream.indirect.gather [hbm4b:s4+s18], $0x10, s22, s18, $0xb8;
	[tilespmem:$0x1E800] =	vst v63  }
0x145: {  	_ =	swait.ge [sflag:s23], $0x2000  }
0x146: {  	[sflag:s23] =	ssyncset.done $0x0  }
0x147: {  	[sflag:s23] =	ssyncadd.s32 $0xFFFFE000  }
0x148: {  	[spmem:s2] =	stream.indirect.scatter.add.f32 [tilespmem:s20], [sflag:$0x3], $0x10, s25, s18, $0xb8;
	[tilespmem:$0x1E800] =	vst v63  }
0x149: {  	_ =	swait.ge [sflag:s16], $0x2000  }
0x14a: {  	[sflag:s16] =	ssyncset.done $0x0  }
0x14b: {  	[sflag:s16] =	ssyncadd.s32 $0xFFFFE000  }
0x14c: {  	[tilespmem:s20], [sflag:$0x2] =	stream.indirect.gather [hbm4b:s4+s18], $0x10, s26, s18, $0xb8;
	[tilespmem:$0x1E800] =	vst v63  }
0x14d: {  	_ =	swait.ge [sflag:s21], $0x2000  }
0x14e: {  	[sflag:s21] =	ssyncset.done $0x0  }
0x14f: {  	[sflag:s21] =	ssyncadd.s32 $0xFFFFE000  }
0x150: {  	[spmem:s2] =	stream.indirect.scatter.add.f32 [tilespmem:s19], [sflag:$0x3], $0x10, s28, s18, $0xb8;
	[tilespmem:$0x1E800] =	vst v63  }
0x151: {  	_ =	swait.ge [sflag:s16], $0x2000  }
0x152: {  	[sflag:s16] =	ssyncset.done $0x0  }
0x153: {  	[sflag:s16] =	ssyncadd.s32 $0xFFFFE000  }
0x154: {  	[tilespmem:s19], [sflag:$0x1] =	stream.indirect.gather [hbm4b:s4+s18], $0x10, s29, s18, $0xb8;
	[tilespmem:$0x1E800] =	vst v63  }
0x155: {  	_ =	swait.ge [sflag:s23], $0x2000  }
0x156: {  	[sflag:s23] =	ssyncset.done $0x0  }
0x157: {  	[sflag:s23] =	ssyncadd.s32 $0xFFFFE000  }
0x158: {  	[spmem:s2] =	stream.indirect.scatter.add.f32 [tilespmem:s20], [sflag:$0x3], $0x10, s30, s18, $0xb8;
	[tilespmem:$0x1E800] =	vst v63  }
0x159: {  	_ =	swait.ge [sflag:s16], $0x2000  }
0x15a: {  	[sflag:s16] =	ssyncset.done $0x0  }
0x15b: {  	[sflag:s16] =	ssyncadd.s32 $0xFFFFE000  }
0x15c: {  	[tilespmem:s20], [sflag:$0x2] =	stream.indirect.gather [hbm4b:s4+s18], $0x10, s31, s18, $0xb8;
	[tilespmem:$0x1E800] =	vst v63  }
0x15d: {  	_ =	swait.ge [sflag:s21], $0x2000  }
0x15e: {  	[sflag:s21] =	ssyncset.done $0x0  }
0x15f: {  	[sflag:s21] =	ssyncadd.s32 $0xFFFFE000  }
0x160: {  	[spmem:s2] =	stream.indirect.scatter.add.f32 [tilespmem:s19], [sflag:$0x3], $0x10, s0, s18, $0xb8;
	[tilespmem:$0x1E800] =	vst v63  }
0x161: {  	_ =	swait.ge [sflag:s16], $0x2000  }
0x162: {  	[sflag:s16] =	ssyncset.done $0x0  }
0x163: {  	[sflag:s16] =	ssyncadd.s32 $0xFFFFE000  }
0x164: {  	[tilespmem:s19], [sflag:$0x1] =	stream.indirect.gather [hbm4b:s4+s18], $0x10, s1, s18, $0xb8;
	[tilespmem:$0x1E800] =	vst v63  }
0x165: {  	_ =	swait.ge [sflag:s23], $0x2000  }
0x166: {  	[sflag:s23] =	ssyncset.done $0x0  }
0x167: {  	[sflag:s23] =	ssyncadd.s32 $0xFFFFE000  }
0x168: {  	[spmem:s2] =	stream.indirect.scatter.add.f32 [tilespmem:s20], [sflag:$0x3], $0x10, s6, s18, $0xb8;
	[tilespmem:$0x1E800] =	vst v63  }
0x169: {  	_ =	swait.ge [sflag:s16], $0x2000  }
0x16a: {  	[sflag:s16] =	ssyncset.done $0x0  }
0x16b: {  	[sflag:s16] =	ssyncadd.s32 $0xFFFFE000  }
0x16c: {  	[tilespmem:s20], [sflag:$0x2] =	stream.indirect.gather [hbm4b:s4+s18], $0x10, s12, s18, $0xb8;
	[tilespmem:$0x1E800] =	vst v63  }
0x16d: {  	_ =	swait.ge [sflag:s21], $0x2000  }
0x16e: {  	[sflag:s21] =	ssyncset.done $0x0  }
0x16f: {  	[sflag:s21] =	ssyncadd.s32 $0xFFFFE000  }
0x170: {  	[spmem:s2] =	stream.indirect.scatter.add.f32 [tilespmem:s19], [sflag:$0x3], $0x10, s13, s18, $0xb8;
	[tilespmem:$0x1E800] =	vst v63  }
0x171: {  	_ =	swait.ge [sflag:s16], $0x2000  }
0x172: {  	[sflag:s16] =	ssyncset.done $0x0  }
0x173: {  	[sflag:s16] =	ssyncadd.s32 $0xFFFFE000  }
0x174: {  	_ =	swait.ge [sflag:s23], $0x2000  }
.Ltmp10:
0x175: {  	[sflag:s23] =	ssyncset.done $0x0;
	(pc) =	sbr.rel @!p2 .LBB2_3-.Ltmp10, $4  }
0x176: {  	[sflag:s23] =	ssyncadd.s32 $0xFFFFE000  }
0x177: {  	[spmem:s2] =	stream.indirect.scatter.add.f32 [tilespmem:s20], [sflag:$0x3], $0x10, s14, s18, $0xb8;
	[tilespmem:$0x1E800] =	vst v63  }
0x178: {  	_ =	swait.ge [sflag:s16], $0x2000  }
0x179: {  	[sflag:s16] =	ssyncset.done $0x0  }
.LBB2_4:
.Ltmp11:
0x17a: {  	(pc) =	sbr.rel @p1 .LBB2_14-.Ltmp11, $2  }
0x17b: {  	_ =	sdelay $0x2  }
0x17c: {  	[sflag:s16] =	ssyncadd.s32 $0xFFFFE000  }
0x17d: {  	s11 =	rddreg [dreg:$0x8]  }
0x17e: {  	[tilespmem:s3], [sflag:$0x3] =	stream.linear.gather [hbm4b:s11+s3], $0x200, $0x38;
	[tilespmem:$0x1E800] =	vst v63  }
0x17f: {  	_ =	swait.ge [sflag:s16], $0x200  }
0x180: {  	[sflag:s16] =	ssyncset.done $0x0  }
0x181: {  	s10 =	rddreg [dreg:$0x7];
	[sflag:s16] =	ssyncadd.s32 $0xFFFFFE00  }
0x182: {  	[tilespmem:s17], [sflag:$0x3] =	stream.linear.gather [hbm4b:s10+s3], $0x200, $0x38;
	[tilespmem:$0x1E800] =	vst v63  }
0x183: {  	_ =	swait.ge [sflag:s16], $0x200  }
0x184: {  	[sflag:s16] =	ssyncset.done $0x0  }
0x185: {  	[sflag:s16] =	ssyncadd.s32 $0xFFFFFE00  }
0x186: {  	[tilespmem:s19], [sflag:$0x1] =	stream.indirect.gather [hbm4b:s4+s18], $0x10, s3, s18, $0xb8;
	[tilespmem:$0x1E800] =	vst v63  }
0x187: {  	_ =	swait.ge [sflag:s21], $0x2000  }
0x188: {  	s9 =	rddreg [dreg:$0x5]  }
0x189: {  	p2 =	seq.s32 s9, $0x1  }
.Ltmp12:
0x18a: {  	[sflag:s21] =	ssyncset.done $0x0;
	(pc) =	sbr.rel @p2 .LBB2_7-.Ltmp12, $4  }
0x18b: {  	[sflag:s21] =	ssyncadd.s32 $0xFFFFE000  }
0x18c: {  	[spmem:s2] =	stream.indirect.scatter.add.f32 [tilespmem:s19], [sflag:$0x3], $0x10, s17, s18, $0xb8;
	[tilespmem:$0x1E800] =	vst v63  }
0x18d: {  	_ =	swait.ge [sflag:s16], $0x2000  }
0x18e: {  	s9 =	sadd.s32 $0xFFFFFFFF, s9;
	[sflag:s16] =	ssyncset.done $0x0  }
.LBB2_6:
0x18f: {  	[sflag:s16] =	ssyncadd.s32 $0xFFFFE000;
	s10 =	sadd.s32 $0x40, s10;
	s11 =	sadd.s32 $0x40, s11  }
0x190: {  	[tilespmem:s3], [sflag:$0x3] =	stream.linear.gather [hbm4b:s11+s3], $0x200, $0x38;
	[tilespmem:$0x1E800] =	vst v63  }
0x191: {  	p2 =	seq.s32 s9, $0x1;
	s9 =	sadd.s32 $0xFFFFFFFF, s9;
	_ =	swait.ge [sflag:s16], $0x200  }
0x192: {  	[sflag:s16] =	ssyncset.done $0x0  }
0x193: {  	[sflag:s16] =	ssyncadd.s32 $0xFFFFFE00  }
0x194: {  	[tilespmem:s17], [sflag:$0x3] =	stream.linear.gather [hbm4b:s10+s3], $0x200, $0x38;
	[tilespmem:$0x1E800] =	vst v63  }
0x195: {  	_ =	swait.ge [sflag:s16], $0x200  }
0x196: {  	[sflag:s16] =	ssyncset.done $0x0  }
0x197: {  	[sflag:s16] =	ssyncadd.s32 $0xFFFFFE00  }
0x198: {  	[tilespmem:s19], [sflag:$0x1] =	stream.indirect.gather [hbm4b:s4+s18], $0x10, s3, s18, $0xb8;
	[tilespmem:$0x1E800] =	vst v63  }
0x199: {  	_ =	swait.ge [sflag:s21], $0x2000  }
.Ltmp13:
0x19a: {  	[sflag:s21] =	ssyncset.done $0x0;
	(pc) =	sbr.rel @!p2 .LBB2_6-.Ltmp13, $4  }
0x19b: {  	[sflag:s21] =	ssyncadd.s32 $0xFFFFE000  }
0x19c: {  	[spmem:s2] =	stream.indirect.scatter.add.f32 [tilespmem:s19], [sflag:$0x3], $0x10, s17, s18, $0xb8;
	[tilespmem:$0x1E800] =	vst v63  }
0x19d: {  	_ =	swait.ge [sflag:s16], $0x2000  }
0x19e: {  	[sflag:s16] =	ssyncset.done $0x0  }
.Ltmp14:
0x19f: {  	_ = 	snop;
	(pc) =	sbr.rel .LBB2_7-.Ltmp14, $1  }
0x1a0: {  	_ =	sdelay $0x3  }
.LBB2_15:
0x1a1: {  	_ =	sfence.sel $0x180000  }
0x1a2: {  	[bflag:$0x0] =	sbarrier.arrive $0xFFFF  }
0x1a3: {  	_ =	strace $0x9000004A  }
0x1a4: {  	s0 =	stileid.u32;
	[bflag:$0x2] =	sbarrier.arrive $0xFFFF  }
0x1a5: {  	p0 =	sne.s32 s0, $0x0;
	s0 =	rddreg [dreg:$0x2]  }
0x1a6: {  	s0 =	sadd.s32 @!p0 $0x100000, s0  }
0x1a7: {  	[sflag:s0] =	ssyncadd.tile.s32 @!p0 $0x1;
	_ =	shalt  }
.Lfunc_end2:
_tile_overlayer_lowered:
.L_overlay_start_2:
0x1a8: {  	(tag) =	ssettag $0x2  }
0x1a9: {  	s0 =	rddreg [dreg:$0x0];
	s2 =	stileid.u32  }
0x1aa: {  	s1 =	rddreg [dreg:$0x1];
	p0 =	sne.s32 s2, $0x0  }
0x1ab: {  	s3 =	rddreg [dreg:$0x2];
	[bflag:$0x3] =	sbarrier.arrive $0xFFFF;
	s2 =	simm.s32 @!p0 $0x1C03  }
0x1ac: {  	[timem:s3], [sflag:s2] =	dma.local @!p0 [hbm:s0], s1  }
0x1ad: {  	s0 =	simm.s32 @!p0 $0x3  }
0x1ae: {  	_ =	swait.ge @!p0 [sflag:s0], s1  }
0x1af: {  	s1 =	ssub.s32 @!p0 $0x0, s1;
	[sflag:s0] =	ssyncset.done @!p0 $0x0  }
0x1b0: {  	[sflag:s0] =	ssyncadd.s32 @!p0 s1  }
0x1b1: {  	[bflag:$0x3] =	sbarrier.arrive $0xFFFF  }
0x1b2: {  	_ =	shalt  }

// kernel: kernel.14.cloned.1.call-start
scs
__scs_entry_jumppad:
0x0: {  	(pc) =	sbr.rel $0x88, $3  }
0x1: {  	(tag) =	ssettag $0x0;
	lr =	simm.s32 $0x1  }
0x2: {  	[smem:$0x3F9B] =	sst lr;
	_ =	strace $0xD0000000  }
0x3: {  	_ = 	snop  }
0x4: {  	_ = 	snop  }
0x5: {  	_ = 	snop  }
0x6: {  	_ = 	snop  }
0x7: {  	_ = 	snop  }
__scs_overlays_trampoline_lowered:
0x8: {  	[smem:$0x3FAA] =	sst s0  }
0x9: {  	[smem:$0x3FAB] =	sst s1  }
0xa: {  	[smem:$0x3FAC] =	sst s2  }
0xb: {  	[smem:$0x3FAD] =	sst s3  }
0xc: {  	[smem:$0x3FAE] =	sst s4  }
0xd: {  	[smem:$0x3FAF] =	sst s5  }
0xe: {  	[smem:$0x3FB0] =	sst s6  }
0xf: {  	[smem:$0x3FB1] =	sst s7  }
0x10: {  	[smem:$0x3FB2] =	sst s8  }
0x11: {  	[smem:$0x3FB3] =	sst s9;
	s0 =	simm.s32 @!p0 $0x0  }
0x12: {  	s1 =	sld [smem:$0x3F99];
	s0 =	simm.s32 @p0 $0x1  }
0x13: {  	[smem:$0x3FB4] =	sst s0;
	s0 =	simm.s32 @!p1 $0x0  }
0x14: {  	s2 =	sld [smem:$0x3F98];
	s0 =	simm.s32 @p1 $0x1  }
0x15: {  	[smem:$0x3FB5] =	sst s0;
	s0 =	simm.s32 @!p2 $0x0  }
0x16: {  	s3 =	sld [smem:$0x3FDB];
	s0 =	simm.s32 @p2 $0x1  }
0x17: {  	s4 =	simm.s32 $0x1BF5;
	[smem:$0x3FB7] =	sst s0  }
0x18: {  	s0 =	sld [smem:$0x3F9A];
	_ =	swait.ge [sflag:s4], $0x0  }
0x19: {  	s7 =	sld [smem:$0x3F9B]  }
0x1a: {  	s8 =	sadd.s32 $0xFFFFE003, lr  }
0x1b: {  	s9 =	sadd.s32 $0xFFFFFEF7, lr;
	s5 =	simm.s32 $0xFFFFFFFF;
	p2 =	slt.u32 s8, $0xFFFFF086  }
0x1c: {  	p1 =	slt.u32 s9, $0xF7A;
	s5 =	simm.s32 @!p2 $0x0  }
0x1d: {  	s5 =	simm.s32 @p1 $0x1;
	p0 =	seq.s32 s7, s2  }
0x1e: {  	s7 =	smul.u32 @!p0 $0xF7A, s2;
	p2 =	seq.s32 @!p0 s5, $0x0  }
0x1f: {  	s9 =	smul.u32 $0xF7A, s1;
	s8 =	simm.s32 @!p0 $0x1BF5;
	p2 =	por !p2, p0  }
0x20: {  	[sflag:s8] =	ssyncset.s32 @!p0 $0xFFFFF086;
	s6 =	sadd.s32 @!p0 s3, s7;
	s7 =	simm.s32 @!p0 $0x108  }
0x21: {  	s3 =	sadd.s32 s3, s9;
	s6 =	sadd.s32 @!p0 $0x88, s6;
	s7 =	simm.s32 @p2 $0x1082  }
0x22: {  	[simem:s7], [sflag:s8] =	dma.local @!p0 [hbm:s6], $0xF7A  }
0x23: {  	s9 =	sor.u32 $0xD0000000, s2;
	s6 =	simm.s32 $0x108;
	_ =	swait.ge @!p0 [sflag:s8], $0x0  }
0x24: {  	s3 =	sadd.s32 $0x88, s3;
	s6 =	simm.s32 @!p1 $0x1082;
	[sflag:s4] =	ssyncset.s32 $0xFFFFF086  }
0x25: {  	[simem:s6], [sflag:s4] =	dma.local [hbm:s3], $0xF7A  }
0x26: {  	[smem:$0x3F9B] =	sst s1;
	(tag) =	ssettag s2;
	_ =	strace s9  }
0x27: {  	s1 =	sld [smem:$0x3FAB]  }
0x28: {  	s2 =	sld [smem:$0x3FAC]  }
0x29: {  	s4 =	sld [smem:$0x3FAE]  }
0x2a: {  	p0 =	seq.s32 s5, $0x0;
	s5 =	sld [smem:$0x3FAF]  }
0x2b: {  	s6 =	sld [smem:$0x3FB0]  }
0x2c: {  	s7 =	sld [smem:$0x3FB1]  }
0x2d: {  	s3 =	simm.s32 $0x108;
	s8 =	sld [smem:$0x3FB2]  }
0x2e: {  	s3 =	simm.s32 @!p0 $0x1082;
	s9 =	sld [smem:$0x3FB3]  }
0x2f: {  	lr =	sadd.s32 s0, s3;
	s0 =	sld [smem:$0x3FAA]  }
0x30: {  	s3 =	sld [smem:$0x3FAD]  }
0x31: {  	[smem:$0x3FB6] =	sst s10  }
0x32: {  	s10 =	sld [smem:$0x3FB4];
	_ =	sdelay $0x3  }
0x33: {  	p0 =	seq.s32 s10, $0x1;
	s10 =	sld [smem:$0x3FB6];
	_ =	sdelay $0x3  }
0x34: {  	[smem:$0x3FB6] =	sst s10  }
0x35: {  	s10 =	sld [smem:$0x3FB5];
	_ =	sdelay $0x3  }
0x36: {  	p1 =	seq.s32 s10, $0x1;
	s10 =	sld [smem:$0x3FB6];
	_ =	sdelay $0x3  }
0x37: {  	[smem:$0x3FB6] =	sst s10  }
0x38: {  	s10 =	sld [smem:$0x3FB7]  }
0x39: {  	_ = 	snop;
	(pc) =	sbr.ind lr, $3  }
0x3a: {  	_ = 	snop  }
0x3b: {  	_ = 	snop  }
0x3c: {  	p2 =	seq.s32 s10, $0x1;
	s10 =	sld [smem:$0x3FB6]  }
0x3d: {  	_ =	shalt  }
0x3e: {  	_ =	shalt  }
0x3f: {  	_ =	shalt  }
0x40: {  	_ =	shalt  }
0x41: {  	_ =	shalt  }
0x42: {  	_ =	shalt  }
0x43: {  	_ =	shalt  }
0x44: {  	_ =	shalt  }
0x45: {  	_ =	shalt  }
0x46: {  	_ =	shalt  }
0x47: {  	_ =	shalt  }
0x48: {  	_ =	shalt  }
0x49: {  	_ =	shalt  }
0x4a: {  	_ =	shalt  }
0x4b: {  	_ =	shalt  }
0x4c: {  	_ =	shalt  }
0x4d: {  	_ =	shalt  }
0x4e: {  	_ =	shalt  }
0x4f: {  	_ =	shalt  }
0x50: {  	_ =	shalt  }
0x51: {  	_ =	shalt  }
0x52: {  	_ =	shalt  }
0x53: {  	_ =	shalt  }
0x54: {  	_ =	shalt  }
0x55: {  	_ =	shalt  }
0x56: {  	_ =	shalt  }
0x57: {  	_ =	shalt  }
0x58: {  	_ =	shalt  }
0x59: {  	_ =	shalt  }
0x5a: {  	_ =	shalt  }
0x5b: {  	_ =	shalt  }
0x5c: {  	_ =	shalt  }
0x5d: {  	_ =	shalt  }
0x5e: {  	_ =	shalt  }
0x5f: {  	_ =	shalt  }
0x60: {  	_ =	shalt  }
0x61: {  	_ =	shalt  }
0x62: {  	_ =	shalt  }
0x63: {  	_ =	shalt  }
0x64: {  	_ =	shalt  }
0x65: {  	_ =	shalt  }
0x66: {  	_ =	shalt  }
0x67: {  	_ =	shalt  }
0x68: {  	_ =	shalt  }
0x69: {  	_ =	shalt  }
0x6a: {  	_ =	shalt  }
0x6b: {  	_ =	shalt  }
0x6c: {  	_ =	shalt  }
0x6d: {  	_ =	shalt  }
0x6e: {  	_ =	shalt  }
0x6f: {  	_ =	shalt  }
0x70: {  	_ =	shalt  }
0x71: {  	_ =	shalt  }
0x72: {  	_ =	shalt  }
0x73: {  	_ =	shalt  }
0x74: {  	_ =	shalt  }
0x75: {  	_ =	shalt  }
0x76: {  	_ =	shalt  }
0x77: {  	_ =	shalt  }
0x78: {  	_ =	shalt  }
0x79: {  	_ =	shalt  }
0x7a: {  	_ =	shalt  }
0x7b: {  	_ =	shalt  }
0x7c: {  	_ =	shalt  }
0x7d: {  	_ =	shalt  }
0x7e: {  	_ =	shalt  }
0x7f: {  	_ =	shalt  }
0x80: {  	_ =	shalt  }
0x81: {  	_ =	shalt  }
0x82: {  	_ =	shalt  }
0x83: {  	_ =	shalt  }
0x84: {  	_ =	shalt  }
0x85: {  	_ =	shalt  }
0x86: {  	_ =	shalt  }
0x87: {  	_ =	shalt  }
.Lfunc_end0:
.L_simem_size_0:
called_computation.2_lowered:
.L_overlay_start_0:
0x88: {  	s2 =	sld [smem:$0x3FD9]  }
0x89: {  	s3 =	sld [smem:$0x3FFE];
	_ =	sdelay $0x1  }
0x8a: {  	s1 =	srdreg.scid  }
0x8b: {  	s0 =	sand.u32 $0x1, s1  }
0x8c: {  	s16 =	sshll.u32 s0, $0xA;
	s2 =	sadd.s32 s3, s2  }
0x8d: {  	s2 =	sadd.s32 s2, s16  }
0x8e: {  	[smem:$0x3FC2] =	sst s2  }
0x8f: {  	_ = 	snop  }
0x90: {  	(tm) =	ssettm $0x1  }
0x91: {  	s17 =	sld [smem:$0x3FFB];
	_ =	sdelay $0x3  }
0x92: {  	_ =	strace s17  }
0x93: {  	s2 =	sld [smem:$0x3FFC];
	_ =	sdelay $0x3  }
0x94: {  	_ =	strace s2  }
0x95: {  	s2 =	sld [smem:$0x3FFD];
	_ =	sdelay $0x3  }
0x96: {  	_ =	strace s2  }
0x97: {  	_ =	strace $0x8FFFFFFF  }
0x98: {  	s18 =	sld [smem:$0x3FDB];
	_ =	sdelay $0x1  }
0x99: {  	s19 =	simm.s32 $_scs_section_size  }
0x9a: {  	s4 =	simm.s32 $_size__tile_overlayer_lowered;
	s5 =	simm.s32 $_tile_overlayer_lowered  }
0x9b: {  	s22 =	simm.s32 $0x1BFF;
	s21 =	sshll.u32 s5, $0x1;
	s2 =	sadd.s32 s19, s18  }
0x9c: {  	s6 =	simm.s32 $0x0;
	s20 =	sshll.u32 s4, $0x1;
	s4 =	sadd.s32 s21, s2  }
0x9d: {  	[timem:s6], [sflag:s22] =	dma.local [hbm:s4], s20  }
0x9e: {  	_ =	swait.ge [sflag:s22], s20  }
0x9f: {  	s3 =	ssub.s32 $0x0, s20;
	[sflag:s22] =	ssyncset.done $0x0  }
0xa0: {  	[sflag:s22] =	ssyncadd.s32 s3;
	_ =	sdelay $0x1  }
0xa1: {  	s23 =	simm.s32 $0x1B8B  }
0xa2: {  	_ =	swait.ge [sflag:s23], $0x1  }
0xa3: {  	[sflag:s23] =	ssyncset.done $0x0  }
0xa4: {  	s25 =	simm.s32 $0x1B8E;
	s24 =	sld [smem:$0x3FFE];
	[sflag:s23] =	ssyncadd.s32 $0xFFFFFFFF  }
0xa5: {  	s26 =	simm.s32 $execute0_lowered;
	[smem:$0x3FD2] =	sst s25  }
0xa6: {  	s4 =	sshll.u32 s26, $0x1;
	_ =	strace $0x8000004C;
	[dreg:$0x1] =	wrdreg $0xFFFFFFFF  }
0xa7: {  	s28 =	simm.s32 $_size_execute0_lowered;
	s2 =	sadd.s32 s2, s4;
	[dreg:$0x0] =	wrdreg $0x0  }
0xa8: {  	s4 =	sshll.u32 s28, $0x1;
	[dreg:$0x2] =	wrdreg s2  }
0xa9: {  	[dreg:$0x3] =	wrdreg s4  }
0xaa: {  	[dreg:$0x4] =	wrdreg $0xC0  }
0xab: {  	_ =	task [dreg:s6], $0x5FFFF  }
0xac: {  	[dreg:$0x1] =	wrdreg $0xFFFFFFFF  }
0xad: {  	[dreg:$0x0] =	wrdreg $0x60  }
0xae: {  	[dreg:$0x2] =	wrdreg s24  }
0xaf: {  	[dreg:$0x3] =	wrdreg $0x60000  }
0xb0: {  	[dreg:$0x4] =	wrdreg $0x9  }
0xb1: {  	_ =	task.clear_ibuf [dreg:s6], $0x5FFFF;
	_ =	strace $0x9000004C  }
0xb2: {  	s29 =	simm.s32 $0x9;
	_ =	strace $0x8000004E  }
0xb3: {  	_ =	swait.ge [sflag:s29], $0x1  }
0xb4: {  	[sflag:s29] =	ssyncadd.s32 $0xFFFFFFFF  }
0xb5: {  	_ =	strace $0x9000004E  }
0xb6: {  	_ =	sfence  }
0xb7: {  	s30 =	sld [smem:$0x0];
	_ =	sdelay $0x2  }
0xb8: {  	s31 =	sshll.u32 s1, $0xD;
	s1 =	sshrl.u32 s1, $0x2  }
0xb9: {  	s3 =	sand.u32 $0x4000, s31;
	s1 =	sadd.s32 s1, s30  }
0xba: {  	s0 =	sor.u32 s3, s0;
	s1 =	sshll.u32 s1, $0x11  }
0xbb: {  	s0 =	sor.u32 s1, s0  }
0xbc: {  	s0 =	sadd.s32 $0x8F2B, s0  }
0xbd: {  	[sflag:s0] =	ssyncadd.remote.s32 $0x1  }
0xbe: {  	_ =	sfence.sel $0xFFFF  }
0xbf: {  	[dreg:$0x0] =	wrdreg $0xFFFFFFFF;
	(pc) =	sbr.abs _section_cstart, $3  }
0xc0: {  	[dreg:$0x1] =	wrdreg $0xFFFFFFFF  }
0xc1: {  	_ =	task.clear_ibuf [dreg:s6], $0x2FFFF;
	_ =	strace $0x9FFFFFFF  }
0xc2: {  	(tm) =	ssettm $0x7FFFFFFF  }
0xc3: {  	_ =	shalt  }
tec
execute0_lowered:
.L_overlay_start_1:
0x0: {  	(tag) =	ssettag $0x1  }
0x1: {  	s0 =	rddreg [dreg:$0x0]  }
0x2: {  	s2 =	rddreg [dreg:$0x1]  }
0x3: {  	s3 =	simm.s32 $0x0;
	s14 =	stileid.u32;
	s5 =	srdreg.scid  }
0x4: {  	s17 =	simm.s32 $0x1000;
	s28 =	simm.s32 $0x1400;
	s29 =	simm.s32 $0x800  }
0x5: {  	s30 =	simm.s32 $0x1600;
	s31 =	simm.s32 $0xA00;
	[smem:$0x7FF] =	sst s3  }
0x6: {  	s1 =	smul.u32 $0x18800, s14;
	s4 =	sadd.s32 $0x66400, s0;
	s7 =	sand.u32 $0x1, s5  }
0x7: {  	s5 =	sadd.s32 $0x4800, s0;
	s6 =	sadd.s32 $0xC8000, s0;
	s21 =	smul.u32 $0x31000, s14  }
0x8: {  	s12 =	sshll.u32 s14, $0x1;
	s20 =	sshll.u32 s14, $0x6;
	s22 =	smul.u32 $0x188, s14  }
0x9: {  	_ =	strace $0x8000004D;
	s9 =	smul.u32 $0x31000, s7;
	s11 =	ssub.s32 $0x2, s7  }
0xa: {  	s19 =	sor.u32 s7, s12;
	s13 =	smul.u32 $0x18800, s7;
	s16 =	sor.u32 $0x1C03, s20  }
0xb: {  	s7 =	smul.u32 $0xC4, s7;
	s20 =	simm.s32 $0x4000;
	s12 =	simm.s32 $0x0  }
0xc: {  	s8 =	sshrl.u32 s1, $0x3;
	s18 =	sshrl.u32 s11, $0x1;
	s1 =	sadd.s32 s1, s2  }
0xd: {  	p0 =	seq.s32 s19, $0x1F;
	s19 =	simm.s32 $0x2000;
	s10 =	sadd.s32 s8, s0  }
0xe: {  	s0 =	sadd.s32 s9, s0;
	s9 =	ssub.s32 s11, s18;
	s11 =	simm.s32 $0xAE  }
0xf: {  	s24 =	sadd.s32 s13, s21;
	s7 =	sadd.s32 s7, s22;
	s18 =	simm.s32 $0x200  }
0x10: {  	s21 =	simm.s32 $0x1;
	s22 =	simm.s32 $0x400;
	s10 =	sadd.s32 $0x15B000, s10  }
0x11: {  	s11 =	simm.s32 @!p0 $0xC4;
	s0 =	sadd.s32 $0x18C000, s0;
	s9 =	smax.u32 s9, $0x1  }
0x12: {  	s25 =	sshrl.u32 s24, $0x3;
	s24 =	simm.s32 $0x1C00;
	[dreg:$0x3] =	wrdreg s10  }
0x13: {  	s23 =	sshrl.u32 s11, $0x3;
	s15 =	sand.u32 $0xE8, s11;
	[dreg:$0x6] =	wrdreg s9  }
0x14: {  	s11 =	sand.u32 $0x6, s11;
	s26 =	sadd.s32 s25, s5;
	[dreg:$0x4] =	wrdreg s23  }
0x15: {  	s9 =	sadd.s32 s25, s4;
	s0 =	sadd.s32 s8, s0;
	[dreg:$0x5] =	wrdreg s11  }
0x16: {  	s25 =	simm.s32 $0x1200;
	s8 =	simm.s32 $0x1E00;
	[dreg:$0x7] =	wrdreg s26  }
0x17: {  	[dreg:$0x8] =	wrdreg s9;
	s7 =	sadd.s32 s15, s7;
	s15 =	smov.u32 s16  }
0x18: {  	s9 =	sshrl.u32 s1, $0x3;
	s16 =	simm.s32 $0x3;
	s23 =	simm.s32 $0x2  }
0x19: {  	[dreg:$0xb] =	wrdreg s0;
	s26 =	simm.s32 $0x600;
	s0 =	simm.s32 $0x1800  }
0x1a: {  	s1 =	simm.s32 $0xC00;
	s11 =	simm.s32 $0xE00;
	[dreg:$0x9] =	wrdreg s15  }
0x1b: {  	s14 =	sshll.u32 s7, $0x6;
	s7 =	simm.s32 $0x1A00;
	[dreg:$0xa] =	wrdreg s9  }
.LBB2_1:
0x1c: {  	[dreg:$0xc] =	wrdreg s12  }
0x1d: {  	s10 =	rddreg [dreg:$0x3]  }
0x1e: {  	[spmem:s9], [sflag:s15] =	dma.local [hbm:s10], $0x3100  }
0x1f: {  	_ =	swait.ge [sflag:s16], $0x3100  }
0x20: {  	[sflag:s16] =	ssyncset.done $0x0  }
0x21: {  	[sflag:s16] =	ssyncadd.s32 $0xFFFFCF00  }
0x22: {  	[bflag:$0x0] =	sbarrier.arrive $0xFFFF  }
0x23: {  	s13 =	rddreg [dreg:$0x8]  }
0x24: {  	[tilespmem:s3], [sflag:$0x3] =	stream.linear.gather [hbm4b:s13+s3], $0x1000, $0x38;
	[tilespmem:$0x1E800] =	vst v63  }
0x25: {  	_ =	swait.ge [sflag:s16], $0x1000  }
0x26: {  	[sflag:s16] =	ssyncset.done $0x0  }
0x27: {  	s12 =	rddreg [dreg:$0x7];
	[sflag:s16] =	ssyncadd.s32 $0xFFFFF000  }
0x28: {  	[tilespmem:s17], [sflag:$0x3] =	stream.linear.gather [hbm4b:s12+s3], $0x1000, $0x38;
	[tilespmem:$0x1E800] =	vst v63  }
0x29: {  	_ =	swait.ge [sflag:s16], $0x1000  }
0x2a: {  	[sflag:s16] =	ssyncset.done $0x0  }
0x2b: {  	[sflag:s16] =	ssyncadd.s32 $0xFFFFF000  }
0x2c: {  	[tilespmem:s19], [sflag:$0x1] =	stream.indirect.gather [hbm4b:s6+s18], $0x10, s3, s18, $0xb8;
	[tilespmem:$0x1E800] =	vst v63  }
0x2d: {  	_ = 	snop  }
0x2e: {  	[tilespmem:s20], [sflag:$0x2] =	stream.indirect.gather [hbm4b:s6+s18], $0x10, s18, s18, $0xb8;
	[tilespmem:$0x1E800] =	vst v63  }
0x2f: {  	_ =	swait.ge [sflag:s21], $0x2000  }
0x30: {  	[sflag:s21] =	ssyncset.done $0x0  }
0x31: {  	[sflag:s21] =	ssyncadd.s32 $0xFFFFE000  }
0x32: {  	[spmem:s2] =	stream.indirect.scatter.add.f32 [tilespmem:s19], [sflag:$0x3], $0x10, s17, s18, $0xb8;
	[tilespmem:$0x1E800] =	vst v63  }
0x33: {  	_ =	swait.ge [sflag:s16], $0x2000  }
0x34: {  	[sflag:s16] =	ssyncset.done $0x0  }
0x35: {  	[sflag:s16] =	ssyncadd.s32 $0xFFFFE000  }
0x36: {  	[tilespmem:s19], [sflag:$0x1] =	stream.indirect.gather [hbm4b:s6+s18], $0x10, s22, s18, $0xb8;
	[tilespmem:$0x1E800] =	vst v63  }
0x37: {  	_ =	swait.ge [sflag:s23], $0x2000  }
0x38: {  	[sflag:s23] =	ssyncset.done $0x0  }
0x39: {  	[sflag:s23] =	ssyncadd.s32 $0xFFFFE000  }
0x3a: {  	[spmem:s2] =	stream.indirect.scatter.add.f32 [tilespmem:s20], [sflag:$0x3], $0x10, s25, s18, $0xb8;
	[tilespmem:$0x1E800] =	vst v63  }
0x3b: {  	_ =	swait.ge [sflag:s16], $0x2000  }
0x3c: {  	[sflag:s16] =	ssyncset.done $0x0  }
0x3d: {  	[sflag:s16] =	ssyncadd.s32 $0xFFFFE000  }
0x3e: {  	[tilespmem:s20], [sflag:$0x2] =	stream.indirect.gather [hbm4b:s6+s18], $0x10, s26, s18, $0xb8;
	[tilespmem:$0x1E800] =	vst v63  }
0x3f: {  	_ =	swait.ge [sflag:s21], $0x2000  }
0x40: {  	[sflag:s21] =	ssyncset.done $0x0  }
0x41: {  	[sflag:s21] =	ssyncadd.s32 $0xFFFFE000  }
0x42: {  	[spmem:s2] =	stream.indirect.scatter.add.f32 [tilespmem:s19], [sflag:$0x3], $0x10, s28, s18, $0xb8;
	[tilespmem:$0x1E800] =	vst v63  }
0x43: {  	_ =	swait.ge [sflag:s16], $0x2000  }
0x44: {  	[sflag:s16] =	ssyncset.done $0x0  }
0x45: {  	[sflag:s16] =	ssyncadd.s32 $0xFFFFE000  }
0x46: {  	[tilespmem:s19], [sflag:$0x1] =	stream.indirect.gather [hbm4b:s6+s18], $0x10, s29, s18, $0xb8;
	[tilespmem:$0x1E800] =	vst v63  }
0x47: {  	_ =	swait.ge [sflag:s23], $0x2000  }
0x48: {  	[sflag:s23] =	ssyncset.done $0x0  }
0x49: {  	[sflag:s23] =	ssyncadd.s32 $0xFFFFE000  }
0x4a: {  	[spmem:s2] =	stream.indirect.scatter.add.f32 [tilespmem:s20], [sflag:$0x3], $0x10, s30, s18, $0xb8;
	[tilespmem:$0x1E800] =	vst v63  }
0x4b: {  	_ =	swait.ge [sflag:s16], $0x2000  }
0x4c: {  	[sflag:s16] =	ssyncset.done $0x0  }
0x4d: {  	[sflag:s16] =	ssyncadd.s32 $0xFFFFE000  }
0x4e: {  	[tilespmem:s20], [sflag:$0x2] =	stream.indirect.gather [hbm4b:s6+s18], $0x10, s31, s18, $0xb8;
	[tilespmem:$0x1E800] =	vst v63  }
0x4f: {  	_ =	swait.ge [sflag:s21], $0x2000  }
0x50: {  	[sflag:s21] =	ssyncset.done $0x0  }
0x51: {  	[sflag:s21] =	ssyncadd.s32 $0xFFFFE000  }
0x52: {  	[spmem:s2] =	stream.indirect.scatter.add.f32 [tilespmem:s19], [sflag:$0x3], $0x10, s0, s18, $0xb8;
	[tilespmem:$0x1E800] =	vst v63  }
0x53: {  	_ =	swait.ge [sflag:s16], $0x2000  }
0x54: {  	[sflag:s16] =	ssyncset.done $0x0  }
0x55: {  	[sflag:s16] =	ssyncadd.s32 $0xFFFFE000  }
0x56: {  	[tilespmem:s19], [sflag:$0x1] =	stream.indirect.gather [hbm4b:s6+s18], $0x10, s1, s18, $0xb8;
	[tilespmem:$0x1E800] =	vst v63  }
0x57: {  	_ =	swait.ge [sflag:s23], $0x2000  }
0x58: {  	[sflag:s23] =	ssyncset.done $0x0  }
0x59: {  	[sflag:s23] =	ssyncadd.s32 $0xFFFFE000  }
0x5a: {  	[spmem:s2] =	stream.indirect.scatter.add.f32 [tilespmem:s20], [sflag:$0x3], $0x10, s7, s18, $0xb8;
	[tilespmem:$0x1E800] =	vst v63  }
0x5b: {  	_ =	swait.ge [sflag:s16], $0x2000  }
0x5c: {  	[sflag:s16] =	ssyncset.done $0x0  }
0x5d: {  	[sflag:s16] =	ssyncadd.s32 $0xFFFFE000  }
0x5e: {  	[tilespmem:s20], [sflag:$0x2] =	stream.indirect.gather [hbm4b:s6+s18], $0x10, s11, s18, $0xb8;
	[tilespmem:$0x1E800] =	vst v63  }
0x5f: {  	_ =	swait.ge [sflag:s21], $0x2000  }
0x60: {  	[sflag:s21] =	ssyncset.done $0x0  }
0x61: {  	[sflag:s21] =	ssyncadd.s32 $0xFFFFE000  }
0x62: {  	[spmem:s2] =	stream.indirect.scatter.add.f32 [tilespmem:s19], [sflag:$0x3], $0x10, s24, s18, $0xb8;
	[tilespmem:$0x1E800] =	vst v63  }
0x63: {  	_ =	swait.ge [sflag:s16], $0x2000  }
0x64: {  	[sflag:s16] =	ssyncset.done $0x0  }
0x65: {  	[sflag:s16] =	ssyncadd.s32 $0xFFFFE000  }
0x66: {  	_ =	swait.ge [sflag:s23], $0x2000  }
0x67: {  	s10 =	rddreg [dreg:$0x4]  }
0x68: {  	p0 =	sne.s32 s10, $0x1  }
.Ltmp0:
0x69: {  	[sflag:s23] =	ssyncset.done $0x0;
	(pc) =	sbr.rel @!p0 .LBB2_3-.Ltmp0, $4  }
0x6a: {  	[sflag:s23] =	ssyncadd.s32 $0xFFFFE000  }
0x6b: {  	[spmem:s2] =	stream.indirect.scatter.add.f32 [tilespmem:s20], [sflag:$0x3], $0x10, s8, s18, $0xb8;
	[tilespmem:$0x1E800] =	vst v63  }
0x6c: {  	_ =	swait.ge [sflag:s16], $0x2000  }
0x6d: {  	s10 =	sadd.s32 $0xFFFFFFFF, s10;
	[sflag:s16] =	ssyncset.done $0x0  }
.LBB2_2:
0x6e: {  	[sflag:s16] =	ssyncadd.s32 $0xFFFFE000;
	s12 =	sadd.s32 $0x200, s12;
	s13 =	sadd.s32 $0x200, s13  }
0x6f: {  	[tilespmem:s3], [sflag:$0x3] =	stream.linear.gather [hbm4b:s13+s3], $0x1000, $0x38;
	[tilespmem:$0x1E800] =	vst v63  }
0x70: {  	p0 =	sne.s32 s10, $0x1;
	s10 =	sadd.s32 $0xFFFFFFFF, s10;
	_ =	swait.ge [sflag:s16], $0x1000  }
0x71: {  	[sflag:s16] =	ssyncset.done $0x0  }
0x72: {  	[sflag:s16] =	ssyncadd.s32 $0xFFFFF000  }
0x73: {  	[tilespmem:s17], [sflag:$0x3] =	stream.linear.gather [hbm4b:s12+s3], $0x1000, $0x38;
	[tilespmem:$0x1E800] =	vst v63  }
0x74: {  	_ =	swait.ge [sflag:s16], $0x1000  }
0x75: {  	[sflag:s16] =	ssyncset.done $0x0  }
0x76: {  	[sflag:s16] =	ssyncadd.s32 $0xFFFFF000  }
0x77: {  	[tilespmem:s19], [sflag:$0x1] =	stream.indirect.gather [hbm4b:s6+s18], $0x10, s3, s18, $0xb8;
	[tilespmem:$0x1E800] =	vst v63  }
0x78: {  	_ = 	snop  }
0x79: {  	[tilespmem:s20], [sflag:$0x2] =	stream.indirect.gather [hbm4b:s6+s18], $0x10, s18, s18, $0xb8;
	[tilespmem:$0x1E800] =	vst v63  }
0x7a: {  	_ =	swait.ge [sflag:s21], $0x2000  }
0x7b: {  	[sflag:s21] =	ssyncset.done $0x0  }
0x7c: {  	[sflag:s21] =	ssyncadd.s32 $0xFFFFE000  }
0x7d: {  	[spmem:s2] =	stream.indirect.scatter.add.f32 [tilespmem:s19], [sflag:$0x3], $0x10, s17, s18, $0xb8;
	[tilespmem:$0x1E800] =	vst v63  }
0x7e: {  	_ =	swait.ge [sflag:s16], $0x2000  }
0x7f: {  	[sflag:s16] =	ssyncset.done $0x0  }
0x80: {  	[sflag:s16] =	ssyncadd.s32 $0xFFFFE000  }
0x81: {  	[tilespmem:s19], [sflag:$0x1] =	stream.indirect.gather [hbm4b:s6+s18], $0x10, s22, s18, $0xb8;
	[tilespmem:$0x1E800] =	vst v63  }
0x82: {  	_ =	swait.ge [sflag:s23], $0x2000  }
0x83: {  	[sflag:s23] =	ssyncset.done $0x0  }
0x84: {  	[sflag:s23] =	ssyncadd.s32 $0xFFFFE000  }
0x85: {  	[spmem:s2] =	stream.indirect.scatter.add.f32 [tilespmem:s20], [sflag:$0x3], $0x10, s25, s18, $0xb8;
	[tilespmem:$0x1E800] =	vst v63  }
0x86: {  	_ =	swait.ge [sflag:s16], $0x2000  }
0x87: {  	[sflag:s16] =	ssyncset.done $0x0  }
0x88: {  	[sflag:s16] =	ssyncadd.s32 $0xFFFFE000  }
0x89: {  	[tilespmem:s20], [sflag:$0x2] =	stream.indirect.gather [hbm4b:s6+s18], $0x10, s26, s18, $0xb8;
	[tilespmem:$0x1E800] =	vst v63  }
0x8a: {  	_ =	swait.ge [sflag:s21], $0x2000  }
0x8b: {  	[sflag:s21] =	ssyncset.done $0x0  }
0x8c: {  	[sflag:s21] =	ssyncadd.s32 $0xFFFFE000  }
0x8d: {  	[spmem:s2] =	stream.indirect.scatter.add.f32 [tilespmem:s19], [sflag:$0x3], $0x10, s28, s18, $0xb8;
	[tilespmem:$0x1E800] =	vst v63  }
0x8e: {  	_ =	swait.ge [sflag:s16], $0x2000  }
0x8f: {  	[sflag:s16] =	ssyncset.done $0x0  }
0x90: {  	[sflag:s16] =	ssyncadd.s32 $0xFFFFE000  }
0x91: {  	[tilespmem:s19], [sflag:$0x1] =	stream.indirect.gather [hbm4b:s6+s18], $0x10, s29, s18, $0xb8;
	[tilespmem:$0x1E800] =	vst v63  }
0x92: {  	_ =	swait.ge [sflag:s23], $0x2000  }
0x93: {  	[sflag:s23] =	ssyncset.done $0x0  }
0x94: {  	[sflag:s23] =	ssyncadd.s32 $0xFFFFE000  }
0x95: {  	[spmem:s2] =	stream.indirect.scatter.add.f32 [tilespmem:s20], [sflag:$0x3], $0x10, s30, s18, $0xb8;
	[tilespmem:$0x1E800] =	vst v63  }
0x96: {  	_ =	swait.ge [sflag:s16], $0x2000  }
0x97: {  	[sflag:s16] =	ssyncset.done $0x0  }
0x98: {  	[sflag:s16] =	ssyncadd.s32 $0xFFFFE000  }
0x99: {  	[tilespmem:s20], [sflag:$0x2] =	stream.indirect.gather [hbm4b:s6+s18], $0x10, s31, s18, $0xb8;
	[tilespmem:$0x1E800] =	vst v63  }
0x9a: {  	_ =	swait.ge [sflag:s21], $0x2000  }
0x9b: {  	[sflag:s21] =	ssyncset.done $0x0  }
0x9c: {  	[sflag:s21] =	ssyncadd.s32 $0xFFFFE000  }
0x9d: {  	[spmem:s2] =	stream.indirect.scatter.add.f32 [tilespmem:s19], [sflag:$0x3], $0x10, s0, s18, $0xb8;
	[tilespmem:$0x1E800] =	vst v63  }
0x9e: {  	_ =	swait.ge [sflag:s16], $0x2000  }
0x9f: {  	[sflag:s16] =	ssyncset.done $0x0  }
0xa0: {  	[sflag:s16] =	ssyncadd.s32 $0xFFFFE000  }
0xa1: {  	[tilespmem:s19], [sflag:$0x1] =	stream.indirect.gather [hbm4b:s6+s18], $0x10, s1, s18, $0xb8;
	[tilespmem:$0x1E800] =	vst v63  }
0xa2: {  	_ =	swait.ge [sflag:s23], $0x2000  }
0xa3: {  	[sflag:s23] =	ssyncset.done $0x0  }
0xa4: {  	[sflag:s23] =	ssyncadd.s32 $0xFFFFE000  }
0xa5: {  	[spmem:s2] =	stream.indirect.scatter.add.f32 [tilespmem:s20], [sflag:$0x3], $0x10, s7, s18, $0xb8;
	[tilespmem:$0x1E800] =	vst v63  }
0xa6: {  	_ =	swait.ge [sflag:s16], $0x2000  }
0xa7: {  	[sflag:s16] =	ssyncset.done $0x0  }
0xa8: {  	[sflag:s16] =	ssyncadd.s32 $0xFFFFE000  }
0xa9: {  	[tilespmem:s20], [sflag:$0x2] =	stream.indirect.gather [hbm4b:s6+s18], $0x10, s11, s18, $0xb8;
	[tilespmem:$0x1E800] =	vst v63  }
0xaa: {  	_ =	swait.ge [sflag:s21], $0x2000  }
0xab: {  	[sflag:s21] =	ssyncset.done $0x0  }
0xac: {  	[sflag:s21] =	ssyncadd.s32 $0xFFFFE000  }
0xad: {  	[spmem:s2] =	stream.indirect.scatter.add.f32 [tilespmem:s19], [sflag:$0x3], $0x10, s24, s18, $0xb8;
	[tilespmem:$0x1E800] =	vst v63  }
0xae: {  	_ =	swait.ge [sflag:s16], $0x2000  }
0xaf: {  	[sflag:s16] =	ssyncset.done $0x0  }
0xb0: {  	[sflag:s16] =	ssyncadd.s32 $0xFFFFE000  }
0xb1: {  	_ =	swait.ge [sflag:s23], $0x2000  }
.Ltmp1:
0xb2: {  	[sflag:s23] =	ssyncset.done $0x0;
	(pc) =	sbr.rel @p0 .LBB2_2-.Ltmp1, $4  }
0xb3: {  	[sflag:s23] =	ssyncadd.s32 $0xFFFFE000  }
0xb4: {  	[spmem:s2] =	stream.indirect.scatter.add.f32 [tilespmem:s20], [sflag:$0x3], $0x10, s8, s18, $0xb8;
	[tilespmem:$0x1E800] =	vst v63  }
0xb5: {  	_ =	swait.ge [sflag:s16], $0x2000  }
0xb6: {  	[sflag:s16] =	ssyncset.done $0x0  }
.LBB2_3:
0xb7: {  	s10 =	rddreg [dreg:$0x5]  }
0xb8: {  	p1 =	sne.s32 s10, $0x1  }
.Ltmp2:
0xb9: {  	_ = 	snop;
	(pc) =	sbr.rel @!p1 .LBB2_4-.Ltmp2, $3  }
0xba: {  	_ =	sdelay $0x1  }
0xbb: {  	[sflag:s16] =	ssyncadd.s32 $0xFFFFE000  }
0xbc: {  	s13 =	sand.u32 $0x1FFFFFC0, s14;
	p0 =	por $0x0, $0x0;
	s10 =	sadd.s32 $0xFFFFFFFF, s10  }
0xbd: {  	s12 =	sadd.s32 s4, s13  }
0xbe: {  	[tilespmem:s3], [sflag:$0x3] =	stream.linear.gather [hbm4b:s12+s3], $0x200, $0x38;
	[tilespmem:$0x1E800] =	vst v63  }
0xbf: {  	_ =	swait.ge [sflag:s16], $0x200  }
0xc0: {  	[sflag:s16] =	ssyncset.done $0x0  }
0xc1: {  	s15 =	sadd.s32 s5, s13;
	[sflag:s16] =	ssyncadd.s32 $0xFFFFFE00  }
0xc2: {  	[tilespmem:s17], [sflag:$0x3] =	stream.linear.gather [hbm4b:s15+s3], $0x200, $0x38;
	[tilespmem:$0x1E800] =	vst v63  }
0xc3: {  	_ =	swait.ge [sflag:s16], $0x200  }
0xc4: {  	[sflag:s16] =	ssyncset.done $0x0  }
0xc5: {  	[sflag:s16] =	ssyncadd.s32 $0xFFFFFE00  }
0xc6: {  	[tilespmem:s19], [sflag:$0x1] =	stream.indirect.gather [hbm4b:s6+s18], $0x10, s3, s18, $0xb8;
	[tilespmem:$0x1E800] =	vst v63  }
0xc7: {  	p1 =	sne.s32 s10, $0x1;
	_ =	swait.ge [sflag:s21], $0x2000  }
.Ltmp3:
0xc8: {  	[sflag:s21] =	ssyncset.done $0x0;
	(pc) =	sbr.rel @!p1 .LBB2_6-.Ltmp3, $4  }
0xc9: {  	s10 =	sadd.s32 $0xFFFFFFFF, s10;
	[sflag:s21] =	ssyncadd.s32 $0xFFFFE000  }
0xca: {  	[spmem:s2] =	stream.indirect.scatter.add.f32 [tilespmem:s19], [sflag:$0x3], $0x10, s17, s18, $0xb8;
	[tilespmem:$0x1E800] =	vst v63  }
0xcb: {  	s9 =	smov.u32 s14;
	s12 =	sadd.s32 $0x40, s14;
	_ =	swait.ge [sflag:s16], $0x2000  }
0xcc: {  	p0 =	por $0x1, $0x1;
	s13 =	sand.u32 $0x1FFFFFC0, s12;
	[sflag:s16] =	ssyncset.done $0x0  }
.LBB2_7:
0xcd: {  	p1 =	sne.s32 s10, $0x1;
	s15 =	sadd.s32 s4, s13;
	[sflag:s16] =	ssyncadd.s32 $0xFFFFE000  }
0xce: {  	[tilespmem:s3], [sflag:$0x3] =	stream.linear.gather [hbm4b:s15+s3], $0x200, $0x38;
	[tilespmem:$0x1E800] =	vst v63  }
0xcf: {  	s10 =	sadd.s32 $0xFFFFFFFF, s10;
	_ =	swait.ge [sflag:s16], $0x200  }
0xd0: {  	[sflag:s16] =	ssyncset.done $0x0  }
0xd1: {  	s13 =	sadd.s32 s5, s13;
	[sflag:s16] =	ssyncadd.s32 $0xFFFFFE00  }
0xd2: {  	[tilespmem:s17], [sflag:$0x3] =	stream.linear.gather [hbm4b:s13+s3], $0x200, $0x38;
	[tilespmem:$0x1E800] =	vst v63  }
0xd3: {  	_ =	swait.ge [sflag:s16], $0x200  }
0xd4: {  	[sflag:s16] =	ssyncset.done $0x0  }
0xd5: {  	[sflag:s16] =	ssyncadd.s32 $0xFFFFFE00  }
0xd6: {  	[tilespmem:s19], [sflag:$0x1] =	stream.indirect.gather [hbm4b:s6+s18], $0x10, s3, s18, $0xb8;
	[tilespmem:$0x1E800] =	vst v63  }
0xd7: {  	_ =	swait.ge [sflag:s21], $0x2000  }
.Ltmp4:
0xd8: {  	[sflag:s21] =	ssyncset.done $0x0;
	(pc) =	sbr.rel @p1 .LBB2_7-.Ltmp4, $4  }
0xd9: {  	[sflag:s21] =	ssyncadd.s32 $0xFFFFE000  }
0xda: {  	[spmem:s2] =	stream.indirect.scatter.add.f32 [tilespmem:s19], [sflag:$0x3], $0x10, s17, s18, $0xb8;
	[tilespmem:$0x1E800] =	vst v63  }
0xdb: {  	s12 =	sadd.s32 $0x40, s12;
	_ =	swait.ge [sflag:s16], $0x2000  }
0xdc: {  	s13 =	sand.u32 $0x1FFFFFC0, s12;
	[sflag:s16] =	ssyncset.done $0x0  }
0xdd: {  	s15 =	rddreg [dreg:$0x9]  }
0xde: {  	s14 =	smov.u32 s9;
	s9 =	rddreg [dreg:$0xa]  }
0xdf: {  	s12 =	rddreg [dreg:$0xc]  }
.LBB2_9:
0xe0: {  	s10 =	sadd.s32 s4, s13;
	[sflag:s16] =	ssyncadd.s32 @p0 $0xFFFFE000  }
0xe1: {  	[tilespmem:s3], [sflag:$0x3] =	stream.linear.gather [hbm4b:s10+s3], $0x200, $0x38;
	[tilespmem:$0x1E800] =	vst v63  }
0xe2: {  	_ =	swait.ge [sflag:s16], $0x200  }
0xe3: {  	[sflag:s16] =	ssyncset.done $0x0  }
0xe4: {  	s13 =	sadd.s32 s5, s13;
	[sflag:s16] =	ssyncadd.s32 $0xFFFFFE00  }
0xe5: {  	[tilespmem:s17], [sflag:$0x3] =	stream.linear.gather [hbm4b:s13+s3], $0x200, $0x38;
	[tilespmem:$0x1E800] =	vst v63  }
0xe6: {  	_ =	swait.ge [sflag:s16], $0x200  }
0xe7: {  	[sflag:s16] =	ssyncset.done $0x0  }
0xe8: {  	[sflag:s16] =	ssyncadd.s32 $0xFFFFFE00  }
0xe9: {  	[tilespmem:s19], [sflag:$0x1] =	stream.indirect.gather [hbm4b:s6+s18], $0x10, s3, s18, $0xb8;
	[tilespmem:$0x1E800] =	vst v63  }
0xea: {  	_ =	swait.ge [sflag:s21], $0x2000  }
0xeb: {  	[sflag:s21] =	ssyncset.done $0x0  }
0xec: {  	[sflag:s21] =	ssyncadd.s32 $0xFFFFE000  }
0xed: {  	[spmem:s2] =	stream.indirect.scatter.add.f32 [tilespmem:s19], [sflag:$0x3], $0x10, s17, s18, $0xb8;
	[tilespmem:$0x1E800] =	vst v63  }
0xee: {  	_ =	swait.ge [sflag:s16], $0x2000  }
0xef: {  	[sflag:s16] =	ssyncset.done $0x0  }
0xf0: {  	[sflag:s16] =	ssyncadd.s32 $0xFFFFE000  }
0xf1: {  	[bflag:$0x0] =	sbarrier.arrive $0xFFFF  }
0xf2: {  	s13 =	rddreg [dreg:$0xb]  }
0xf3: {  	[hbm:s13], [sflag:s15] =	dma.local [spmem:s9], $0x3100  }
0xf4: {  	_ =	swait.ge [sflag:s16], $0x3100  }
0xf5: {  	s12 =	sadd.s32 $0x1, s12;
	s13 =	rddreg [dreg:$0x6]  }
0xf6: {  	p0 =	sne.s32 s12, s13  }
.Ltmp5:
0xf7: {  	_ = 	snop;
	(pc) =	sbr.rel @p0 .LBB2_1-.Ltmp5, $4  }
.Ltmp6:
0xf8: {  	_ = 	snop;
	(pc) =	sbr.rel @!p0 .LBB2_10-.Ltmp6, $4  }
0xf9: {  	_ = 	snop  }
0xfa: {  	[sflag:s16] =	ssyncset.done $0x0  }
0xfb: {  	[sflag:s16] =	ssyncadd.s32 $0xFFFFCF00  }
0xfc: {  	_ = 	snop  }
.LBB2_4:
.Ltmp7:
0xfd: {  	(pc) =	sbr.rel .LBB2_9-.Ltmp7, $2  }
0xfe: {  	_ =	sdelay $0x2  }
0xff: {  	s12 =	rddreg [dreg:$0xc]  }
.LBB2_6:
.Ltmp8:
0x100: {  	(pc) =	sbr.rel .LBB2_9-.Ltmp8, $4  }
0x101: {  	_ = 	snop  }
0x102: {  	s15 =	rddreg [dreg:$0x9]  }
0x103: {  	s14 =	smov.u32 s9;
	s9 =	rddreg [dreg:$0xa]  }
0x104: {  	s12 =	rddreg [dreg:$0xc]  }
.LBB2_10:
0x105: {  	_ =	sfence.sel $0x180000  }
0x106: {  	[bflag:$0x0] =	sbarrier.arrive $0xFFFF  }
0x107: {  	_ =	strace $0x9000004D  }
0x108: {  	s0 =	stileid.u32;
	[bflag:$0x2] =	sbarrier.arrive $0xFFFF  }
0x109: {  	p0 =	sne.s32 s0, $0x0;
	s0 =	rddreg [dreg:$0x2]  }
0x10a: {  	s0 =	sadd.s32 @!p0 $0x100000, s0  }
0x10b: {  	[sflag:s0] =	ssyncadd.tile.s32 @!p0 $0x1;
	_ =	shalt  }
.Lfunc_end2:
_tile_overlayer_lowered:
.L_overlay_start_2:
0x10c: {  	(tag) =	ssettag $0x2  }
0x10d: {  	s0 =	rddreg [dreg:$0x0];
	s2 =	stileid.u32  }
0x10e: {  	s1 =	rddreg [dreg:$0x1];
	p0 =	sne.s32 s2, $0x0  }
0x10f: {  	s3 =	rddreg [dreg:$0x2];
	[bflag:$0x3] =	sbarrier.arrive $0xFFFF;
	s2 =	simm.s32 @!p0 $0x1C03  }
0x110: {  	[timem:s3], [sflag:s2] =	dma.local @!p0 [hbm:s0], s1  }
0x111: {  	s0 =	simm.s32 @!p0 $0x3  }
0x112: {  	_ =	swait.ge @!p0 [sflag:s0], s1  }
0x113: {  	s1 =	ssub.s32 @!p0 $0x0, s1;
	[sflag:s0] =	ssyncset.done @!p0 $0x0  }
0x114: {  	[sflag:s0] =	ssyncadd.s32 @!p0 s1  }
0x115: {  	[bflag:$0x3] =	sbarrier.arrive $0xFFFF  }
0x116: {  	_ =	shalt  }

// kernel: kernel.8.cloned.1.call-start
scs
__scs_entry_jumppad:
0x0: {  	(pc) =	sbr.rel $0x88, $3  }
0x1: {  	(tag) =	ssettag $0x0;
	lr =	simm.s32 $0x1  }
0x2: {  	[smem:$0x3F9B] =	sst lr;
	_ =	strace $0xD0000000  }
0x3: {  	_ = 	snop  }
0x4: {  	_ = 	snop  }
0x5: {  	_ = 	snop  }
0x6: {  	_ = 	snop  }
0x7: {  	_ = 	snop  }
__scs_overlays_trampoline_lowered:
0x8: {  	[smem:$0x3FAA] =	sst s0  }
0x9: {  	[smem:$0x3FAB] =	sst s1  }
0xa: {  	[smem:$0x3FAC] =	sst s2  }
0xb: {  	[smem:$0x3FAD] =	sst s3  }
0xc: {  	[smem:$0x3FAE] =	sst s4  }
0xd: {  	[smem:$0x3FAF] =	sst s5  }
0xe: {  	[smem:$0x3FB0] =	sst s6  }
0xf: {  	[smem:$0x3FB1] =	sst s7  }
0x10: {  	[smem:$0x3FB2] =	sst s8  }
0x11: {  	[smem:$0x3FB3] =	sst s9;
	s0 =	simm.s32 @!p0 $0x0  }
0x12: {  	s1 =	sld [smem:$0x3F99];
	s0 =	simm.s32 @p0 $0x1  }
0x13: {  	[smem:$0x3FB4] =	sst s0;
	s0 =	simm.s32 @!p1 $0x0  }
0x14: {  	s2 =	sld [smem:$0x3F98];
	s0 =	simm.s32 @p1 $0x1  }
0x15: {  	[smem:$0x3FB5] =	sst s0;
	s0 =	simm.s32 @!p2 $0x0  }
0x16: {  	s3 =	sld [smem:$0x3FDB];
	s0 =	simm.s32 @p2 $0x1  }
0x17: {  	s4 =	simm.s32 $0x1BF5;
	[smem:$0x3FB7] =	sst s0  }
0x18: {  	s0 =	sld [smem:$0x3F9A];
	_ =	swait.ge [sflag:s4], $0x0  }
0x19: {  	s7 =	sld [smem:$0x3F9B]  }
0x1a: {  	s8 =	sadd.s32 $0xFFFFE003, lr  }
0x1b: {  	s9 =	sadd.s32 $0xFFFFFEF7, lr;
	s5 =	simm.s32 $0xFFFFFFFF;
	p2 =	slt.u32 s8, $0xFFFFF086  }
0x1c: {  	p1 =	slt.u32 s9, $0xF7A;
	s5 =	simm.s32 @!p2 $0x0  }
0x1d: {  	s5 =	simm.s32 @p1 $0x1;
	p0 =	seq.s32 s7, s2  }
0x1e: {  	s7 =	smul.u32 @!p0 $0xF7A, s2;
	p2 =	seq.s32 @!p0 s5, $0x0  }
0x1f: {  	s9 =	smul.u32 $0xF7A, s1;
	s8 =	simm.s32 @!p0 $0x1BF5;
	p2 =	por !p2, p0  }
0x20: {  	[sflag:s8] =	ssyncset.s32 @!p0 $0xFFFFF086;
	s6 =	sadd.s32 @!p0 s3, s7;
	s7 =	simm.s32 @!p0 $0x108  }
0x21: {  	s3 =	sadd.s32 s3, s9;
	s6 =	sadd.s32 @!p0 $0x88, s6;
	s7 =	simm.s32 @p2 $0x1082  }
0x22: {  	[simem:s7], [sflag:s8] =	dma.local @!p0 [hbm:s6], $0xF7A  }
0x23: {  	s9 =	sor.u32 $0xD0000000, s2;
	s6 =	simm.s32 $0x108;
	_ =	swait.ge @!p0 [sflag:s8], $0x0  }
0x24: {  	s3 =	sadd.s32 $0x88, s3;
	s6 =	simm.s32 @!p1 $0x1082;
	[sflag:s4] =	ssyncset.s32 $0xFFFFF086  }
0x25: {  	[simem:s6], [sflag:s4] =	dma.local [hbm:s3], $0xF7A  }
0x26: {  	[smem:$0x3F9B] =	sst s1;
	(tag) =	ssettag s2;
	_ =	strace s9  }
0x27: {  	s1 =	sld [smem:$0x3FAB]  }
0x28: {  	s2 =	sld [smem:$0x3FAC]  }
0x29: {  	s4 =	sld [smem:$0x3FAE]  }
0x2a: {  	p0 =	seq.s32 s5, $0x0;
	s5 =	sld [smem:$0x3FAF]  }
0x2b: {  	s6 =	sld [smem:$0x3FB0]  }
0x2c: {  	s7 =	sld [smem:$0x3FB1]  }
0x2d: {  	s3 =	simm.s32 $0x108;
	s8 =	sld [smem:$0x3FB2]  }
0x2e: {  	s3 =	simm.s32 @!p0 $0x1082;
	s9 =	sld [smem:$0x3FB3]  }
0x2f: {  	lr =	sadd.s32 s0, s3;
	s0 =	sld [smem:$0x3FAA]  }
0x30: {  	s3 =	sld [smem:$0x3FAD]  }
0x31: {  	[smem:$0x3FB6] =	sst s10  }
0x32: {  	s10 =	sld [smem:$0x3FB4];
	_ =	sdelay $0x3  }
0x33: {  	p0 =	seq.s32 s10, $0x1;
	s10 =	sld [smem:$0x3FB6];
	_ =	sdelay $0x3  }
0x34: {  	[smem:$0x3FB6] =	sst s10  }
0x35: {  	s10 =	sld [smem:$0x3FB5];
	_ =	sdelay $0x3  }
0x36: {  	p1 =	seq.s32 s10, $0x1;
	s10 =	sld [smem:$0x3FB6];
	_ =	sdelay $0x3  }
0x37: {  	[smem:$0x3FB6] =	sst s10  }
0x38: {  	s10 =	sld [smem:$0x3FB7]  }
0x39: {  	_ = 	snop;
	(pc) =	sbr.ind lr, $3  }
0x3a: {  	_ = 	snop  }
0x3b: {  	_ = 	snop  }
0x3c: {  	p2 =	seq.s32 s10, $0x1;
	s10 =	sld [smem:$0x3FB6]  }
0x3d: {  	_ =	shalt  }
0x3e: {  	_ =	shalt  }
0x3f: {  	_ =	shalt  }
0x40: {  	_ =	shalt  }
0x41: {  	_ =	shalt  }
0x42: {  	_ =	shalt  }
0x43: {  	_ =	shalt  }
0x44: {  	_ =	shalt  }
0x45: {  	_ =	shalt  }
0x46: {  	_ =	shalt  }
0x47: {  	_ =	shalt  }
0x48: {  	_ =	shalt  }
0x49: {  	_ =	shalt  }
0x4a: {  	_ =	shalt  }
0x4b: {  	_ =	shalt  }
0x4c: {  	_ =	shalt  }
0x4d: {  	_ =	shalt  }
0x4e: {  	_ =	shalt  }
0x4f: {  	_ =	shalt  }
0x50: {  	_ =	shalt  }
0x51: {  	_ =	shalt  }
0x52: {  	_ =	shalt  }
0x53: {  	_ =	shalt  }
0x54: {  	_ =	shalt  }
0x55: {  	_ =	shalt  }
0x56: {  	_ =	shalt  }
0x57: {  	_ =	shalt  }
0x58: {  	_ =	shalt  }
0x59: {  	_ =	shalt  }
0x5a: {  	_ =	shalt  }
0x5b: {  	_ =	shalt  }
0x5c: {  	_ =	shalt  }
0x5d: {  	_ =	shalt  }
0x5e: {  	_ =	shalt  }
0x5f: {  	_ =	shalt  }
0x60: {  	_ =	shalt  }
0x61: {  	_ =	shalt  }
0x62: {  	_ =	shalt  }
0x63: {  	_ =	shalt  }
0x64: {  	_ =	shalt  }
0x65: {  	_ =	shalt  }
0x66: {  	_ =	shalt  }
0x67: {  	_ =	shalt  }
0x68: {  	_ =	shalt  }
0x69: {  	_ =	shalt  }
0x6a: {  	_ =	shalt  }
0x6b: {  	_ =	shalt  }
0x6c: {  	_ =	shalt  }
0x6d: {  	_ =	shalt  }
0x6e: {  	_ =	shalt  }
0x6f: {  	_ =	shalt  }
0x70: {  	_ =	shalt  }
0x71: {  	_ =	shalt  }
0x72: {  	_ =	shalt  }
0x73: {  	_ =	shalt  }
0x74: {  	_ =	shalt  }
0x75: {  	_ =	shalt  }
0x76: {  	_ =	shalt  }
0x77: {  	_ =	shalt  }
0x78: {  	_ =	shalt  }
0x79: {  	_ =	shalt  }
0x7a: {  	_ =	shalt  }
0x7b: {  	_ =	shalt  }
0x7c: {  	_ =	shalt  }
0x7d: {  	_ =	shalt  }
0x7e: {  	_ =	shalt  }
0x7f: {  	_ =	shalt  }
0x80: {  	_ =	shalt  }
0x81: {  	_ =	shalt  }
0x82: {  	_ =	shalt  }
0x83: {  	_ =	shalt  }
0x84: {  	_ =	shalt  }
0x85: {  	_ =	shalt  }
0x86: {  	_ =	shalt  }
0x87: {  	_ =	shalt  }
.Lfunc_end0:
.L_simem_size_0:
called_computation_lowered:
.L_overlay_start_0:
0x88: {  	s2 =	sld [smem:$0x3FD9]  }
0x89: {  	s3 =	sld [smem:$0x3FFE];
	_ =	sdelay $0x1  }
0x8a: {  	s1 =	srdreg.scid  }
0x8b: {  	s0 =	sand.u32 $0x1, s1  }
0x8c: {  	s17 =	sshll.u32 s0, $0xA;
	s2 =	sadd.s32 s3, s2  }
0x8d: {  	s2 =	sadd.s32 s2, s17  }
0x8e: {  	[smem:$0x3FC2] =	sst s2  }
0x8f: {  	_ = 	snop  }
0x90: {  	s2 =	sld [smem:$0x3FD0];
	(tm) =	ssettm $0x1  }
0x91: {  	s18 =	sld [smem:$0x3FFB];
	_ =	sdelay $0x3  }
0x92: {  	_ =	strace s18  }
0x93: {  	s3 =	sld [smem:$0x3FFC];
	_ =	sdelay $0x3  }
0x94: {  	_ =	strace s3  }
0x95: {  	s3 =	sld [smem:$0x3FFD];
	_ =	sdelay $0x3  }
0x96: {  	_ =	strace s3  }
0x97: {  	_ =	strace $0x8FFFFFFF  }
0x98: {  	s19 =	sld [smem:$0x3FDB];
	_ =	sdelay $0x1  }
0x99: {  	s4 =	simm.s32 $_scs_section_size  }
0x9a: {  	s5 =	simm.s32 $_size__tile_overlayer_lowered;
	s6 =	simm.s32 $_tile_overlayer_lowered  }
0x9b: {  	s22 =	simm.s32 $0x1BFF;
	s21 =	sshll.u32 s6, $0x1;
	s3 =	sadd.s32 s4, s19  }
0x9c: {  	s7 =	simm.s32 $0x0;
	s20 =	sshll.u32 s5, $0x1;
	s5 =	sadd.s32 s21, s3  }
0x9d: {  	[timem:s7], [sflag:s22] =	dma.local [hbm:s5], s20  }
0x9e: {  	_ =	swait.ge [sflag:s22], s20  }
0x9f: {  	s4 =	ssub.s32 $0x0, s20;
	[sflag:s22] =	ssyncset.done $0x0  }
0xa0: {  	[sflag:s22] =	ssyncadd.s32 s4;
	_ =	sdelay $0x1  }
0xa1: {  	s23 =	simm.s32 $0x1B8B  }
0xa2: {  	_ =	swait.ge [sflag:s23], $0x1  }
0xa3: {  	[sflag:s23] =	ssyncset.done $0x0  }
0xa4: {  	s25 =	simm.s32 $0x1B8E;
	s24 =	sld [smem:$0x3FFE];
	[sflag:s23] =	ssyncadd.s32 $0xFFFFFFFF  }
0xa5: {  	s26 =	simm.s32 $execute0_lowered;
	[smem:$0x3FD2] =	sst s25  }
0xa6: {  	s5 =	sshll.u32 s26, $0x1;
	_ =	strace $0x80000046;
	[dreg:$0x1] =	wrdreg $0xFFFFFFFF  }
0xa7: {  	s28 =	simm.s32 $_size_execute0_lowered;
	s3 =	sadd.s32 s3, s5;
	[dreg:$0x0] =	wrdreg $0x0  }
0xa8: {  	s5 =	sshll.u32 s28, $0x1;
	[dreg:$0x2] =	wrdreg s3  }
0xa9: {  	[dreg:$0x3] =	wrdreg s5  }
0xaa: {  	[dreg:$0x4] =	wrdreg $0xC0  }
0xab: {  	_ =	task [dreg:s7], $0x5FFFF  }
0xac: {  	[dreg:$0x1] =	wrdreg $0xFFFFFFFF  }
0xad: {  	[dreg:$0x0] =	wrdreg $0x60  }
0xae: {  	[dreg:$0x2] =	wrdreg s24  }
0xaf: {  	[dreg:$0x3] =	wrdreg s2  }
0xb0: {  	[dreg:$0x4] =	wrdreg $0x1B2800  }
0xb1: {  	[dreg:$0x5] =	wrdreg $0x9  }
0xb2: {  	_ =	task.clear_ibuf [dreg:s7], $0x6FFFF;
	_ =	strace $0x90000046  }
0xb3: {  	s29 =	simm.s32 $0x9;
	_ =	strace $0x80000048  }
0xb4: {  	_ =	swait.ge [sflag:s29], $0x1  }
0xb5: {  	[sflag:s29] =	ssyncadd.s32 $0xFFFFFFFF  }
0xb6: {  	_ =	strace $0x90000048  }
0xb7: {  	_ =	sfence  }
0xb8: {  	s30 =	sld [smem:$0x0];
	_ =	sdelay $0x2  }
0xb9: {  	s31 =	sshll.u32 s1, $0xD;
	s1 =	sshrl.u32 s1, $0x2  }
0xba: {  	s3 =	sand.u32 $0x4000, s31;
	s1 =	sadd.s32 s1, s30  }
0xbb: {  	s0 =	sor.u32 s3, s0;
	s1 =	sshll.u32 s1, $0x11  }
0xbc: {  	s0 =	sor.u32 s1, s0  }
0xbd: {  	s0 =	sadd.s32 $0x8F2B, s0  }
0xbe: {  	[sflag:s0] =	ssyncadd.remote.s32 $0x1  }
0xbf: {  	_ =	sfence.sel $0xFFFF  }
0xc0: {  	[dreg:$0x0] =	wrdreg $0xFFFFFFFF;
	(pc) =	sbr.abs _section_cstart, $3  }
0xc1: {  	[dreg:$0x1] =	wrdreg $0xFFFFFFFF  }
0xc2: {  	_ =	task.clear_ibuf [dreg:s7], $0x2FFFF;
	_ =	strace $0x9FFFFFFF  }
0xc3: {  	(tm) =	ssettm $0x7FFFFFFF  }
tec
execute0_lowered:
.L_overlay_start_1:
0x0: {  	(tag) =	ssettag $0x1  }
0x1: {  	s6 =	rddreg [dreg:$0x0]  }
0x2: {  	s7 =	rddreg [dreg:$0x1]  }
0x3: {  	s1 =	rddreg [dreg:$0x2]  }
0x4: {  	s0 =	rddreg [dreg:$0x3];
	s2 =	simm.s32 $0x0;
	s3 =	srdreg.scid  }
0x5: {  	s14 =	simm.s32 $0xAE;
	s19 =	simm.s32 $0x600;
	s10 =	sand.u32 $0x1, s3  }
0x6: {  	s20 =	simm.s32 $0x800;
	s3 =	stileid.u32;
	s8 =	smul.u32 $0x31000, s10  }
0x7: {  	s21 =	simm.s32 $0xA00;
	s22 =	simm.s32 $0xC00;
	s11 =	smul.u32 $0x1880, s3  }
0x8: {  	[smem:$0x7FF] =	sst s2;
	s4 =	sadd.s32 $0x4800, s6;
	s26 =	smul.u32 $0x31000, s3  }
0x9: {  	s5 =	sadd.s32 $0xC8000, s6;
	_ =	strace $0x80000047;
	s15 =	smul.u32 $0x18800, s10  }
0xa: {  	s9 =	ssub.s32 $0x2, s10;
	s24 =	sshll.u32 s3, $0x1;
	s16 =	smul.u32 $0x188, s3  }
0xb: {  	s28 =	sshll.u32 s3, $0x6;
	s17 =	smul.u32 $0xC4, s10;
	s23 =	sshrl.u32 s9, $0x1  }
0xc: {  	s12 =	sadd.s32 s8, s6;
	s13 =	ssub.s32 s9, s23;
	s8 =	sor.u32 s10, s24  }
0xd: {  	s25 =	sshrl.u32 s11, $0x3;
	s6 =	sadd.s32 s11, s1;
	s29 =	sadd.s32 s15, s26  }
0xe: {  	s30 =	sadd.s32 s17, s16;
	s15 =	simm.s32 $0x1;
	s16 =	simm.s32 $0x1000  }
0xf: {  	s17 =	simm.s32 $0x200;
	s23 =	simm.s32 $0xE00;
	s26 =	simm.s32 $0x0  }
0x10: {  	s7 =	sadd.s32 s7, s25;
	p0 =	seq.s32 s8, $0x1F;
	s8 =	sor.u32 $0x1C01, s28  }
0x11: {  	s24 =	sadd.s32 $0xC8200, s12;
	s25 =	smul.u32 $0x3100, s3;
	s12 =	sshrl.u32 s29, $0x3  }
0x12: {  	s11 =	smax.u32 s13, $0x1;
	s14 =	simm.s32 @!p0 $0xC4;
	s12 =	sadd.s32 s12, s4  }
0x13: {  	s9 =	sshrl.u32 s14, $0x3;
	s18 =	sand.u32 $0xE8, s14;
	s10 =	sand.u32 $0x6, s14  }
0x14: {  	v0 =	vlaneseq.u32;
	s14 =	sshrl.u32 s6, $0x3;
	s24 =	sadd.s32 s25, s24;
	s31 =	sadd.s32 s18, s30  }
0x15: {  	v0 =	vmul.u32 $0x10, v0;
	s25 =	simm.s32 $0x2A80;
	s18 =	simm.s32 $0x400;
	s13 =	sshll.u32 s31, $0x6  }
.LBB2_1:
0x16: {  	[spmem:s14], [sflag:s8] =	dma.local [hbm:s7], $0x310  }
0x17: {  	_ =	swait.ge [sflag:s15], $0x310  }
0x18: {  	[sflag:s15] =	ssyncset.done $0x0  }
0x19: {  	[sflag:s15] =	ssyncadd.s32 $0xFFFFFCF0  }
0x1a: {  	[tilespmem:s16], [sflag:$0x1] =	stream.linear.gather [hbm4b:s5+s2], $0x200, $0x38;
	[tilespmem:$0x1CB00] =	vst v63  }
0x1b: {  	_ =	swait.ge [sflag:s15], $0x200  }
0x1c: {  	[sflag:s15] =	ssyncset.done $0x0  }
0x1d: {  	[sflag:s15] =	ssyncadd.s32 $0xFFFFFE00  }
0x1e: {  	[bflag:$0x0] =	sbarrier.arrive $0xFFFF  }
0x1f: {  	[tilespmem:s2], [sflag:$0x1] =	stream.linear.gather [hbm4b:s12+s2], $0x1000, $0x38;
	[tilespmem:$0x1CB00] =	vst v63  }
0x20: {  	_ =	swait.ge [sflag:s15], $0x1000  }
0x21: {  	[sflag:s15] =	ssyncset.done $0x0  }
0x22: {  	[sflag:s15] =	ssyncadd.s32 $0xFFFFF000  }
0x23: {  	[spmem:s1] =	stream.indirect.scatter.add.f32 [tilespmem:s16], [sflag:$0x1], $0x1, s2, s17, $0xb8;
	[tilespmem:$0x1CB00] =	vst v63  }
0x24: {  	_ =	swait.ge [sflag:s15], $0x200  }
0x25: {  	[sflag:s15] =	ssyncset.done $0x0  }
0x26: {  	[sflag:s15] =	ssyncadd.s32 $0xFFFFFE00  }
0x27: {  	[spmem:s1] =	stream.indirect.scatter.add.f32 [tilespmem:s16], [sflag:$0x1], $0x1, s17, s17, $0xb8;
	[tilespmem:$0x1CB00] =	vst v63  }
0x28: {  	_ =	swait.ge [sflag:s15], $0x200  }
0x29: {  	[sflag:s15] =	ssyncset.done $0x0  }
0x2a: {  	[sflag:s15] =	ssyncadd.s32 $0xFFFFFE00  }
0x2b: {  	[spmem:s1] =	stream.indirect.scatter.add.f32 [tilespmem:s16], [sflag:$0x1], $0x1, s18, s17, $0xb8;
	[tilespmem:$0x1CB00] =	vst v63  }
0x2c: {  	_ =	swait.ge [sflag:s15], $0x200  }
0x2d: {  	[sflag:s15] =	ssyncset.done $0x0  }
0x2e: {  	[sflag:s15] =	ssyncadd.s32 $0xFFFFFE00  }
0x2f: {  	[spmem:s1] =	stream.indirect.scatter.add.f32 [tilespmem:s16], [sflag:$0x1], $0x1, s19, s17, $0xb8;
	[tilespmem:$0x1CB00] =	vst v63  }
0x30: {  	_ =	swait.ge [sflag:s15], $0x200  }
0x31: {  	[sflag:s15] =	ssyncset.done $0x0  }
0x32: {  	[sflag:s15] =	ssyncadd.s32 $0xFFFFFE00  }
0x33: {  	[spmem:s1] =	stream.indirect.scatter.add.f32 [tilespmem:s16], [sflag:$0x1], $0x1, s20, s17, $0xb8;
	[tilespmem:$0x1CB00] =	vst v63  }
0x34: {  	_ =	swait.ge [sflag:s15], $0x200  }
0x35: {  	[sflag:s15] =	ssyncset.done $0x0  }
0x36: {  	[sflag:s15] =	ssyncadd.s32 $0xFFFFFE00  }
0x37: {  	[spmem:s1] =	stream.indirect.scatter.add.f32 [tilespmem:s16], [sflag:$0x1], $0x1, s21, s17, $0xb8;
	[tilespmem:$0x1CB00] =	vst v63  }
0x38: {  	_ =	swait.ge [sflag:s15], $0x200  }
0x39: {  	[sflag:s15] =	ssyncset.done $0x0  }
0x3a: {  	[sflag:s15] =	ssyncadd.s32 $0xFFFFFE00  }
0x3b: {  	[spmem:s1] =	stream.indirect.scatter.add.f32 [tilespmem:s16], [sflag:$0x1], $0x1, s22, s17, $0xb8;
	[tilespmem:$0x1CB00] =	vst v63  }
0x3c: {  	p0 =	sne.s32 s9, $0x1;
	_ =	swait.ge [sflag:s15], $0x200  }
.Ltmp0:
0x3d: {  	[sflag:s15] =	ssyncset.done $0x0;
	(pc) =	sbr.rel @!p0 .LBB2_3-.Ltmp0, $4  }
0x3e: {  	[sflag:s15] =	ssyncadd.s32 $0xFFFFFE00  }
0x3f: {  	[spmem:s1] =	stream.indirect.scatter.add.f32 [tilespmem:s16], [sflag:$0x1], $0x1, s23, s17, $0xb8;
	[tilespmem:$0x1CB00] =	vst v63  }
0x40: {  	_ =	swait.ge [sflag:s15], $0x200  }
0x41: {  	s28 =	sadd.s32 $0xFFFFFFFF, s9;
	s29 =	smov.u32 s12;
	[sflag:s15] =	ssyncset.done $0x0  }
.LBB2_2:
0x42: {  	p0 =	sne.s32 s28, $0x1;
	[sflag:s15] =	ssyncadd.s32 $0xFFFFFE00;
	s29 =	sadd.s32 $0x200, s29  }
0x43: {  	[tilespmem:s2], [sflag:$0x1] =	stream.linear.gather [hbm4b:s29+s2], $0x1000, $0x38;
	[tilespmem:$0x1CB00] =	vst v63  }
0x44: {  	s28 =	sadd.s32 $0xFFFFFFFF, s28;
	_ =	swait.ge [sflag:s15], $0x1000  }
0x45: {  	[sflag:s15] =	ssyncset.done $0x0  }
0x46: {  	[sflag:s15] =	ssyncadd.s32 $0xFFFFF000  }
0x47: {  	[spmem:s1] =	stream.indirect.scatter.add.f32 [tilespmem:s16], [sflag:$0x1], $0x1, s2, s17, $0xb8;
	[tilespmem:$0x1CB00] =	vst v63  }
0x48: {  	_ =	swait.ge [sflag:s15], $0x200  }
0x49: {  	[sflag:s15] =	ssyncset.done $0x0  }
0x4a: {  	[sflag:s15] =	ssyncadd.s32 $0xFFFFFE00  }
0x4b: {  	[spmem:s1] =	stream.indirect.scatter.add.f32 [tilespmem:s16], [sflag:$0x1], $0x1, s17, s17, $0xb8;
	[tilespmem:$0x1CB00] =	vst v63  }
0x4c: {  	_ =	swait.ge [sflag:s15], $0x200  }
0x4d: {  	[sflag:s15] =	ssyncset.done $0x0  }
0x4e: {  	[sflag:s15] =	ssyncadd.s32 $0xFFFFFE00  }
0x4f: {  	[spmem:s1] =	stream.indirect.scatter.add.f32 [tilespmem:s16], [sflag:$0x1], $0x1, s18, s17, $0xb8;
	[tilespmem:$0x1CB00] =	vst v63  }
0x50: {  	_ =	swait.ge [sflag:s15], $0x200  }
0x51: {  	[sflag:s15] =	ssyncset.done $0x0  }
0x52: {  	[sflag:s15] =	ssyncadd.s32 $0xFFFFFE00  }
0x53: {  	[spmem:s1] =	stream.indirect.scatter.add.f32 [tilespmem:s16], [sflag:$0x1], $0x1, s19, s17, $0xb8;
	[tilespmem:$0x1CB00] =	vst v63  }
0x54: {  	_ =	swait.ge [sflag:s15], $0x200  }
0x55: {  	[sflag:s15] =	ssyncset.done $0x0  }
0x56: {  	[sflag:s15] =	ssyncadd.s32 $0xFFFFFE00  }
0x57: {  	[spmem:s1] =	stream.indirect.scatter.add.f32 [tilespmem:s16], [sflag:$0x1], $0x1, s20, s17, $0xb8;
	[tilespmem:$0x1CB00] =	vst v63  }
0x58: {  	_ =	swait.ge [sflag:s15], $0x200  }
0x59: {  	[sflag:s15] =	ssyncset.done $0x0  }
0x5a: {  	[sflag:s15] =	ssyncadd.s32 $0xFFFFFE00  }
0x5b: {  	[spmem:s1] =	stream.indirect.scatter.add.f32 [tilespmem:s16], [sflag:$0x1], $0x1, s21, s17, $0xb8;
	[tilespmem:$0x1CB00] =	vst v63  }
0x5c: {  	_ =	swait.ge [sflag:s15], $0x200  }
0x5d: {  	[sflag:s15] =	ssyncset.done $0x0  }
0x5e: {  	[sflag:s15] =	ssyncadd.s32 $0xFFFFFE00  }
0x5f: {  	[spmem:s1] =	stream.indirect.scatter.add.f32 [tilespmem:s16], [sflag:$0x1], $0x1, s22, s17, $0xb8;
	[tilespmem:$0x1CB00] =	vst v63  }
0x60: {  	_ =	swait.ge [sflag:s15], $0x200  }
.Ltmp1:
0x61: {  	[sflag:s15] =	ssyncset.done $0x0;
	(pc) =	sbr.rel @p0 .LBB2_2-.Ltmp1, $4  }
0x62: {  	[sflag:s15] =	ssyncadd.s32 $0xFFFFFE00  }
0x63: {  	[spmem:s1] =	stream.indirect.scatter.add.f32 [tilespmem:s16], [sflag:$0x1], $0x1, s23, s17, $0xb8;
	[tilespmem:$0x1CB00] =	vst v63  }
0x64: {  	_ =	swait.ge [sflag:s15], $0x200  }
0x65: {  	[sflag:s15] =	ssyncset.done $0x0  }
.LBB2_3:
0x66: {  	p1 =	sne.s32 s10, $0x1  }
.Ltmp2:
0x67: {  	_ = 	snop;
	(pc) =	sbr.rel @!p1 .LBB2_6-.Ltmp2, $3  }
0x68: {  	_ =	sdelay $0x1  }
0x69: {  	[sflag:s15] =	ssyncadd.s32 $0xFFFFFE00  }
0x6a: {  	s28 =	sadd.s32 $0xFFFFFFFF, s10;
	s30 =	sand.u32 $0x1FFFFFC0, s13;
	p0 =	por $0x0, $0x0  }
0x6b: {  	s29 =	sadd.s32 s4, s30  }
0x6c: {  	[tilespmem:s2], [sflag:$0x1] =	stream.linear.gather [hbm4b:s29+s2], $0x200, $0x38;
	[tilespmem:$0x1CB00] =	vst v63  }
0x6d: {  	p1 =	sne.s32 s28, $0x1;
	_ =	swait.ge [sflag:s15], $0x200  }
.Ltmp3:
0x6e: {  	[sflag:s15] =	ssyncset.done $0x0;
	(pc) =	sbr.rel @!p1 .LBB2_6-.Ltmp3, $4  }
0x6f: {  	[sflag:s15] =	ssyncadd.s32 $0xFFFFFE00  }
0x70: {  	[spmem:s1] =	stream.indirect.scatter.add.f32 [tilespmem:s16], [sflag:$0x1], $0x1, s2, s17, $0xb8;
	[tilespmem:$0x1CB00] =	vst v63  }
0x71: {  	s28 =	sadd.s32 $0xFFFFFFFF, s28;
	s29 =	sadd.s32 $0x40, s13;
	_ =	swait.ge [sflag:s15], $0x200  }
0x72: {  	p0 =	por $0x1, $0x1;
	s30 =	sand.u32 $0x1FFFFFC0, s29;
	[sflag:s15] =	ssyncset.done $0x0  }
.LBB2_5:
0x73: {  	p1 =	sne.s32 s28, $0x1;
	s30 =	sadd.s32 s4, s30;
	[sflag:s15] =	ssyncadd.s32 $0xFFFFFE00  }
0x74: {  	[tilespmem:s2], [sflag:$0x1] =	stream.linear.gather [hbm4b:s30+s2], $0x200, $0x38;
	[tilespmem:$0x1CB00] =	vst v63  }
0x75: {  	s28 =	sadd.s32 $0xFFFFFFFF, s28;
	_ =	swait.ge [sflag:s15], $0x200  }
.Ltmp4:
0x76: {  	[sflag:s15] =	ssyncset.done $0x0;
	(pc) =	sbr.rel @p1 .LBB2_5-.Ltmp4, $4  }
0x77: {  	[sflag:s15] =	ssyncadd.s32 $0xFFFFFE00  }
0x78: {  	[spmem:s1] =	stream.indirect.scatter.add.f32 [tilespmem:s16], [sflag:$0x1], $0x1, s2, s17, $0xb8;
	[tilespmem:$0x1CB00] =	vst v63  }
0x79: {  	s29 =	sadd.s32 $0x40, s29;
	_ =	swait.ge [sflag:s15], $0x200  }
0x7a: {  	s30 =	sand.u32 $0x1FFFFFC0, s29;
	[sflag:s15] =	ssyncset.done $0x0  }
.LBB2_6:
0x7b: {  	s28 =	sadd.s32 s4, s30;
	[sflag:s15] =	ssyncadd.s32 @p0 $0xFFFFFE00  }
0x7c: {  	[tilespmem:s2], [sflag:$0x1] =	stream.linear.gather [hbm4b:s28+s2], $0x200, $0x38;
	[tilespmem:$0x1CB00] =	vst v63  }
0x7d: {  	_ =	swait.ge [sflag:s15], $0x200  }
0x7e: {  	[sflag:s15] =	ssyncset.done $0x0  }
0x7f: {  	[sflag:s15] =	ssyncadd.s32 $0xFFFFFE00  }
0x80: {  	[spmem:s1] =	stream.indirect.scatter.add.f32 [tilespmem:s16], [sflag:$0x1], $0x1, s2, s17, $0xb8;
	[tilespmem:$0x1CB00] =	vst v63  }
0x81: {  	_ =	swait.ge [sflag:s15], $0x200  }
0x82: {  	[sflag:s15] =	ssyncset.done $0x0  }
0x83: {  	[sflag:s15] =	ssyncadd.s32 $0xFFFFFE00  }
0x84: {  	s28 =	simm.s32 $0x1200;
	[bflag:$0x0] =	sbarrier.arrive $0xFFFF  }
0x85: {  	[tilespmem:s28], [sflag:$0x1] =	stream.linear.gather [spmem:s6], $0x1880, $0x38;
	[tilespmem:$0x1CB00] =	vst v63  }
0x86: {  	s29 =	simm.s32 $0x0;
	_ =	swait.ge [sflag:s15], $0x1880  }
0x87: {  	v1 =	vmov s29;
	[sflag:s15] =	ssyncset.done $0x0  }
0x88: {  	v2 =	vshll.u32 v1, $0x4;
	[sflag:s15] =	ssyncadd.s32 $0xFFFFE780  }
0x89: {  	v2 =	vor.u32 v0, v2;
	v1 =	vld [tilespmem:s28+$0x0]  }
0x8a: {  	v3 =	vor.u32 $0x1, v2  }
0x8b: {  	v4 =	vor.u32 $0x2, v2  }
0x8c: {  	v5 =	vor.u32 $0x3, v2  }
0x8d: {  	v6 =	vor.u32 $0x4, v2  }
0x8e: {  	v7 =	vor.u32 $0x5, v2;
	[tilespmem:v2+s25+$0x0] =	vst.idx.msk $0xffff, v1  }
0x8f: {  	[tilespmem:v3+s25+$0x0] =	vst.idx.msk $0xffff, v1;
	v3 =	vor.u32 $0x6, v2  }
0x90: {  	[tilespmem:v4+s25+$0x0] =	vst.idx.msk $0xffff, v1;
	v4 =	vor.u32 $0x7, v2  }
0x91: {  	[tilespmem:v5+s25+$0x0] =	vst.idx.msk $0xffff, v1;
	v5 =	vor.u32 $0x8, v2  }
0x92: {  	v61 =	vor.u32 $0x9, v2;
	[tilespmem:v6+s25+$0x0] =	vst.idx.msk $0xffff, v1  }
0x93: {  	v62 =	vor.u32 $0xA, v2;
	[tilespmem:v7+s25+$0x0] =	vst.idx.msk $0xffff, v1  }
0x94: {  	[tilespmem:v3+s25+$0x0] =	vst.idx.msk $0xffff, v1;
	v3 =	vor.u32 $0xB, v2  }
0x95: {  	[tilespmem:v4+s25+$0x0] =	vst.idx.msk $0xffff, v1;
	v4 =	vor.u32 $0xC, v2  }
0x96: {  	[tilespmem:v5+s25+$0x0] =	vst.idx.msk $0xffff, v1;
	v5 =	vor.u32 $0xD, v2  }
0x97: {  	v63 =	vor.u32 $0xE, v2;
	[tilespmem:v61+s25+$0x0] =	vst.idx.msk $0xffff, v1  }
0x98: {  	[tilespmem:v62+s25+$0x0] =	vst.idx.msk $0xffff, v1  }
0x99: {  	v2 =	vor.u32 $0xF, v2;
	[tilespmem:v3+s25+$0x0] =	vst.idx.msk $0xffff, v1  }
0x9a: {  	[tilespmem:v4+s25+$0x0] =	vst.idx.msk $0xffff, v1  }
0x9b: {  	s31 =	simm.s32 $0x10;
	[tilespmem:v5+s25+$0x0] =	vst.idx.msk $0xffff, v1  }
0x9c: {  	s29 =	simm.s32 $0x20;
	v3 =	vmov s31;
	[tilespmem:v63+s25+$0x0] =	vst.idx.msk $0xffff, v1  }
.LBB2_7:
0x9d: {  	p0 =	sne.s32 s29, $0x1870  }
0x9e: {  	v3 =	vshll.u32 v3, $0x4;
	[tilespmem:v2+s25+$0x0] =	vst.idx.msk $0xffff, v1;
	s28 =	sadd.s32 $0x10, s28;
	s30 =	smov.u32 s29;
	s29 =	sadd.s32 $0x10, s29  }
0x9f: {  	v1 =	vld [tilespmem:s28+$0x0];
	v2 =	vor.u32 v0, v3  }
0xa0: {  	v3 =	vor.u32 $0x1, v2  }
0xa1: {  	v4 =	vor.u32 $0x2, v2  }
0xa2: {  	v5 =	vor.u32 $0x3, v2  }
0xa3: {  	v6 =	vor.u32 $0x4, v2  }
0xa4: {  	v7 =	vor.u32 $0x5, v2;
	[tilespmem:v2+s25+$0x0] =	vst.idx.msk $0xffff, v1  }
0xa5: {  	[tilespmem:v3+s25+$0x0] =	vst.idx.msk $0xffff, v1;
	v3 =	vor.u32 $0x6, v2  }
0xa6: {  	[tilespmem:v4+s25+$0x0] =	vst.idx.msk $0xffff, v1;
	v4 =	vor.u32 $0x7, v2  }
0xa7: {  	[tilespmem:v5+s25+$0x0] =	vst.idx.msk $0xffff, v1;
	v5 =	vor.u32 $0x8, v2  }
0xa8: {  	[tilespmem:v6+s25+$0x0] =	vst.idx.msk $0xffff, v1;
	v6 =	vor.u32 $0x9, v2  }
0xa9: {  	[tilespmem:v7+s25+$0x0] =	vst.idx.msk $0xffff, v1;
	v7 =	vor.u32 $0xA, v2  }
0xaa: {  	[tilespmem:v3+s25+$0x0] =	vst.idx.msk $0xffff, v1;
	v3 =	vor.u32 $0xB, v2  }
0xab: {  	[tilespmem:v4+s25+$0x0] =	vst.idx.msk $0xffff, v1;
	v4 =	vor.u32 $0xC, v2  }
0xac: {  	[tilespmem:v5+s25+$0x0] =	vst.idx.msk $0xffff, v1;
	v5 =	vor.u32 $0xD, v2  }
0xad: {  	[tilespmem:v6+s25+$0x0] =	vst.idx.msk $0xffff, v1;
	v6 =	vor.u32 $0xE, v2  }
.Ltmp5:
0xae: {  	v2 =	vor.u32 $0xF, v2;
	[tilespmem:v7+s25+$0x0] =	vst.idx.msk $0xffff, v1;
	(pc) =	sbr.rel @p0 .LBB2_7-.Ltmp5, $4  }
0xaf: {  	[tilespmem:v3+s25+$0x0] =	vst.idx.msk $0xffff, v1  }
0xb0: {  	[tilespmem:v4+s25+$0x0] =	vst.idx.msk $0xffff, v1  }
0xb1: {  	[tilespmem:v5+s25+$0x0] =	vst.idx.msk $0xffff, v1  }
0xb2: {  	v3 =	vmov s30;
	[tilespmem:v6+s25+$0x0] =	vst.idx.msk $0xffff, v1  }
0xb3: {  	_ =	sdelay $0x3  }
0xb4: {  	v3 =	vshll.u32 v3, $0x4;
	[tilespmem:v2+s25+$0x0] =	vst.idx.msk $0xffff, v1;
	s28 =	sadd.s32 $0x10, s28  }
0xb5: {  	v1 =	vld [tilespmem:s28+$0x0];
	v2 =	vor.u32 v0, v3  }
0xb6: {  	v3 =	vor.u32 $0x1, v2  }
0xb7: {  	v4 =	vor.u32 $0x2, v2  }
0xb8: {  	v5 =	vor.u32 $0x3, v2  }
0xb9: {  	v6 =	vor.u32 $0x4, v2  }
0xba: {  	v7 =	vor.u32 $0x5, v2;
	[tilespmem:v2+s25+$0x0] =	vst.idx.msk $0xffff, v1  }
0xbb: {  	[tilespmem:v3+s25+$0x0] =	vst.idx.msk $0xffff, v1;
	v3 =	vor.u32 $0x6, v2  }
0xbc: {  	v57 =	vor.u32 $0x7, v2;
	[tilespmem:v4+s25+$0x0] =	vst.idx.msk $0xffff, v1  }
0xbd: {  	v58 =	vor.u32 $0x8, v2;
	[tilespmem:v5+s25+$0x0] =	vst.idx.msk $0xffff, v1  }
0xbe: {  	v59 =	vor.u32 $0x9, v2;
	[tilespmem:v6+s25+$0x0] =	vst.idx.msk $0xffff, v1  }
0xbf: {  	v60 =	vor.u32 $0xA, v2;
	[tilespmem:v7+s25+$0x0] =	vst.idx.msk $0xffff, v1  }
0xc0: {  	[tilespmem:v3+s25+$0x0] =	vst.idx.msk $0xffff, v1;
	v3 =	vor.u32 $0xB, v2  }
0xc1: {  	v61 =	vor.u32 $0xC, v2;
	[tilespmem:v57+s25+$0x0] =	vst.idx.msk $0xffff, v1  }
0xc2: {  	v62 =	vor.u32 $0xD, v2;
	[tilespmem:v58+s25+$0x0] =	vst.idx.msk $0xffff, v1  }
0xc3: {  	v63 =	vor.u32 $0xE, v2;
	[tilespmem:v59+s25+$0x0] =	vst.idx.msk $0xffff, v1  }
0xc4: {  	v2 =	vor.u32 $0xF, v2;
	[tilespmem:v60+s25+$0x0] =	vst.idx.msk $0xffff, v1  }
0xc5: {  	[tilespmem:v3+s25+$0x0] =	vst.idx.msk $0xffff, v1  }
0xc6: {  	[tilespmem:v61+s25+$0x0] =	vst.idx.msk $0xffff, v1  }
0xc7: {  	s26 =	sadd.s32 $0x1, s26;
	[tilespmem:v62+s25+$0x0] =	vst.idx.msk $0xffff, v1  }
0xc8: {  	p0 =	sne.s32 s26, s11;
	[tilespmem:v63+s25+$0x0] =	vst.idx.msk $0xffff, v1  }
.Ltmp6:
0xc9: {  	[tilespmem:v2+s25+$0x0] =	vst.idx.msk $0xffff, v1;
	(pc) =	sbr.rel @p0 .LBB2_1-.Ltmp6, $4  }
0xca: {  	[hbm4b:s24+s2] =	stream.linear.scatter [tilespmem:s25], [sflag:$0x1], $0x18800, $0x38;
	[tilespmem:$0x1CB00] =	vst v63  }
0xcb: {  	_ =	swait.ge [sflag:s15], $0x18800  }
0xcc: {  	[sflag:s15] =	ssyncset.done $0x0  }
0xcd: {  	[sflag:s15] =	ssyncadd.s32 $0xFFFE7800  }
0xce: {  	_ =	sfence.sel $0x180000  }
0xcf: {  	[bflag:$0x0] =	sbarrier.arrive $0xFFFF  }
0xd0: {  	p0 =	sne.s32 s3, $0x0;
	_ =	strace $0x90000047  }
0xd1: {  	s0 =	sadd.s32 @!p0 $0x100000, s0;
	[bflag:$0x2] =	sbarrier.arrive $0xFFFF  }
0xd2: {  	[sflag:s0] =	ssyncadd.tile.s32 @!p0 $0x1;
	_ =	shalt  }
.Lfunc_end2:
_tile_overlayer_lowered:
.L_overlay_start_2:
0xd3: {  	(tag) =	ssettag $0x2  }
0xd4: {  	s0 =	rddreg [dreg:$0x0];
	s2 =	stileid.u32  }
0xd5: {  	s1 =	rddreg [dreg:$0x1];
	p0 =	sne.s32 s2, $0x0  }
0xd6: {  	s3 =	rddreg [dreg:$0x2];
	[bflag:$0x3] =	sbarrier.arrive $0xFFFF;
	s2 =	simm.s32 @!p0 $0x1C01  }
0xd7: {  	[timem:s3], [sflag:s2] =	dma.local @!p0 [hbm:s0], s1  }
0xd8: {  	s0 =	simm.s32 @!p0 $0x1  }
0xd9: {  	_ =	swait.ge @!p0 [sflag:s0], s1  }
0xda: {  	s1 =	ssub.s32 @!p0 $0x0, s1;
	[sflag:s0] =	ssyncset.done @!p0 $0x0  }
0xdb: {  	[sflag:s0] =	ssyncadd.s32 @!p0 s1  }
0xdc: {  	[bflag:$0x3] =	sbarrier.arrive $0xFFFF  }
0xdd: {  	_ =	shalt  }

</sc_bundles>
